<compile_context>
chip_gen: v7x
topology: tpu7x:2x2x1
jax: 0.10.2.dev20260603
libtpu: 0.0.44.dev20260713+nightly
codegen_flags: <defaults>
</compile_context>

<pallas_src>
import functools

import jax
import jax.numpy as jnp
from jax import lax
from jax.experimental import pallas as pl
from jax.experimental.pallas import tpu as pltpu
from jax.experimental.pallas import tpu_sc as plsc

N_NODES = 10000
N_EDGES = 320000
D = 128
D_E_IN = 16

NC = 2
NS = 16
NW = NC * NS
CH = 64
TCHUNK = N_EDGES // CH
CBASE = TCHUNK // NW
EXTRA = TCHUNK - CBASE * NW
N_PAD = 10112
RPT = N_PAD // NS

EHALF = N_EDGES // 2
W_CH = CH // 2



def _proj_body(x_ref, wr_ref, ws_ref, u_ref, weu_ref, be_ref,
               xr_ref, xs_ref, ec_ref):
    xr_ref[...] = jnp.dot(x_ref[...], wr_ref[...],
                          preferred_element_type=jnp.float32)
    xs_ref[...] = jnp.dot(x_ref[...], ws_ref[...],
                          preferred_element_type=jnp.float32)
    ec_ref[...] = jnp.dot(u_ref[...], weu_ref[...],
                          preferred_element_type=jnp.float32) + be_ref[...]


def _proj(x, We_r, We_s, u2, We_u, be2):
    return pl.pallas_call(
        _proj_body,
        out_shape=(
            jax.ShapeDtypeStruct((N_NODES, D), jnp.float32),
            jax.ShapeDtypeStruct((N_NODES, D), jnp.float32),
            jax.ShapeDtypeStruct((1, D), jnp.float32),
        ),
    )(x, We_r, We_s, u2, We_u, be2)



_EB = 3200


def _edge_body(ea0_ref, ea1_ref, w_ref, ec_ref, o_ref):
    dn = (((0,), (0,)), ((), ()))
    a0 = lax.dot_general(ea0_ref[...], w_ref[...], dn,
                         preferred_element_type=jnp.float32) + ec_ref[...]
    a1 = lax.dot_general(ea1_ref[...], w_ref[...], dn,
                         preferred_element_type=jnp.float32) + ec_ref[...]
    b0 = lax.bitcast_convert_type(a0.astype(jnp.bfloat16),
                                  jnp.int16).astype(jnp.int32)
    b1 = lax.bitcast_convert_type(a1.astype(jnp.bfloat16),
                                  jnp.int16).astype(jnp.int32)
    o_ref[...] = (b0 & jnp.int32(0xFFFF)) | (b1 << 16)


def _edge_mm(edge_attr_t, We_e, ec):
    nh = EHALF // _EB
    return pl.pallas_call(
        _edge_body,
        grid=(nh,),
        in_specs=[
            pl.BlockSpec((D_E_IN, _EB), lambda i: (0, i)),
            pl.BlockSpec((D_E_IN, _EB), lambda i, _nh=nh: (0, i + _nh)),
            pl.BlockSpec((D_E_IN, D), lambda i: (0, 0)),
            pl.BlockSpec((1, D), lambda i: (0, 0)),
        ],
        out_specs=pl.BlockSpec((_EB, D), lambda i: (i, 0)),
        out_shape=jax.ShapeDtypeStruct((EHALF, D), jnp.int32),
    )(edge_attr_t, edge_attr_t, We_e, ec)



class _Slot:

    def __init__(self, gd, sd, xr, xs, ab, gi, si, r, s, a, st, sc):
        self.gd = gd
        self.sd = sd
        self.xr = xr
        self.xs = xs
        self.ab = ab
        self.gi = gi
        self.si = si
        self.r = r
        self.s = s
        self.a = a
        self.st = st
        self.sc = sc


def _sc_body(a_hbm, dst_hbm, src_hbm, xr_hbm, xs_hbm, zeros_hbm,
             e_hbm, aggr_hbm, *rest):
    cid = lax.axis_index("c")
    sid = lax.axis_index("s")
    wid = sid * NC + cid
    nch = CBASE + (wid < EXTRA).astype(jnp.int32)

    bufs, sems, aggr_sh = rest[:10], rest[11:], rest[10]
    SLOT = tuple(_Slot(*bufs[5 * i:5 * i + 5], *sems[7 * i:7 * i + 7])
                 for i in range(2))

    pltpu.sync_copy(zeros_hbm.at[pl.ds(sid * RPT, RPT)],
                    aggr_sh.at[pl.ds(sid * RPT, RPT)])
    plsc.subcore_barrier()

    def chunk_id(k):
        return k * NW + wid

    def issue_gidx(k, S):
        base = chunk_id(k) * W_CH
        pltpu.async_copy(dst_hbm.at[pl.ds(base, W_CH)],
                         S.gd.at[pl.ds(0, W_CH)], S.gi)
        pltpu.async_copy(dst_hbm.at[pl.ds(EHALF + base, W_CH)],
                         S.gd.at[pl.ds(W_CH, W_CH)], S.gi)
        pltpu.async_copy(src_hbm.at[pl.ds(base, W_CH)],
                         S.gd.at[pl.ds(CH, W_CH)], S.gi)
        pltpu.async_copy(src_hbm.at[pl.ds(EHALF + base, W_CH)],
                         S.gd.at[pl.ds(CH + W_CH, W_CH)], S.gi)

    def wait_gidx(S):
        dm = dst_hbm.at[pl.ds(0, W_CH)]
        for q in range(4):
            pltpu.make_async_copy(dm, S.gd.at[pl.ds(q * W_CH, W_CH)],
                                  S.gi).wait()

    def issue_sidx(k, S):
        base = chunk_id(k) * W_CH
        pltpu.async_copy(dst_hbm.at[pl.ds(base, W_CH)],
                         S.sd.at[pl.ds(0, W_CH)], S.si)
        pltpu.async_copy(dst_hbm.at[pl.ds(EHALF + base, W_CH)],
                         S.sd.at[pl.ds(W_CH, W_CH)], S.si)

    def issue_gathers(k, S):
        pltpu.async_copy(xr_hbm.at[S.gd.at[pl.ds(0, CH)]], S.xr, S.r)
        pltpu.async_copy(xs_hbm.at[S.gd.at[pl.ds(CH, CH)]], S.xs, S.s)
        pltpu.async_copy(a_hbm.at[pl.ds(chunk_id(k) * W_CH, W_CH)], S.ab, S.a)

    def wait_in(S):
        dm = xr_hbm.at[pl.ds(0, CH)]
        pltpu.make_async_copy(dm, S.xr, S.r).wait()
        pltpu.make_async_copy(dm, S.xs, S.s).wait()
        pltpu.make_async_copy(a_hbm.at[pl.ds(0, W_CH)], S.ab, S.a).wait()

    def compute(S):
        def rowpair(a, c2):
            i1 = a + W_CH
            for j in range(D // 16):
                slc = pl.ds(16 * j, 16)
                w = S.ab[a, slc]
                lo = lax.bitcast_convert_type(w << 16, jnp.float32)
                hi = lax.bitcast_convert_type(w & jnp.int32(-65536),
                                              jnp.float32)
                S.xr[a, slc] = jnp.maximum(
                    lo + S.xr[a, slc] + S.xs[a, slc], 0.0)
                S.xr[i1, slc] = jnp.maximum(
                    hi + S.xr[i1, slc] + S.xs[i1, slc], 0.0)
            return c2

        lax.fori_loop(0, W_CH, rowpair, 0)

    def issue_out(k, S):
        dm = dst_hbm.at[pl.ds(0, W_CH)]
        pltpu.make_async_copy(dm, S.sd.at[pl.ds(0, W_CH)], S.si).wait()
        pltpu.make_async_copy(dm, S.sd.at[pl.ds(W_CH, W_CH)], S.si).wait()
        base = chunk_id(k) * W_CH
        pltpu.async_copy(S.xr.at[pl.ds(0, W_CH)],
                         e_hbm.at[pl.ds(base, W_CH)], S.st)
        pltpu.async_copy(S.xr.at[pl.ds(W_CH, W_CH)],
                         e_hbm.at[pl.ds(EHALF + base, W_CH)], S.st)
        pltpu.async_copy(S.xr, aggr_sh.at[S.sd], S.sc, add=True)

    def wait_out(S):
        dm = xr_hbm.at[pl.ds(0, CH)]
        pltpu.make_async_copy(dm, S.xr, S.st).wait()
        pltpu.make_async_copy(dm, S.xr, S.sc).wait()

    def step(k, cur, nxt, first=False):
        @pl.when(k + 1 < nch)
        def _():
            if not first:
                wait_out(nxt)
            issue_sidx(k + 1, nxt)
            wait_gidx(nxt)
            issue_gathers(k + 1, nxt)

        wait_in(cur)

        @pl.when(k + 2 < nch)
        def _():
            issue_gidx(k + 2, cur)

        compute(cur)
        issue_out(k, cur)

    issue_gidx(0, SLOT[0])
    issue_sidx(0, SLOT[0])
    issue_gidx(1, SLOT[1])
    wait_gidx(SLOT[0])
    issue_gathers(0, SLOT[0])

    step(0, SLOT[0], SLOT[1], first=True)

    def pair(g, carry):
        k = 2 * g + 1
        step(k, SLOT[1], SLOT[0])
        step(k + 1, SLOT[0], SLOT[1])
        return carry

    lax.fori_loop(0, (CBASE - 1) // 2, pair, 0)
    step(CBASE - 1, SLOT[1], SLOT[0])

    @pl.when(nch > CBASE)
    def _():
        step(CBASE, SLOT[0], SLOT[1])

    wait_out(SLOT[0])
    wait_out(SLOT[1])
    plsc.subcore_barrier()
    pltpu.sync_copy(aggr_sh.at[pl.ds(sid * RPT, RPT)],
                    aggr_hbm.at[cid, pl.ds(sid * RPT, RPT)])


def _sc_edges(A32, dst, src, Xr, Xs, zeros):
    mesh = plsc.VectorSubcoreMesh(core_axis_name="c", subcore_axis_name="s")
    slot_bufs = []
    for _ in range(2):
        slot_bufs += [pltpu.VMEM((2 * CH,), jnp.int32),
                      pltpu.VMEM((CH,), jnp.int32),
                      pltpu.VMEM((CH, D), jnp.float32),
                      pltpu.VMEM((CH, D), jnp.float32),
                      pltpu.VMEM((W_CH, D), jnp.int32)]
    fn = functools.partial(
        pl.kernel,
        mesh=mesh,
        out_type=(
            jax.ShapeDtypeStruct((N_EDGES, D), jnp.float32),
            jax.ShapeDtypeStruct((NC, N_PAD, D), jnp.float32),
        ),
        scratch_types=slot_bufs + [
            pltpu.VMEM_SHARED((N_PAD, D), jnp.float32),
        ] + [pltpu.SemaphoreType.DMA] * 14,
    )(_sc_body)
    return fn(A32, dst, src, Xr, Xs, zeros)



def _node_body(ag_ref, x_ref, u_ref, wva_ref, wvx_ref, wvu_ref, bv_ref,
               wue_ref, wuv_ref, wuu_ref, bu_ref, v_ref, un_ref):
    aggr = ag_ref[0, :N_NODES] + ag_ref[1, :N_NODES]
    cv = jnp.dot(u_ref[...], wvu_ref[...],
                 preferred_element_type=jnp.float32) + bv_ref[...]
    v = jnp.maximum(
        jnp.dot(aggr, wva_ref[...], preferred_element_type=jnp.float32)
        + jnp.dot(x_ref[...], wvx_ref[...], preferred_element_type=jnp.float32)
        + cv, 0.0)
    v_ref[...] = v
    ae = jnp.sum(aggr, axis=0, keepdims=True) * (1.0 / N_EDGES)
    av = jnp.sum(v, axis=0, keepdims=True) * (1.0 / N_NODES)
    un = (jnp.dot(ae, wue_ref[...], preferred_element_type=jnp.float32)
          + jnp.dot(av, wuv_ref[...], preferred_element_type=jnp.float32)
          + jnp.dot(u_ref[...], wuu_ref[...], preferred_element_type=jnp.float32)
          + bu_ref[...])
    un_ref[...] = jnp.maximum(un, 0.0)


def _node(aggr2, x, u2, W_v, b_v, W_u, b_u):
    return pl.pallas_call(
        _node_body,
        out_shape=(
            jax.ShapeDtypeStruct((N_NODES, D), jnp.float32),
            jax.ShapeDtypeStruct((1, D), jnp.float32),
        ),
    )(aggr2, x, u2, W_v[:D], W_v[D:2 * D], W_v[2 * D:3 * D],
      b_v.reshape(1, D), W_u[:D], W_u[D:2 * D], W_u[2 * D:3 * D],
      b_u.reshape(1, D))



def kernel(x, edge_attr, u, edge_index, W_e, b_e, W_v, b_v, W_u, b_u):
    ei = edge_index.astype(jnp.int32)
    src = ei[0]
    dst = ei[1]
    We_e = W_e[:D_E_IN]
    We_r = W_e[D_E_IN:D_E_IN + D]
    We_s = W_e[D_E_IN + D:D_E_IN + 2 * D]
    We_u = W_e[D_E_IN + 2 * D:]
    u2 = u.reshape(1, D)
    be2 = b_e.reshape(1, D)

    Xr, Xs, ec = _proj(x, We_r, We_s, u2, We_u, be2)
    A32 = _edge_mm(edge_attr.T, We_e, ec)
    zeros = jnp.zeros((N_PAD, D), jnp.float32)
    e_new, aggr2 = _sc_edges(A32, dst, src, Xr, Xs, zeros)
    v_new, u_new2 = _node(aggr2, x, u2, W_v, b_v, W_u, b_u)
    return (e_new, v_new, u_new2.reshape(D))

# --- scband reference (transcript-rebuilt; emitter-appended) ---
"""Pipeline reference for scband-gnblock-44126493999528 (READ-ONLY COPY).

The authoritative reference and input builder live on the scoring server;
editing this copy changes nothing except your own understanding.
"""

import jax, jax.numpy as jnp
import numpy as np

N_NODES = 10000
N_EDGES = 320000
D_V = 128
D_E_IN = 16
D_E_OUT = 128
D_U = 128


def setup_inputs(seed: int = 0) -> dict:
    key = jax.random.key(seed)
    ks = jax.random.split(key, 12)
    x = jax.random.normal(ks[0], (N_NODES, D_V), dtype=jnp.float32)
    edge_attr = jax.random.normal(ks[1], (N_EDGES, D_E_IN), dtype=jnp.float32)
    u = jax.random.normal(ks[2], (D_U,), dtype=jnp.float32)
    edge_index = jax.random.randint(ks[3], (2, N_EDGES), 0, N_NODES, dtype=jnp.int64)
    # Learned parameters for the GN block update functions (single-layer MLPs):
    # phi_e: [e, v_r, v_s, u] -> e'   (input dim 16+128+128+128 = 400)
    # phi_v: [aggr_e, v, u]   -> v'   (input dim 128+128+128   = 384)
    # phi_u: [aggr_e, aggr_v, u] -> u' (input dim 128+128+128  = 384)
    d_e_in = D_E_IN + D_V + D_V + D_U
    d_v_in = D_E_OUT + D_V + D_U
    d_u_in = D_E_OUT + D_V + D_U
    W_e = jax.random.normal(ks[4], (d_e_in, D_E_OUT), dtype=jnp.float32) * (1.0 / np.sqrt(d_e_in))
    b_e = jnp.zeros((D_E_OUT,), dtype=jnp.float32)
    W_v = jax.random.normal(ks[5], (d_v_in, D_V), dtype=jnp.float32) * (1.0 / np.sqrt(d_v_in))
    b_v = jnp.zeros((D_V,), dtype=jnp.float32)
    W_u = jax.random.normal(ks[6], (d_u_in, D_U), dtype=jnp.float32) * (1.0 / np.sqrt(d_u_in))
    b_u = jnp.zeros((D_U,), dtype=jnp.float32)
    return {"x": x, "edge_attr": edge_attr, "u": u, "edge_index": edge_index,
            "W_e": W_e, "b_e": b_e, "W_v": W_v, "b_v": b_v, "W_u": W_u, "b_u": b_u}


def reference(x, edge_attr, u, edge_index, W_e, b_e, W_v, b_v, W_u, b_u):
    src = edge_index[0]
    dst = edge_index[1]
    # ---- edge block: phi_e(e, v_r, v_s, u) for every edge ----
    v_s = jnp.take(x, src, axis=0)           # sender node attrs gathered per edge
    v_r = jnp.take(x, dst, axis=0)           # receiver node attrs gathered per edge
    u_e = jnp.broadcast_to(u[None, :], (edge_attr.shape[0], u.shape[0]))
    e_in = jnp.concatenate([edge_attr, v_r, v_s, u_e], axis=1)
    e_new = jax.nn.relu(e_in @ W_e + b_e)
    # ---- node block: rho_ev = sum of receiving (incoming) edges, then phi_v ----
    aggr_e = jax.ops.segment_sum(e_new, dst, num_segments=N_NODES)
    u_v = jnp.broadcast_to(u[None, :], (x.shape[0], u.shape[0]))
    v_in = jnp.concatenate([aggr_e, x, u_v], axis=1)
    v_new = jax.nn.relu(v_in @ W_v + b_v)
    # ---- global block: rho_eu / rho_vu = mean over all edges / nodes, then phi_u ----
    aggr_e_u = jnp.mean(e_new, axis=0)
    aggr_v_u = jnp.mean(v_new, axis=0)
    u_in = jnp.concatenate([aggr_e_u, aggr_v_u, u], axis=0)
    u_new = jax.nn.relu(u_in @ W_u + b_u)
    return (e_new, v_new, u_new)

if __name__ == "__main__":
    import jax
    _d = setup_inputs()
    print(jax.jit(kernel)(*tuple(_d.values())))

</pallas_src>

<mosaic_0001>
#map = affine_map<(d0, d1) -> (0, 0)>
#map1 = affine_map<(d0, d1) -> (0)>
#map2 = affine_map<(d0, d1) -> (0, 0, 0)>
module attributes {stable_mosaic.version = 14 : i64} {
  func.func @_sc_body(%arg0: i32, %arg1: i32, %arg2: memref<160000x128xi32, #tpu.memory_space<hbm>>, %arg3: memref<320000xi32, #tpu.memory_space<hbm>>, %arg4: memref<320000xi32, #tpu.memory_space<hbm>>, %arg5: memref<10000x128xf32, #tpu.memory_space<hbm>>, %arg6: memref<10000x128xf32, #tpu.memory_space<hbm>>, %arg7: memref<10112x128xf32, #tpu.memory_space<hbm>>, %arg8: memref<320000x128xf32, #tpu.memory_space<hbm>>, %arg9: memref<2x10112x128xf32, #tpu.memory_space<hbm>>, %arg10: memref<128xi32, #tpu.memory_space<vmem>>, %arg11: memref<64xi32, #tpu.memory_space<vmem>>, %arg12: memref<64x128xf32, #tpu.memory_space<vmem>>, %arg13: memref<64x128xf32, #tpu.memory_space<vmem>>, %arg14: memref<32x128xi32, #tpu.memory_space<vmem>>, %arg15: memref<128xi32, #tpu.memory_space<vmem>>, %arg16: memref<64xi32, #tpu.memory_space<vmem>>, %arg17: memref<64x128xf32, #tpu.memory_space<vmem>>, %arg18: memref<64x128xf32, #tpu.memory_space<vmem>>, %arg19: memref<32x128xi32, #tpu.memory_space<vmem>>, %arg20: memref<10112x128xf32, #tpu.memory_space<vmem_shared>>, %arg21: memref<!tpu.dma_semaphore, #tpu.memory_space<semaphore_mem>>, %arg22: memref<!tpu.dma_semaphore, #tpu.memory_space<semaphore_mem>>, %arg23: memref<!tpu.dma_semaphore, #tpu.memory_space<semaphore_mem>>, %arg24: memref<!tpu.dma_semaphore, #tpu.memory_space<semaphore_mem>>, %arg25: memref<!tpu.dma_semaphore, #tpu.memory_space<semaphore_mem>>, %arg26: memref<!tpu.dma_semaphore, #tpu.memory_space<semaphore_mem>>, %arg27: memref<!tpu.dma_semaphore, #tpu.memory_space<semaphore_mem>>, %arg28: memref<!tpu.dma_semaphore, #tpu.memory_space<semaphore_mem>>, %arg29: memref<!tpu.dma_semaphore, #tpu.memory_space<semaphore_mem>>, %arg30: memref<!tpu.dma_semaphore, #tpu.memory_space<semaphore_mem>>, %arg31: memref<!tpu.dma_semaphore, #tpu.memory_space<semaphore_mem>>, %arg32: memref<!tpu.dma_semaphore, #tpu.memory_space<semaphore_mem>>, %arg33: memref<!tpu.dma_semaphore, #tpu.memory_space<semaphore_mem>>, %arg34: memref<!tpu.dma_semaphore, #tpu.memory_space<semaphore_mem>>) attributes {dimension_semantics = [#tpu.dimension_semantics<core_parallel>, #tpu.dimension_semantics<subcore_parallel>], iteration_bounds = array<i64: 2, 16>, scalar_prefetch = 0 : i64, scratch_operands = 25 : i64, tpu.core_type = #tpu.core_type<sc_vector_subcore>, window_params = [{transform_indices = #map}, {transform_indices = #map1}, {transform_indices = #map1}, {transform_indices = #map}, {transform_indices = #map}, {transform_indices = #map}, {transform_indices = #map}, {transform_indices = #map2}]} {
    %mul3A = arith.constant 2 : i32
    %mul3A_0 = arith.muli %arg1, %mul3A : i32
    %add3A = arith.addi %mul3A_0, %arg0 : i32
    %lt3A = arith.constant 8 : i32
    %lt3A_1 = arith.cmpi slt, %add3A, %lt3A : i32
    %convert_element_type3A = arith.extui %lt3A_1 : i1 to i32
    %add3A_2 = arith.constant 156 : i32
    %add3A_3 = arith.addi %add3A_2, %convert_element_type3A : i32
    %mul3A_4 = arith.constant 632 : i32
    %mul3A_5 = arith.muli %arg1, %mul3A_4 : i32
    %mul3A_6 = arith.constant 632 : i32
    %mul3A_7 = arith.muli %arg1, %mul3A_6 : i32
    "tpu.region"() ({
      %run_scoped3A = tpu.sem_alloc : memref<!tpu.dma_semaphore, #tpu.memory_space<semaphore_mem>>
      %dma_start3A_333 = arith.constant 0 : i32
      %dma_start3A_334 = tpu.memref_slice %arg20[%mul3A_7, %dma_start3A_333] : memref<10112x128xf32, #tpu.memory_space<vmem_shared>> -> memref<632x128xf32, #tpu.memory_space<vmem_shared>>
      %dma_start3A_335 = arith.constant 0 : i32
      %dma_start3A_336 = tpu.memref_slice %arg7[%mul3A_5, %dma_start3A_335] : memref<10112x128xf32, #tpu.memory_space<hbm>> -> memref<632x128xf32, #tpu.memory_space<hbm>>
      tpu.enqueue_dma source(%dma_start3A_336 : memref<632x128xf32, #tpu.memory_space<hbm>>) target(%dma_start3A_334 : memref<632x128xf32, #tpu.memory_space<vmem_shared>>) target_semaphore(%run_scoped3A : memref<!tpu.dma_semaphore, #tpu.memory_space<semaphore_mem>>)
      %dma_wait3A_337 = arith.constant 0 : i32
      %dma_wait3A_338 = tpu.memref_slice %arg20[%mul3A_7, %dma_wait3A_337] : memref<10112x128xf32, #tpu.memory_space<vmem_shared>> -> memref<632x128xf32, #tpu.memory_space<vmem_shared>>
      %dma_wait3A_339 = arith.constant 0 : i32
      %dma_wait3A_340 = tpu.memref_slice %arg7[%mul3A_5, %dma_wait3A_339] : memref<10112x128xf32, #tpu.memory_space<hbm>> -> memref<632x128xf32, #tpu.memory_space<hbm>>
      tpu.wait_dma2 semaphore(%run_scoped3A : memref<!tpu.dma_semaphore, #tpu.memory_space<semaphore_mem>>) src(%dma_wait3A_340 : memref<632x128xf32, #tpu.memory_space<hbm>>) dst(%dma_wait3A_338 : memref<632x128xf32, #tpu.memory_space<vmem_shared>>)
      tpu.yield
    }) : () -> ()
    %barrier3A = arith.constant 0 : index
    tpu.barrier barrier_id(%barrier3A)
    %add3A_8 = arith.constant 0 : i32
    %add3A_9 = arith.addi %add3A_8, %add3A : i32
    %mul3A_10 = arith.constant 32 : i32
    %mul3A_11 = arith.muli %add3A_9, %mul3A_10 : i32
    %dma_start3A = arith.constant 0 : i32
    %dma_start3A_12 = tpu.memref_slice %arg10[%dma_start3A] : memref<128xi32, #tpu.memory_space<vmem>> -> memref<32xi32, #tpu.memory_space<vmem>>
    %dma_start3A_13 = tpu.memref_slice %arg3[%mul3A_11] : memref<320000xi32, #tpu.memory_space<hbm>> -> memref<32xi32, #tpu.memory_space<hbm>>
    %dma_start3A_14 = arith.constant 0 : i32
    %dma_start3A_15 = tpu.memref_slice %arg10[%dma_start3A_14] : memref<128xi32, #tpu.memory_space<vmem>> -> memref<32xi32, #tpu.memory_space<vmem>>
    %dma_start3A_16 = tpu.memref_slice %arg3[%mul3A_11] : memref<320000xi32, #tpu.memory_space<hbm>> -> memref<32xi32, #tpu.memory_space<hbm>>
    tpu.enqueue_dma source(%dma_start3A_16 : memref<32xi32, #tpu.memory_space<hbm>>) target(%dma_start3A_15 : memref<32xi32, #tpu.memory_space<vmem>>) target_semaphore(%arg21 : memref<!tpu.dma_semaphore, #tpu.memory_space<semaphore_mem>>)
    %add3A_17 = arith.constant 160000 : i32
    %add3A_18 = arith.addi %add3A_17, %mul3A_11 : i32
    %dma_start3A_19 = arith.constant 32 : i32
    %dma_start3A_20 = tpu.memref_slice %arg10[%dma_start3A_19] : memref<128xi32, #tpu.memory_space<vmem>> -> memref<32xi32, #tpu.memory_space<vmem>>
    %dma_start3A_21 = tpu.memref_slice %arg3[%add3A_18] : memref<320000xi32, #tpu.memory_space<hbm>> -> memref<32xi32, #tpu.memory_space<hbm>>
    %dma_start3A_22 = arith.constant 32 : i32
    %dma_start3A_23 = tpu.memref_slice %arg10[%dma_start3A_22] : memref<128xi32, #tpu.memory_space<vmem>> -> memref<32xi32, #tpu.memory_space<vmem>>
    %dma_start3A_24 = tpu.memref_slice %arg3[%add3A_18] : memref<320000xi32, #tpu.memory_space<hbm>> -> memref<32xi32, #tpu.memory_space<hbm>>
    tpu.enqueue_dma source(%dma_start3A_24 : memref<32xi32, #tpu.memory_space<hbm>>) target(%dma_start3A_23 : memref<32xi32, #tpu.memory_space<vmem>>) target_semaphore(%arg21 : memref<!tpu.dma_semaphore, #tpu.memory_space<semaphore_mem>>)
    %dma_start3A_25 = arith.constant 64 : i32
    %dma_start3A_26 = tpu.memref_slice %arg10[%dma_start3A_25] : memref<128xi32, #tpu.memory_space<vmem>> -> memref<32xi32, #tpu.memory_space<vmem>>
    %dma_start3A_27 = tpu.memref_slice %arg4[%mul3A_11] : memref<320000xi32, #tpu.memory_space<hbm>> -> memref<32xi32, #tpu.memory_space<hbm>>
    %dma_start3A_28 = arith.constant 64 : i32
    %dma_start3A_29 = tpu.memref_slice %arg10[%dma_start3A_28] : memref<128xi32, #tpu.memory_space<vmem>> -> memref<32xi32, #tpu.memory_space<vmem>>
    %dma_start3A_30 = tpu.memref_slice %arg4[%mul3A_11] : memref<320000xi32, #tpu.memory_space<hbm>> -> memref<32xi32, #tpu.memory_space<hbm>>
    tpu.enqueue_dma source(%dma_start3A_30 : memref<32xi32, #tpu.memory_space<hbm>>) target(%dma_start3A_29 : memref<32xi32, #tpu.memory_space<vmem>>) target_semaphore(%arg21 : memref<!tpu.dma_semaphore, #tpu.memory_space<semaphore_mem>>)
    %add3A_31 = arith.constant 160000 : i32
    %add3A_32 = arith.addi %add3A_31, %mul3A_11 : i32
    %dma_start3A_33 = arith.constant 96 : i32
    %dma_start3A_34 = tpu.memref_slice %arg10[%dma_start3A_33] : memref<128xi32, #tpu.memory_space<vmem>> -> memref<32xi32, #tpu.memory_space<vmem>>
    %dma_start3A_35 = tpu.memref_slice %arg4[%add3A_32] : memref<320000xi32, #tpu.memory_space<hbm>> -> memref<32xi32, #tpu.memory_space<hbm>>
    %dma_start3A_36 = arith.constant 96 : i32
    %dma_start3A_37 = tpu.memref_slice %arg10[%dma_start3A_36] : memref<128xi32, #tpu.memory_space<vmem>> -> memref<32xi32, #tpu.memory_space<vmem>>
    %dma_start3A_38 = tpu.memref_slice %arg4[%add3A_32] : memref<320000xi32, #tpu.memory_space<hbm>> -> memref<32xi32, #tpu.memory_space<hbm>>
    tpu.enqueue_dma source(%dma_start3A_38 : memref<32xi32, #tpu.memory_space<hbm>>) target(%dma_start3A_37 : memref<32xi32, #tpu.memory_space<vmem>>) target_semaphore(%arg21 : memref<!tpu.dma_semaphore, #tpu.memory_space<semaphore_mem>>)
    %add3A_39 = arith.constant 0 : i32
    %add3A_40 = arith.addi %add3A_39, %add3A : i32
    %mul3A_41 = arith.constant 32 : i32
    %mul3A_42 = arith.muli %add3A_40, %mul3A_41 : i32
    %dma_start3A_43 = arith.constant 0 : i32
    %dma_start3A_44 = tpu.memref_slice %arg11[%dma_start3A_43] : memref<64xi32, #tpu.memory_space<vmem>> -> memref<32xi32, #tpu.memory_space<vmem>>
    %dma_start3A_45 = tpu.memref_slice %arg3[%mul3A_42] : memref<320000xi32, #tpu.memory_space<hbm>> -> memref<32xi32, #tpu.memory_space<hbm>>
    %dma_start3A_46 = arith.constant 0 : i32
    %dma_start3A_47 = tpu.memref_slice %arg11[%dma_start3A_46] : memref<64xi32, #tpu.memory_space<vmem>> -> memref<32xi32, #tpu.memory_space<vmem>>
    %dma_start3A_48 = tpu.memref_slice %arg3[%mul3A_42] : memref<320000xi32, #tpu.memory_space<hbm>> -> memref<32xi32, #tpu.memory_space<hbm>>
    tpu.enqueue_dma source(%dma_start3A_48 : memref<32xi32, #tpu.memory_space<hbm>>) target(%dma_start3A_47 : memref<32xi32, #tpu.memory_space<vmem>>) target_semaphore(%arg22 : memref<!tpu.dma_semaphore, #tpu.memory_space<semaphore_mem>>)
    %add3A_49 = arith.constant 160000 : i32
    %add3A_50 = arith.addi %add3A_49, %mul3A_42 : i32
    %dma_start3A_51 = arith.constant 32 : i32
    %dma_start3A_52 = tpu.memref_slice %arg11[%dma_start3A_51] : memref<64xi32, #tpu.memory_space<vmem>> -> memref<32xi32, #tpu.memory_space<vmem>>
    %dma_start3A_53 = tpu.memref_slice %arg3[%add3A_50] : memref<320000xi32, #tpu.memory_space<hbm>> -> memref<32xi32, #tpu.memory_space<hbm>>
    %dma_start3A_54 = arith.constant 32 : i32
    %dma_start3A_55 = tpu.memref_slice %arg11[%dma_start3A_54] : memref<64xi32, #tpu.memory_space<vmem>> -> memref<32xi32, #tpu.memory_space<vmem>>
    %dma_start3A_56 = tpu.memref_slice %arg3[%add3A_50] : memref<320000xi32, #tpu.memory_space<hbm>> -> memref<32xi32, #tpu.memory_space<hbm>>
    tpu.enqueue_dma source(%dma_start3A_56 : memref<32xi32, #tpu.memory_space<hbm>>) target(%dma_start3A_55 : memref<32xi32, #tpu.memory_space<vmem>>) target_semaphore(%arg22 : memref<!tpu.dma_semaphore, #tpu.memory_space<semaphore_mem>>)
    %add3A_57 = arith.constant 32 : i32
    %add3A_58 = arith.addi %add3A_57, %add3A : i32
    %mul3A_59 = arith.constant 32 : i32
    %mul3A_60 = arith.muli %add3A_58, %mul3A_59 : i32
    %dma_start3A_61 = arith.constant 0 : i32
    %dma_start3A_62 = tpu.memref_slice %arg15[%dma_start3A_61] : memref<128xi32, #tpu.memory_space<vmem>> -> memref<32xi32, #tpu.memory_space<vmem>>
    %dma_start3A_63 = tpu.memref_slice %arg3[%mul3A_60] : memref<320000xi32, #tpu.memory_space<hbm>> -> memref<32xi32, #tpu.memory_space<hbm>>
    %dma_start3A_64 = arith.constant 0 : i32
    %dma_start3A_65 = tpu.memref_slice %arg15[%dma_start3A_64] : memref<128xi32, #tpu.memory_space<vmem>> -> memref<32xi32, #tpu.memory_space<vmem>>
    %dma_start3A_66 = tpu.memref_slice %arg3[%mul3A_60] : memref<320000xi32, #tpu.memory_space<hbm>> -> memref<32xi32, #tpu.memory_space<hbm>>
    tpu.enqueue_dma source(%dma_start3A_66 : memref<32xi32, #tpu.memory_space<hbm>>) target(%dma_start3A_65 : memref<32xi32, #tpu.memory_space<vmem>>) target_semaphore(%arg28 : memref<!tpu.dma_semaphore, #tpu.memory_space<semaphore_mem>>)
    %add3A_67 = arith.constant 160000 : i32
    %add3A_68 = arith.addi %add3A_67, %mul3A_60 : i32
    %dma_start3A_69 = arith.constant 32 : i32
    %dma_start3A_70 = tpu.memref_slice %arg15[%dma_start3A_69] : memref<128xi32, #tpu.memory_space<vmem>> -> memref<32xi32, #tpu.memory_space<vmem>>
    %dma_start3A_71 = tpu.memref_slice %arg3[%add3A_68] : memref<320000xi32, #tpu.memory_space<hbm>> -> memref<32xi32, #tpu.memory_space<hbm>>
    %dma_start3A_72 = arith.constant 32 : i32
    %dma_start3A_73 = tpu.memref_slice %arg15[%dma_start3A_72] : memref<128xi32, #tpu.memory_space<vmem>> -> memref<32xi32, #tpu.memory_space<vmem>>
    %dma_start3A_74 = tpu.memref_slice %arg3[%add3A_68] : memref<320000xi32, #tpu.memory_space<hbm>> -> memref<32xi32, #tpu.memory_space<hbm>>
    tpu.enqueue_dma source(%dma_start3A_74 : memref<32xi32, #tpu.memory_space<hbm>>) target(%dma_start3A_73 : memref<32xi32, #tpu.memory_space<vmem>>) target_semaphore(%arg28 : memref<!tpu.dma_semaphore, #tpu.memory_space<semaphore_mem>>)
    %dma_start3A_75 = arith.constant 64 : i32
    %dma_start3A_76 = tpu.memref_slice %arg15[%dma_start3A_75] : memref<128xi32, #tpu.memory_space<vmem>> -> memref<32xi32, #tpu.memory_space<vmem>>
    %dma_start3A_77 = tpu.memref_slice %arg4[%mul3A_60] : memref<320000xi32, #tpu.memory_space<hbm>> -> memref<32xi32, #tpu.memory_space<hbm>>
    %dma_start3A_78 = arith.constant 64 : i32
    %dma_start3A_79 = tpu.memref_slice %arg15[%dma_start3A_78] : memref<128xi32, #tpu.memory_space<vmem>> -> memref<32xi32, #tpu.memory_space<vmem>>
    %dma_start3A_80 = tpu.memref_slice %arg4[%mul3A_60] : memref<320000xi32, #tpu.memory_space<hbm>> -> memref<32xi32, #tpu.memory_space<hbm>>
    tpu.enqueue_dma source(%dma_start3A_80 : memref<32xi32, #tpu.memory_space<hbm>>) target(%dma_start3A_79 : memref<32xi32, #tpu.memory_space<vmem>>) target_semaphore(%arg28 : memref<!tpu.dma_semaphore, #tpu.memory_space<semaphore_mem>>)
    %add3A_81 = arith.constant 160000 : i32
    %add3A_82 = arith.addi %add3A_81, %mul3A_60 : i32
    %dma_start3A_83 = arith.constant 96 : i32
    %dma_start3A_84 = tpu.memref_slice %arg15[%dma_start3A_83] : memref<128xi32, #tpu.memory_space<vmem>> -> memref<32xi32, #tpu.memory_space<vmem>>
    %dma_start3A_85 = tpu.memref_slice %arg4[%add3A_82] : memref<320000xi32, #tpu.memory_space<hbm>> -> memref<32xi32, #tpu.memory_space<hbm>>
    %dma_start3A_86 = arith.constant 96 : i32
    %dma_start3A_87 = tpu.memref_slice %arg15[%dma_start3A_86] : memref<128xi32, #tpu.memory_space<vmem>> -> memref<32xi32, #tpu.memory_space<vmem>>
    %dma_start3A_88 = tpu.memref_slice %arg4[%add3A_82] : memref<320000xi32, #tpu.memory_space<hbm>> -> memref<32xi32, #tpu.memory_space<hbm>>
    tpu.enqueue_dma source(%dma_start3A_88 : memref<32xi32, #tpu.memory_space<hbm>>) target(%dma_start3A_87 : memref<32xi32, #tpu.memory_space<vmem>>) target_semaphore(%arg28 : memref<!tpu.dma_semaphore, #tpu.memory_space<semaphore_mem>>)
    %dma_wait3A = arith.constant 0 : i32
    %dma_wait3A_89 = tpu.memref_slice %arg10[%dma_wait3A] : memref<128xi32, #tpu.memory_space<vmem>> -> memref<32xi32, #tpu.memory_space<vmem>>
    %dma_wait3A_90 = arith.constant 0 : i32
    %dma_wait3A_91 = tpu.memref_slice %arg3[%dma_wait3A_90] : memref<320000xi32, #tpu.memory_space<hbm>> -> memref<32xi32, #tpu.memory_space<hbm>>
    %dma_wait3A_92 = arith.constant 0 : i32
    %dma_wait3A_93 = tpu.memref_slice %arg10[%dma_wait3A_92] : memref<128xi32, #tpu.memory_space<vmem>> -> memref<32xi32, #tpu.memory_space<vmem>>
    %dma_wait3A_94 = arith.constant 0 : i32
    %dma_wait3A_95 = tpu.memref_slice %arg3[%dma_wait3A_94] : memref<320000xi32, #tpu.memory_space<hbm>> -> memref<32xi32, #tpu.memory_space<hbm>>
    tpu.wait_dma2 semaphore(%arg21 : memref<!tpu.dma_semaphore, #tpu.memory_space<semaphore_mem>>) src(%dma_wait3A_95 : memref<32xi32, #tpu.memory_space<hbm>>) dst(%dma_wait3A_93 : memref<32xi32, #tpu.memory_space<vmem>>)
    %dma_wait3A_96 = arith.constant 32 : i32
    %dma_wait3A_97 = tpu.memref_slice %arg10[%dma_wait3A_96] : memref<128xi32, #tpu.memory_space<vmem>> -> memref<32xi32, #tpu.memory_space<vmem>>
    %dma_wait3A_98 = arith.constant 0 : i32
    %dma_wait3A_99 = tpu.memref_slice %arg3[%dma_wait3A_98] : memref<320000xi32, #tpu.memory_space<hbm>> -> memref<32xi32, #tpu.memory_space<hbm>>
    %dma_wait3A_100 = arith.constant 32 : i32
    %dma_wait3A_101 = tpu.memref_slice %arg10[%dma_wait3A_100] : memref<128xi32, #tpu.memory_space<vmem>> -> memref<32xi32, #tpu.memory_space<vmem>>
    %dma_wait3A_102 = arith.constant 0 : i32
    %dma_wait3A_103 = tpu.memref_slice %arg3[%dma_wait3A_102] : memref<320000xi32, #tpu.memory_space<hbm>> -> memref<32xi32, #tpu.memory_space<hbm>>
    tpu.wait_dma2 semaphore(%arg21 : memref<!tpu.dma_semaphore, #tpu.memory_space<semaphore_mem>>) src(%dma_wait3A_103 : memref<32xi32, #tpu.memory_space<hbm>>) dst(%dma_wait3A_101 : memref<32xi32, #tpu.memory_space<vmem>>)
    %dma_wait3A_104 = arith.constant 64 : i32
    %dma_wait3A_105 = tpu.memref_slice %arg10[%dma_wait3A_104] : memref<128xi32, #tpu.memory_space<vmem>> -> memref<32xi32, #tpu.memory_space<vmem>>
    %dma_wait3A_106 = arith.constant 0 : i32
    %dma_wait3A_107 = tpu.memref_slice %arg3[%dma_wait3A_106] : memref<320000xi32, #tpu.memory_space<hbm>> -> memref<32xi32, #tpu.memory_space<hbm>>
    %dma_wait3A_108 = arith.constant 64 : i32
    %dma_wait3A_109 = tpu.memref_slice %arg10[%dma_wait3A_108] : memref<128xi32, #tpu.memory_space<vmem>> -> memref<32xi32, #tpu.memory_space<vmem>>
    %dma_wait3A_110 = arith.constant 0 : i32
    %dma_wait3A_111 = tpu.memref_slice %arg3[%dma_wait3A_110] : memref<320000xi32, #tpu.memory_space<hbm>> -> memref<32xi32, #tpu.memory_space<hbm>>
    tpu.wait_dma2 semaphore(%arg21 : memref<!tpu.dma_semaphore, #tpu.memory_space<semaphore_mem>>) src(%dma_wait3A_111 : memref<32xi32, #tpu.memory_space<hbm>>) dst(%dma_wait3A_109 : memref<32xi32, #tpu.memory_space<vmem>>)
    %dma_wait3A_112 = arith.constant 96 : i32
    %dma_wait3A_113 = tpu.memref_slice %arg10[%dma_wait3A_112] : memref<128xi32, #tpu.memory_space<vmem>> -> memref<32xi32, #tpu.memory_space<vmem>>
    %dma_wait3A_114 = arith.constant 0 : i32
    %dma_wait3A_115 = tpu.memref_slice %arg3[%dma_wait3A_114] : memref<320000xi32, #tpu.memory_space<hbm>> -> memref<32xi32, #tpu.memory_space<hbm>>
    %dma_wait3A_116 = arith.constant 96 : i32
    %dma_wait3A_117 = tpu.memref_slice %arg10[%dma_wait3A_116] : memref<128xi32, #tpu.memory_space<vmem>> -> memref<32xi32, #tpu.memory_space<vmem>>
    %dma_wait3A_118 = arith.constant 0 : i32
    %dma_wait3A_119 = tpu.memref_slice %arg3[%dma_wait3A_118] : memref<320000xi32, #tpu.memory_space<hbm>> -> memref<32xi32, #tpu.memory_space<hbm>>
    tpu.wait_dma2 semaphore(%arg21 : memref<!tpu.dma_semaphore, #tpu.memory_space<semaphore_mem>>) src(%dma_wait3A_119 : memref<32xi32, #tpu.memory_space<hbm>>) dst(%dma_wait3A_117 : memref<32xi32, #tpu.memory_space<vmem>>)
    %dma_start3A_120 = arith.constant 0 : i32
    %dma_start3A_121 = tpu.memref_slice %arg10[%dma_start3A_120] : memref<128xi32, #tpu.memory_space<vmem>> -> memref<64xi32, #tpu.memory_space<vmem>>
    %dma_start3A_122 = arith.constant 0 : i32
    %dma_start3A_123 = arith.constant 0 : i32
    %dma_start3A_124 = tpu.memref_slice %arg5[%dma_start3A_122, %dma_start3A_123] : memref<10000x128xf32, #tpu.memory_space<hbm>> -> memref<10000x128xf32, #tpu.memory_space<hbm>>
    tpu.enqueue_indirect_dma source(%dma_start3A_124 : memref<10000x128xf32, #tpu.memory_space<hbm>>) target(%arg12 : memref<64x128xf32, #tpu.memory_space<vmem>>) offsets(%dma_start3A_121 : memref<64xi32, #tpu.memory_space<vmem>>) semaphore(%arg23 : memref<!tpu.dma_semaphore, #tpu.memory_space<semaphore_mem>>)
    %dma_start3A_125 = arith.constant 64 : i32
    %dma_start3A_126 = tpu.memref_slice %arg10[%dma_start3A_125] : memref<128xi32, #tpu.memory_space<vmem>> -> memref<64xi32, #tpu.memory_space<vmem>>
    %dma_start3A_127 = arith.constant 0 : i32
    %dma_start3A_128 = arith.constant 0 : i32
    %dma_start3A_129 = tpu.memref_slice %arg6[%dma_start3A_127, %dma_start3A_128] : memref<10000x128xf32, #tpu.memory_space<hbm>> -> memref<10000x128xf32, #tpu.memory_space<hbm>>
    tpu.enqueue_indirect_dma source(%dma_start3A_129 : memref<10000x128xf32, #tpu.memory_space<hbm>>) target(%arg13 : memref<64x128xf32, #tpu.memory_space<vmem>>) offsets(%dma_start3A_126 : memref<64xi32, #tpu.memory_space<vmem>>) semaphore(%arg24 : memref<!tpu.dma_semaphore, #tpu.memory_space<semaphore_mem>>)
    %add3A_130 = arith.constant 0 : i32
    %add3A_131 = arith.addi %add3A_130, %add3A : i32
    %mul3A_132 = arith.constant 32 : i32
    %mul3A_133 = arith.muli %add3A_131, %mul3A_132 : i32
    %dma_start3A_134 = arith.constant 0 : i32
    %dma_start3A_135 = tpu.memref_slice %arg2[%mul3A_133, %dma_start3A_134] : memref<160000x128xi32, #tpu.memory_space<hbm>> -> memref<32x128xi32, #tpu.memory_space<hbm>>
    %dma_start3A_136 = arith.constant 0 : i32
    %dma_start3A_137 = tpu.memref_slice %arg2[%mul3A_133, %dma_start3A_136] : memref<160000x128xi32, #tpu.memory_space<hbm>> -> memref<32x128xi32, #tpu.memory_space<hbm>>
    tpu.enqueue_dma source(%dma_start3A_137 : memref<32x128xi32, #tpu.memory_space<hbm>>) target(%arg14 : memref<32x128xi32, #tpu.memory_space<vmem>>) target_semaphore(%arg25 : memref<!tpu.dma_semaphore, #tpu.memory_space<semaphore_mem>>)
    %gt3A = arith.constant 1 : i32
    %gt3A_138 = arith.cmpi sgt, %add3A_3, %gt3A : i32
    %convert_element_type3A_139 = arith.extui %gt3A_138 : i1 to i32
    %cond3A = arith.constant 0 : i32
    %cond3A_140 = arith.cmpi ne, %convert_element_type3A_139, %cond3A : i32
    scf.if %cond3A_140 {
      %add3A_333 = arith.constant 32 : i32
      %add3A_334 = arith.addi %add3A_333, %add3A : i32
      %mul3A_335 = arith.constant 32 : i32
      %mul3A_336 = arith.muli %add3A_334, %mul3A_335 : i32
      %dma_start3A_337 = arith.constant 0 : i32
      %dma_start3A_338 = tpu.memref_slice %arg16[%dma_start3A_337] : memref<64xi32, #tpu.memory_space<vmem>> -> memref<32xi32, #tpu.memory_space<vmem>>
      %dma_start3A_339 = tpu.memref_slice %arg3[%mul3A_336] : memref<320000xi32, #tpu.memory_space<hbm>> -> memref<32xi32, #tpu.memory_space<hbm>>
      %dma_start3A_340 = arith.constant 0 : i32
      %dma_start3A_341 = tpu.memref_slice %arg16[%dma_start3A_340] : memref<64xi32, #tpu.memory_space<vmem>> -> memref<32xi32, #tpu.memory_space<vmem>>
      %dma_start3A_342 = tpu.memref_slice %arg3[%mul3A_336] : memref<320000xi32, #tpu.memory_space<hbm>> -> memref<32xi32, #tpu.memory_space<hbm>>
      tpu.enqueue_dma source(%dma_start3A_342 : memref<32xi32, #tpu.memory_space<hbm>>) target(%dma_start3A_341 : memref<32xi32, #tpu.memory_space<vmem>>) target_semaphore(%arg29 : memref<!tpu.dma_semaphore, #tpu.memory_space<semaphore_mem>>)
      %add3A_343 = arith.constant 160000 : i32
      %add3A_344 = arith.addi %add3A_343, %mul3A_336 : i32
      %dma_start3A_345 = arith.constant 32 : i32
      %dma_start3A_346 = tpu.memref_slice %arg16[%dma_start3A_345] : memref<64xi32, #tpu.memory_space<vmem>> -> memref<32xi32, #tpu.memory_space<vmem>>
      %dma_start3A_347 = tpu.memref_slice %arg3[%add3A_344] : memref<320000xi32, #tpu.memory_space<hbm>> -> memref<32xi32, #tpu.memory_space<hbm>>
      %dma_start3A_348 = arith.constant 32 : i32
      %dma_start3A_349 = tpu.memref_slice %arg16[%dma_start3A_348] : memref<64xi32, #tpu.memory_space<vmem>> -> memref<32xi32, #tpu.memory_space<vmem>>
      %dma_start3A_350 = tpu.memref_slice %arg3[%add3A_344] : memref<320000xi32, #tpu.memory_space<hbm>> -> memref<32xi32, #tpu.memory_space<hbm>>
      tpu.enqueue_dma source(%dma_start3A_350 : memref<32xi32, #tpu.memory_space<hbm>>) target(%dma_start3A_349 : memref<32xi32, #tpu.memory_space<vmem>>) target_semaphore(%arg29 : memref<!tpu.dma_semaphore, #tpu.memory_space<semaphore_mem>>)
      %dma_wait3A_351 = arith.constant 0 : i32
      %dma_wait3A_352 = tpu.memref_slice %arg15[%dma_wait3A_351] : memref<128xi32, #tpu.memory_space<vmem>> -> memref<32xi32, #tpu.memory_space<vmem>>
      %dma_wait3A_353 = arith.constant 0 : i32
      %dma_wait3A_354 = tpu.memref_slice %arg3[%dma_wait3A_353] : memref<320000xi32, #tpu.memory_space<hbm>> -> memref<32xi32, #tpu.memory_space<hbm>>
      %dma_wait3A_355 = arith.constant 0 : i32
      %dma_wait3A_356 = tpu.memref_slice %arg15[%dma_wait3A_355] : memref<128xi32, #tpu.memory_space<vmem>> -> memref<32xi32, #tpu.memory_space<vmem>>
      %dma_wait3A_357 = arith.constant 0 : i32
      %dma_wait3A_358 = tpu.memref_slice %arg3[%dma_wait3A_357] : memref<320000xi32, #tpu.memory_space<hbm>> -> memref<32xi32, #tpu.memory_space<hbm>>
      tpu.wait_dma2 semaphore(%arg28 : memref<!tpu.dma_semaphore, #tpu.memory_space<semaphore_mem>>) src(%dma_wait3A_358 : memref<32xi32, #tpu.memory_space<hbm>>) dst(%dma_wait3A_356 : memref<32xi32, #tpu.memory_space<vmem>>)
      %dma_wait3A_359 = arith.constant 32 : i32
      %dma_wait3A_360 = tpu.memref_slice %arg15[%dma_wait3A_359] : memref<128xi32, #tpu.memory_space<vmem>> -> memref<32xi32, #tpu.memory_space<vmem>>
      %dma_wait3A_361 = arith.constant 0 : i32
      %dma_wait3A_362 = tpu.memref_slice %arg3[%dma_wait3A_361] : memref<320000xi32, #tpu.memory_space<hbm>> -> memref<32xi32, #tpu.memory_space<hbm>>
      %dma_wait3A_363 = arith.constant 32 : i32
      %dma_wait3A_364 = tpu.memref_slice %arg15[%dma_wait3A_363] : memref<128xi32, #tpu.memory_space<vmem>> -> memref<32xi32, #tpu.memory_space<vmem>>
      %dma_wait3A_365 = arith.constant 0 : i32
      %dma_wait3A_366 = tpu.memref_slice %arg3[%dma_wait3A_365] : memref<320000xi32, #tpu.memory_space<hbm>> -> memref<32xi32, #tpu.memory_space<hbm>>
      tpu.wait_dma2 semaphore(%arg28 : memref<!tpu.dma_semaphore, #tpu.memory_space<semaphore_mem>>) src(%dma_wait3A_366 : memref<32xi32, #tpu.memory_space<hbm>>) dst(%dma_wait3A_364 : memref<32xi32, #tpu.memory_space<vmem>>)
      %dma_wait3A_367 = arith.constant 64 : i32
      %dma_wait3A_368 = tpu.memref_slice %arg15[%dma_wait3A_367] : memref<128xi32, #tpu.memory_space<vmem>> -> memref<32xi32, #tpu.memory_space<vmem>>
      %dma_wait3A_369 = arith.constant 0 : i32
      %dma_wait3A_370 = tpu.memref_slice %arg3[%dma_wait3A_369] : memref<320000xi32, #tpu.memory_space<hbm>> -> memref<32xi32, #tpu.memory_space<hbm>>
      %dma_wait3A_371 = arith.constant 64 : i32
      %dma_wait3A_372 = tpu.memref_slice %arg15[%dma_wait3A_371] : memref<128xi32, #tpu.memory_space<vmem>> -> memref<32xi32, #tpu.memory_space<vmem>>
      %dma_wait3A_373 = arith.constant 0 : i32
      %dma_wait3A_374 = tpu.memref_slice %arg3[%dma_wait3A_373] : memref<320000xi32, #tpu.memory_space<hbm>> -> memref<32xi32, #tpu.memory_space<hbm>>
      tpu.wait_dma2 semaphore(%arg28 : memref<!tpu.dma_semaphore, #tpu.memory_space<semaphore_mem>>) src(%dma_wait3A_374 : memref<32xi32, #tpu.memory_space<hbm>>) dst(%dma_wait3A_372 : memref<32xi32, #tpu.memory_space<vmem>>)
      %dma_wait3A_375 = arith.constant 96 : i32
      %dma_wait3A_376 = tpu.memref_slice %arg15[%dma_wait3A_375] : memref<128xi32, #tpu.memory_space<vmem>> -> memref<32xi32, #tpu.memory_space<vmem>>
      %dma_wait3A_377 = arith.constant 0 : i32
      %dma_wait3A_378 = tpu.memref_slice %arg3[%dma_wait3A_377] : memref<320000xi32, #tpu.memory_space<hbm>> -> memref<32xi32, #tpu.memory_space<hbm>>
      %dma_wait3A_379 = arith.constant 96 : i32
      %dma_wait3A_380 = tpu.memref_slice %arg15[%dma_wait3A_379] : memref<128xi32, #tpu.memory_space<vmem>> -> memref<32xi32, #tpu.memory_space<vmem>>
      %dma_wait3A_381 = arith.constant 0 : i32
      %dma_wait3A_382 = tpu.memref_slice %arg3[%dma_wait3A_381] : memref<320000xi32, #tpu.memory_space<hbm>> -> memref<32xi32, #tpu.memory_space<hbm>>
      tpu.wait_dma2 semaphore(%arg28 : memref<!tpu.dma_semaphore, #tpu.memory_space<semaphore_mem>>) src(%dma_wait3A_382 : memref<32xi32, #tpu.memory_space<hbm>>) dst(%dma_wait3A_380 : memref<32xi32, #tpu.memory_space<vmem>>)
      %dma_start3A_383 = arith.constant 0 : i32
      %dma_start3A_384 = tpu.memref_slice %arg15[%dma_start3A_383] : memref<128xi32, #tpu.memory_space<vmem>> -> memref<64xi32, #tpu.memory_space<vmem>>
      %dma_start3A_385 = arith.constant 0 : i32
      %dma_start3A_386 = arith.constant 0 : i32
      %dma_start3A_387 = tpu.memref_slice %arg5[%dma_start3A_385, %dma_start3A_386] : memref<10000x128xf32, #tpu.memory_space<hbm>> -> memref<10000x128xf32, #tpu.memory_space<hbm>>
      tpu.enqueue_indirect_dma source(%dma_start3A_387 : memref<10000x128xf32, #tpu.memory_space<hbm>>) target(%arg17 : memref<64x128xf32, #tpu.memory_space<vmem>>) offsets(%dma_start3A_384 : memref<64xi32, #tpu.memory_space<vmem>>) semaphore(%arg30 : memref<!tpu.dma_semaphore, #tpu.memory_space<semaphore_mem>>)
      %dma_start3A_388 = arith.constant 64 : i32
      %dma_start3A_389 = tpu.memref_slice %arg15[%dma_start3A_388] : memref<128xi32, #tpu.memory_space<vmem>> -> memref<64xi32, #tpu.memory_space<vmem>>
      %dma_start3A_390 = arith.constant 0 : i32
      %dma_start3A_391 = arith.constant 0 : i32
      %dma_start3A_392 = tpu.memref_slice %arg6[%dma_start3A_390, %dma_start3A_391] : memref<10000x128xf32, #tpu.memory_space<hbm>> -> memref<10000x128xf32, #tpu.memory_space<hbm>>
      tpu.enqueue_indirect_dma source(%dma_start3A_392 : memref<10000x128xf32, #tpu.memory_space<hbm>>) target(%arg18 : memref<64x128xf32, #tpu.memory_space<vmem>>) offsets(%dma_start3A_389 : memref<64xi32, #tpu.memory_space<vmem>>) semaphore(%arg31 : memref<!tpu.dma_semaphore, #tpu.memory_space<semaphore_mem>>)
      %add3A_393 = arith.constant 32 : i32
      %add3A_394 = arith.addi %add3A_393, %add3A : i32
      %mul3A_395 = arith.constant 32 : i32
      %mul3A_396 = arith.muli %add3A_394, %mul3A_395 : i32
      %dma_start3A_397 = arith.constant 0 : i32
      %dma_start3A_398 = tpu.memref_slice %arg2[%mul3A_396, %dma_start3A_397] : memref<160000x128xi32, #tpu.memory_space<hbm>> -> memref<32x128xi32, #tpu.memory_space<hbm>>
      %dma_start3A_399 = arith.constant 0 : i32
      %dma_start3A_400 = tpu.memref_slice %arg2[%mul3A_396, %dma_start3A_399] : memref<160000x128xi32, #tpu.memory_space<hbm>> -> memref<32x128xi32, #tpu.memory_space<hbm>>
      tpu.enqueue_dma source(%dma_start3A_400 : memref<32x128xi32, #tpu.memory_space<hbm>>) target(%arg19 : memref<32x128xi32, #tpu.memory_space<vmem>>) target_semaphore(%arg32 : memref<!tpu.dma_semaphore, #tpu.memory_space<semaphore_mem>>)
    } else {
    }
    %dma_wait3A_141 = arith.constant 0 : i32
    %dma_wait3A_142 = arith.constant 0 : i32
    %dma_wait3A_143 = tpu.memref_slice %arg5[%dma_wait3A_141, %dma_wait3A_142] : memref<10000x128xf32, #tpu.memory_space<hbm>> -> memref<64x128xf32, #tpu.memory_space<hbm>>
    %dma_wait3A_144 = arith.constant 0 : i32
    %dma_wait3A_145 = arith.constant 0 : i32
    %dma_wait3A_146 = tpu.memref_slice %arg5[%dma_wait3A_144, %dma_wait3A_145] : memref<10000x128xf32, #tpu.memory_space<hbm>> -> memref<64x128xf32, #tpu.memory_space<hbm>>
    tpu.wait_dma2 semaphore(%arg23 : memref<!tpu.dma_semaphore, #tpu.memory_space<semaphore_mem>>) src(%dma_wait3A_146 : memref<64x128xf32, #tpu.memory_space<hbm>>) dst(%arg12 : memref<64x128xf32, #tpu.memory_space<vmem>>)
    %dma_wait3A_147 = arith.constant 0 : i32
    %dma_wait3A_148 = arith.constant 0 : i32
    %dma_wait3A_149 = tpu.memref_slice %arg5[%dma_wait3A_147, %dma_wait3A_148] : memref<10000x128xf32, #tpu.memory_space<hbm>> -> memref<64x128xf32, #tpu.memory_space<hbm>>
    %dma_wait3A_150 = arith.constant 0 : i32
    %dma_wait3A_151 = arith.constant 0 : i32
    %dma_wait3A_152 = tpu.memref_slice %arg5[%dma_wait3A_150, %dma_wait3A_151] : memref<10000x128xf32, #tpu.memory_space<hbm>> -> memref<64x128xf32, #tpu.memory_space<hbm>>
    tpu.wait_dma2 semaphore(%arg24 : memref<!tpu.dma_semaphore, #tpu.memory_space<semaphore_mem>>) src(%dma_wait3A_152 : memref<64x128xf32, #tpu.memory_space<hbm>>) dst(%arg13 : memref<64x128xf32, #tpu.memory_space<vmem>>)
    %dma_wait3A_153 = arith.constant 0 : i32
    %dma_wait3A_154 = arith.constant 0 : i32
    %dma_wait3A_155 = tpu.memref_slice %arg2[%dma_wait3A_153, %dma_wait3A_154] : memref<160000x128xi32, #tpu.memory_space<hbm>> -> memref<32x128xi32, #tpu.memory_space<hbm>>
    %dma_wait3A_156 = arith.constant 0 : i32
    %dma_wait3A_157 = arith.constant 0 : i32
    %dma_wait3A_158 = tpu.memref_slice %arg2[%dma_wait3A_156, %dma_wait3A_157] : memref<160000x128xi32, #tpu.memory_space<hbm>> -> memref<32x128xi32, #tpu.memory_space<hbm>>
    tpu.wait_dma2 semaphore(%arg25 : memref<!tpu.dma_semaphore, #tpu.memory_space<semaphore_mem>>) src(%dma_wait3A_158 : memref<32x128xi32, #tpu.memory_space<hbm>>) dst(%arg14 : memref<32x128xi32, #tpu.memory_space<vmem>>)
    %gt3A_159 = arith.constant 2 : i32
    %gt3A_160 = arith.cmpi sgt, %add3A_3, %gt3A_159 : i32
    %convert_element_type3A_161 = arith.extui %gt3A_160 : i1 to i32
    %cond3A_162 = arith.constant 0 : i32
    %cond3A_163 = arith.cmpi ne, %convert_element_type3A_161, %cond3A_162 : i32
    scf.if %cond3A_163 {
      %add3A_333 = arith.constant 64 : i32
      %add3A_334 = arith.addi %add3A_333, %add3A : i32
      %mul3A_335 = arith.constant 32 : i32
      %mul3A_336 = arith.muli %add3A_334, %mul3A_335 : i32
      %dma_start3A_337 = arith.constant 0 : i32
      %dma_start3A_338 = tpu.memref_slice %arg10[%dma_start3A_337] : memref<128xi32, #tpu.memory_space<vmem>> -> memref<32xi32, #tpu.memory_space<vmem>>
      %dma_start3A_339 = tpu.memref_slice %arg3[%mul3A_336] : memref<320000xi32, #tpu.memory_space<hbm>> -> memref<32xi32, #tpu.memory_space<hbm>>
      %dma_start3A_340 = arith.constant 0 : i32
      %dma_start3A_341 = tpu.memref_slice %arg10[%dma_start3A_340] : memref<128xi32, #tpu.memory_space<vmem>> -> memref<32xi32, #tpu.memory_space<vmem>>
      %dma_start3A_342 = tpu.memref_slice %arg3[%mul3A_336] : memref<320000xi32, #tpu.memory_space<hbm>> -> memref<32xi32, #tpu.memory_space<hbm>>
      tpu.enqueue_dma source(%dma_start3A_342 : memref<32xi32, #tpu.memory_space<hbm>>) target(%dma_start3A_341 : memref<32xi32, #tpu.memory_space<vmem>>) target_semaphore(%arg21 : memref<!tpu.dma_semaphore, #tpu.memory_space<semaphore_mem>>)
      %add3A_343 = arith.constant 160000 : i32
      %add3A_344 = arith.addi %add3A_343, %mul3A_336 : i32
      %dma_start3A_345 = arith.constant 32 : i32
      %dma_start3A_346 = tpu.memref_slice %arg10[%dma_start3A_345] : memref<128xi32, #tpu.memory_space<vmem>> -> memref<32xi32, #tpu.memory_space<vmem>>
      %dma_start3A_347 = tpu.memref_slice %arg3[%add3A_344] : memref<320000xi32, #tpu.memory_space<hbm>> -> memref<32xi32, #tpu.memory_space<hbm>>
      %dma_start3A_348 = arith.constant 32 : i32
      %dma_start3A_349 = tpu.memref_slice %arg10[%dma_start3A_348] : memref<128xi32, #tpu.memory_space<vmem>> -> memref<32xi32, #tpu.memory_space<vmem>>
      %dma_start3A_350 = tpu.memref_slice %arg3[%add3A_344] : memref<320000xi32, #tpu.memory_space<hbm>> -> memref<32xi32, #tpu.memory_space<hbm>>
      tpu.enqueue_dma source(%dma_start3A_350 : memref<32xi32, #tpu.memory_space<hbm>>) target(%dma_start3A_349 : memref<32xi32, #tpu.memory_space<vmem>>) target_semaphore(%arg21 : memref<!tpu.dma_semaphore, #tpu.memory_space<semaphore_mem>>)
      %dma_start3A_351 = arith.constant 64 : i32
      %dma_start3A_352 = tpu.memref_slice %arg10[%dma_start3A_351] : memref<128xi32, #tpu.memory_space<vmem>> -> memref<32xi32, #tpu.memory_space<vmem>>
      %dma_start3A_353 = tpu.memref_slice %arg4[%mul3A_336] : memref<320000xi32, #tpu.memory_space<hbm>> -> memref<32xi32, #tpu.memory_space<hbm>>
      %dma_start3A_354 = arith.constant 64 : i32
      %dma_start3A_355 = tpu.memref_slice %arg10[%dma_start3A_354] : memref<128xi32, #tpu.memory_space<vmem>> -> memref<32xi32, #tpu.memory_space<vmem>>
      %dma_start3A_356 = tpu.memref_slice %arg4[%mul3A_336] : memref<320000xi32, #tpu.memory_space<hbm>> -> memref<32xi32, #tpu.memory_space<hbm>>
      tpu.enqueue_dma source(%dma_start3A_356 : memref<32xi32, #tpu.memory_space<hbm>>) target(%dma_start3A_355 : memref<32xi32, #tpu.memory_space<vmem>>) target_semaphore(%arg21 : memref<!tpu.dma_semaphore, #tpu.memory_space<semaphore_mem>>)
      %add3A_357 = arith.constant 160000 : i32
      %add3A_358 = arith.addi %add3A_357, %mul3A_336 : i32
      %dma_start3A_359 = arith.constant 96 : i32
      %dma_start3A_360 = tpu.memref_slice %arg10[%dma_start3A_359] : memref<128xi32, #tpu.memory_space<vmem>> -> memref<32xi32, #tpu.memory_space<vmem>>
      %dma_start3A_361 = tpu.memref_slice %arg4[%add3A_358] : memref<320000xi32, #tpu.memory_space<hbm>> -> memref<32xi32, #tpu.memory_space<hbm>>
      %dma_start3A_362 = arith.constant 96 : i32
      %dma_start3A_363 = tpu.memref_slice %arg10[%dma_start3A_362] : memref<128xi32, #tpu.memory_space<vmem>> -> memref<32xi32, #tpu.memory_space<vmem>>
      %dma_start3A_364 = tpu.memref_slice %arg4[%add3A_358] : memref<320000xi32, #tpu.memory_space<hbm>> -> memref<32xi32, #tpu.memory_space<hbm>>
      tpu.enqueue_dma source(%dma_start3A_364 : memref<32xi32, #tpu.memory_space<hbm>>) target(%dma_start3A_363 : memref<32xi32, #tpu.memory_space<vmem>>) target_semaphore(%arg21 : memref<!tpu.dma_semaphore, #tpu.memory_space<semaphore_mem>>)
    } else {
    }
    %scan3A = arith.constant 0 : i32
    %scan3A_164 = arith.constant 0 : i32
    %scan3A_165 = arith.constant 32 : i32
    %scan3A_166 = arith.addi %scan3A_164, %scan3A_165 : i32
    %scan3A_167 = arith.constant 1 : i32
    scf.for %scan3A_333 = %scan3A_164 to %scan3A_166 step %scan3A_167  : i32 {
      %add3A_334 = arith.constant 32 : i32
      %add3A_335 = arith.addi %scan3A_333, %add3A_334 : i32
      %get3A = arith.index_cast %scan3A_333 : i32 to index
      %get3A_336 = arith.constant 0 : index
      %get3A_337 = tpu.vector_load %arg14[%get3A, %get3A_336] {strides = array<i32>} : memref<32x128xi32, #tpu.memory_space<vmem>>, vector<1x16xi32>,
      %get3A_338 = vector.shape_cast %get3A_337 : vector<1x16xi32> to vector<16xi32>
      %shift_left3A = arith.constant 16 : i32
      %shift_left3A_339 = vector.broadcast %shift_left3A : i32 to vector<16xi32>
      %shift_left3A_340 = arith.shli %get3A_338, %shift_left3A_339 : vector<16xi32>
      %bitcast_convert_type3A = tpu.bitcast %shift_left3A_340 : vector<16xi32> -> vector<16xf32>
      %and3A = arith.constant -65536 : i32
      %and3A_341 = vector.broadcast %and3A : i32 to vector<16xi32>
      %and3A_342 = arith.andi %get3A_338, %and3A_341 : vector<16xi32>
      %bitcast_convert_type3A_343 = tpu.bitcast %and3A_342 : vector<16xi32> -> vector<16xf32>
      %get3A_344 = arith.index_cast %scan3A_333 : i32 to index
      %get3A_345 = arith.constant 0 : index
      %get3A_346 = tpu.vector_load %arg12[%get3A_344, %get3A_345] {strides = array<i32>} : memref<64x128xf32, #tpu.memory_space<vmem>>, vector<1x16xf32>,
      %get3A_347 = vector.shape_cast %get3A_346 : vector<1x16xf32> to vector<16xf32>
      %add3A_348 = arith.addf %bitcast_convert_type3A, %get3A_347 : vector<16xf32>
      %get3A_349 = arith.index_cast %scan3A_333 : i32 to index
      %get3A_350 = arith.constant 0 : index
      %get3A_351 = tpu.vector_load %arg13[%get3A_349, %get3A_350] {strides = array<i32>} : memref<64x128xf32, #tpu.memory_space<vmem>>, vector<1x16xf32>,
      %get3A_352 = vector.shape_cast %get3A_351 : vector<1x16xf32> to vector<16xf32>
      %add3A_353 = arith.addf %add3A_348, %get3A_352 : vector<16xf32>
      %max3A = arith.constant 0.000000e+00 : f32
      %max3A_354 = vector.broadcast %max3A : f32 to vector<16xf32>
      %max3A_355 = arith.maximumf %add3A_353, %max3A_354 : vector<16xf32>
      %swap3A = arith.index_cast %scan3A_333 : i32 to index
      %swap3A_356 = arith.constant 0 : index
      %swap3A_357 = tpu.vector_load %arg12[%swap3A, %swap3A_356] {strides = array<i32>} : memref<64x128xf32, #tpu.memory_space<vmem>>, vector<1x16xf32>,
      %swap3A_358 = vector.shape_cast %swap3A_357 : vector<1x16xf32> to vector<16xf32>
      %swap3A_359 = vector.shape_cast %max3A_355 : vector<16xf32> to vector<1x16xf32>
      tpu.vector_store %arg12[%swap3A, %swap3A_356], %swap3A_359 {strides = array<i32>} : memref<64x128xf32, #tpu.memory_space<vmem>>, vector<1x16xf32>,
      %get3A_360 = arith.index_cast %add3A_335 : i32 to index
      %get3A_361 = arith.constant 0 : index
      %get3A_362 = tpu.vector_load %arg12[%get3A_360, %get3A_361] {strides = array<i32>} : memref<64x128xf32, #tpu.memory_space<vmem>>, vector<1x16xf32>,
      %get3A_363 = vector.shape_cast %get3A_362 : vector<1x16xf32> to vector<16xf32>
      %add3A_364 = arith.addf %bitcast_convert_type3A_343, %get3A_363 : vector<16xf32>
      %get3A_365 = arith.index_cast %add3A_335 : i32 to index
      %get3A_366 = arith.constant 0 : index
      %get3A_367 = tpu.vector_load %arg13[%get3A_365, %get3A_366] {strides = array<i32>} : memref<64x128xf32, #tpu.memory_space<vmem>>, vector<1x16xf32>,
      %get3A_368 = vector.shape_cast %get3A_367 : vector<1x16xf32> to vector<16xf32>
      %add3A_369 = arith.addf %add3A_364, %get3A_368 : vector<16xf32>
      %max3A_370 = arith.constant 0.000000e+00 : f32
      %max3A_371 = vector.broadcast %max3A_370 : f32 to vector<16xf32>
      %max3A_372 = arith.maximumf %add3A_369, %max3A_371 : vector<16xf32>
      %swap3A_373 = arith.index_cast %add3A_335 : i32 to index
      %swap3A_374 = arith.constant 0 : index
      %swap3A_375 = tpu.vector_load %arg12[%swap3A_373, %swap3A_374] {strides = array<i32>} : memref<64x128xf32, #tpu.memory_space<vmem>>, vector<1x16xf32>,
      %swap3A_376 = vector.shape_cast %swap3A_375 : vector<1x16xf32> to vector<16xf32>
      %swap3A_377 = vector.shape_cast %max3A_372 : vector<16xf32> to vector<1x16xf32>
      tpu.vector_store %arg12[%swap3A_373, %swap3A_374], %swap3A_377 {strides = array<i32>} : memref<64x128xf32, #tpu.memory_space<vmem>>, vector<1x16xf32>,
      %get3A_378 = arith.index_cast %scan3A_333 : i32 to index
      %get3A_379 = arith.constant 16 : index
      %get3A_380 = tpu.vector_load %arg14[%get3A_378, %get3A_379] {strides = array<i32>} : memref<32x128xi32, #tpu.memory_space<vmem>>, vector<1x16xi32>,
      %get3A_381 = vector.shape_cast %get3A_380 : vector<1x16xi32> to vector<16xi32>
      %shift_left3A_382 = arith.constant 16 : i32
      %shift_left3A_383 = vector.broadcast %shift_left3A_382 : i32 to vector<16xi32>
      %shift_left3A_384 = arith.shli %get3A_381, %shift_left3A_383 : vector<16xi32>
      %bitcast_convert_type3A_385 = tpu.bitcast %shift_left3A_384 : vector<16xi32> -> vector<16xf32>
      %and3A_386 = arith.constant -65536 : i32
      %and3A_387 = vector.broadcast %and3A_386 : i32 to vector<16xi32>
      %and3A_388 = arith.andi %get3A_381, %and3A_387 : vector<16xi32>
      %bitcast_convert_type3A_389 = tpu.bitcast %and3A_388 : vector<16xi32> -> vector<16xf32>
      %get3A_390 = arith.index_cast %scan3A_333 : i32 to index
      %get3A_391 = arith.constant 16 : index
      %get3A_392 = tpu.vector_load %arg12[%get3A_390, %get3A_391] {strides = array<i32>} : memref<64x128xf32, #tpu.memory_space<vmem>>, vector<1x16xf32>,
      %get3A_393 = vector.shape_cast %get3A_392 : vector<1x16xf32> to vector<16xf32>
      %add3A_394 = arith.addf %bitcast_convert_type3A_385, %get3A_393 : vector<16xf32>
      %get3A_395 = arith.index_cast %scan3A_333 : i32 to index
      %get3A_396 = arith.constant 16 : index
      %get3A_397 = tpu.vector_load %arg13[%get3A_395, %get3A_396] {strides = array<i32>} : memref<64x128xf32, #tpu.memory_space<vmem>>, vector<1x16xf32>,
      %get3A_398 = vector.shape_cast %get3A_397 : vector<1x16xf32> to vector<16xf32>
      %add3A_399 = arith.addf %add3A_394, %get3A_398 : vector<16xf32>
      %max3A_400 = arith.constant 0.000000e+00 : f32
      %max3A_401 = vector.broadcast %max3A_400 : f32 to vector<16xf32>
      %max3A_402 = arith.maximumf %add3A_399, %max3A_401 : vector<16xf32>
      %swap3A_403 = arith.index_cast %scan3A_333 : i32 to index
      %swap3A_404 = arith.constant 16 : index
      %swap3A_405 = tpu.vector_load %arg12[%swap3A_403, %swap3A_404] {strides = array<i32>} : memref<64x128xf32, #tpu.memory_space<vmem>>, vector<1x16xf32>,
      %swap3A_406 = vector.shape_cast %swap3A_405 : vector<1x16xf32> to vector<16xf32>
      %swap3A_407 = vector.shape_cast %max3A_402 : vector<16xf32> to vector<1x16xf32>
      tpu.vector_store %arg12[%swap3A_403, %swap3A_404], %swap3A_407 {strides = array<i32>} : memref<64x128xf32, #tpu.memory_space<vmem>>, vector<1x16xf32>,
      %get3A_408 = arith.index_cast %add3A_335 : i32 to index
      %get3A_409 = arith.constant 16 : index
      %get3A_410 = tpu.vector_load %arg12[%get3A_408, %get3A_409] {strides = array<i32>} : memref<64x128xf32, #tpu.memory_space<vmem>>, vector<1x16xf32>,
      %get3A_411 = vector.shape_cast %get3A_410 : vector<1x16xf32> to vector<16xf32>
      %add3A_412 = arith.addf %bitcast_convert_type3A_389, %get3A_411 : vector<16xf32>
      %get3A_413 = arith.index_cast %add3A_335 : i32 to index
      %get3A_414 = arith.constant 16 : index
      %get3A_415 = tpu.vector_load %arg13[%get3A_413, %get3A_414] {strides = array<i32>} : memref<64x128xf32, #tpu.memory_space<vmem>>, vector<1x16xf32>,
      %get3A_416 = vector.shape_cast %get3A_415 : vector<1x16xf32> to vector<16xf32>
      %add3A_417 = arith.addf %add3A_412, %get3A_416 : vector<16xf32>
      %max3A_418 = arith.constant 0.000000e+00 : f32
      %max3A_419 = vector.broadcast %max3A_418 : f32 to vector<16xf32>
      %max3A_420 = arith.maximumf %add3A_417, %max3A_419 : vector<16xf32>
      %swap3A_421 = arith.index_cast %add3A_335 : i32 to index
      %swap3A_422 = arith.constant 16 : index
      %swap3A_423 = tpu.vector_load %arg12[%swap3A_421, %swap3A_422] {strides = array<i32>} : memref<64x128xf32, #tpu.memory_space<vmem>>, vector<1x16xf32>,
      %swap3A_424 = vector.shape_cast %swap3A_423 : vector<1x16xf32> to vector<16xf32>
      %swap3A_425 = vector.shape_cast %max3A_420 : vector<16xf32> to vector<1x16xf32>
      tpu.vector_store %arg12[%swap3A_421, %swap3A_422], %swap3A_425 {strides = array<i32>} : memref<64x128xf32, #tpu.memory_space<vmem>>, vector<1x16xf32>,
      %get3A_426 = arith.index_cast %scan3A_333 : i32 to index
      %get3A_427 = arith.constant 32 : index
      %get3A_428 = tpu.vector_load %arg14[%get3A_426, %get3A_427] {strides = array<i32>} : memref<32x128xi32, #tpu.memory_space<vmem>>, vector<1x16xi32>,
      %get3A_429 = vector.shape_cast %get3A_428 : vector<1x16xi32> to vector<16xi32>
      %shift_left3A_430 = arith.constant 16 : i32
      %shift_left3A_431 = vector.broadcast %shift_left3A_430 : i32 to vector<16xi32>
      %shift_left3A_432 = arith.shli %get3A_429, %shift_left3A_431 : vector<16xi32>
      %bitcast_convert_type3A_433 = tpu.bitcast %shift_left3A_432 : vector<16xi32> -> vector<16xf32>
      %and3A_434 = arith.constant -65536 : i32
      %and3A_435 = vector.broadcast %and3A_434 : i32 to vector<16xi32>
      %and3A_436 = arith.andi %get3A_429, %and3A_435 : vector<16xi32>
      %bitcast_convert_type3A_437 = tpu.bitcast %and3A_436 : vector<16xi32> -> vector<16xf32>
      %get3A_438 = arith.index_cast %scan3A_333 : i32 to index
      %get3A_439 = arith.constant 32 : index
      %get3A_440 = tpu.vector_load %arg12[%get3A_438, %get3A_439] {strides = array<i32>} : memref<64x128xf32, #tpu.memory_space<vmem>>, vector<1x16xf32>,
      %get3A_441 = vector.shape_cast %get3A_440 : vector<1x16xf32> to vector<16xf32>
      %add3A_442 = arith.addf %bitcast_convert_type3A_433, %get3A_441 : vector<16xf32>
      %get3A_443 = arith.index_cast %scan3A_333 : i32 to index
      %get3A_444 = arith.constant 32 : index
      %get3A_445 = tpu.vector_load %arg13[%get3A_443, %get3A_444] {strides = array<i32>} : memref<64x128xf32, #tpu.memory_space<vmem>>, vector<1x16xf32>,
      %get3A_446 = vector.shape_cast %get3A_445 : vector<1x16xf32> to vector<16xf32>
      %add3A_447 = arith.addf %add3A_442, %get3A_446 : vector<16xf32>
      %max3A_448 = arith.constant 0.000000e+00 : f32
      %max3A_449 = vector.broadcast %max3A_448 : f32 to vector<16xf32>
      %max3A_450 = arith.maximumf %add3A_447, %max3A_449 : vector<16xf32>
      %swap3A_451 = arith.index_cast %scan3A_333 : i32 to index
      %swap3A_452 = arith.constant 32 : index
      %swap3A_453 = tpu.vector_load %arg12[%swap3A_451, %swap3A_452] {strides = array<i32>} : memref<64x128xf32, #tpu.memory_space<vmem>>, vector<1x16xf32>,
      %swap3A_454 = vector.shape_cast %swap3A_453 : vector<1x16xf32> to vector<16xf32>
      %swap3A_455 = vector.shape_cast %max3A_450 : vector<16xf32> to vector<1x16xf32>
      tpu.vector_store %arg12[%swap3A_451, %swap3A_452], %swap3A_455 {strides = array<i32>} : memref<64x128xf32, #tpu.memory_space<vmem>>, vector<1x16xf32>,
      %get3A_456 = arith.index_cast %add3A_335 : i32 to index
      %get3A_457 = arith.constant 32 : index
      %get3A_458 = tpu.vector_load %arg12[%get3A_456, %get3A_457] {strides = array<i32>} : memref<64x128xf32, #tpu.memory_space<vmem>>, vector<1x16xf32>,
      %get3A_459 = vector.shape_cast %get3A_458 : vector<1x16xf32> to vector<16xf32>
      %add3A_460 = arith.addf %bitcast_convert_type3A_437, %get3A_459 : vector<16xf32>
      %get3A_461 = arith.index_cast %add3A_335 : i32 to index
      %get3A_462 = arith.constant 32 : index
      %get3A_463 = tpu.vector_load %arg13[%get3A_461, %get3A_462] {strides = array<i32>} : memref<64x128xf32, #tpu.memory_space<vmem>>, vector<1x16xf32>,
      %get3A_464 = vector.shape_cast %get3A_463 : vector<1x16xf32> to vector<16xf32>
      %add3A_465 = arith.addf %add3A_460, %get3A_464 : vector<16xf32>
      %max3A_466 = arith.constant 0.000000e+00 : f32
      %max3A_467 = vector.broadcast %max3A_466 : f32 to vector<16xf32>
      %max3A_468 = arith.maximumf %add3A_465, %max3A_467 : vector<16xf32>
      %swap3A_469 = arith.index_cast %add3A_335 : i32 to index
      %swap3A_470 = arith.constant 32 : index
      %swap3A_471 = tpu.vector_load %arg12[%swap3A_469, %swap3A_470] {strides = array<i32>} : memref<64x128xf32, #tpu.memory_space<vmem>>, vector<1x16xf32>,
      %swap3A_472 = vector.shape_cast %swap3A_471 : vector<1x16xf32> to vector<16xf32>
      %swap3A_473 = vector.shape_cast %max3A_468 : vector<16xf32> to vector<1x16xf32>
      tpu.vector_store %arg12[%swap3A_469, %swap3A_470], %swap3A_473 {strides = array<i32>} : memref<64x128xf32, #tpu.memory_space<vmem>>, vector<1x16xf32>,
      %get3A_474 = arith.index_cast %scan3A_333 : i32 to index
      %get3A_475 = arith.constant 48 : index
      %get3A_476 = tpu.vector_load %arg14[%get3A_474, %get3A_475] {strides = array<i32>} : memref<32x128xi32, #tpu.memory_space<vmem>>, vector<1x16xi32>,
      %get3A_477 = vector.shape_cast %get3A_476 : vector<1x16xi32> to vector<16xi32>
      %shift_left3A_478 = arith.constant 16 : i32
      %shift_left3A_479 = vector.broadcast %shift_left3A_478 : i32 to vector<16xi32>
      %shift_left3A_480 = arith.shli %get3A_477, %shift_left3A_479 : vector<16xi32>
      %bitcast_convert_type3A_481 = tpu.bitcast %shift_left3A_480 : vector<16xi32> -> vector<16xf32>
      %and3A_482 = arith.constant -65536 : i32
      %and3A_483 = vector.broadcast %and3A_482 : i32 to vector<16xi32>
      %and3A_484 = arith.andi %get3A_477, %and3A_483 : vector<16xi32>
      %bitcast_convert_type3A_485 = tpu.bitcast %and3A_484 : vector<16xi32> -> vector<16xf32>
      %get3A_486 = arith.index_cast %scan3A_333 : i32 to index
      %get3A_487 = arith.constant 48 : index
      %get3A_488 = tpu.vector_load %arg12[%get3A_486, %get3A_487] {strides = array<i32>} : memref<64x128xf32, #tpu.memory_space<vmem>>, vector<1x16xf32>,
      %get3A_489 = vector.shape_cast %get3A_488 : vector<1x16xf32> to vector<16xf32>
      %add3A_490 = arith.addf %bitcast_convert_type3A_481, %get3A_489 : vector<16xf32>
      %get3A_491 = arith.index_cast %scan3A_333 : i32 to index
      %get3A_492 = arith.constant 48 : index
      %get3A_493 = tpu.vector_load %arg13[%get3A_491, %get3A_492] {strides = array<i32>} : memref<64x128xf32, #tpu.memory_space<vmem>>, vector<1x16xf32>,
      %get3A_494 = vector.shape_cast %get3A_493 : vector<1x16xf32> to vector<16xf32>
      %add3A_495 = arith.addf %add3A_490, %get3A_494 : vector<16xf32>
      %max3A_496 = arith.constant 0.000000e+00 : f32
      %max3A_497 = vector.broadcast %max3A_496 : f32 to vector<16xf32>
      %max3A_498 = arith.maximumf %add3A_495, %max3A_497 : vector<16xf32>
      %swap3A_499 = arith.index_cast %scan3A_333 : i32 to index
      %swap3A_500 = arith.constant 48 : index
      %swap3A_501 = tpu.vector_load %arg12[%swap3A_499, %swap3A_500] {strides = array<i32>} : memref<64x128xf32, #tpu.memory_space<vmem>>, vector<1x16xf32>,
      %swap3A_502 = vector.shape_cast %swap3A_501 : vector<1x16xf32> to vector<16xf32>
      %swap3A_503 = vector.shape_cast %max3A_498 : vector<16xf32> to vector<1x16xf32>
      tpu.vector_store %arg12[%swap3A_499, %swap3A_500], %swap3A_503 {strides = array<i32>} : memref<64x128xf32, #tpu.memory_space<vmem>>, vector<1x16xf32>,
      %get3A_504 = arith.index_cast %add3A_335 : i32 to index
      %get3A_505 = arith.constant 48 : index
      %get3A_506 = tpu.vector_load %arg12[%get3A_504, %get3A_505] {strides = array<i32>} : memref<64x128xf32, #tpu.memory_space<vmem>>, vector<1x16xf32>,
      %get3A_507 = vector.shape_cast %get3A_506 : vector<1x16xf32> to vector<16xf32>
      %add3A_508 = arith.addf %bitcast_convert_type3A_485, %get3A_507 : vector<16xf32>
      %get3A_509 = arith.index_cast %add3A_335 : i32 to index
      %get3A_510 = arith.constant 48 : index
      %get3A_511 = tpu.vector_load %arg13[%get3A_509, %get3A_510] {strides = array<i32>} : memref<64x128xf32, #tpu.memory_space<vmem>>, vector<1x16xf32>,
      %get3A_512 = vector.shape_cast %get3A_511 : vector<1x16xf32> to vector<16xf32>
      %add3A_513 = arith.addf %add3A_508, %get3A_512 : vector<16xf32>
      %max3A_514 = arith.constant 0.000000e+00 : f32
      %max3A_515 = vector.broadcast %max3A_514 : f32 to vector<16xf32>
      %max3A_516 = arith.maximumf %add3A_513, %max3A_515 : vector<16xf32>
      %swap3A_517 = arith.index_cast %add3A_335 : i32 to index
      %swap3A_518 = arith.constant 48 : index
      %swap3A_519 = tpu.vector_load %arg12[%swap3A_517, %swap3A_518] {strides = array<i32>} : memref<64x128xf32, #tpu.memory_space<vmem>>, vector<1x16xf32>,
      %swap3A_520 = vector.shape_cast %swap3A_519 : vector<1x16xf32> to vector<16xf32>
      %swap3A_521 = vector.shape_cast %max3A_516 : vector<16xf32> to vector<1x16xf32>
      tpu.vector_store %arg12[%swap3A_517, %swap3A_518], %swap3A_521 {strides = array<i32>} : memref<64x128xf32, #tpu.memory_space<vmem>>, vector<1x16xf32>,
      %get3A_522 = arith.index_cast %scan3A_333 : i32 to index
      %get3A_523 = arith.constant 64 : index
      %get3A_524 = tpu.vector_load %arg14[%get3A_522, %get3A_523] {strides = array<i32>} : memref<32x128xi32, #tpu.memory_space<vmem>>, vector<1x16xi32>,
      %get3A_525 = vector.shape_cast %get3A_524 : vector<1x16xi32> to vector<16xi32>
      %shift_left3A_526 = arith.constant 16 : i32
      %shift_left3A_527 = vector.broadcast %shift_left3A_526 : i32 to vector<16xi32>
      %shift_left3A_528 = arith.shli %get3A_525, %shift_left3A_527 : vector<16xi32>
      %bitcast_convert_type3A_529 = tpu.bitcast %shift_left3A_528 : vector<16xi32> -> vector<16xf32>
      %and3A_530 = arith.constant -65536 : i32
      %and3A_531 = vector.broadcast %and3A_530 : i32 to vector<16xi32>
      %and3A_532 = arith.andi %get3A_525, %and3A_531 : vector<16xi32>
      %bitcast_convert_type3A_533 = tpu.bitcast %and3A_532 : vector<16xi32> -> vector<16xf32>
      %get3A_534 = arith.index_cast %scan3A_333 : i32 to index
      %get3A_535 = arith.constant 64 : index
      %get3A_536 = tpu.vector_load %arg12[%get3A_534, %get3A_535] {strides = array<i32>} : memref<64x128xf32, #tpu.memory_space<vmem>>, vector<1x16xf32>,
      %get3A_537 = vector.shape_cast %get3A_536 : vector<1x16xf32> to vector<16xf32>
      %add3A_538 = arith.addf %bitcast_convert_type3A_529, %get3A_537 : vector<16xf32>
      %get3A_539 = arith.index_cast %scan3A_333 : i32 to index
      %get3A_540 = arith.constant 64 : index
      %get3A_541 = tpu.vector_load %arg13[%get3A_539, %get3A_540] {strides = array<i32>} : memref<64x128xf32, #tpu.memory_space<vmem>>, vector<1x16xf32>,
      %get3A_542 = vector.shape_cast %get3A_541 : vector<1x16xf32> to vector<16xf32>
      %add3A_543 = arith.addf %add3A_538, %get3A_542 : vector<16xf32>
      %max3A_544 = arith.constant 0.000000e+00 : f32
      %max3A_545 = vector.broadcast %max3A_544 : f32 to vector<16xf32>
      %max3A_546 = arith.maximumf %add3A_543, %max3A_545 : vector<16xf32>
      %swap3A_547 = arith.index_cast %scan3A_333 : i32 to index
      %swap3A_548 = arith.constant 64 : index
      %swap3A_549 = tpu.vector_load %arg12[%swap3A_547, %swap3A_548] {strides = array<i32>} : memref<64x128xf32, #tpu.memory_space<vmem>>, vector<1x16xf32>,
      %swap3A_550 = vector.shape_cast %swap3A_549 : vector<1x16xf32> to vector<16xf32>
      %swap3A_551 = vector.shape_cast %max3A_546 : vector<16xf32> to vector<1x16xf32>
      tpu.vector_store %arg12[%swap3A_547, %swap3A_548], %swap3A_551 {strides = array<i32>} : memref<64x128xf32, #tpu.memory_space<vmem>>, vector<1x16xf32>,
      %get3A_552 = arith.index_cast %add3A_335 : i32 to index
      %get3A_553 = arith.constant 64 : index
      %get3A_554 = tpu.vector_load %arg12[%get3A_552, %get3A_553] {strides = array<i32>} : memref<64x128xf32, #tpu.memory_space<vmem>>, vector<1x16xf32>,
      %get3A_555 = vector.shape_cast %get3A_554 : vector<1x16xf32> to vector<16xf32>
      %add3A_556 = arith.addf %bitcast_convert_type3A_533, %get3A_555 : vector<16xf32>
      %get3A_557 = arith.index_cast %add3A_335 : i32 to index
      %get3A_558 = arith.constant 64 : index
      %get3A_559 = tpu.vector_load %arg13[%get3A_557, %get3A_558] {strides = array<i32>} : memref<64x128xf32, #tpu.memory_space<vmem>>, vector<1x16xf32>,
      %get3A_560 = vector.shape_cast %get3A_559 : vector<1x16xf32> to vector<16xf32>
      %add3A_561 = arith.addf %add3A_556, %get3A_560 : vector<16xf32>
      %max3A_562 = arith.constant 0.000000e+00 : f32
      %max3A_563 = vector.broadcast %max3A_562 : f32 to vector<16xf32>
      %max3A_564 = arith.maximumf %add3A_561, %max3A_563 : vector<16xf32>
      %swap3A_565 = arith.index_cast %add3A_335 : i32 to index
      %swap3A_566 = arith.constant 64 : index
      %swap3A_567 = tpu.vector_load %arg12[%swap3A_565, %swap3A_566] {strides = array<i32>} : memref<64x128xf32, #tpu.memory_space<vmem>>, vector<1x16xf32>,
      %swap3A_568 = vector.shape_cast %swap3A_567 : vector<1x16xf32> to vector<16xf32>
      %swap3A_569 = vector.shape_cast %max3A_564 : vector<16xf32> to vector<1x16xf32>
      tpu.vector_store %arg12[%swap3A_565, %swap3A_566], %swap3A_569 {strides = array<i32>} : memref<64x128xf32, #tpu.memory_space<vmem>>, vector<1x16xf32>,
      %get3A_570 = arith.index_cast %scan3A_333 : i32 to index
      %get3A_571 = arith.constant 80 : index
      %get3A_572 = tpu.vector_load %arg14[%get3A_570, %get3A_571] {strides = array<i32>} : memref<32x128xi32, #tpu.memory_space<vmem>>, vector<1x16xi32>,
      %get3A_573 = vector.shape_cast %get3A_572 : vector<1x16xi32> to vector<16xi32>
      %shift_left3A_574 = arith.constant 16 : i32
      %shift_left3A_575 = vector.broadcast %shift_left3A_574 : i32 to vector<16xi32>
      %shift_left3A_576 = arith.shli %get3A_573, %shift_left3A_575 : vector<16xi32>
      %bitcast_convert_type3A_577 = tpu.bitcast %shift_left3A_576 : vector<16xi32> -> vector<16xf32>
      %and3A_578 = arith.constant -65536 : i32
      %and3A_579 = vector.broadcast %and3A_578 : i32 to vector<16xi32>
      %and3A_580 = arith.andi %get3A_573, %and3A_579 : vector<16xi32>
      %bitcast_convert_type3A_581 = tpu.bitcast %and3A_580 : vector<16xi32> -> vector<16xf32>
      %get3A_582 = arith.index_cast %scan3A_333 : i32 to index
      %get3A_583 = arith.constant 80 : index
      %get3A_584 = tpu.vector_load %arg12[%get3A_582, %get3A_583] {strides = array<i32>} : memref<64x128xf32, #tpu.memory_space<vmem>>, vector<1x16xf32>,
      %get3A_585 = vector.shape_cast %get3A_584 : vector<1x16xf32> to vector<16xf32>
      %add3A_586 = arith.addf %bitcast_convert_type3A_577, %get3A_585 : vector<16xf32>
      %get3A_587 = arith.index_cast %scan3A_333 : i32 to index
      %get3A_588 = arith.constant 80 : index
      %get3A_589 = tpu.vector_load %arg13[%get3A_587, %get3A_588] {strides = array<i32>} : memref<64x128xf32, #tpu.memory_space<vmem>>, vector<1x16xf32>,
      %get3A_590 = vector.shape_cast %get3A_589 : vector<1x16xf32> to vector<16xf32>
      %add3A_591 = arith.addf %add3A_586, %get3A_590 : vector<16xf32>
      %max3A_592 = arith.constant 0.000000e+00 : f32
      %max3A_593 = vector.broadcast %max3A_592 : f32 to vector<16xf32>
      %max3A_594 = arith.maximumf %add3A_591, %max3A_593 : vector<16xf32>
      %swap3A_595 = arith.index_cast %scan3A_333 : i32 to index
      %swap3A_596 = arith.constant 80 : index
      %swap3A_597 = tpu.vector_load %arg12[%swap3A_595, %swap3A_596] {strides = array<i32>} : memref<64x128xf32, #tpu.memory_space<vmem>>, vector<1x16xf32>,
      %swap3A_598 = vector.shape_cast %swap3A_597 : vector<1x16xf32> to vector<16xf32>
      %swap3A_599 = vector.shape_cast %max3A_594 : vector<16xf32> to vector<1x16xf32>
      tpu.vector_store %arg12[%swap3A_595, %swap3A_596], %swap3A_599 {strides = array<i32>} : memref<64x128xf32, #tpu.memory_space<vmem>>, vector<1x16xf32>,
      %get3A_600 = arith.index_cast %add3A_335 : i32 to index
      %get3A_601 = arith.constant 80 : index
      %get3A_602 = tpu.vector_load %arg12[%get3A_600, %get3A_601] {strides = array<i32>} : memref<64x128xf32, #tpu.memory_space<vmem>>, vector<1x16xf32>,
      %get3A_603 = vector.shape_cast %get3A_602 : vector<1x16xf32> to vector<16xf32>
      %add3A_604 = arith.addf %bitcast_convert_type3A_581, %get3A_603 : vector<16xf32>
      %get3A_605 = arith.index_cast %add3A_335 : i32 to index
      %get3A_606 = arith.constant 80 : index
      %get3A_607 = tpu.vector_load %arg13[%get3A_605, %get3A_606] {strides = array<i32>} : memref<64x128xf32, #tpu.memory_space<vmem>>, vector<1x16xf32>,
      %get3A_608 = vector.shape_cast %get3A_607 : vector<1x16xf32> to vector<16xf32>
      %add3A_609 = arith.addf %add3A_604, %get3A_608 : vector<16xf32>
      %max3A_610 = arith.constant 0.000000e+00 : f32
      %max3A_611 = vector.broadcast %max3A_610 : f32 to vector<16xf32>
      %max3A_612 = arith.maximumf %add3A_609, %max3A_611 : vector<16xf32>
      %swap3A_613 = arith.index_cast %add3A_335 : i32 to index
      %swap3A_614 = arith.constant 80 : index
      %swap3A_615 = tpu.vector_load %arg12[%swap3A_613, %swap3A_614] {strides = array<i32>} : memref<64x128xf32, #tpu.memory_space<vmem>>, vector<1x16xf32>,
      %swap3A_616 = vector.shape_cast %swap3A_615 : vector<1x16xf32> to vector<16xf32>
      %swap3A_617 = vector.shape_cast %max3A_612 : vector<16xf32> to vector<1x16xf32>
      tpu.vector_store %arg12[%swap3A_613, %swap3A_614], %swap3A_617 {strides = array<i32>} : memref<64x128xf32, #tpu.memory_space<vmem>>, vector<1x16xf32>,
      %get3A_618 = arith.index_cast %scan3A_333 : i32 to index
      %get3A_619 = arith.constant 96 : index
      %get3A_620 = tpu.vector_load %arg14[%get3A_618, %get3A_619] {strides = array<i32>} : memref<32x128xi32, #tpu.memory_space<vmem>>, vector<1x16xi32>,
      %get3A_621 = vector.shape_cast %get3A_620 : vector<1x16xi32> to vector<16xi32>
      %shift_left3A_622 = arith.constant 16 : i32
      %shift_left3A_623 = vector.broadcast %shift_left3A_622 : i32 to vector<16xi32>
      %shift_left3A_624 = arith.shli %get3A_621, %shift_left3A_623 : vector<16xi32>
      %bitcast_convert_type3A_625 = tpu.bitcast %shift_left3A_624 : vector<16xi32> -> vector<16xf32>
      %and3A_626 = arith.constant -65536 : i32
      %and3A_627 = vector.broadcast %and3A_626 : i32 to vector<16xi32>
      %and3A_628 = arith.andi %get3A_621, %and3A_627 : vector<16xi32>
      %bitcast_convert_type3A_629 = tpu.bitcast %and3A_628 : vector<16xi32> -> vector<16xf32>
      %get3A_630 = arith.index_cast %scan3A_333 : i32 to index
      %get3A_631 = arith.constant 96 : index
      %get3A_632 = tpu.vector_load %arg12[%get3A_630, %get3A_631] {strides = array<i32>} : memref<64x128xf32, #tpu.memory_space<vmem>>, vector<1x16xf32>,
      %get3A_633 = vector.shape_cast %get3A_632 : vector<1x16xf32> to vector<16xf32>
      %add3A_634 = arith.addf %bitcast_convert_type3A_625, %get3A_633 : vector<16xf32>
      %get3A_635 = arith.index_cast %scan3A_333 : i32 to index
      %get3A_636 = arith.constant 96 : index
      %get3A_637 = tpu.vector_load %arg13[%get3A_635, %get3A_636] {strides = array<i32>} : memref<64x128xf32, #tpu.memory_space<vmem>>, vector<1x16xf32>,
      %get3A_638 = vector.shape_cast %get3A_637 : vector<1x16xf32> to vector<16xf32>
      %add3A_639 = arith.addf %add3A_634, %get3A_638 : vector<16xf32>
      %max3A_640 = arith.constant 0.000000e+00 : f32
      %max3A_641 = vector.broadcast %max3A_640 : f32 to vector<16xf32>
      %max3A_642 = arith.maximumf %add3A_639, %max3A_641 : vector<16xf32>
      %swap3A_643 = arith.index_cast %scan3A_333 : i32 to index
      %swap3A_644 = arith.constant 96 : index
      %swap3A_645 = tpu.vector_load %arg12[%swap3A_643, %swap3A_644] {strides = array<i32>} : memref<64x128xf32, #tpu.memory_space<vmem>>, vector<1x16xf32>,
      %swap3A_646 = vector.shape_cast %swap3A_645 : vector<1x16xf32> to vector<16xf32>
      %swap3A_647 = vector.shape_cast %max3A_642 : vector<16xf32> to vector<1x16xf32>
      tpu.vector_store %arg12[%swap3A_643, %swap3A_644], %swap3A_647 {strides = array<i32>} : memref<64x128xf32, #tpu.memory_space<vmem>>, vector<1x16xf32>,
      %get3A_648 = arith.index_cast %add3A_335 : i32 to index
      %get3A_649 = arith.constant 96 : index
      %get3A_650 = tpu.vector_load %arg12[%get3A_648, %get3A_649] {strides = array<i32>} : memref<64x128xf32, #tpu.memory_space<vmem>>, vector<1x16xf32>,
      %get3A_651 = vector.shape_cast %get3A_650 : vector<1x16xf32> to vector<16xf32>
      %add3A_652 = arith.addf %bitcast_convert_type3A_629, %get3A_651 : vector<16xf32>
      %get3A_653 = arith.index_cast %add3A_335 : i32 to index
      %get3A_654 = arith.constant 96 : index
      %get3A_655 = tpu.vector_load %arg13[%get3A_653, %get3A_654] {strides = array<i32>} : memref<64x128xf32, #tpu.memory_space<vmem>>, vector<1x16xf32>,
      %get3A_656 = vector.shape_cast %get3A_655 : vector<1x16xf32> to vector<16xf32>
      %add3A_657 = arith.addf %add3A_652, %get3A_656 : vector<16xf32>
      %max3A_658 = arith.constant 0.000000e+00 : f32
      %max3A_659 = vector.broadcast %max3A_658 : f32 to vector<16xf32>
      %max3A_660 = arith.maximumf %add3A_657, %max3A_659 : vector<16xf32>
      %swap3A_661 = arith.index_cast %add3A_335 : i32 to index
      %swap3A_662 = arith.constant 96 : index
      %swap3A_663 = tpu.vector_load %arg12[%swap3A_661, %swap3A_662] {strides = array<i32>} : memref<64x128xf32, #tpu.memory_space<vmem>>, vector<1x16xf32>,
      %swap3A_664 = vector.shape_cast %swap3A_663 : vector<1x16xf32> to vector<16xf32>
      %swap3A_665 = vector.shape_cast %max3A_660 : vector<16xf32> to vector<1x16xf32>
      tpu.vector_store %arg12[%swap3A_661, %swap3A_662], %swap3A_665 {strides = array<i32>} : memref<64x128xf32, #tpu.memory_space<vmem>>, vector<1x16xf32>,
      %get3A_666 = arith.index_cast %scan3A_333 : i32 to index
      %get3A_667 = arith.constant 112 : index
      %get3A_668 = tpu.vector_load %arg14[%get3A_666, %get3A_667] {strides = array<i32>} : memref<32x128xi32, #tpu.memory_space<vmem>>, vector<1x16xi32>,
      %get3A_669 = vector.shape_cast %get3A_668 : vector<1x16xi32> to vector<16xi32>
      %shift_left3A_670 = arith.constant 16 : i32
      %shift_left3A_671 = vector.broadcast %shift_left3A_670 : i32 to vector<16xi32>
      %shift_left3A_672 = arith.shli %get3A_669, %shift_left3A_671 : vector<16xi32>
      %bitcast_convert_type3A_673 = tpu.bitcast %shift_left3A_672 : vector<16xi32> -> vector<16xf32>
      %and3A_674 = arith.constant -65536 : i32
      %and3A_675 = vector.broadcast %and3A_674 : i32 to vector<16xi32>
      %and3A_676 = arith.andi %get3A_669, %and3A_675 : vector<16xi32>
      %bitcast_convert_type3A_677 = tpu.bitcast %and3A_676 : vector<16xi32> -> vector<16xf32>
      %get3A_678 = arith.index_cast %scan3A_333 : i32 to index
      %get3A_679 = arith.constant 112 : index
      %get3A_680 = tpu.vector_load %arg12[%get3A_678, %get3A_679] {strides = array<i32>} : memref<64x128xf32, #tpu.memory_space<vmem>>, vector<1x16xf32>,
      %get3A_681 = vector.shape_cast %get3A_680 : vector<1x16xf32> to vector<16xf32>
      %add3A_682 = arith.addf %bitcast_convert_type3A_673, %get3A_681 : vector<16xf32>
      %get3A_683 = arith.index_cast %scan3A_333 : i32 to index
      %get3A_684 = arith.constant 112 : index
      %get3A_685 = tpu.vector_load %arg13[%get3A_683, %get3A_684] {strides = array<i32>} : memref<64x128xf32, #tpu.memory_space<vmem>>, vector<1x16xf32>,
      %get3A_686 = vector.shape_cast %get3A_685 : vector<1x16xf32> to vector<16xf32>
      %add3A_687 = arith.addf %add3A_682, %get3A_686 : vector<16xf32>
      %max3A_688 = arith.constant 0.000000e+00 : f32
      %max3A_689 = vector.broadcast %max3A_688 : f32 to vector<16xf32>
      %max3A_690 = arith.maximumf %add3A_687, %max3A_689 : vector<16xf32>
      %swap3A_691 = arith.index_cast %scan3A_333 : i32 to index
      %swap3A_692 = arith.constant 112 : index
      %swap3A_693 = tpu.vector_load %arg12[%swap3A_691, %swap3A_692] {strides = array<i32>} : memref<64x128xf32, #tpu.memory_space<vmem>>, vector<1x16xf32>,
      %swap3A_694 = vector.shape_cast %swap3A_693 : vector<1x16xf32> to vector<16xf32>
      %swap3A_695 = vector.shape_cast %max3A_690 : vector<16xf32> to vector<1x16xf32>
      tpu.vector_store %arg12[%swap3A_691, %swap3A_692], %swap3A_695 {strides = array<i32>} : memref<64x128xf32, #tpu.memory_space<vmem>>, vector<1x16xf32>,
      %get3A_696 = arith.index_cast %add3A_335 : i32 to index
      %get3A_697 = arith.constant 112 : index
      %get3A_698 = tpu.vector_load %arg12[%get3A_696, %get3A_697] {strides = array<i32>} : memref<64x128xf32, #tpu.memory_space<vmem>>, vector<1x16xf32>,
      %get3A_699 = vector.shape_cast %get3A_698 : vector<1x16xf32> to vector<16xf32>
      %add3A_700 = arith.addf %bitcast_convert_type3A_677, %get3A_699 : vector<16xf32>
      %get3A_701 = arith.index_cast %add3A_335 : i32 to index
      %get3A_702 = arith.constant 112 : index
      %get3A_703 = tpu.vector_load %arg13[%get3A_701, %get3A_702] {strides = array<i32>} : memref<64x128xf32, #tpu.memory_space<vmem>>, vector<1x16xf32>,
      %get3A_704 = vector.shape_cast %get3A_703 : vector<1x16xf32> to vector<16xf32>
      %add3A_705 = arith.addf %add3A_700, %get3A_704 : vector<16xf32>
      %max3A_706 = arith.constant 0.000000e+00 : f32
      %max3A_707 = vector.broadcast %max3A_706 : f32 to vector<16xf32>
      %max3A_708 = arith.maximumf %add3A_705, %max3A_707 : vector<16xf32>
      %swap3A_709 = arith.index_cast %add3A_335 : i32 to index
      %swap3A_710 = arith.constant 112 : index
      %swap3A_711 = tpu.vector_load %arg12[%swap3A_709, %swap3A_710] {strides = array<i32>} : memref<64x128xf32, #tpu.memory_space<vmem>>, vector<1x16xf32>,
      %swap3A_712 = vector.shape_cast %swap3A_711 : vector<1x16xf32> to vector<16xf32>
      %swap3A_713 = vector.shape_cast %max3A_708 : vector<16xf32> to vector<1x16xf32>
      tpu.vector_store %arg12[%swap3A_709, %swap3A_710], %swap3A_713 {strides = array<i32>} : memref<64x128xf32, #tpu.memory_space<vmem>>, vector<1x16xf32>,
    }
    %scan3A_168 = arith.constant 32 : i32
    %dma_wait3A_169 = arith.constant 0 : i32
    %dma_wait3A_170 = tpu.memref_slice %arg11[%dma_wait3A_169] : memref<64xi32, #tpu.memory_space<vmem>> -> memref<32xi32, #tpu.memory_space<vmem>>
    %dma_wait3A_171 = arith.constant 0 : i32
    %dma_wait3A_172 = tpu.memref_slice %arg3[%dma_wait3A_171] : memref<320000xi32, #tpu.memory_space<hbm>> -> memref<32xi32, #tpu.memory_space<hbm>>
    %dma_wait3A_173 = arith.constant 0 : i32
    %dma_wait3A_174 = tpu.memref_slice %arg11[%dma_wait3A_173] : memref<64xi32, #tpu.memory_space<vmem>> -> memref<32xi32, #tpu.memory_space<vmem>>
    %dma_wait3A_175 = arith.constant 0 : i32
    %dma_wait3A_176 = tpu.memref_slice %arg3[%dma_wait3A_175] : memref<320000xi32, #tpu.memory_space<hbm>> -> memref<32xi32, #tpu.memory_space<hbm>>
    tpu.wait_dma2 semaphore(%arg22 : memref<!tpu.dma_semaphore, #tpu.memory_space<semaphore_mem>>) src(%dma_wait3A_176 : memref<32xi32, #tpu.memory_space<hbm>>) dst(%dma_wait3A_174 : memref<32xi32, #tpu.memory_space<vmem>>)
    %dma_wait3A_177 = arith.constant 32 : i32
    %dma_wait3A_178 = tpu.memref_slice %arg11[%dma_wait3A_177] : memref<64xi32, #tpu.memory_space<vmem>> -> memref<32xi32, #tpu.memory_space<vmem>>
    %dma_wait3A_179 = arith.constant 0 : i32
    %dma_wait3A_180 = tpu.memref_slice %arg3[%dma_wait3A_179] : memref<320000xi32, #tpu.memory_space<hbm>> -> memref<32xi32, #tpu.memory_space<hbm>>
    %dma_wait3A_181 = arith.constant 32 : i32
    %dma_wait3A_182 = tpu.memref_slice %arg11[%dma_wait3A_181] : memref<64xi32, #tpu.memory_space<vmem>> -> memref<32xi32, #tpu.memory_space<vmem>>
    %dma_wait3A_183 = arith.constant 0 : i32
    %dma_wait3A_184 = tpu.memref_slice %arg3[%dma_wait3A_183] : memref<320000xi32, #tpu.memory_space<hbm>> -> memref<32xi32, #tpu.memory_space<hbm>>
    tpu.wait_dma2 semaphore(%arg22 : memref<!tpu.dma_semaphore, #tpu.memory_space<semaphore_mem>>) src(%dma_wait3A_184 : memref<32xi32, #tpu.memory_space<hbm>>) dst(%dma_wait3A_182 : memref<32xi32, #tpu.memory_space<vmem>>)
    %add3A_185 = arith.constant 0 : i32
    %add3A_186 = arith.addi %add3A_185, %add3A : i32
    %mul3A_187 = arith.constant 32 : i32
    %mul3A_188 = arith.muli %add3A_186, %mul3A_187 : i32
    %dma_start3A_189 = arith.constant 0 : i32
    %dma_start3A_190 = arith.constant 0 : i32
    %dma_start3A_191 = tpu.memref_slice %arg12[%dma_start3A_189, %dma_start3A_190] : memref<64x128xf32, #tpu.memory_space<vmem>> -> memref<32x128xf32, #tpu.memory_space<vmem>>
    %dma_start3A_192 = arith.constant 0 : i32
    %dma_start3A_193 = tpu.memref_slice %arg8[%mul3A_188, %dma_start3A_192] : memref<320000x128xf32, #tpu.memory_space<hbm>> -> memref<32x128xf32, #tpu.memory_space<hbm>>
    %dma_start3A_194 = arith.constant 0 : i32
    %dma_start3A_195 = tpu.memref_slice %arg8[%mul3A_188, %dma_start3A_194] : memref<320000x128xf32, #tpu.memory_space<hbm>> -> memref<32x128xf32, #tpu.memory_space<hbm>>
    %dma_start3A_196 = arith.constant 0 : i32
    %dma_start3A_197 = arith.constant 0 : i32
    %dma_start3A_198 = tpu.memref_slice %arg12[%dma_start3A_196, %dma_start3A_197] : memref<64x128xf32, #tpu.memory_space<vmem>> -> memref<32x128xf32, #tpu.memory_space<vmem>>
    tpu.enqueue_dma source(%dma_start3A_198 : memref<32x128xf32, #tpu.memory_space<vmem>>) target(%dma_start3A_195 : memref<32x128xf32, #tpu.memory_space<hbm>>) target_semaphore(%arg26 : memref<!tpu.dma_semaphore, #tpu.memory_space<semaphore_mem>>)
    %add3A_199 = arith.constant 160000 : i32
    %add3A_200 = arith.addi %add3A_199, %mul3A_188 : i32
    %dma_start3A_201 = arith.constant 32 : i32
    %dma_start3A_202 = arith.constant 0 : i32
    %dma_start3A_203 = tpu.memref_slice %arg12[%dma_start3A_201, %dma_start3A_202] : memref<64x128xf32, #tpu.memory_space<vmem>> -> memref<32x128xf32, #tpu.memory_space<vmem>>
    %dma_start3A_204 = arith.constant 0 : i32
    %dma_start3A_205 = tpu.memref_slice %arg8[%add3A_200, %dma_start3A_204] : memref<320000x128xf32, #tpu.memory_space<hbm>> -> memref<32x128xf32, #tpu.memory_space<hbm>>
    %dma_start3A_206 = arith.constant 0 : i32
    %dma_start3A_207 = tpu.memref_slice %arg8[%add3A_200, %dma_start3A_206] : memref<320000x128xf32, #tpu.memory_space<hbm>> -> memref<32x128xf32, #tpu.memory_space<hbm>>
    %dma_start3A_208 = arith.constant 32 : i32
    %dma_start3A_209 = arith.constant 0 : i32
    %dma_start3A_210 = tpu.memref_slice %arg12[%dma_start3A_208, %dma_start3A_209] : memref<64x128xf32, #tpu.memory_space<vmem>> -> memref<32x128xf32, #tpu.memory_space<vmem>>
    tpu.enqueue_dma source(%dma_start3A_210 : memref<32x128xf32, #tpu.memory_space<vmem>>) target(%dma_start3A_207 : memref<32x128xf32, #tpu.memory_space<hbm>>) target_semaphore(%arg26 : memref<!tpu.dma_semaphore, #tpu.memory_space<semaphore_mem>>)
    %dma_start3A_211 = arith.constant 0 : i32
    %dma_start3A_212 = arith.constant 0 : i32
    %dma_start3A_213 = tpu.memref_slice %arg20[%dma_start3A_211, %dma_start3A_212] : memref<10112x128xf32, #tpu.memory_space<vmem_shared>> -> memref<10112x128xf32, #tpu.memory_space<vmem_shared>>
    tpu.enqueue_indirect_dma source(%arg12 : memref<64x128xf32, #tpu.memory_space<vmem>>) target(%dma_start3A_213 : memref<10112x128xf32, #tpu.memory_space<vmem_shared>>) offsets(%arg11 : memref<64xi32, #tpu.memory_space<vmem>>) semaphore(%arg27 : memref<!tpu.dma_semaphore, #tpu.memory_space<semaphore_mem>>) {add = true}
    %scan3A_214 = arith.constant 0 : i32
    %scan3A_215 = arith.constant 0 : i32
    %scan3A_216 = arith.constant 77 : i32
    %scan3A_217 = arith.addi %scan3A_215, %scan3A_216 : i32
    %scan3A_218 = arith.constant 1 : i32
    scf.for %scan3A_333 = %scan3A_215 to %scan3A_217 step %scan3A_218  : i32 {
      %mul3A_334 = arith.constant 2 : i32
      %mul3A_335 = arith.muli %mul3A_334, %scan3A_333 : i32
      %add3A_336 = arith.constant 1 : i32
      %add3A_337 = arith.addi %mul3A_335, %add3A_336 : i32
      %add3A_338 = arith.constant 1 : i32
      %add3A_339 = arith.addi %add3A_337, %add3A_338 : i32
      %lt3A_340 = arith.cmpi slt, %add3A_339, %add3A_3 : i32
      %convert_element_type3A_341 = arith.extui %lt3A_340 : i1 to i32
      %cond3A_342 = arith.constant 0 : i32
      %cond3A_343 = arith.cmpi ne, %convert_element_type3A_341, %cond3A_342 : i32
      scf.if %cond3A_343 {
        %dma_wait3A_504 = arith.constant 0 : i32
        %dma_wait3A_505 = arith.constant 0 : i32
        %dma_wait3A_506 = tpu.memref_slice %arg5[%dma_wait3A_504, %dma_wait3A_505] : memref<10000x128xf32, #tpu.memory_space<hbm>> -> memref<64x128xf32, #tpu.memory_space<hbm>>
        %dma_wait3A_507 = arith.constant 0 : i32
        %dma_wait3A_508 = arith.constant 0 : i32
        %dma_wait3A_509 = tpu.memref_slice %arg5[%dma_wait3A_507, %dma_wait3A_508] : memref<10000x128xf32, #tpu.memory_space<hbm>> -> memref<64x128xf32, #tpu.memory_space<hbm>>
        tpu.wait_dma2 semaphore(%arg26 : memref<!tpu.dma_semaphore, #tpu.memory_space<semaphore_mem>>) src(%dma_wait3A_509 : memref<64x128xf32, #tpu.memory_space<hbm>>) dst(%arg12 : memref<64x128xf32, #tpu.memory_space<vmem>>)
        %dma_wait3A_510 = arith.constant 0 : i32
        %dma_wait3A_511 = arith.constant 0 : i32
        %dma_wait3A_512 = tpu.memref_slice %arg5[%dma_wait3A_510, %dma_wait3A_511] : memref<10000x128xf32, #tpu.memory_space<hbm>> -> memref<64x128xf32, #tpu.memory_space<hbm>>
        %dma_wait3A_513 = arith.constant 0 : i32
        %dma_wait3A_514 = arith.constant 0 : i32
        %dma_wait3A_515 = tpu.memref_slice %arg5[%dma_wait3A_513, %dma_wait3A_514] : memref<10000x128xf32, #tpu.memory_space<hbm>> -> memref<64x128xf32, #tpu.memory_space<hbm>>
        tpu.wait_dma2 semaphore(%arg27 : memref<!tpu.dma_semaphore, #tpu.memory_space<semaphore_mem>>) src(%dma_wait3A_515 : memref<64x128xf32, #tpu.memory_space<hbm>>) dst(%arg12 : memref<64x128xf32, #tpu.memory_space<vmem>>)
        %add3A_516 = arith.constant 1 : i32
        %add3A_517 = arith.addi %add3A_337, %add3A_516 : i32
        %mul3A_518 = arith.constant 32 : i32
        %mul3A_519 = arith.muli %add3A_517, %mul3A_518 : i32
        %add3A_520 = arith.addi %mul3A_519, %add3A : i32
        %mul3A_521 = arith.constant 32 : i32
        %mul3A_522 = arith.muli %add3A_520, %mul3A_521 : i32
        %dma_start3A_523 = arith.constant 0 : i32
        %dma_start3A_524 = tpu.memref_slice %arg11[%dma_start3A_523] : memref<64xi32, #tpu.memory_space<vmem>> -> memref<32xi32, #tpu.memory_space<vmem>>
        %dma_start3A_525 = tpu.memref_slice %arg3[%mul3A_522] : memref<320000xi32, #tpu.memory_space<hbm>> -> memref<32xi32, #tpu.memory_space<hbm>>
        %dma_start3A_526 = arith.constant 0 : i32
        %dma_start3A_527 = tpu.memref_slice %arg11[%dma_start3A_526] : memref<64xi32, #tpu.memory_space<vmem>> -> memref<32xi32, #tpu.memory_space<vmem>>
        %dma_start3A_528 = tpu.memref_slice %arg3[%mul3A_522] : memref<320000xi32, #tpu.memory_space<hbm>> -> memref<32xi32, #tpu.memory_space<hbm>>
        tpu.enqueue_dma source(%dma_start3A_528 : memref<32xi32, #tpu.memory_space<hbm>>) target(%dma_start3A_527 : memref<32xi32, #tpu.memory_space<vmem>>) target_semaphore(%arg22 : memref<!tpu.dma_semaphore, #tpu.memory_space<semaphore_mem>>)
        %add3A_529 = arith.constant 160000 : i32
        %add3A_530 = arith.addi %add3A_529, %mul3A_522 : i32
        %dma_start3A_531 = arith.constant 32 : i32
        %dma_start3A_532 = tpu.memref_slice %arg11[%dma_start3A_531] : memref<64xi32, #tpu.memory_space<vmem>> -> memref<32xi32, #tpu.memory_space<vmem>>
        %dma_start3A_533 = tpu.memref_slice %arg3[%add3A_530] : memref<320000xi32, #tpu.memory_space<hbm>> -> memref<32xi32, #tpu.memory_space<hbm>>
        %dma_start3A_534 = arith.constant 32 : i32
        %dma_start3A_535 = tpu.memref_slice %arg11[%dma_start3A_534] : memref<64xi32, #tpu.memory_space<vmem>> -> memref<32xi32, #tpu.memory_space<vmem>>
        %dma_start3A_536 = tpu.memref_slice %arg3[%add3A_530] : memref<320000xi32, #tpu.memory_space<hbm>> -> memref<32xi32, #tpu.memory_space<hbm>>
        tpu.enqueue_dma source(%dma_start3A_536 : memref<32xi32, #tpu.memory_space<hbm>>) target(%dma_start3A_535 : memref<32xi32, #tpu.memory_space<vmem>>) target_semaphore(%arg22 : memref<!tpu.dma_semaphore, #tpu.memory_space<semaphore_mem>>)
        %dma_wait3A_537 = arith.constant 0 : i32
        %dma_wait3A_538 = tpu.memref_slice %arg10[%dma_wait3A_537] : memref<128xi32, #tpu.memory_space<vmem>> -> memref<32xi32, #tpu.memory_space<vmem>>
        %dma_wait3A_539 = arith.constant 0 : i32
        %dma_wait3A_540 = tpu.memref_slice %arg3[%dma_wait3A_539] : memref<320000xi32, #tpu.memory_space<hbm>> -> memref<32xi32, #tpu.memory_space<hbm>>
        %dma_wait3A_541 = arith.constant 0 : i32
        %dma_wait3A_542 = tpu.memref_slice %arg10[%dma_wait3A_541] : memref<128xi32, #tpu.memory_space<vmem>> -> memref<32xi32, #tpu.memory_space<vmem>>
        %dma_wait3A_543 = arith.constant 0 : i32
        %dma_wait3A_544 = tpu.memref_slice %arg3[%dma_wait3A_543] : memref<320000xi32, #tpu.memory_space<hbm>> -> memref<32xi32, #tpu.memory_space<hbm>>
        tpu.wait_dma2 semaphore(%arg21 : memref<!tpu.dma_semaphore, #tpu.memory_space<semaphore_mem>>) src(%dma_wait3A_544 : memref<32xi32, #tpu.memory_space<hbm>>) dst(%dma_wait3A_542 : memref<32xi32, #tpu.memory_space<vmem>>)
        %dma_wait3A_545 = arith.constant 32 : i32
        %dma_wait3A_546 = tpu.memref_slice %arg10[%dma_wait3A_545] : memref<128xi32, #tpu.memory_space<vmem>> -> memref<32xi32, #tpu.memory_space<vmem>>
        %dma_wait3A_547 = arith.constant 0 : i32
        %dma_wait3A_548 = tpu.memref_slice %arg3[%dma_wait3A_547] : memref<320000xi32, #tpu.memory_space<hbm>> -> memref<32xi32, #tpu.memory_space<hbm>>
        %dma_wait3A_549 = arith.constant 32 : i32
        %dma_wait3A_550 = tpu.memref_slice %arg10[%dma_wait3A_549] : memref<128xi32, #tpu.memory_space<vmem>> -> memref<32xi32, #tpu.memory_space<vmem>>
        %dma_wait3A_551 = arith.constant 0 : i32
        %dma_wait3A_552 = tpu.memref_slice %arg3[%dma_wait3A_551] : memref<320000xi32, #tpu.memory_space<hbm>> -> memref<32xi32, #tpu.memory_space<hbm>>
        tpu.wait_dma2 semaphore(%arg21 : memref<!tpu.dma_semaphore, #tpu.memory_space<semaphore_mem>>) src(%dma_wait3A_552 : memref<32xi32, #tpu.memory_space<hbm>>) dst(%dma_wait3A_550 : memref<32xi32, #tpu.memory_space<vmem>>)
        %dma_wait3A_553 = arith.constant 64 : i32
        %dma_wait3A_554 = tpu.memref_slice %arg10[%dma_wait3A_553] : memref<128xi32, #tpu.memory_space<vmem>> -> memref<32xi32, #tpu.memory_space<vmem>>
        %dma_wait3A_555 = arith.constant 0 : i32
        %dma_wait3A_556 = tpu.memref_slice %arg3[%dma_wait3A_555] : memref<320000xi32, #tpu.memory_space<hbm>> -> memref<32xi32, #tpu.memory_space<hbm>>
        %dma_wait3A_557 = arith.constant 64 : i32
        %dma_wait3A_558 = tpu.memref_slice %arg10[%dma_wait3A_557] : memref<128xi32, #tpu.memory_space<vmem>> -> memref<32xi32, #tpu.memory_space<vmem>>
        %dma_wait3A_559 = arith.constant 0 : i32
        %dma_wait3A_560 = tpu.memref_slice %arg3[%dma_wait3A_559] : memref<320000xi32, #tpu.memory_space<hbm>> -> memref<32xi32, #tpu.memory_space<hbm>>
        tpu.wait_dma2 semaphore(%arg21 : memref<!tpu.dma_semaphore, #tpu.memory_space<semaphore_mem>>) src(%dma_wait3A_560 : memref<32xi32, #tpu.memory_space<hbm>>) dst(%dma_wait3A_558 : memref<32xi32, #tpu.memory_space<vmem>>)
        %dma_wait3A_561 = arith.constant 96 : i32
        %dma_wait3A_562 = tpu.memref_slice %arg10[%dma_wait3A_561] : memref<128xi32, #tpu.memory_space<vmem>> -> memref<32xi32, #tpu.memory_space<vmem>>
        %dma_wait3A_563 = arith.constant 0 : i32
        %dma_wait3A_564 = tpu.memref_slice %arg3[%dma_wait3A_563] : memref<320000xi32, #tpu.memory_space<hbm>> -> memref<32xi32, #tpu.memory_space<hbm>>
        %dma_wait3A_565 = arith.constant 96 : i32
        %dma_wait3A_566 = tpu.memref_slice %arg10[%dma_wait3A_565] : memref<128xi32, #tpu.memory_space<vmem>> -> memref<32xi32, #tpu.memory_space<vmem>>
        %dma_wait3A_567 = arith.constant 0 : i32
        %dma_wait3A_568 = tpu.memref_slice %arg3[%dma_wait3A_567] : memref<320000xi32, #tpu.memory_space<hbm>> -> memref<32xi32, #tpu.memory_space<hbm>>
        tpu.wait_dma2 semaphore(%arg21 : memref<!tpu.dma_semaphore, #tpu.memory_space<semaphore_mem>>) src(%dma_wait3A_568 : memref<32xi32, #tpu.memory_space<hbm>>) dst(%dma_wait3A_566 : memref<32xi32, #tpu.memory_space<vmem>>)
        %add3A_569 = arith.constant 1 : i32
        %add3A_570 = arith.addi %add3A_337, %add3A_569 : i32
        %dma_start3A_571 = arith.constant 0 : i32
        %dma_start3A_572 = tpu.memref_slice %arg10[%dma_start3A_571] : memref<128xi32, #tpu.memory_space<vmem>> -> memref<64xi32, #tpu.memory_space<vmem>>
        %dma_start3A_573 = arith.constant 0 : i32
        %dma_start3A_574 = arith.constant 0 : i32
        %dma_start3A_575 = tpu.memref_slice %arg5[%dma_start3A_573, %dma_start3A_574] : memref<10000x128xf32, #tpu.memory_space<hbm>> -> memref<10000x128xf32, #tpu.memory_space<hbm>>
        tpu.enqueue_indirect_dma source(%dma_start3A_575 : memref<10000x128xf32, #tpu.memory_space<hbm>>) target(%arg12 : memref<64x128xf32, #tpu.memory_space<vmem>>) offsets(%dma_start3A_572 : memref<64xi32, #tpu.memory_space<vmem>>) semaphore(%arg23 : memref<!tpu.dma_semaphore, #tpu.memory_space<semaphore_mem>>)
        %dma_start3A_576 = arith.constant 64 : i32
        %dma_start3A_577 = tpu.memref_slice %arg10[%dma_start3A_576] : memref<128xi32, #tpu.memory_space<vmem>> -> memref<64xi32, #tpu.memory_space<vmem>>
        %dma_start3A_578 = arith.constant 0 : i32
        %dma_start3A_579 = arith.constant 0 : i32
        %dma_start3A_580 = tpu.memref_slice %arg6[%dma_start3A_578, %dma_start3A_579] : memref<10000x128xf32, #tpu.memory_space<hbm>> -> memref<10000x128xf32, #tpu.memory_space<hbm>>
        tpu.enqueue_indirect_dma source(%dma_start3A_580 : memref<10000x128xf32, #tpu.memory_space<hbm>>) target(%arg13 : memref<64x128xf32, #tpu.memory_space<vmem>>) offsets(%dma_start3A_577 : memref<64xi32, #tpu.memory_space<vmem>>) semaphore(%arg24 : memref<!tpu.dma_semaphore, #tpu.memory_space<semaphore_mem>>)
        %mul3A_581 = arith.constant 32 : i32
        %mul3A_582 = arith.muli %add3A_570, %mul3A_581 : i32
        %add3A_583 = arith.addi %mul3A_582, %add3A : i32
        %mul3A_584 = arith.constant 32 : i32
        %mul3A_585 = arith.muli %add3A_583, %mul3A_584 : i32
        %dma_start3A_586 = arith.constant 0 : i32
        %dma_start3A_587 = tpu.memref_slice %arg2[%mul3A_585, %dma_start3A_586] : memref<160000x128xi32, #tpu.memory_space<hbm>> -> memref<32x128xi32, #tpu.memory_space<hbm>>
        %dma_start3A_588 = arith.constant 0 : i32
        %dma_start3A_589 = tpu.memref_slice %arg2[%mul3A_585, %dma_start3A_588] : memref<160000x128xi32, #tpu.memory_space<hbm>> -> memref<32x128xi32, #tpu.memory_space<hbm>>
        tpu.enqueue_dma source(%dma_start3A_589 : memref<32x128xi32, #tpu.memory_space<hbm>>) target(%arg14 : memref<32x128xi32, #tpu.memory_space<vmem>>) target_semaphore(%arg25 : memref<!tpu.dma_semaphore, #tpu.memory_space<semaphore_mem>>)
      } else {
      }
      %dma_wait3A_344 = arith.constant 0 : i32
      %dma_wait3A_345 = arith.constant 0 : i32
      %dma_wait3A_346 = tpu.memref_slice %arg5[%dma_wait3A_344, %dma_wait3A_345] : memref<10000x128xf32, #tpu.memory_space<hbm>> -> memref<64x128xf32, #tpu.memory_space<hbm>>
      %dma_wait3A_347 = arith.constant 0 : i32
      %dma_wait3A_348 = arith.constant 0 : i32
      %dma_wait3A_349 = tpu.memref_slice %arg5[%dma_wait3A_347, %dma_wait3A_348] : memref<10000x128xf32, #tpu.memory_space<hbm>> -> memref<64x128xf32, #tpu.memory_space<hbm>>
      tpu.wait_dma2 semaphore(%arg30 : memref<!tpu.dma_semaphore, #tpu.memory_space<semaphore_mem>>) src(%dma_wait3A_349 : memref<64x128xf32, #tpu.memory_space<hbm>>) dst(%arg17 : memref<64x128xf32, #tpu.memory_space<vmem>>)
      %dma_wait3A_350 = arith.constant 0 : i32
      %dma_wait3A_351 = arith.constant 0 : i32
      %dma_wait3A_352 = tpu.memref_slice %arg5[%dma_wait3A_350, %dma_wait3A_351] : memref<10000x128xf32, #tpu.memory_space<hbm>> -> memref<64x128xf32, #tpu.memory_space<hbm>>
      %dma_wait3A_353 = arith.constant 0 : i32
      %dma_wait3A_354 = arith.constant 0 : i32
      %dma_wait3A_355 = tpu.memref_slice %arg5[%dma_wait3A_353, %dma_wait3A_354] : memref<10000x128xf32, #tpu.memory_space<hbm>> -> memref<64x128xf32, #tpu.memory_space<hbm>>
      tpu.wait_dma2 semaphore(%arg31 : memref<!tpu.dma_semaphore, #tpu.memory_space<semaphore_mem>>) src(%dma_wait3A_355 : memref<64x128xf32, #tpu.memory_space<hbm>>) dst(%arg18 : memref<64x128xf32, #tpu.memory_space<vmem>>)
      %dma_wait3A_356 = arith.constant 0 : i32
      %dma_wait3A_357 = arith.constant 0 : i32
      %dma_wait3A_358 = tpu.memref_slice %arg2[%dma_wait3A_356, %dma_wait3A_357] : memref<160000x128xi32, #tpu.memory_space<hbm>> -> memref<32x128xi32, #tpu.memory_space<hbm>>
      %dma_wait3A_359 = arith.constant 0 : i32
      %dma_wait3A_360 = arith.constant 0 : i32
      %dma_wait3A_361 = tpu.memref_slice %arg2[%dma_wait3A_359, %dma_wait3A_360] : memref<160000x128xi32, #tpu.memory_space<hbm>> -> memref<32x128xi32, #tpu.memory_space<hbm>>
      tpu.wait_dma2 semaphore(%arg32 : memref<!tpu.dma_semaphore, #tpu.memory_space<semaphore_mem>>) src(%dma_wait3A_361 : memref<32x128xi32, #tpu.memory_space<hbm>>) dst(%arg19 : memref<32x128xi32, #tpu.memory_space<vmem>>)
      %add3A_362 = arith.constant 2 : i32
      %add3A_363 = arith.addi %add3A_337, %add3A_362 : i32
      %lt3A_364 = arith.cmpi slt, %add3A_363, %add3A_3 : i32
      %convert_element_type3A_365 = arith.extui %lt3A_364 : i1 to i32
      %cond3A_366 = arith.constant 0 : i32
      %cond3A_367 = arith.cmpi ne, %convert_element_type3A_365, %cond3A_366 : i32
      scf.if %cond3A_367 {
        %add3A_504 = arith.constant 2 : i32
        %add3A_505 = arith.addi %add3A_337, %add3A_504 : i32
        %mul3A_506 = arith.constant 32 : i32
        %mul3A_507 = arith.muli %add3A_505, %mul3A_506 : i32
        %add3A_508 = arith.addi %mul3A_507, %add3A : i32
        %mul3A_509 = arith.constant 32 : i32
        %mul3A_510 = arith.muli %add3A_508, %mul3A_509 : i32
        %dma_start3A_511 = arith.constant 0 : i32
        %dma_start3A_512 = tpu.memref_slice %arg15[%dma_start3A_511] : memref<128xi32, #tpu.memory_space<vmem>> -> memref<32xi32, #tpu.memory_space<vmem>>
        %dma_start3A_513 = tpu.memref_slice %arg3[%mul3A_510] : memref<320000xi32, #tpu.memory_space<hbm>> -> memref<32xi32, #tpu.memory_space<hbm>>
        %dma_start3A_514 = arith.constant 0 : i32
        %dma_start3A_515 = tpu.memref_slice %arg15[%dma_start3A_514] : memref<128xi32, #tpu.memory_space<vmem>> -> memref<32xi32, #tpu.memory_space<vmem>>
        %dma_start3A_516 = tpu.memref_slice %arg3[%mul3A_510] : memref<320000xi32, #tpu.memory_space<hbm>> -> memref<32xi32, #tpu.memory_space<hbm>>
        tpu.enqueue_dma source(%dma_start3A_516 : memref<32xi32, #tpu.memory_space<hbm>>) target(%dma_start3A_515 : memref<32xi32, #tpu.memory_space<vmem>>) target_semaphore(%arg28 : memref<!tpu.dma_semaphore, #tpu.memory_space<semaphore_mem>>)
        %add3A_517 = arith.constant 160000 : i32
        %add3A_518 = arith.addi %add3A_517, %mul3A_510 : i32
        %dma_start3A_519 = arith.constant 32 : i32
        %dma_start3A_520 = tpu.memref_slice %arg15[%dma_start3A_519] : memref<128xi32, #tpu.memory_space<vmem>> -> memref<32xi32, #tpu.memory_space<vmem>>
        %dma_start3A_521 = tpu.memref_slice %arg3[%add3A_518] : memref<320000xi32, #tpu.memory_space<hbm>> -> memref<32xi32, #tpu.memory_space<hbm>>
        %dma_start3A_522 = arith.constant 32 : i32
        %dma_start3A_523 = tpu.memref_slice %arg15[%dma_start3A_522] : memref<128xi32, #tpu.memory_space<vmem>> -> memref<32xi32, #tpu.memory_space<vmem>>
        %dma_start3A_524 = tpu.memref_slice %arg3[%add3A_518] : memref<320000xi32, #tpu.memory_space<hbm>> -> memref<32xi32, #tpu.memory_space<hbm>>
        tpu.enqueue_dma source(%dma_start3A_524 : memref<32xi32, #tpu.memory_space<hbm>>) target(%dma_start3A_523 : memref<32xi32, #tpu.memory_space<vmem>>) target_semaphore(%arg28 : memref<!tpu.dma_semaphore, #tpu.memory_space<semaphore_mem>>)
        %dma_start3A_525 = arith.constant 64 : i32
        %dma_start3A_526 = tpu.memref_slice %arg15[%dma_start3A_525] : memref<128xi32, #tpu.memory_space<vmem>> -> memref<32xi32, #tpu.memory_space<vmem>>
        %dma_start3A_527 = tpu.memref_slice %arg4[%mul3A_510] : memref<320000xi32, #tpu.memory_space<hbm>> -> memref<32xi32, #tpu.memory_space<hbm>>
        %dma_start3A_528 = arith.constant 64 : i32
        %dma_start3A_529 = tpu.memref_slice %arg15[%dma_start3A_528] : memref<128xi32, #tpu.memory_space<vmem>> -> memref<32xi32, #tpu.memory_space<vmem>>
        %dma_start3A_530 = tpu.memref_slice %arg4[%mul3A_510] : memref<320000xi32, #tpu.memory_space<hbm>> -> memref<32xi32, #tpu.memory_space<hbm>>
        tpu.enqueue_dma source(%dma_start3A_530 : memref<32xi32, #tpu.memory_space<hbm>>) target(%dma_start3A_529 : memref<32xi32, #tpu.memory_space<vmem>>) target_semaphore(%arg28 : memref<!tpu.dma_semaphore, #tpu.memory_space<semaphore_mem>>)
        %add3A_531 = arith.constant 160000 : i32
        %add3A_532 = arith.addi %add3A_531, %mul3A_510 : i32
        %dma_start3A_533 = arith.constant 96 : i32
        %dma_start3A_534 = tpu.memref_slice %arg15[%dma_start3A_533] : memref<128xi32, #tpu.memory_space<vmem>> -> memref<32xi32, #tpu.memory_space<vmem>>
        %dma_start3A_535 = tpu.memref_slice %arg4[%add3A_532] : memref<320000xi32, #tpu.memory_space<hbm>> -> memref<32xi32, #tpu.memory_space<hbm>>
        %dma_start3A_536 = arith.constant 96 : i32
        %dma_start3A_537 = tpu.memref_slice %arg15[%dma_start3A_536] : memref<128xi32, #tpu.memory_space<vmem>> -> memref<32xi32, #tpu.memory_space<vmem>>
        %dma_start3A_538 = tpu.memref_slice %arg4[%add3A_532] : memref<320000xi32, #tpu.memory_space<hbm>> -> memref<32xi32, #tpu.memory_space<hbm>>
        tpu.enqueue_dma source(%dma_start3A_538 : memref<32xi32, #tpu.memory_space<hbm>>) target(%dma_start3A_537 : memref<32xi32, #tpu.memory_space<vmem>>) target_semaphore(%arg28 : memref<!tpu.dma_semaphore, #tpu.memory_space<semaphore_mem>>)
      } else {
      }
      %scan3A_368 = arith.constant 0 : i32
      %scan3A_369 = arith.constant 0 : i32
      %scan3A_370 = arith.constant 32 : i32
      %scan3A_371 = arith.addi %scan3A_369, %scan3A_370 : i32
      %scan3A_372 = arith.constant 1 : i32
      scf.for %scan3A_504 = %scan3A_369 to %scan3A_371 step %scan3A_372  : i32 {
        %add3A_505 = arith.constant 32 : i32
        %add3A_506 = arith.addi %scan3A_504, %add3A_505 : i32
        %get3A = arith.index_cast %scan3A_504 : i32 to index
        %get3A_507 = arith.constant 0 : index
        %get3A_508 = tpu.vector_load %arg19[%get3A, %get3A_507] {strides = array<i32>} : memref<32x128xi32, #tpu.memory_space<vmem>>, vector<1x16xi32>,
        %get3A_509 = vector.shape_cast %get3A_508 : vector<1x16xi32> to vector<16xi32>
        %shift_left3A = arith.constant 16 : i32
        %shift_left3A_510 = vector.broadcast %shift_left3A : i32 to vector<16xi32>
        %shift_left3A_511 = arith.shli %get3A_509, %shift_left3A_510 : vector<16xi32>
        %bitcast_convert_type3A = tpu.bitcast %shift_left3A_511 : vector<16xi32> -> vector<16xf32>
        %and3A = arith.constant -65536 : i32
        %and3A_512 = vector.broadcast %and3A : i32 to vector<16xi32>
        %and3A_513 = arith.andi %get3A_509, %and3A_512 : vector<16xi32>
        %bitcast_convert_type3A_514 = tpu.bitcast %and3A_513 : vector<16xi32> -> vector<16xf32>
        %get3A_515 = arith.index_cast %scan3A_504 : i32 to index
        %get3A_516 = arith.constant 0 : index
        %get3A_517 = tpu.vector_load %arg17[%get3A_515, %get3A_516] {strides = array<i32>} : memref<64x128xf32, #tpu.memory_space<vmem>>, vector<1x16xf32>,
        %get3A_518 = vector.shape_cast %get3A_517 : vector<1x16xf32> to vector<16xf32>
        %add3A_519 = arith.addf %bitcast_convert_type3A, %get3A_518 : vector<16xf32>
        %get3A_520 = arith.index_cast %scan3A_504 : i32 to index
        %get3A_521 = arith.constant 0 : index
        %get3A_522 = tpu.vector_load %arg18[%get3A_520, %get3A_521] {strides = array<i32>} : memref<64x128xf32, #tpu.memory_space<vmem>>, vector<1x16xf32>,
        %get3A_523 = vector.shape_cast %get3A_522 : vector<1x16xf32> to vector<16xf32>
        %add3A_524 = arith.addf %add3A_519, %get3A_523 : vector<16xf32>
        %max3A = arith.constant 0.000000e+00 : f32
        %max3A_525 = vector.broadcast %max3A : f32 to vector<16xf32>
        %max3A_526 = arith.maximumf %add3A_524, %max3A_525 : vector<16xf32>
        %swap3A = arith.index_cast %scan3A_504 : i32 to index
        %swap3A_527 = arith.constant 0 : index
        %swap3A_528 = tpu.vector_load %arg17[%swap3A, %swap3A_527] {strides = array<i32>} : memref<64x128xf32, #tpu.memory_space<vmem>>, vector<1x16xf32>,
        %swap3A_529 = vector.shape_cast %swap3A_528 : vector<1x16xf32> to vector<16xf32>
        %swap3A_530 = vector.shape_cast %max3A_526 : vector<16xf32> to vector<1x16xf32>
        tpu.vector_store %arg17[%swap3A, %swap3A_527], %swap3A_530 {strides = array<i32>} : memref<64x128xf32, #tpu.memory_space<vmem>>, vector<1x16xf32>,
        %get3A_531 = arith.index_cast %add3A_506 : i32 to index
        %get3A_532 = arith.constant 0 : index
        %get3A_533 = tpu.vector_load %arg17[%get3A_531, %get3A_532] {strides = array<i32>} : memref<64x128xf32, #tpu.memory_space<vmem>>, vector<1x16xf32>,
        %get3A_534 = vector.shape_cast %get3A_533 : vector<1x16xf32> to vector<16xf32>
        %add3A_535 = arith.addf %bitcast_convert_type3A_514, %get3A_534 : vector<16xf32>
        %get3A_536 = arith.index_cast %add3A_506 : i32 to index
        %get3A_537 = arith.constant 0 : index
        %get3A_538 = tpu.vector_load %arg18[%get3A_536, %get3A_537] {strides = array<i32>} : memref<64x128xf32, #tpu.memory_space<vmem>>, vector<1x16xf32>,
        %get3A_539 = vector.shape_cast %get3A_538 : vector<1x16xf32> to vector<16xf32>
        %add3A_540 = arith.addf %add3A_535, %get3A_539 : vector<16xf32>
        %max3A_541 = arith.constant 0.000000e+00 : f32
        %max3A_542 = vector.broadcast %max3A_541 : f32 to vector<16xf32>
        %max3A_543 = arith.maximumf %add3A_540, %max3A_542 : vector<16xf32>
        %swap3A_544 = arith.index_cast %add3A_506 : i32 to index
        %swap3A_545 = arith.constant 0 : index
        %swap3A_546 = tpu.vector_load %arg17[%swap3A_544, %swap3A_545] {strides = array<i32>} : memref<64x128xf32, #tpu.memory_space<vmem>>, vector<1x16xf32>,
        %swap3A_547 = vector.shape_cast %swap3A_546 : vector<1x16xf32> to vector<16xf32>
        %swap3A_548 = vector.shape_cast %max3A_543 : vector<16xf32> to vector<1x16xf32>
        tpu.vector_store %arg17[%swap3A_544, %swap3A_545], %swap3A_548 {strides = array<i32>} : memref<64x128xf32, #tpu.memory_space<vmem>>, vector<1x16xf32>,
        %get3A_549 = arith.index_cast %scan3A_504 : i32 to index
        %get3A_550 = arith.constant 16 : index
        %get3A_551 = tpu.vector_load %arg19[%get3A_549, %get3A_550] {strides = array<i32>} : memref<32x128xi32, #tpu.memory_space<vmem>>, vector<1x16xi32>,
        %get3A_552 = vector.shape_cast %get3A_551 : vector<1x16xi32> to vector<16xi32>
        %shift_left3A_553 = arith.constant 16 : i32
        %shift_left3A_554 = vector.broadcast %shift_left3A_553 : i32 to vector<16xi32>
        %shift_left3A_555 = arith.shli %get3A_552, %shift_left3A_554 : vector<16xi32>
        %bitcast_convert_type3A_556 = tpu.bitcast %shift_left3A_555 : vector<16xi32> -> vector<16xf32>
        %and3A_557 = arith.constant -65536 : i32
        %and3A_558 = vector.broadcast %and3A_557 : i32 to vector<16xi32>
        %and3A_559 = arith.andi %get3A_552, %and3A_558 : vector<16xi32>
        %bitcast_convert_type3A_560 = tpu.bitcast %and3A_559 : vector<16xi32> -> vector<16xf32>
        %get3A_561 = arith.index_cast %scan3A_504 : i32 to index
        %get3A_562 = arith.constant 16 : index
        %get3A_563 = tpu.vector_load %arg17[%get3A_561, %get3A_562] {strides = array<i32>} : memref<64x128xf32, #tpu.memory_space<vmem>>, vector<1x16xf32>,
        %get3A_564 = vector.shape_cast %get3A_563 : vector<1x16xf32> to vector<16xf32>
        %add3A_565 = arith.addf %bitcast_convert_type3A_556, %get3A_564 : vector<16xf32>
        %get3A_566 = arith.index_cast %scan3A_504 : i32 to index
        %get3A_567 = arith.constant 16 : index
        %get3A_568 = tpu.vector_load %arg18[%get3A_566, %get3A_567] {strides = array<i32>} : memref<64x128xf32, #tpu.memory_space<vmem>>, vector<1x16xf32>,
        %get3A_569 = vector.shape_cast %get3A_568 : vector<1x16xf32> to vector<16xf32>
        %add3A_570 = arith.addf %add3A_565, %get3A_569 : vector<16xf32>
        %max3A_571 = arith.constant 0.000000e+00 : f32
        %max3A_572 = vector.broadcast %max3A_571 : f32 to vector<16xf32>
        %max3A_573 = arith.maximumf %add3A_570, %max3A_572 : vector<16xf32>
        %swap3A_574 = arith.index_cast %scan3A_504 : i32 to index
        %swap3A_575 = arith.constant 16 : index
        %swap3A_576 = tpu.vector_load %arg17[%swap3A_574, %swap3A_575] {strides = array<i32>} : memref<64x128xf32, #tpu.memory_space<vmem>>, vector<1x16xf32>,
        %swap3A_577 = vector.shape_cast %swap3A_576 : vector<1x16xf32> to vector<16xf32>
        %swap3A_578 = vector.shape_cast %max3A_573 : vector<16xf32> to vector<1x16xf32>
        tpu.vector_store %arg17[%swap3A_574, %swap3A_575], %swap3A_578 {strides = array<i32>} : memref<64x128xf32, #tpu.memory_space<vmem>>, vector<1x16xf32>,
        %get3A_579 = arith.index_cast %add3A_506 : i32 to index
        %get3A_580 = arith.constant 16 : index
        %get3A_581 = tpu.vector_load %arg17[%get3A_579, %get3A_580] {strides = array<i32>} : memref<64x128xf32, #tpu.memory_space<vmem>>, vector<1x16xf32>,
        %get3A_582 = vector.shape_cast %get3A_581 : vector<1x16xf32> to vector<16xf32>
        %add3A_583 = arith.addf %bitcast_convert_type3A_560, %get3A_582 : vector<16xf32>
        %get3A_584 = arith.index_cast %add3A_506 : i32 to index
        %get3A_585 = arith.constant 16 : index
        %get3A_586 = tpu.vector_load %arg18[%get3A_584, %get3A_585] {strides = array<i32>} : memref<64x128xf32, #tpu.memory_space<vmem>>, vector<1x16xf32>,
        %get3A_587 = vector.shape_cast %get3A_586 : vector<1x16xf32> to vector<16xf32>
        %add3A_588 = arith.addf %add3A_583, %get3A_587 : vector<16xf32>
        %max3A_589 = arith.constant 0.000000e+00 : f32
        %max3A_590 = vector.broadcast %max3A_589 : f32 to vector<16xf32>
        %max3A_591 = arith.maximumf %add3A_588, %max3A_590 : vector<16xf32>
        %swap3A_592 = arith.index_cast %add3A_506 : i32 to index
        %swap3A_593 = arith.constant 16 : index
        %swap3A_594 = tpu.vector_load %arg17[%swap3A_592, %swap3A_593] {strides = array<i32>} : memref<64x128xf32, #tpu.memory_space<vmem>>, vector<1x16xf32>,
        %swap3A_595 = vector.shape_cast %swap3A_594 : vector<1x16xf32> to vector<16xf32>
        %swap3A_596 = vector.shape_cast %max3A_591 : vector<16xf32> to vector<1x16xf32>
        tpu.vector_store %arg17[%swap3A_592, %swap3A_593], %swap3A_596 {strides = array<i32>} : memref<64x128xf32, #tpu.memory_space<vmem>>, vector<1x16xf32>,
        %get3A_597 = arith.index_cast %scan3A_504 : i32 to index
        %get3A_598 = arith.constant 32 : index
        %get3A_599 = tpu.vector_load %arg19[%get3A_597, %get3A_598] {strides = array<i32>} : memref<32x128xi32, #tpu.memory_space<vmem>>, vector<1x16xi32>,
        %get3A_600 = vector.shape_cast %get3A_599 : vector<1x16xi32> to vector<16xi32>
        %shift_left3A_601 = arith.constant 16 : i32
        %shift_left3A_602 = vector.broadcast %shift_left3A_601 : i32 to vector<16xi32>
        %shift_left3A_603 = arith.shli %get3A_600, %shift_left3A_602 : vector<16xi32>
        %bitcast_convert_type3A_604 = tpu.bitcast %shift_left3A_603 : vector<16xi32> -> vector<16xf32>
        %and3A_605 = arith.constant -65536 : i32
        %and3A_606 = vector.broadcast %and3A_605 : i32 to vector<16xi32>
        %and3A_607 = arith.andi %get3A_600, %and3A_606 : vector<16xi32>
        %bitcast_convert_type3A_608 = tpu.bitcast %and3A_607 : vector<16xi32> -> vector<16xf32>
        %get3A_609 = arith.index_cast %scan3A_504 : i32 to index
        %get3A_610 = arith.constant 32 : index
        %get3A_611 = tpu.vector_load %arg17[%get3A_609, %get3A_610] {strides = array<i32>} : memref<64x128xf32, #tpu.memory_space<vmem>>, vector<1x16xf32>,
        %get3A_612 = vector.shape_cast %get3A_611 : vector<1x16xf32> to vector<16xf32>
        %add3A_613 = arith.addf %bitcast_convert_type3A_604, %get3A_612 : vector<16xf32>
        %get3A_614 = arith.index_cast %scan3A_504 : i32 to index
        %get3A_615 = arith.constant 32 : index
        %get3A_616 = tpu.vector_load %arg18[%get3A_614, %get3A_615] {strides = array<i32>} : memref<64x128xf32, #tpu.memory_space<vmem>>, vector<1x16xf32>,
        %get3A_617 = vector.shape_cast %get3A_616 : vector<1x16xf32> to vector<16xf32>
        %add3A_618 = arith.addf %add3A_613, %get3A_617 : vector<16xf32>
        %max3A_619 = arith.constant 0.000000e+00 : f32
        %max3A_620 = vector.broadcast %max3A_619 : f32 to vector<16xf32>
        %max3A_621 = arith.maximumf %add3A_618, %max3A_620 : vector<16xf32>
        %swap3A_622 = arith.index_cast %scan3A_504 : i32 to index
        %swap3A_623 = arith.constant 32 : index
        %swap3A_624 = tpu.vector_load %arg17[%swap3A_622, %swap3A_623] {strides = array<i32>} : memref<64x128xf32, #tpu.memory_space<vmem>>, vector<1x16xf32>,
        %swap3A_625 = vector.shape_cast %swap3A_624 : vector<1x16xf32> to vector<16xf32>
        %swap3A_626 = vector.shape_cast %max3A_621 : vector<16xf32> to vector<1x16xf32>
        tpu.vector_store %arg17[%swap3A_622, %swap3A_623], %swap3A_626 {strides = array<i32>} : memref<64x128xf32, #tpu.memory_space<vmem>>, vector<1x16xf32>,
        %get3A_627 = arith.index_cast %add3A_506 : i32 to index
        %get3A_628 = arith.constant 32 : index
        %get3A_629 = tpu.vector_load %arg17[%get3A_627, %get3A_628] {strides = array<i32>} : memref<64x128xf32, #tpu.memory_space<vmem>>, vector<1x16xf32>,
        %get3A_630 = vector.shape_cast %get3A_629 : vector<1x16xf32> to vector<16xf32>
        %add3A_631 = arith.addf %bitcast_convert_type3A_608, %get3A_630 : vector<16xf32>
        %get3A_632 = arith.index_cast %add3A_506 : i32 to index
        %get3A_633 = arith.constant 32 : index
        %get3A_634 = tpu.vector_load %arg18[%get3A_632, %get3A_633] {strides = array<i32>} : memref<64x128xf32, #tpu.memory_space<vmem>>, vector<1x16xf32>,
        %get3A_635 = vector.shape_cast %get3A_634 : vector<1x16xf32> to vector<16xf32>
        %add3A_636 = arith.addf %add3A_631, %get3A_635 : vector<16xf32>
        %max3A_637 = arith.constant 0.000000e+00 : f32
        %max3A_638 = vector.broadcast %max3A_637 : f32 to vector<16xf32>
        %max3A_639 = arith.maximumf %add3A_636, %max3A_638 : vector<16xf32>
        %swap3A_640 = arith.index_cast %add3A_506 : i32 to index
        %swap3A_641 = arith.constant 32 : index
        %swap3A_642 = tpu.vector_load %arg17[%swap3A_640, %swap3A_641] {strides = array<i32>} : memref<64x128xf32, #tpu.memory_space<vmem>>, vector<1x16xf32>,
        %swap3A_643 = vector.shape_cast %swap3A_642 : vector<1x16xf32> to vector<16xf32>
        %swap3A_644 = vector.shape_cast %max3A_639 : vector<16xf32> to vector<1x16xf32>
        tpu.vector_store %arg17[%swap3A_640, %swap3A_641], %swap3A_644 {strides = array<i32>} : memref<64x128xf32, #tpu.memory_space<vmem>>, vector<1x16xf32>,
        %get3A_645 = arith.index_cast %scan3A_504 : i32 to index
        %get3A_646 = arith.constant 48 : index
        %get3A_647 = tpu.vector_load %arg19[%get3A_645, %get3A_646] {strides = array<i32>} : memref<32x128xi32, #tpu.memory_space<vmem>>, vector<1x16xi32>,
        %get3A_648 = vector.shape_cast %get3A_647 : vector<1x16xi32> to vector<16xi32>
        %shift_left3A_649 = arith.constant 16 : i32
        %shift_left3A_650 = vector.broadcast %shift_left3A_649 : i32 to vector<16xi32>
        %shift_left3A_651 = arith.shli %get3A_648, %shift_left3A_650 : vector<16xi32>
        %bitcast_convert_type3A_652 = tpu.bitcast %shift_left3A_651 : vector<16xi32> -> vector<16xf32>
        %and3A_653 = arith.constant -65536 : i32
        %and3A_654 = vector.broadcast %and3A_653 : i32 to vector<16xi32>
        %and3A_655 = arith.andi %get3A_648, %and3A_654 : vector<16xi32>
        %bitcast_convert_type3A_656 = tpu.bitcast %and3A_655 : vector<16xi32> -> vector<16xf32>
        %get3A_657 = arith.index_cast %scan3A_504 : i32 to index
        %get3A_658 = arith.constant 48 : index
        %get3A_659 = tpu.vector_load %arg17[%get3A_657, %get3A_658] {strides = array<i32>} : memref<64x128xf32, #tpu.memory_space<vmem>>, vector<1x16xf32>,
        %get3A_660 = vector.shape_cast %get3A_659 : vector<1x16xf32> to vector<16xf32>
        %add3A_661 = arith.addf %bitcast_convert_type3A_652, %get3A_660 : vector<16xf32>
        %get3A_662 = arith.index_cast %scan3A_504 : i32 to index
        %get3A_663 = arith.constant 48 : index
        %get3A_664 = tpu.vector_load %arg18[%get3A_662, %get3A_663] {strides = array<i32>} : memref<64x128xf32, #tpu.memory_space<vmem>>, vector<1x16xf32>,
        %get3A_665 = vector.shape_cast %get3A_664 : vector<1x16xf32> to vector<16xf32>
        %add3A_666 = arith.addf %add3A_661, %get3A_665 : vector<16xf32>
        %max3A_667 = arith.constant 0.000000e+00 : f32
        %max3A_668 = vector.broadcast %max3A_667 : f32 to vector<16xf32>
        %max3A_669 = arith.maximumf %add3A_666, %max3A_668 : vector<16xf32>
        %swap3A_670 = arith.index_cast %scan3A_504 : i32 to index
        %swap3A_671 = arith.constant 48 : index
        %swap3A_672 = tpu.vector_load %arg17[%swap3A_670, %swap3A_671] {strides = array<i32>} : memref<64x128xf32, #tpu.memory_space<vmem>>, vector<1x16xf32>,
        %swap3A_673 = vector.shape_cast %swap3A_672 : vector<1x16xf32> to vector<16xf32>
        %swap3A_674 = vector.shape_cast %max3A_669 : vector<16xf32> to vector<1x16xf32>
        tpu.vector_store %arg17[%swap3A_670, %swap3A_671], %swap3A_674 {strides = array<i32>} : memref<64x128xf32, #tpu.memory_space<vmem>>, vector<1x16xf32>,
        %get3A_675 = arith.index_cast %add3A_506 : i32 to index
        %get3A_676 = arith.constant 48 : index
        %get3A_677 = tpu.vector_load %arg17[%get3A_675, %get3A_676] {strides = array<i32>} : memref<64x128xf32, #tpu.memory_space<vmem>>, vector<1x16xf32>,
        %get3A_678 = vector.shape_cast %get3A_677 : vector<1x16xf32> to vector<16xf32>
        %add3A_679 = arith.addf %bitcast_convert_type3A_656, %get3A_678 : vector<16xf32>
        %get3A_680 = arith.index_cast %add3A_506 : i32 to index
        %get3A_681 = arith.constant 48 : index
        %get3A_682 = tpu.vector_load %arg18[%get3A_680, %get3A_681] {strides = array<i32>} : memref<64x128xf32, #tpu.memory_space<vmem>>, vector<1x16xf32>,
        %get3A_683 = vector.shape_cast %get3A_682 : vector<1x16xf32> to vector<16xf32>
        %add3A_684 = arith.addf %add3A_679, %get3A_683 : vector<16xf32>
        %max3A_685 = arith.constant 0.000000e+00 : f32
        %max3A_686 = vector.broadcast %max3A_685 : f32 to vector<16xf32>
        %max3A_687 = arith.maximumf %add3A_684, %max3A_686 : vector<16xf32>
        %swap3A_688 = arith.index_cast %add3A_506 : i32 to index
        %swap3A_689 = arith.constant 48 : index
        %swap3A_690 = tpu.vector_load %arg17[%swap3A_688, %swap3A_689] {strides = array<i32>} : memref<64x128xf32, #tpu.memory_space<vmem>>, vector<1x16xf32>,
        %swap3A_691 = vector.shape_cast %swap3A_690 : vector<1x16xf32> to vector<16xf32>
        %swap3A_692 = vector.shape_cast %max3A_687 : vector<16xf32> to vector<1x16xf32>
        tpu.vector_store %arg17[%swap3A_688, %swap3A_689], %swap3A_692 {strides = array<i32>} : memref<64x128xf32, #tpu.memory_space<vmem>>, vector<1x16xf32>,
        %get3A_693 = arith.index_cast %scan3A_504 : i32 to index
        %get3A_694 = arith.constant 64 : index
        %get3A_695 = tpu.vector_load %arg19[%get3A_693, %get3A_694] {strides = array<i32>} : memref<32x128xi32, #tpu.memory_space<vmem>>, vector<1x16xi32>,
        %get3A_696 = vector.shape_cast %get3A_695 : vector<1x16xi32> to vector<16xi32>
        %shift_left3A_697 = arith.constant 16 : i32
        %shift_left3A_698 = vector.broadcast %shift_left3A_697 : i32 to vector<16xi32>
        %shift_left3A_699 = arith.shli %get3A_696, %shift_left3A_698 : vector<16xi32>
        %bitcast_convert_type3A_700 = tpu.bitcast %shift_left3A_699 : vector<16xi32> -> vector<16xf32>
        %and3A_701 = arith.constant -65536 : i32
        %and3A_702 = vector.broadcast %and3A_701 : i32 to vector<16xi32>
        %and3A_703 = arith.andi %get3A_696, %and3A_702 : vector<16xi32>
        %bitcast_convert_type3A_704 = tpu.bitcast %and3A_703 : vector<16xi32> -> vector<16xf32>
        %get3A_705 = arith.index_cast %scan3A_504 : i32 to index
        %get3A_706 = arith.constant 64 : index
        %get3A_707 = tpu.vector_load %arg17[%get3A_705, %get3A_706] {strides = array<i32>} : memref<64x128xf32, #tpu.memory_space<vmem>>, vector<1x16xf32>,
        %get3A_708 = vector.shape_cast %get3A_707 : vector<1x16xf32> to vector<16xf32>
        %add3A_709 = arith.addf %bitcast_convert_type3A_700, %get3A_708 : vector<16xf32>
        %get3A_710 = arith.index_cast %scan3A_504 : i32 to index
        %get3A_711 = arith.constant 64 : index
        %get3A_712 = tpu.vector_load %arg18[%get3A_710, %get3A_711] {strides = array<i32>} : memref<64x128xf32, #tpu.memory_space<vmem>>, vector<1x16xf32>,
        %get3A_713 = vector.shape_cast %get3A_712 : vector<1x16xf32> to vector<16xf32>
        %add3A_714 = arith.addf %add3A_709, %get3A_713 : vector<16xf32>
        %max3A_715 = arith.constant 0.000000e+00 : f32
        %max3A_716 = vector.broadcast %max3A_715 : f32 to vector<16xf32>
        %max3A_717 = arith.maximumf %add3A_714, %max3A_716 : vector<16xf32>
        %swap3A_718 = arith.index_cast %scan3A_504 : i32 to index
        %swap3A_719 = arith.constant 64 : index
        %swap3A_720 = tpu.vector_load %arg17[%swap3A_718, %swap3A_719] {strides = array<i32>} : memref<64x128xf32, #tpu.memory_space<vmem>>, vector<1x16xf32>,
        %swap3A_721 = vector.shape_cast %swap3A_720 : vector<1x16xf32> to vector<16xf32>
        %swap3A_722 = vector.shape_cast %max3A_717 : vector<16xf32> to vector<1x16xf32>
        tpu.vector_store %arg17[%swap3A_718, %swap3A_719], %swap3A_722 {strides = array<i32>} : memref<64x128xf32, #tpu.memory_space<vmem>>, vector<1x16xf32>,
        %get3A_723 = arith.index_cast %add3A_506 : i32 to index
        %get3A_724 = arith.constant 64 : index
        %get3A_725 = tpu.vector_load %arg17[%get3A_723, %get3A_724] {strides = array<i32>} : memref<64x128xf32, #tpu.memory_space<vmem>>, vector<1x16xf32>,
        %get3A_726 = vector.shape_cast %get3A_725 : vector<1x16xf32> to vector<16xf32>
        %add3A_727 = arith.addf %bitcast_convert_type3A_704, %get3A_726 : vector<16xf32>
        %get3A_728 = arith.index_cast %add3A_506 : i32 to index
        %get3A_729 = arith.constant 64 : index
        %get3A_730 = tpu.vector_load %arg18[%get3A_728, %get3A_729] {strides = array<i32>} : memref<64x128xf32, #tpu.memory_space<vmem>>, vector<1x16xf32>,
        %get3A_731 = vector.shape_cast %get3A_730 : vector<1x16xf32> to vector<16xf32>
        %add3A_732 = arith.addf %add3A_727, %get3A_731 : vector<16xf32>
        %max3A_733 = arith.constant 0.000000e+00 : f32
        %max3A_734 = vector.broadcast %max3A_733 : f32 to vector<16xf32>
        %max3A_735 = arith.maximumf %add3A_732, %max3A_734 : vector<16xf32>
        %swap3A_736 = arith.index_cast %add3A_506 : i32 to index
        %swap3A_737 = arith.constant 64 : index
        %swap3A_738 = tpu.vector_load %arg17[%swap3A_736, %swap3A_737] {strides = array<i32>} : memref<64x128xf32, #tpu.memory_space<vmem>>, vector<1x16xf32>,
        %swap3A_739 = vector.shape_cast %swap3A_738 : vector<1x16xf32> to vector<16xf32>
        %swap3A_740 = vector.shape_cast %max3A_735 : vector<16xf32> to vector<1x16xf32>
        tpu.vector_store %arg17[%swap3A_736, %swap3A_737], %swap3A_740 {strides = array<i32>} : memref<64x128xf32, #tpu.memory_space<vmem>>, vector<1x16xf32>,
        %get3A_741 = arith.index_cast %scan3A_504 : i32 to index
        %get3A_742 = arith.constant 80 : index
        %get3A_743 = tpu.vector_load %arg19[%get3A_741, %get3A_742] {strides = array<i32>} : memref<32x128xi32, #tpu.memory_space<vmem>>, vector<1x16xi32>,
        %get3A_744 = vector.shape_cast %get3A_743 : vector<1x16xi32> to vector<16xi32>
        %shift_left3A_745 = arith.constant 16 : i32
        %shift_left3A_746 = vector.broadcast %shift_left3A_745 : i32 to vector<16xi32>
        %shift_left3A_747 = arith.shli %get3A_744, %shift_left3A_746 : vector<16xi32>
        %bitcast_convert_type3A_748 = tpu.bitcast %shift_left3A_747 : vector<16xi32> -> vector<16xf32>
        %and3A_749 = arith.constant -65536 : i32
        %and3A_750 = vector.broadcast %and3A_749 : i32 to vector<16xi32>
        %and3A_751 = arith.andi %get3A_744, %and3A_750 : vector<16xi32>
        %bitcast_convert_type3A_752 = tpu.bitcast %and3A_751 : vector<16xi32> -> vector<16xf32>
        %get3A_753 = arith.index_cast %scan3A_504 : i32 to index
        %get3A_754 = arith.constant 80 : index
        %get3A_755 = tpu.vector_load %arg17[%get3A_753, %get3A_754] {strides = array<i32>} : memref<64x128xf32, #tpu.memory_space<vmem>>, vector<1x16xf32>,
        %get3A_756 = vector.shape_cast %get3A_755 : vector<1x16xf32> to vector<16xf32>
        %add3A_757 = arith.addf %bitcast_convert_type3A_748, %get3A_756 : vector<16xf32>
        %get3A_758 = arith.index_cast %scan3A_504 : i32 to index
        %get3A_759 = arith.constant 80 : index
        %get3A_760 = tpu.vector_load %arg18[%get3A_758, %get3A_759] {strides = array<i32>} : memref<64x128xf32, #tpu.memory_space<vmem>>, vector<1x16xf32>,
        %get3A_761 = vector.shape_cast %get3A_760 : vector<1x16xf32> to vector<16xf32>
        %add3A_762 = arith.addf %add3A_757, %get3A_761 : vector<16xf32>
        %max3A_763 = arith.constant 0.000000e+00 : f32
        %max3A_764 = vector.broadcast %max3A_763 : f32 to vector<16xf32>
        %max3A_765 = arith.maximumf %add3A_762, %max3A_764 : vector<16xf32>
        %swap3A_766 = arith.index_cast %scan3A_504 : i32 to index
        %swap3A_767 = arith.constant 80 : index
        %swap3A_768 = tpu.vector_load %arg17[%swap3A_766, %swap3A_767] {strides = array<i32>} : memref<64x128xf32, #tpu.memory_space<vmem>>, vector<1x16xf32>,
        %swap3A_769 = vector.shape_cast %swap3A_768 : vector<1x16xf32> to vector<16xf32>
        %swap3A_770 = vector.shape_cast %max3A_765 : vector<16xf32> to vector<1x16xf32>
        tpu.vector_store %arg17[%swap3A_766, %swap3A_767], %swap3A_770 {strides = array<i32>} : memref<64x128xf32, #tpu.memory_space<vmem>>, vector<1x16xf32>,
        %get3A_771 = arith.index_cast %add3A_506 : i32 to index
        %get3A_772 = arith.constant 80 : index
        %get3A_773 = tpu.vector_load %arg17[%get3A_771, %get3A_772] {strides = array<i32>} : memref<64x128xf32, #tpu.memory_space<vmem>>, vector<1x16xf32>,
        %get3A_774 = vector.shape_cast %get3A_773 : vector<1x16xf32> to vector<16xf32>
        %add3A_775 = arith.addf %bitcast_convert_type3A_752, %get3A_774 : vector<16xf32>
        %get3A_776 = arith.index_cast %add3A_506 : i32 to index
        %get3A_777 = arith.constant 80 : index
        %get3A_778 = tpu.vector_load %arg18[%get3A_776, %get3A_777] {strides = array<i32>} : memref<64x128xf32, #tpu.memory_space<vmem>>, vector<1x16xf32>,
        %get3A_779 = vector.shape_cast %get3A_778 : vector<1x16xf32> to vector<16xf32>
        %add3A_780 = arith.addf %add3A_775, %get3A_779 : vector<16xf32>
        %max3A_781 = arith.constant 0.000000e+00 : f32
        %max3A_782 = vector.broadcast %max3A_781 : f32 to vector<16xf32>
        %max3A_783 = arith.maximumf %add3A_780, %max3A_782 : vector<16xf32>
        %swap3A_784 = arith.index_cast %add3A_506 : i32 to index
        %swap3A_785 = arith.constant 80 : index
        %swap3A_786 = tpu.vector_load %arg17[%swap3A_784, %swap3A_785] {strides = array<i32>} : memref<64x128xf32, #tpu.memory_space<vmem>>, vector<1x16xf32>,
        %swap3A_787 = vector.shape_cast %swap3A_786 : vector<1x16xf32> to vector<16xf32>
        %swap3A_788 = vector.shape_cast %max3A_783 : vector<16xf32> to vector<1x16xf32>
        tpu.vector_store %arg17[%swap3A_784, %swap3A_785], %swap3A_788 {strides = array<i32>} : memref<64x128xf32, #tpu.memory_space<vmem>>, vector<1x16xf32>,
        %get3A_789 = arith.index_cast %scan3A_504 : i32 to index
        %get3A_790 = arith.constant 96 : index
        %get3A_791 = tpu.vector_load %arg19[%get3A_789, %get3A_790] {strides = array<i32>} : memref<32x128xi32, #tpu.memory_space<vmem>>, vector<1x16xi32>,
        %get3A_792 = vector.shape_cast %get3A_791 : vector<1x16xi32> to vector<16xi32>
        %shift_left3A_793 = arith.constant 16 : i32
        %shift_left3A_794 = vector.broadcast %shift_left3A_793 : i32 to vector<16xi32>
        %shift_left3A_795 = arith.shli %get3A_792, %shift_left3A_794 : vector<16xi32>
        %bitcast_convert_type3A_796 = tpu.bitcast %shift_left3A_795 : vector<16xi32> -> vector<16xf32>
        %and3A_797 = arith.constant -65536 : i32
        %and3A_798 = vector.broadcast %and3A_797 : i32 to vector<16xi32>
        %and3A_799 = arith.andi %get3A_792, %and3A_798 : vector<16xi32>
        %bitcast_convert_type3A_800 = tpu.bitcast %and3A_799 : vector<16xi32> -> vector<16xf32>
        %get3A_801 = arith.index_cast %scan3A_504 : i32 to index
        %get3A_802 = arith.constant 96 : index
        %get3A_803 = tpu.vector_load %arg17[%get3A_801, %get3A_802] {strides = array<i32>} : memref<64x128xf32, #tpu.memory_space<vmem>>, vector<1x16xf32>,
        %get3A_804 = vector.shape_cast %get3A_803 : vector<1x16xf32> to vector<16xf32>
        %add3A_805 = arith.addf %bitcast_convert_type3A_796, %get3A_804 : vector<16xf32>
        %get3A_806 = arith.index_cast %scan3A_504 : i32 to index
        %get3A_807 = arith.constant 96 : index
        %get3A_808 = tpu.vector_load %arg18[%get3A_806, %get3A_807] {strides = array<i32>} : memref<64x128xf32, #tpu.memory_space<vmem>>, vector<1x16xf32>,
        %get3A_809 = vector.shape_cast %get3A_808 : vector<1x16xf32> to vector<16xf32>
        %add3A_810 = arith.addf %add3A_805, %get3A_809 : vector<16xf32>
        %max3A_811 = arith.constant 0.000000e+00 : f32
        %max3A_812 = vector.broadcast %max3A_811 : f32 to vector<16xf32>
        %max3A_813 = arith.maximumf %add3A_810, %max3A_812 : vector<16xf32>
        %swap3A_814 = arith.index_cast %scan3A_504 : i32 to index
        %swap3A_815 = arith.constant 96 : index
        %swap3A_816 = tpu.vector_load %arg17[%swap3A_814, %swap3A_815] {strides = array<i32>} : memref<64x128xf32, #tpu.memory_space<vmem>>, vector<1x16xf32>,
        %swap3A_817 = vector.shape_cast %swap3A_816 : vector<1x16xf32> to vector<16xf32>
        %swap3A_818 = vector.shape_cast %max3A_813 : vector<16xf32> to vector<1x16xf32>
        tpu.vector_store %arg17[%swap3A_814, %swap3A_815], %swap3A_818 {strides = array<i32>} : memref<64x128xf32, #tpu.memory_space<vmem>>, vector<1x16xf32>,
        %get3A_819 = arith.index_cast %add3A_506 : i32 to index
        %get3A_820 = arith.constant 96 : index
        %get3A_821 = tpu.vector_load %arg17[%get3A_819, %get3A_820] {strides = array<i32>} : memref<64x128xf32, #tpu.memory_space<vmem>>, vector<1x16xf32>,
        %get3A_822 = vector.shape_cast %get3A_821 : vector<1x16xf32> to vector<16xf32>
        %add3A_823 = arith.addf %bitcast_convert_type3A_800, %get3A_822 : vector<16xf32>
        %get3A_824 = arith.index_cast %add3A_506 : i32 to index
        %get3A_825 = arith.constant 96 : index
        %get3A_826 = tpu.vector_load %arg18[%get3A_824, %get3A_825] {strides = array<i32>} : memref<64x128xf32, #tpu.memory_space<vmem>>, vector<1x16xf32>,
        %get3A_827 = vector.shape_cast %get3A_826 : vector<1x16xf32> to vector<16xf32>
        %add3A_828 = arith.addf %add3A_823, %get3A_827 : vector<16xf32>
        %max3A_829 = arith.constant 0.000000e+00 : f32
        %max3A_830 = vector.broadcast %max3A_829 : f32 to vector<16xf32>
        %max3A_831 = arith.maximumf %add3A_828, %max3A_830 : vector<16xf32>
        %swap3A_832 = arith.index_cast %add3A_506 : i32 to index
        %swap3A_833 = arith.constant 96 : index
        %swap3A_834 = tpu.vector_load %arg17[%swap3A_832, %swap3A_833] {strides = array<i32>} : memref<64x128xf32, #tpu.memory_space<vmem>>, vector<1x16xf32>,
        %swap3A_835 = vector.shape_cast %swap3A_834 : vector<1x16xf32> to vector<16xf32>
        %swap3A_836 = vector.shape_cast %max3A_831 : vector<16xf32> to vector<1x16xf32>
        tpu.vector_store %arg17[%swap3A_832, %swap3A_833], %swap3A_836 {strides = array<i32>} : memref<64x128xf32, #tpu.memory_space<vmem>>, vector<1x16xf32>,
        %get3A_837 = arith.index_cast %scan3A_504 : i32 to index
        %get3A_838 = arith.constant 112 : index
        %get3A_839 = tpu.vector_load %arg19[%get3A_837, %get3A_838] {strides = array<i32>} : memref<32x128xi32, #tpu.memory_space<vmem>>, vector<1x16xi32>,
        %get3A_840 = vector.shape_cast %get3A_839 : vector<1x16xi32> to vector<16xi32>
        %shift_left3A_841 = arith.constant 16 : i32
        %shift_left3A_842 = vector.broadcast %shift_left3A_841 : i32 to vector<16xi32>
        %shift_left3A_843 = arith.shli %get3A_840, %shift_left3A_842 : vector<16xi32>
        %bitcast_convert_type3A_844 = tpu.bitcast %shift_left3A_843 : vector<16xi32> -> vector<16xf32>
        %and3A_845 = arith.constant -65536 : i32
        %and3A_846 = vector.broadcast %and3A_845 : i32 to vector<16xi32>
        %and3A_847 = arith.andi %get3A_840, %and3A_846 : vector<16xi32>
        %bitcast_convert_type3A_848 = tpu.bitcast %and3A_847 : vector<16xi32> -> vector<16xf32>
        %get3A_849 = arith.index_cast %scan3A_504 : i32 to index
        %get3A_850 = arith.constant 112 : index
        %get3A_851 = tpu.vector_load %arg17[%get3A_849, %get3A_850] {strides = array<i32>} : memref<64x128xf32, #tpu.memory_space<vmem>>, vector<1x16xf32>,
        %get3A_852 = vector.shape_cast %get3A_851 : vector<1x16xf32> to vector<16xf32>
        %add3A_853 = arith.addf %bitcast_convert_type3A_844, %get3A_852 : vector<16xf32>
        %get3A_854 = arith.index_cast %scan3A_504 : i32 to index
        %get3A_855 = arith.constant 112 : index
        %get3A_856 = tpu.vector_load %arg18[%get3A_854, %get3A_855] {strides = array<i32>} : memref<64x128xf32, #tpu.memory_space<vmem>>, vector<1x16xf32>,
        %get3A_857 = vector.shape_cast %get3A_856 : vector<1x16xf32> to vector<16xf32>
        %add3A_858 = arith.addf %add3A_853, %get3A_857 : vector<16xf32>
        %max3A_859 = arith.constant 0.000000e+00 : f32
        %max3A_860 = vector.broadcast %max3A_859 : f32 to vector<16xf32>
        %max3A_861 = arith.maximumf %add3A_858, %max3A_860 : vector<16xf32>
        %swap3A_862 = arith.index_cast %scan3A_504 : i32 to index
        %swap3A_863 = arith.constant 112 : index
        %swap3A_864 = tpu.vector_load %arg17[%swap3A_862, %swap3A_863] {strides = array<i32>} : memref<64x128xf32, #tpu.memory_space<vmem>>, vector<1x16xf32>,
        %swap3A_865 = vector.shape_cast %swap3A_864 : vector<1x16xf32> to vector<16xf32>
        %swap3A_866 = vector.shape_cast %max3A_861 : vector<16xf32> to vector<1x16xf32>
        tpu.vector_store %arg17[%swap3A_862, %swap3A_863], %swap3A_866 {strides = array<i32>} : memref<64x128xf32, #tpu.memory_space<vmem>>, vector<1x16xf32>,
        %get3A_867 = arith.index_cast %add3A_506 : i32 to index
        %get3A_868 = arith.constant 112 : index
        %get3A_869 = tpu.vector_load %arg17[%get3A_867, %get3A_868] {strides = array<i32>} : memref<64x128xf32, #tpu.memory_space<vmem>>, vector<1x16xf32>,
        %get3A_870 = vector.shape_cast %get3A_869 : vector<1x16xf32> to vector<16xf32>
        %add3A_871 = arith.addf %bitcast_convert_type3A_848, %get3A_870 : vector<16xf32>
        %get3A_872 = arith.index_cast %add3A_506 : i32 to index
        %get3A_873 = arith.constant 112 : index
        %get3A_874 = tpu.vector_load %arg18[%get3A_872, %get3A_873] {strides = array<i32>} : memref<64x128xf32, #tpu.memory_space<vmem>>, vector<1x16xf32>,
        %get3A_875 = vector.shape_cast %get3A_874 : vector<1x16xf32> to vector<16xf32>
        %add3A_876 = arith.addf %add3A_871, %get3A_875 : vector<16xf32>
        %max3A_877 = arith.constant 0.000000e+00 : f32
        %max3A_878 = vector.broadcast %max3A_877 : f32 to vector<16xf32>
        %max3A_879 = arith.maximumf %add3A_876, %max3A_878 : vector<16xf32>
        %swap3A_880 = arith.index_cast %add3A_506 : i32 to index
        %swap3A_881 = arith.constant 112 : index
        %swap3A_882 = tpu.vector_load %arg17[%swap3A_880, %swap3A_881] {strides = array<i32>} : memref<64x128xf32, #tpu.memory_space<vmem>>, vector<1x16xf32>,
        %swap3A_883 = vector.shape_cast %swap3A_882 : vector<1x16xf32> to vector<16xf32>
        %swap3A_884 = vector.shape_cast %max3A_879 : vector<16xf32> to vector<1x16xf32>
        tpu.vector_store %arg17[%swap3A_880, %swap3A_881], %swap3A_884 {strides = array<i32>} : memref<64x128xf32, #tpu.memory_space<vmem>>, vector<1x16xf32>,
      }
      %scan3A_373 = arith.constant 32 : i32
      %dma_wait3A_374 = arith.constant 0 : i32
      %dma_wait3A_375 = tpu.memref_slice %arg16[%dma_wait3A_374] : memref<64xi32, #tpu.memory_space<vmem>> -> memref<32xi32, #tpu.memory_space<vmem>>
      %dma_wait3A_376 = arith.constant 0 : i32
      %dma_wait3A_377 = tpu.memref_slice %arg3[%dma_wait3A_376] : memref<320000xi32, #tpu.memory_space<hbm>> -> memref<32xi32, #tpu.memory_space<hbm>>
      %dma_wait3A_378 = arith.constant 0 : i32
      %dma_wait3A_379 = tpu.memref_slice %arg16[%dma_wait3A_378] : memref<64xi32, #tpu.memory_space<vmem>> -> memref<32xi32, #tpu.memory_space<vmem>>
      %dma_wait3A_380 = arith.constant 0 : i32
      %dma_wait3A_381 = tpu.memref_slice %arg3[%dma_wait3A_380] : memref<320000xi32, #tpu.memory_space<hbm>> -> memref<32xi32, #tpu.memory_space<hbm>>
      tpu.wait_dma2 semaphore(%arg29 : memref<!tpu.dma_semaphore, #tpu.memory_space<semaphore_mem>>) src(%dma_wait3A_381 : memref<32xi32, #tpu.memory_space<hbm>>) dst(%dma_wait3A_379 : memref<32xi32, #tpu.memory_space<vmem>>)
      %dma_wait3A_382 = arith.constant 32 : i32
      %dma_wait3A_383 = tpu.memref_slice %arg16[%dma_wait3A_382] : memref<64xi32, #tpu.memory_space<vmem>> -> memref<32xi32, #tpu.memory_space<vmem>>
      %dma_wait3A_384 = arith.constant 0 : i32
      %dma_wait3A_385 = tpu.memref_slice %arg3[%dma_wait3A_384] : memref<320000xi32, #tpu.memory_space<hbm>> -> memref<32xi32, #tpu.memory_space<hbm>>
      %dma_wait3A_386 = arith.constant 32 : i32
      %dma_wait3A_387 = tpu.memref_slice %arg16[%dma_wait3A_386] : memref<64xi32, #tpu.memory_space<vmem>> -> memref<32xi32, #tpu.memory_space<vmem>>
      %dma_wait3A_388 = arith.constant 0 : i32
      %dma_wait3A_389 = tpu.memref_slice %arg3[%dma_wait3A_388] : memref<320000xi32, #tpu.memory_space<hbm>> -> memref<32xi32, #tpu.memory_space<hbm>>
      tpu.wait_dma2 semaphore(%arg29 : memref<!tpu.dma_semaphore, #tpu.memory_space<semaphore_mem>>) src(%dma_wait3A_389 : memref<32xi32, #tpu.memory_space<hbm>>) dst(%dma_wait3A_387 : memref<32xi32, #tpu.memory_space<vmem>>)
      %mul3A_390 = arith.constant 32 : i32
      %mul3A_391 = arith.muli %add3A_337, %mul3A_390 : i32
      %add3A_392 = arith.addi %mul3A_391, %add3A : i32
      %mul3A_393 = arith.constant 32 : i32
      %mul3A_394 = arith.muli %add3A_392, %mul3A_393 : i32
      %dma_start3A_395 = arith.constant 0 : i32
      %dma_start3A_396 = arith.constant 0 : i32
      %dma_start3A_397 = tpu.memref_slice %arg17[%dma_start3A_395, %dma_start3A_396] : memref<64x128xf32, #tpu.memory_space<vmem>> -> memref<32x128xf32, #tpu.memory_space<vmem>>
      %dma_start3A_398 = arith.constant 0 : i32
      %dma_start3A_399 = tpu.memref_slice %arg8[%mul3A_394, %dma_start3A_398] : memref<320000x128xf32, #tpu.memory_space<hbm>> -> memref<32x128xf32, #tpu.memory_space<hbm>>
      %dma_start3A_400 = arith.constant 0 : i32
      %dma_start3A_401 = tpu.memref_slice %arg8[%mul3A_394, %dma_start3A_400] : memref<320000x128xf32, #tpu.memory_space<hbm>> -> memref<32x128xf32, #tpu.memory_space<hbm>>
      %dma_start3A_402 = arith.constant 0 : i32
      %dma_start3A_403 = arith.constant 0 : i32
      %dma_start3A_404 = tpu.memref_slice %arg17[%dma_start3A_402, %dma_start3A_403] : memref<64x128xf32, #tpu.memory_space<vmem>> -> memref<32x128xf32, #tpu.memory_space<vmem>>
      tpu.enqueue_dma source(%dma_start3A_404 : memref<32x128xf32, #tpu.memory_space<vmem>>) target(%dma_start3A_401 : memref<32x128xf32, #tpu.memory_space<hbm>>) target_semaphore(%arg33 : memref<!tpu.dma_semaphore, #tpu.memory_space<semaphore_mem>>)
      %add3A_405 = arith.constant 160000 : i32
      %add3A_406 = arith.addi %add3A_405, %mul3A_394 : i32
      %dma_start3A_407 = arith.constant 32 : i32
      %dma_start3A_408 = arith.constant 0 : i32
      %dma_start3A_409 = tpu.memref_slice %arg17[%dma_start3A_407, %dma_start3A_408] : memref<64x128xf32, #tpu.memory_space<vmem>> -> memref<32x128xf32, #tpu.memory_space<vmem>>
      %dma_start3A_410 = arith.constant 0 : i32
      %dma_start3A_411 = tpu.memref_slice %arg8[%add3A_406, %dma_start3A_410] : memref<320000x128xf32, #tpu.memory_space<hbm>> -> memref<32x128xf32, #tpu.memory_space<hbm>>
      %dma_start3A_412 = arith.constant 0 : i32
      %dma_start3A_413 = tpu.memref_slice %arg8[%add3A_406, %dma_start3A_412] : memref<320000x128xf32, #tpu.memory_space<hbm>> -> memref<32x128xf32, #tpu.memory_space<hbm>>
      %dma_start3A_414 = arith.constant 32 : i32
      %dma_start3A_415 = arith.constant 0 : i32
      %dma_start3A_416 = tpu.memref_slice %arg17[%dma_start3A_414, %dma_start3A_415] : memref<64x128xf32, #tpu.memory_space<vmem>> -> memref<32x128xf32, #tpu.memory_space<vmem>>
      tpu.enqueue_dma source(%dma_start3A_416 : memref<32x128xf32, #tpu.memory_space<vmem>>) target(%dma_start3A_413 : memref<32x128xf32, #tpu.memory_space<hbm>>) target_semaphore(%arg33 : memref<!tpu.dma_semaphore, #tpu.memory_space<semaphore_mem>>)
      %dma_start3A_417 = arith.constant 0 : i32
      %dma_start3A_418 = arith.constant 0 : i32
      %dma_start3A_419 = tpu.memref_slice %arg20[%dma_start3A_417, %dma_start3A_418] : memref<10112x128xf32, #tpu.memory_space<vmem_shared>> -> memref<10112x128xf32, #tpu.memory_space<vmem_shared>>
      tpu.enqueue_indirect_dma source(%arg17 : memref<64x128xf32, #tpu.memory_space<vmem>>) target(%dma_start3A_419 : memref<10112x128xf32, #tpu.memory_space<vmem_shared>>) offsets(%arg16 : memref<64xi32, #tpu.memory_space<vmem>>) semaphore(%arg34 : memref<!tpu.dma_semaphore, #tpu.memory_space<semaphore_mem>>) {add = true}
      %add3A_420 = arith.constant 1 : i32
      %add3A_421 = arith.addi %add3A_337, %add3A_420 : i32
      %add3A_422 = arith.constant 1 : i32
      %add3A_423 = arith.addi %add3A_421, %add3A_422 : i32
      %lt3A_424 = arith.cmpi slt, %add3A_423, %add3A_3 : i32
      %convert_element_type3A_425 = arith.extui %lt3A_424 : i1 to i32
      %cond3A_426 = arith.constant 0 : i32
      %cond3A_427 = arith.cmpi ne, %convert_element_type3A_425, %cond3A_426 : i32
      scf.if %cond3A_427 {
        %dma_wait3A_504 = arith.constant 0 : i32
        %dma_wait3A_505 = arith.constant 0 : i32
        %dma_wait3A_506 = tpu.memref_slice %arg5[%dma_wait3A_504, %dma_wait3A_505] : memref<10000x128xf32, #tpu.memory_space<hbm>> -> memref<64x128xf32, #tpu.memory_space<hbm>>
        %dma_wait3A_507 = arith.constant 0 : i32
        %dma_wait3A_508 = arith.constant 0 : i32
        %dma_wait3A_509 = tpu.memref_slice %arg5[%dma_wait3A_507, %dma_wait3A_508] : memref<10000x128xf32, #tpu.memory_space<hbm>> -> memref<64x128xf32, #tpu.memory_space<hbm>>
        tpu.wait_dma2 semaphore(%arg33 : memref<!tpu.dma_semaphore, #tpu.memory_space<semaphore_mem>>) src(%dma_wait3A_509 : memref<64x128xf32, #tpu.memory_space<hbm>>) dst(%arg17 : memref<64x128xf32, #tpu.memory_space<vmem>>)
        %dma_wait3A_510 = arith.constant 0 : i32
        %dma_wait3A_511 = arith.constant 0 : i32
        %dma_wait3A_512 = tpu.memref_slice %arg5[%dma_wait3A_510, %dma_wait3A_511] : memref<10000x128xf32, #tpu.memory_space<hbm>> -> memref<64x128xf32, #tpu.memory_space<hbm>>
        %dma_wait3A_513 = arith.constant 0 : i32
        %dma_wait3A_514 = arith.constant 0 : i32
        %dma_wait3A_515 = tpu.memref_slice %arg5[%dma_wait3A_513, %dma_wait3A_514] : memref<10000x128xf32, #tpu.memory_space<hbm>> -> memref<64x128xf32, #tpu.memory_space<hbm>>
        tpu.wait_dma2 semaphore(%arg34 : memref<!tpu.dma_semaphore, #tpu.memory_space<semaphore_mem>>) src(%dma_wait3A_515 : memref<64x128xf32, #tpu.memory_space<hbm>>) dst(%arg17 : memref<64x128xf32, #tpu.memory_space<vmem>>)
        %add3A_516 = arith.constant 1 : i32
        %add3A_517 = arith.addi %add3A_421, %add3A_516 : i32
        %mul3A_518 = arith.constant 32 : i32
        %mul3A_519 = arith.muli %add3A_517, %mul3A_518 : i32
        %add3A_520 = arith.addi %mul3A_519, %add3A : i32
        %mul3A_521 = arith.constant 32 : i32
        %mul3A_522 = arith.muli %add3A_520, %mul3A_521 : i32
        %dma_start3A_523 = arith.constant 0 : i32
        %dma_start3A_524 = tpu.memref_slice %arg16[%dma_start3A_523] : memref<64xi32, #tpu.memory_space<vmem>> -> memref<32xi32, #tpu.memory_space<vmem>>
        %dma_start3A_525 = tpu.memref_slice %arg3[%mul3A_522] : memref<320000xi32, #tpu.memory_space<hbm>> -> memref<32xi32, #tpu.memory_space<hbm>>
        %dma_start3A_526 = arith.constant 0 : i32
        %dma_start3A_527 = tpu.memref_slice %arg16[%dma_start3A_526] : memref<64xi32, #tpu.memory_space<vmem>> -> memref<32xi32, #tpu.memory_space<vmem>>
        %dma_start3A_528 = tpu.memref_slice %arg3[%mul3A_522] : memref<320000xi32, #tpu.memory_space<hbm>> -> memref<32xi32, #tpu.memory_space<hbm>>
        tpu.enqueue_dma source(%dma_start3A_528 : memref<32xi32, #tpu.memory_space<hbm>>) target(%dma_start3A_527 : memref<32xi32, #tpu.memory_space<vmem>>) target_semaphore(%arg29 : memref<!tpu.dma_semaphore, #tpu.memory_space<semaphore_mem>>)
        %add3A_529 = arith.constant 160000 : i32
        %add3A_530 = arith.addi %add3A_529, %mul3A_522 : i32
        %dma_start3A_531 = arith.constant 32 : i32
        %dma_start3A_532 = tpu.memref_slice %arg16[%dma_start3A_531] : memref<64xi32, #tpu.memory_space<vmem>> -> memref<32xi32, #tpu.memory_space<vmem>>
        %dma_start3A_533 = tpu.memref_slice %arg3[%add3A_530] : memref<320000xi32, #tpu.memory_space<hbm>> -> memref<32xi32, #tpu.memory_space<hbm>>
        %dma_start3A_534 = arith.constant 32 : i32
        %dma_start3A_535 = tpu.memref_slice %arg16[%dma_start3A_534] : memref<64xi32, #tpu.memory_space<vmem>> -> memref<32xi32, #tpu.memory_space<vmem>>
        %dma_start3A_536 = tpu.memref_slice %arg3[%add3A_530] : memref<320000xi32, #tpu.memory_space<hbm>> -> memref<32xi32, #tpu.memory_space<hbm>>
        tpu.enqueue_dma source(%dma_start3A_536 : memref<32xi32, #tpu.memory_space<hbm>>) target(%dma_start3A_535 : memref<32xi32, #tpu.memory_space<vmem>>) target_semaphore(%arg29 : memref<!tpu.dma_semaphore, #tpu.memory_space<semaphore_mem>>)
        %dma_wait3A_537 = arith.constant 0 : i32
        %dma_wait3A_538 = tpu.memref_slice %arg15[%dma_wait3A_537] : memref<128xi32, #tpu.memory_space<vmem>> -> memref<32xi32, #tpu.memory_space<vmem>>
        %dma_wait3A_539 = arith.constant 0 : i32
        %dma_wait3A_540 = tpu.memref_slice %arg3[%dma_wait3A_539] : memref<320000xi32, #tpu.memory_space<hbm>> -> memref<32xi32, #tpu.memory_space<hbm>>
        %dma_wait3A_541 = arith.constant 0 : i32
        %dma_wait3A_542 = tpu.memref_slice %arg15[%dma_wait3A_541] : memref<128xi32, #tpu.memory_space<vmem>> -> memref<32xi32, #tpu.memory_space<vmem>>
        %dma_wait3A_543 = arith.constant 0 : i32
        %dma_wait3A_544 = tpu.memref_slice %arg3[%dma_wait3A_543] : memref<320000xi32, #tpu.memory_space<hbm>> -> memref<32xi32, #tpu.memory_space<hbm>>
        tpu.wait_dma2 semaphore(%arg28 : memref<!tpu.dma_semaphore, #tpu.memory_space<semaphore_mem>>) src(%dma_wait3A_544 : memref<32xi32, #tpu.memory_space<hbm>>) dst(%dma_wait3A_542 : memref<32xi32, #tpu.memory_space<vmem>>)
        %dma_wait3A_545 = arith.constant 32 : i32
        %dma_wait3A_546 = tpu.memref_slice %arg15[%dma_wait3A_545] : memref<128xi32, #tpu.memory_space<vmem>> -> memref<32xi32, #tpu.memory_space<vmem>>
        %dma_wait3A_547 = arith.constant 0 : i32
        %dma_wait3A_548 = tpu.memref_slice %arg3[%dma_wait3A_547] : memref<320000xi32, #tpu.memory_space<hbm>> -> memref<32xi32, #tpu.memory_space<hbm>>
        %dma_wait3A_549 = arith.constant 32 : i32
        %dma_wait3A_550 = tpu.memref_slice %arg15[%dma_wait3A_549] : memref<128xi32, #tpu.memory_space<vmem>> -> memref<32xi32, #tpu.memory_space<vmem>>
        %dma_wait3A_551 = arith.constant 0 : i32
        %dma_wait3A_552 = tpu.memref_slice %arg3[%dma_wait3A_551] : memref<320000xi32, #tpu.memory_space<hbm>> -> memref<32xi32, #tpu.memory_space<hbm>>
        tpu.wait_dma2 semaphore(%arg28 : memref<!tpu.dma_semaphore, #tpu.memory_space<semaphore_mem>>) src(%dma_wait3A_552 : memref<32xi32, #tpu.memory_space<hbm>>) dst(%dma_wait3A_550 : memref<32xi32, #tpu.memory_space<vmem>>)
        %dma_wait3A_553 = arith.constant 64 : i32
        %dma_wait3A_554 = tpu.memref_slice %arg15[%dma_wait3A_553] : memref<128xi32, #tpu.memory_space<vmem>> -> memref<32xi32, #tpu.memory_space<vmem>>
        %dma_wait3A_555 = arith.constant 0 : i32
        %dma_wait3A_556 = tpu.memref_slice %arg3[%dma_wait3A_555] : memref<320000xi32, #tpu.memory_space<hbm>> -> memref<32xi32, #tpu.memory_space<hbm>>
        %dma_wait3A_557 = arith.constant 64 : i32
        %dma_wait3A_558 = tpu.memref_slice %arg15[%dma_wait3A_557] : memref<128xi32, #tpu.memory_space<vmem>> -> memref<32xi32, #tpu.memory_space<vmem>>
        %dma_wait3A_559 = arith.constant 0 : i32
        %dma_wait3A_560 = tpu.memref_slice %arg3[%dma_wait3A_559] : memref<320000xi32, #tpu.memory_space<hbm>> -> memref<32xi32, #tpu.memory_space<hbm>>
        tpu.wait_dma2 semaphore(%arg28 : memref<!tpu.dma_semaphore, #tpu.memory_space<semaphore_mem>>) src(%dma_wait3A_560 : memref<32xi32, #tpu.memory_space<hbm>>) dst(%dma_wait3A_558 : memref<32xi32, #tpu.memory_space<vmem>>)
        %dma_wait3A_561 = arith.constant 96 : i32
        %dma_wait3A_562 = tpu.memref_slice %arg15[%dma_wait3A_561] : memref<128xi32, #tpu.memory_space<vmem>> -> memref<32xi32, #tpu.memory_space<vmem>>
        %dma_wait3A_563 = arith.constant 0 : i32
        %dma_wait3A_564 = tpu.memref_slice %arg3[%dma_wait3A_563] : memref<320000xi32, #tpu.memory_space<hbm>> -> memref<32xi32, #tpu.memory_space<hbm>>
        %dma_wait3A_565 = arith.constant 96 : i32
        %dma_wait3A_566 = tpu.memref_slice %arg15[%dma_wait3A_565] : memref<128xi32, #tpu.memory_space<vmem>> -> memref<32xi32, #tpu.memory_space<vmem>>
        %dma_wait3A_567 = arith.constant 0 : i32
        %dma_wait3A_568 = tpu.memref_slice %arg3[%dma_wait3A_567] : memref<320000xi32, #tpu.memory_space<hbm>> -> memref<32xi32, #tpu.memory_space<hbm>>
        tpu.wait_dma2 semaphore(%arg28 : memref<!tpu.dma_semaphore, #tpu.memory_space<semaphore_mem>>) src(%dma_wait3A_568 : memref<32xi32, #tpu.memory_space<hbm>>) dst(%dma_wait3A_566 : memref<32xi32, #tpu.memory_space<vmem>>)
        %add3A_569 = arith.constant 1 : i32
        %add3A_570 = arith.addi %add3A_421, %add3A_569 : i32
        %dma_start3A_571 = arith.constant 0 : i32
        %dma_start3A_572 = tpu.memref_slice %arg15[%dma_start3A_571] : memref<128xi32, #tpu.memory_space<vmem>> -> memref<64xi32, #tpu.memory_space<vmem>>
        %dma_start3A_573 = arith.constant 0 : i32
        %dma_start3A_574 = arith.constant 0 : i32
        %dma_start3A_575 = tpu.memref_slice %arg5[%dma_start3A_573, %dma_start3A_574] : memref<10000x128xf32, #tpu.memory_space<hbm>> -> memref<10000x128xf32, #tpu.memory_space<hbm>>
        tpu.enqueue_indirect_dma source(%dma_start3A_575 : memref<10000x128xf32, #tpu.memory_space<hbm>>) target(%arg17 : memref<64x128xf32, #tpu.memory_space<vmem>>) offsets(%dma_start3A_572 : memref<64xi32, #tpu.memory_space<vmem>>) semaphore(%arg30 : memref<!tpu.dma_semaphore, #tpu.memory_space<semaphore_mem>>)
        %dma_start3A_576 = arith.constant 64 : i32
        %dma_start3A_577 = tpu.memref_slice %arg15[%dma_start3A_576] : memref<128xi32, #tpu.memory_space<vmem>> -> memref<64xi32, #tpu.memory_space<vmem>>
        %dma_start3A_578 = arith.constant 0 : i32
        %dma_start3A_579 = arith.constant 0 : i32
        %dma_start3A_580 = tpu.memref_slice %arg6[%dma_start3A_578, %dma_start3A_579] : memref<10000x128xf32, #tpu.memory_space<hbm>> -> memref<10000x128xf32, #tpu.memory_space<hbm>>
        tpu.enqueue_indirect_dma source(%dma_start3A_580 : memref<10000x128xf32, #tpu.memory_space<hbm>>) target(%arg18 : memref<64x128xf32, #tpu.memory_space<vmem>>) offsets(%dma_start3A_577 : memref<64xi32, #tpu.memory_space<vmem>>) semaphore(%arg31 : memref<!tpu.dma_semaphore, #tpu.memory_space<semaphore_mem>>)
        %mul3A_581 = arith.constant 32 : i32
        %mul3A_582 = arith.muli %add3A_570, %mul3A_581 : i32
        %add3A_583 = arith.addi %mul3A_582, %add3A : i32
        %mul3A_584 = arith.constant 32 : i32
        %mul3A_585 = arith.muli %add3A_583, %mul3A_584 : i32
        %dma_start3A_586 = arith.constant 0 : i32
        %dma_start3A_587 = tpu.memref_slice %arg2[%mul3A_585, %dma_start3A_586] : memref<160000x128xi32, #tpu.memory_space<hbm>> -> memref<32x128xi32, #tpu.memory_space<hbm>>
        %dma_start3A_588 = arith.constant 0 : i32
        %dma_start3A_589 = tpu.memref_slice %arg2[%mul3A_585, %dma_start3A_588] : memref<160000x128xi32, #tpu.memory_space<hbm>> -> memref<32x128xi32, #tpu.memory_space<hbm>>
        tpu.enqueue_dma source(%dma_start3A_589 : memref<32x128xi32, #tpu.memory_space<hbm>>) target(%arg19 : memref<32x128xi32, #tpu.memory_space<vmem>>) target_semaphore(%arg32 : memref<!tpu.dma_semaphore, #tpu.memory_space<semaphore_mem>>)
      } else {
      }
      %dma_wait3A_428 = arith.constant 0 : i32
      %dma_wait3A_429 = arith.constant 0 : i32
      %dma_wait3A_430 = tpu.memref_slice %arg5[%dma_wait3A_428, %dma_wait3A_429] : memref<10000x128xf32, #tpu.memory_space<hbm>> -> memref<64x128xf32, #tpu.memory_space<hbm>>
      %dma_wait3A_431 = arith.constant 0 : i32
      %dma_wait3A_432 = arith.constant 0 : i32
      %dma_wait3A_433 = tpu.memref_slice %arg5[%dma_wait3A_431, %dma_wait3A_432] : memref<10000x128xf32, #tpu.memory_space<hbm>> -> memref<64x128xf32, #tpu.memory_space<hbm>>
      tpu.wait_dma2 semaphore(%arg23 : memref<!tpu.dma_semaphore, #tpu.memory_space<semaphore_mem>>) src(%dma_wait3A_433 : memref<64x128xf32, #tpu.memory_space<hbm>>) dst(%arg12 : memref<64x128xf32, #tpu.memory_space<vmem>>)
      %dma_wait3A_434 = arith.constant 0 : i32
      %dma_wait3A_435 = arith.constant 0 : i32
      %dma_wait3A_436 = tpu.memref_slice %arg5[%dma_wait3A_434, %dma_wait3A_435] : memref<10000x128xf32, #tpu.memory_space<hbm>> -> memref<64x128xf32, #tpu.memory_space<hbm>>
      %dma_wait3A_437 = arith.constant 0 : i32
      %dma_wait3A_438 = arith.constant 0 : i32
      %dma_wait3A_439 = tpu.memref_slice %arg5[%dma_wait3A_437, %dma_wait3A_438] : memref<10000x128xf32, #tpu.memory_space<hbm>> -> memref<64x128xf32, #tpu.memory_space<hbm>>
      tpu.wait_dma2 semaphore(%arg24 : memref<!tpu.dma_semaphore, #tpu.memory_space<semaphore_mem>>) src(%dma_wait3A_439 : memref<64x128xf32, #tpu.memory_space<hbm>>) dst(%arg13 : memref<64x128xf32, #tpu.memory_space<vmem>>)
      %dma_wait3A_440 = arith.constant 0 : i32
      %dma_wait3A_441 = arith.constant 0 : i32
      %dma_wait3A_442 = tpu.memref_slice %arg2[%dma_wait3A_440, %dma_wait3A_441] : memref<160000x128xi32, #tpu.memory_space<hbm>> -> memref<32x128xi32, #tpu.memory_space<hbm>>
      %dma_wait3A_443 = arith.constant 0 : i32
      %dma_wait3A_444 = arith.constant 0 : i32
      %dma_wait3A_445 = tpu.memref_slice %arg2[%dma_wait3A_443, %dma_wait3A_444] : memref<160000x128xi32, #tpu.memory_space<hbm>> -> memref<32x128xi32, #tpu.memory_space<hbm>>
      tpu.wait_dma2 semaphore(%arg25 : memref<!tpu.dma_semaphore, #tpu.memory_space<semaphore_mem>>) src(%dma_wait3A_445 : memref<32x128xi32, #tpu.memory_space<hbm>>) dst(%arg14 : memref<32x128xi32, #tpu.memory_space<vmem>>)
      %add3A_446 = arith.constant 2 : i32
      %add3A_447 = arith.addi %add3A_421, %add3A_446 : i32
      %lt3A_448 = arith.cmpi slt, %add3A_447, %add3A_3 : i32
      %convert_element_type3A_449 = arith.extui %lt3A_448 : i1 to i32
      %cond3A_450 = arith.constant 0 : i32
      %cond3A_451 = arith.cmpi ne, %convert_element_type3A_449, %cond3A_450 : i32
      scf.if %cond3A_451 {
        %add3A_504 = arith.constant 2 : i32
        %add3A_505 = arith.addi %add3A_421, %add3A_504 : i32
        %mul3A_506 = arith.constant 32 : i32
        %mul3A_507 = arith.muli %add3A_505, %mul3A_506 : i32
        %add3A_508 = arith.addi %mul3A_507, %add3A : i32
        %mul3A_509 = arith.constant 32 : i32
        %mul3A_510 = arith.muli %add3A_508, %mul3A_509 : i32
        %dma_start3A_511 = arith.constant 0 : i32
        %dma_start3A_512 = tpu.memref_slice %arg10[%dma_start3A_511] : memref<128xi32, #tpu.memory_space<vmem>> -> memref<32xi32, #tpu.memory_space<vmem>>
        %dma_start3A_513 = tpu.memref_slice %arg3[%mul3A_510] : memref<320000xi32, #tpu.memory_space<hbm>> -> memref<32xi32, #tpu.memory_space<hbm>>
        %dma_start3A_514 = arith.constant 0 : i32
        %dma_start3A_515 = tpu.memref_slice %arg10[%dma_start3A_514] : memref<128xi32, #tpu.memory_space<vmem>> -> memref<32xi32, #tpu.memory_space<vmem>>
        %dma_start3A_516 = tpu.memref_slice %arg3[%mul3A_510] : memref<320000xi32, #tpu.memory_space<hbm>> -> memref<32xi32, #tpu.memory_space<hbm>>
        tpu.enqueue_dma source(%dma_start3A_516 : memref<32xi32, #tpu.memory_space<hbm>>) target(%dma_start3A_515 : memref<32xi32, #tpu.memory_space<vmem>>) target_semaphore(%arg21 : memref<!tpu.dma_semaphore, #tpu.memory_space<semaphore_mem>>)
        %add3A_517 = arith.constant 160000 : i32
        %add3A_518 = arith.addi %add3A_517, %mul3A_510 : i32
        %dma_start3A_519 = arith.constant 32 : i32
        %dma_start3A_520 = tpu.memref_slice %arg10[%dma_start3A_519] : memref<128xi32, #tpu.memory_space<vmem>> -> memref<32xi32, #tpu.memory_space<vmem>>
        %dma_start3A_521 = tpu.memref_slice %arg3[%add3A_518] : memref<320000xi32, #tpu.memory_space<hbm>> -> memref<32xi32, #tpu.memory_space<hbm>>
        %dma_start3A_522 = arith.constant 32 : i32
        %dma_start3A_523 = tpu.memref_slice %arg10[%dma_start3A_522] : memref<128xi32, #tpu.memory_space<vmem>> -> memref<32xi32, #tpu.memory_space<vmem>>
        %dma_start3A_524 = tpu.memref_slice %arg3[%add3A_518] : memref<320000xi32, #tpu.memory_space<hbm>> -> memref<32xi32, #tpu.memory_space<hbm>>
        tpu.enqueue_dma source(%dma_start3A_524 : memref<32xi32, #tpu.memory_space<hbm>>) target(%dma_start3A_523 : memref<32xi32, #tpu.memory_space<vmem>>) target_semaphore(%arg21 : memref<!tpu.dma_semaphore, #tpu.memory_space<semaphore_mem>>)
        %dma_start3A_525 = arith.constant 64 : i32
        %dma_start3A_526 = tpu.memref_slice %arg10[%dma_start3A_525] : memref<128xi32, #tpu.memory_space<vmem>> -> memref<32xi32, #tpu.memory_space<vmem>>
        %dma_start3A_527 = tpu.memref_slice %arg4[%mul3A_510] : memref<320000xi32, #tpu.memory_space<hbm>> -> memref<32xi32, #tpu.memory_space<hbm>>
        %dma_start3A_528 = arith.constant 64 : i32
        %dma_start3A_529 = tpu.memref_slice %arg10[%dma_start3A_528] : memref<128xi32, #tpu.memory_space<vmem>> -> memref<32xi32, #tpu.memory_space<vmem>>
        %dma_start3A_530 = tpu.memref_slice %arg4[%mul3A_510] : memref<320000xi32, #tpu.memory_space<hbm>> -> memref<32xi32, #tpu.memory_space<hbm>>
        tpu.enqueue_dma source(%dma_start3A_530 : memref<32xi32, #tpu.memory_space<hbm>>) target(%dma_start3A_529 : memref<32xi32, #tpu.memory_space<vmem>>) target_semaphore(%arg21 : memref<!tpu.dma_semaphore, #tpu.memory_space<semaphore_mem>>)
        %add3A_531 = arith.constant 160000 : i32
        %add3A_532 = arith.addi %add3A_531, %mul3A_510 : i32
        %dma_start3A_533 = arith.constant 96 : i32
        %dma_start3A_534 = tpu.memref_slice %arg10[%dma_start3A_533] : memref<128xi32, #tpu.memory_space<vmem>> -> memref<32xi32, #tpu.memory_space<vmem>>
        %dma_start3A_535 = tpu.memref_slice %arg4[%add3A_532] : memref<320000xi32, #tpu.memory_space<hbm>> -> memref<32xi32, #tpu.memory_space<hbm>>
        %dma_start3A_536 = arith.constant 96 : i32
        %dma_start3A_537 = tpu.memref_slice %arg10[%dma_start3A_536] : memref<128xi32, #tpu.memory_space<vmem>> -> memref<32xi32, #tpu.memory_space<vmem>>
        %dma_start3A_538 = tpu.memref_slice %arg4[%add3A_532] : memref<320000xi32, #tpu.memory_space<hbm>> -> memref<32xi32, #tpu.memory_space<hbm>>
        tpu.enqueue_dma source(%dma_start3A_538 : memref<32xi32, #tpu.memory_space<hbm>>) target(%dma_start3A_537 : memref<32xi32, #tpu.memory_space<vmem>>) target_semaphore(%arg21 : memref<!tpu.dma_semaphore, #tpu.memory_space<semaphore_mem>>)
      } else {
      }
      %scan3A_452 = arith.constant 0 : i32
      %scan3A_453 = arith.constant 0 : i32
      %scan3A_454 = arith.constant 32 : i32
      %scan3A_455 = arith.addi %scan3A_453, %scan3A_454 : i32
      %scan3A_456 = arith.constant 1 : i32
      scf.for %scan3A_504 = %scan3A_453 to %scan3A_455 step %scan3A_456  : i32 {
        %add3A_505 = arith.constant 32 : i32
        %add3A_506 = arith.addi %scan3A_504, %add3A_505 : i32
        %get3A = arith.index_cast %scan3A_504 : i32 to index
        %get3A_507 = arith.constant 0 : index
        %get3A_508 = tpu.vector_load %arg14[%get3A, %get3A_507] {strides = array<i32>} : memref<32x128xi32, #tpu.memory_space<vmem>>, vector<1x16xi32>,
        %get3A_509 = vector.shape_cast %get3A_508 : vector<1x16xi32> to vector<16xi32>
        %shift_left3A = arith.constant 16 : i32
        %shift_left3A_510 = vector.broadcast %shift_left3A : i32 to vector<16xi32>
        %shift_left3A_511 = arith.shli %get3A_509, %shift_left3A_510 : vector<16xi32>
        %bitcast_convert_type3A = tpu.bitcast %shift_left3A_511 : vector<16xi32> -> vector<16xf32>
        %and3A = arith.constant -65536 : i32
        %and3A_512 = vector.broadcast %and3A : i32 to vector<16xi32>
        %and3A_513 = arith.andi %get3A_509, %and3A_512 : vector<16xi32>
        %bitcast_convert_type3A_514 = tpu.bitcast %and3A_513 : vector<16xi32> -> vector<16xf32>
        %get3A_515 = arith.index_cast %scan3A_504 : i32 to index
        %get3A_516 = arith.constant 0 : index
        %get3A_517 = tpu.vector_load %arg12[%get3A_515, %get3A_516] {strides = array<i32>} : memref<64x128xf32, #tpu.memory_space<vmem>>, vector<1x16xf32>,
        %get3A_518 = vector.shape_cast %get3A_517 : vector<1x16xf32> to vector<16xf32>
        %add3A_519 = arith.addf %bitcast_convert_type3A, %get3A_518 : vector<16xf32>
        %get3A_520 = arith.index_cast %scan3A_504 : i32 to index
        %get3A_521 = arith.constant 0 : index
        %get3A_522 = tpu.vector_load %arg13[%get3A_520, %get3A_521] {strides = array<i32>} : memref<64x128xf32, #tpu.memory_space<vmem>>, vector<1x16xf32>,
        %get3A_523 = vector.shape_cast %get3A_522 : vector<1x16xf32> to vector<16xf32>
        %add3A_524 = arith.addf %add3A_519, %get3A_523 : vector<16xf32>
        %max3A = arith.constant 0.000000e+00 : f32
        %max3A_525 = vector.broadcast %max3A : f32 to vector<16xf32>
        %max3A_526 = arith.maximumf %add3A_524, %max3A_525 : vector<16xf32>
        %swap3A = arith.index_cast %scan3A_504 : i32 to index
        %swap3A_527 = arith.constant 0 : index
        %swap3A_528 = tpu.vector_load %arg12[%swap3A, %swap3A_527] {strides = array<i32>} : memref<64x128xf32, #tpu.memory_space<vmem>>, vector<1x16xf32>,
        %swap3A_529 = vector.shape_cast %swap3A_528 : vector<1x16xf32> to vector<16xf32>
        %swap3A_530 = vector.shape_cast %max3A_526 : vector<16xf32> to vector<1x16xf32>
        tpu.vector_store %arg12[%swap3A, %swap3A_527], %swap3A_530 {strides = array<i32>} : memref<64x128xf32, #tpu.memory_space<vmem>>, vector<1x16xf32>,
        %get3A_531 = arith.index_cast %add3A_506 : i32 to index
        %get3A_532 = arith.constant 0 : index
        %get3A_533 = tpu.vector_load %arg12[%get3A_531, %get3A_532] {strides = array<i32>} : memref<64x128xf32, #tpu.memory_space<vmem>>, vector<1x16xf32>,
        %get3A_534 = vector.shape_cast %get3A_533 : vector<1x16xf32> to vector<16xf32>
        %add3A_535 = arith.addf %bitcast_convert_type3A_514, %get3A_534 : vector<16xf32>
        %get3A_536 = arith.index_cast %add3A_506 : i32 to index
        %get3A_537 = arith.constant 0 : index
        %get3A_538 = tpu.vector_load %arg13[%get3A_536, %get3A_537] {strides = array<i32>} : memref<64x128xf32, #tpu.memory_space<vmem>>, vector<1x16xf32>,
        %get3A_539 = vector.shape_cast %get3A_538 : vector<1x16xf32> to vector<16xf32>
        %add3A_540 = arith.addf %add3A_535, %get3A_539 : vector<16xf32>
        %max3A_541 = arith.constant 0.000000e+00 : f32
        %max3A_542 = vector.broadcast %max3A_541 : f32 to vector<16xf32>
        %max3A_543 = arith.maximumf %add3A_540, %max3A_542 : vector<16xf32>
        %swap3A_544 = arith.index_cast %add3A_506 : i32 to index
        %swap3A_545 = arith.constant 0 : index
        %swap3A_546 = tpu.vector_load %arg12[%swap3A_544, %swap3A_545] {strides = array<i32>} : memref<64x128xf32, #tpu.memory_space<vmem>>, vector<1x16xf32>,
        %swap3A_547 = vector.shape_cast %swap3A_546 : vector<1x16xf32> to vector<16xf32>
        %swap3A_548 = vector.shape_cast %max3A_543 : vector<16xf32> to vector<1x16xf32>
        tpu.vector_store %arg12[%swap3A_544, %swap3A_545], %swap3A_548 {strides = array<i32>} : memref<64x128xf32, #tpu.memory_space<vmem>>, vector<1x16xf32>,
        %get3A_549 = arith.index_cast %scan3A_504 : i32 to index
        %get3A_550 = arith.constant 16 : index
        %get3A_551 = tpu.vector_load %arg14[%get3A_549, %get3A_550] {strides = array<i32>} : memref<32x128xi32, #tpu.memory_space<vmem>>, vector<1x16xi32>,
        %get3A_552 = vector.shape_cast %get3A_551 : vector<1x16xi32> to vector<16xi32>
        %shift_left3A_553 = arith.constant 16 : i32
        %shift_left3A_554 = vector.broadcast %shift_left3A_553 : i32 to vector<16xi32>
        %shift_left3A_555 = arith.shli %get3A_552, %shift_left3A_554 : vector<16xi32>
        %bitcast_convert_type3A_556 = tpu.bitcast %shift_left3A_555 : vector<16xi32> -> vector<16xf32>
        %and3A_557 = arith.constant -65536 : i32
        %and3A_558 = vector.broadcast %and3A_557 : i32 to vector<16xi32>
        %and3A_559 = arith.andi %get3A_552, %and3A_558 : vector<16xi32>
        %bitcast_convert_type3A_560 = tpu.bitcast %and3A_559 : vector<16xi32> -> vector<16xf32>
        %get3A_561 = arith.index_cast %scan3A_504 : i32 to index
        %get3A_562 = arith.constant 16 : index
        %get3A_563 = tpu.vector_load %arg12[%get3A_561, %get3A_562] {strides = array<i32>} : memref<64x128xf32, #tpu.memory_space<vmem>>, vector<1x16xf32>,
        %get3A_564 = vector.shape_cast %get3A_563 : vector<1x16xf32> to vector<16xf32>
        %add3A_565 = arith.addf %bitcast_convert_type3A_556, %get3A_564 : vector<16xf32>
        %get3A_566 = arith.index_cast %scan3A_504 : i32 to index
        %get3A_567 = arith.constant 16 : index
        %get3A_568 = tpu.vector_load %arg13[%get3A_566, %get3A_567] {strides = array<i32>} : memref<64x128xf32, #tpu.memory_space<vmem>>, vector<1x16xf32>,
        %get3A_569 = vector.shape_cast %get3A_568 : vector<1x16xf32> to vector<16xf32>
        %add3A_570 = arith.addf %add3A_565, %get3A_569 : vector<16xf32>
        %max3A_571 = arith.constant 0.000000e+00 : f32
        %max3A_572 = vector.broadcast %max3A_571 : f32 to vector<16xf32>
        %max3A_573 = arith.maximumf %add3A_570, %max3A_572 : vector<16xf32>
        %swap3A_574 = arith.index_cast %scan3A_504 : i32 to index
        %swap3A_575 = arith.constant 16 : index
        %swap3A_576 = tpu.vector_load %arg12[%swap3A_574, %swap3A_575] {strides = array<i32>} : memref<64x128xf32, #tpu.memory_space<vmem>>, vector<1x16xf32>,
        %swap3A_577 = vector.shape_cast %swap3A_576 : vector<1x16xf32> to vector<16xf32>
        %swap3A_578 = vector.shape_cast %max3A_573 : vector<16xf32> to vector<1x16xf32>
        tpu.vector_store %arg12[%swap3A_574, %swap3A_575], %swap3A_578 {strides = array<i32>} : memref<64x128xf32, #tpu.memory_space<vmem>>, vector<1x16xf32>,
        %get3A_579 = arith.index_cast %add3A_506 : i32 to index
        %get3A_580 = arith.constant 16 : index
        %get3A_581 = tpu.vector_load %arg12[%get3A_579, %get3A_580] {strides = array<i32>} : memref<64x128xf32, #tpu.memory_space<vmem>>, vector<1x16xf32>,
        %get3A_582 = vector.shape_cast %get3A_581 : vector<1x16xf32> to vector<16xf32>
        %add3A_583 = arith.addf %bitcast_convert_type3A_560, %get3A_582 : vector<16xf32>
        %get3A_584 = arith.index_cast %add3A_506 : i32 to index
        %get3A_585 = arith.constant 16 : index
        %get3A_586 = tpu.vector_load %arg13[%get3A_584, %get3A_585] {strides = array<i32>} : memref<64x128xf32, #tpu.memory_space<vmem>>, vector<1x16xf32>,
        %get3A_587 = vector.shape_cast %get3A_586 : vector<1x16xf32> to vector<16xf32>
        %add3A_588 = arith.addf %add3A_583, %get3A_587 : vector<16xf32>
        %max3A_589 = arith.constant 0.000000e+00 : f32
        %max3A_590 = vector.broadcast %max3A_589 : f32 to vector<16xf32>
        %max3A_591 = arith.maximumf %add3A_588, %max3A_590 : vector<16xf32>
        %swap3A_592 = arith.index_cast %add3A_506 : i32 to index
        %swap3A_593 = arith.constant 16 : index
        %swap3A_594 = tpu.vector_load %arg12[%swap3A_592, %swap3A_593] {strides = array<i32>} : memref<64x128xf32, #tpu.memory_space<vmem>>, vector<1x16xf32>,
        %swap3A_595 = vector.shape_cast %swap3A_594 : vector<1x16xf32> to vector<16xf32>
        %swap3A_596 = vector.shape_cast %max3A_591 : vector<16xf32> to vector<1x16xf32>
        tpu.vector_store %arg12[%swap3A_592, %swap3A_593], %swap3A_596 {strides = array<i32>} : memref<64x128xf32, #tpu.memory_space<vmem>>, vector<1x16xf32>,
        %get3A_597 = arith.index_cast %scan3A_504 : i32 to index
        %get3A_598 = arith.constant 32 : index
        %get3A_599 = tpu.vector_load %arg14[%get3A_597, %get3A_598] {strides = array<i32>} : memref<32x128xi32, #tpu.memory_space<vmem>>, vector<1x16xi32>,
        %get3A_600 = vector.shape_cast %get3A_599 : vector<1x16xi32> to vector<16xi32>
        %shift_left3A_601 = arith.constant 16 : i32
        %shift_left3A_602 = vector.broadcast %shift_left3A_601 : i32 to vector<16xi32>
        %shift_left3A_603 = arith.shli %get3A_600, %shift_left3A_602 : vector<16xi32>
        %bitcast_convert_type3A_604 = tpu.bitcast %shift_left3A_603 : vector<16xi32> -> vector<16xf32>
        %and3A_605 = arith.constant -65536 : i32
        %and3A_606 = vector.broadcast %and3A_605 : i32 to vector<16xi32>
        %and3A_607 = arith.andi %get3A_600, %and3A_606 : vector<16xi32>
        %bitcast_convert_type3A_608 = tpu.bitcast %and3A_607 : vector<16xi32> -> vector<16xf32>
        %get3A_609 = arith.index_cast %scan3A_504 : i32 to index
        %get3A_610 = arith.constant 32 : index
        %get3A_611 = tpu.vector_load %arg12[%get3A_609, %get3A_610] {strides = array<i32>} : memref<64x128xf32, #tpu.memory_space<vmem>>, vector<1x16xf32>,
        %get3A_612 = vector.shape_cast %get3A_611 : vector<1x16xf32> to vector<16xf32>
        %add3A_613 = arith.addf %bitcast_convert_type3A_604, %get3A_612 : vector<16xf32>
        %get3A_614 = arith.index_cast %scan3A_504 : i32 to index
        %get3A_615 = arith.constant 32 : index
        %get3A_616 = tpu.vector_load %arg13[%get3A_614, %get3A_615] {strides = array<i32>} : memref<64x128xf32, #tpu.memory_space<vmem>>, vector<1x16xf32>,
        %get3A_617 = vector.shape_cast %get3A_616 : vector<1x16xf32> to vector<16xf32>
        %add3A_618 = arith.addf %add3A_613, %get3A_617 : vector<16xf32>
        %max3A_619 = arith.constant 0.000000e+00 : f32
        %max3A_620 = vector.broadcast %max3A_619 : f32 to vector<16xf32>
        %max3A_621 = arith.maximumf %add3A_618, %max3A_620 : vector<16xf32>
        %swap3A_622 = arith.index_cast %scan3A_504 : i32 to index
        %swap3A_623 = arith.constant 32 : index
        %swap3A_624 = tpu.vector_load %arg12[%swap3A_622, %swap3A_623] {strides = array<i32>} : memref<64x128xf32, #tpu.memory_space<vmem>>, vector<1x16xf32>,
        %swap3A_625 = vector.shape_cast %swap3A_624 : vector<1x16xf32> to vector<16xf32>
        %swap3A_626 = vector.shape_cast %max3A_621 : vector<16xf32> to vector<1x16xf32>
        tpu.vector_store %arg12[%swap3A_622, %swap3A_623], %swap3A_626 {strides = array<i32>} : memref<64x128xf32, #tpu.memory_space<vmem>>, vector<1x16xf32>,
        %get3A_627 = arith.index_cast %add3A_506 : i32 to index
        %get3A_628 = arith.constant 32 : index
        %get3A_629 = tpu.vector_load %arg12[%get3A_627, %get3A_628] {strides = array<i32>} : memref<64x128xf32, #tpu.memory_space<vmem>>, vector<1x16xf32>,
        %get3A_630 = vector.shape_cast %get3A_629 : vector<1x16xf32> to vector<16xf32>
        %add3A_631 = arith.addf %bitcast_convert_type3A_608, %get3A_630 : vector<16xf32>
        %get3A_632 = arith.index_cast %add3A_506 : i32 to index
        %get3A_633 = arith.constant 32 : index
        %get3A_634 = tpu.vector_load %arg13[%get3A_632, %get3A_633] {strides = array<i32>} : memref<64x128xf32, #tpu.memory_space<vmem>>, vector<1x16xf32>,
        %get3A_635 = vector.shape_cast %get3A_634 : vector<1x16xf32> to vector<16xf32>
        %add3A_636 = arith.addf %add3A_631, %get3A_635 : vector<16xf32>
        %max3A_637 = arith.constant 0.000000e+00 : f32
        %max3A_638 = vector.broadcast %max3A_637 : f32 to vector<16xf32>
        %max3A_639 = arith.maximumf %add3A_636, %max3A_638 : vector<16xf32>
        %swap3A_640 = arith.index_cast %add3A_506 : i32 to index
        %swap3A_641 = arith.constant 32 : index
        %swap3A_642 = tpu.vector_load %arg12[%swap3A_640, %swap3A_641] {strides = array<i32>} : memref<64x128xf32, #tpu.memory_space<vmem>>, vector<1x16xf32>,
        %swap3A_643 = vector.shape_cast %swap3A_642 : vector<1x16xf32> to vector<16xf32>
        %swap3A_644 = vector.shape_cast %max3A_639 : vector<16xf32> to vector<1x16xf32>
        tpu.vector_store %arg12[%swap3A_640, %swap3A_641], %swap3A_644 {strides = array<i32>} : memref<64x128xf32, #tpu.memory_space<vmem>>, vector<1x16xf32>,
        %get3A_645 = arith.index_cast %scan3A_504 : i32 to index
        %get3A_646 = arith.constant 48 : index
        %get3A_647 = tpu.vector_load %arg14[%get3A_645, %get3A_646] {strides = array<i32>} : memref<32x128xi32, #tpu.memory_space<vmem>>, vector<1x16xi32>,
        %get3A_648 = vector.shape_cast %get3A_647 : vector<1x16xi32> to vector<16xi32>
        %shift_left3A_649 = arith.constant 16 : i32
        %shift_left3A_650 = vector.broadcast %shift_left3A_649 : i32 to vector<16xi32>
        %shift_left3A_651 = arith.shli %get3A_648, %shift_left3A_650 : vector<16xi32>
        %bitcast_convert_type3A_652 = tpu.bitcast %shift_left3A_651 : vector<16xi32> -> vector<16xf32>
        %and3A_653 = arith.constant -65536 : i32
        %and3A_654 = vector.broadcast %and3A_653 : i32 to vector<16xi32>
        %and3A_655 = arith.andi %get3A_648, %and3A_654 : vector<16xi32>
        %bitcast_convert_type3A_656 = tpu.bitcast %and3A_655 : vector<16xi32> -> vector<16xf32>
        %get3A_657 = arith.index_cast %scan3A_504 : i32 to index
        %get3A_658 = arith.constant 48 : index
        %get3A_659 = tpu.vector_load %arg12[%get3A_657, %get3A_658] {strides = array<i32>} : memref<64x128xf32, #tpu.memory_space<vmem>>, vector<1x16xf32>,
        %get3A_660 = vector.shape_cast %get3A_659 : vector<1x16xf32> to vector<16xf32>
        %add3A_661 = arith.addf %bitcast_convert_type3A_652, %get3A_660 : vector<16xf32>
        %get3A_662 = arith.index_cast %scan3A_504 : i32 to index
        %get3A_663 = arith.constant 48 : index
        %get3A_664 = tpu.vector_load %arg13[%get3A_662, %get3A_663] {strides = array<i32>} : memref<64x128xf32, #tpu.memory_space<vmem>>, vector<1x16xf32>,
        %get3A_665 = vector.shape_cast %get3A_664 : vector<1x16xf32> to vector<16xf32>
        %add3A_666 = arith.addf %add3A_661, %get3A_665 : vector<16xf32>
        %max3A_667 = arith.constant 0.000000e+00 : f32
        %max3A_668 = vector.broadcast %max3A_667 : f32 to vector<16xf32>
        %max3A_669 = arith.maximumf %add3A_666, %max3A_668 : vector<16xf32>
        %swap3A_670 = arith.index_cast %scan3A_504 : i32 to index
        %swap3A_671 = arith.constant 48 : index
        %swap3A_672 = tpu.vector_load %arg12[%swap3A_670, %swap3A_671] {strides = array<i32>} : memref<64x128xf32, #tpu.memory_space<vmem>>, vector<1x16xf32>,
        %swap3A_673 = vector.shape_cast %swap3A_672 : vector<1x16xf32> to vector<16xf32>
        %swap3A_674 = vector.shape_cast %max3A_669 : vector<16xf32> to vector<1x16xf32>
        tpu.vector_store %arg12[%swap3A_670, %swap3A_671], %swap3A_674 {strides = array<i32>} : memref<64x128xf32, #tpu.memory_space<vmem>>, vector<1x16xf32>,
        %get3A_675 = arith.index_cast %add3A_506 : i32 to index
        %get3A_676 = arith.constant 48 : index
        %get3A_677 = tpu.vector_load %arg12[%get3A_675, %get3A_676] {strides = array<i32>} : memref<64x128xf32, #tpu.memory_space<vmem>>, vector<1x16xf32>,
        %get3A_678 = vector.shape_cast %get3A_677 : vector<1x16xf32> to vector<16xf32>
        %add3A_679 = arith.addf %bitcast_convert_type3A_656, %get3A_678 : vector<16xf32>
        %get3A_680 = arith.index_cast %add3A_506 : i32 to index
        %get3A_681 = arith.constant 48 : index
        %get3A_682 = tpu.vector_load %arg13[%get3A_680, %get3A_681] {strides = array<i32>} : memref<64x128xf32, #tpu.memory_space<vmem>>, vector<1x16xf32>,
        %get3A_683 = vector.shape_cast %get3A_682 : vector<1x16xf32> to vector<16xf32>
        %add3A_684 = arith.addf %add3A_679, %get3A_683 : vector<16xf32>
        %max3A_685 = arith.constant 0.000000e+00 : f32
        %max3A_686 = vector.broadcast %max3A_685 : f32 to vector<16xf32>
        %max3A_687 = arith.maximumf %add3A_684, %max3A_686 : vector<16xf32>
        %swap3A_688 = arith.index_cast %add3A_506 : i32 to index
        %swap3A_689 = arith.constant 48 : index
        %swap3A_690 = tpu.vector_load %arg12[%swap3A_688, %swap3A_689] {strides = array<i32>} : memref<64x128xf32, #tpu.memory_space<vmem>>, vector<1x16xf32>,
        %swap3A_691 = vector.shape_cast %swap3A_690 : vector<1x16xf32> to vector<16xf32>
        %swap3A_692 = vector.shape_cast %max3A_687 : vector<16xf32> to vector<1x16xf32>
        tpu.vector_store %arg12[%swap3A_688, %swap3A_689], %swap3A_692 {strides = array<i32>} : memref<64x128xf32, #tpu.memory_space<vmem>>, vector<1x16xf32>,
        %get3A_693 = arith.index_cast %scan3A_504 : i32 to index
        %get3A_694 = arith.constant 64 : index
        %get3A_695 = tpu.vector_load %arg14[%get3A_693, %get3A_694] {strides = array<i32>} : memref<32x128xi32, #tpu.memory_space<vmem>>, vector<1x16xi32>,
        %get3A_696 = vector.shape_cast %get3A_695 : vector<1x16xi32> to vector<16xi32>
        %shift_left3A_697 = arith.constant 16 : i32
        %shift_left3A_698 = vector.broadcast %shift_left3A_697 : i32 to vector<16xi32>
        %shift_left3A_699 = arith.shli %get3A_696, %shift_left3A_698 : vector<16xi32>
        %bitcast_convert_type3A_700 = tpu.bitcast %shift_left3A_699 : vector<16xi32> -> vector<16xf32>
        %and3A_701 = arith.constant -65536 : i32
        %and3A_702 = vector.broadcast %and3A_701 : i32 to vector<16xi32>
        %and3A_703 = arith.andi %get3A_696, %and3A_702 : vector<16xi32>
        %bitcast_convert_type3A_704 = tpu.bitcast %and3A_703 : vector<16xi32> -> vector<16xf32>
        %get3A_705 = arith.index_cast %scan3A_504 : i32 to index
        %get3A_706 = arith.constant 64 : index
        %get3A_707 = tpu.vector_load %arg12[%get3A_705, %get3A_706] {strides = array<i32>} : memref<64x128xf32, #tpu.memory_space<vmem>>, vector<1x16xf32>,
        %get3A_708 = vector.shape_cast %get3A_707 : vector<1x16xf32> to vector<16xf32>
        %add3A_709 = arith.addf %bitcast_convert_type3A_700, %get3A_708 : vector<16xf32>
        %get3A_710 = arith.index_cast %scan3A_504 : i32 to index
        %get3A_711 = arith.constant 64 : index
        %get3A_712 = tpu.vector_load %arg13[%get3A_710, %get3A_711] {strides = array<i32>} : memref<64x128xf32, #tpu.memory_space<vmem>>, vector<1x16xf32>,
        %get3A_713 = vector.shape_cast %get3A_712 : vector<1x16xf32> to vector<16xf32>
        %add3A_714 = arith.addf %add3A_709, %get3A_713 : vector<16xf32>
        %max3A_715 = arith.constant 0.000000e+00 : f32
        %max3A_716 = vector.broadcast %max3A_715 : f32 to vector<16xf32>
        %max3A_717 = arith.maximumf %add3A_714, %max3A_716 : vector<16xf32>
        %swap3A_718 = arith.index_cast %scan3A_504 : i32 to index
        %swap3A_719 = arith.constant 64 : index
        %swap3A_720 = tpu.vector_load %arg12[%swap3A_718, %swap3A_719] {strides = array<i32>} : memref<64x128xf32, #tpu.memory_space<vmem>>, vector<1x16xf32>,
        %swap3A_721 = vector.shape_cast %swap3A_720 : vector<1x16xf32> to vector<16xf32>
        %swap3A_722 = vector.shape_cast %max3A_717 : vector<16xf32> to vector<1x16xf32>
        tpu.vector_store %arg12[%swap3A_718, %swap3A_719], %swap3A_722 {strides = array<i32>} : memref<64x128xf32, #tpu.memory_space<vmem>>, vector<1x16xf32>,
        %get3A_723 = arith.index_cast %add3A_506 : i32 to index
        %get3A_724 = arith.constant 64 : index
        %get3A_725 = tpu.vector_load %arg12[%get3A_723, %get3A_724] {strides = array<i32>} : memref<64x128xf32, #tpu.memory_space<vmem>>, vector<1x16xf32>,
        %get3A_726 = vector.shape_cast %get3A_725 : vector<1x16xf32> to vector<16xf32>
        %add3A_727 = arith.addf %bitcast_convert_type3A_704, %get3A_726 : vector<16xf32>
        %get3A_728 = arith.index_cast %add3A_506 : i32 to index
        %get3A_729 = arith.constant 64 : index
        %get3A_730 = tpu.vector_load %arg13[%get3A_728, %get3A_729] {strides = array<i32>} : memref<64x128xf32, #tpu.memory_space<vmem>>, vector<1x16xf32>,
        %get3A_731 = vector.shape_cast %get3A_730 : vector<1x16xf32> to vector<16xf32>
        %add3A_732 = arith.addf %add3A_727, %get3A_731 : vector<16xf32>
        %max3A_733 = arith.constant 0.000000e+00 : f32
        %max3A_734 = vector.broadcast %max3A_733 : f32 to vector<16xf32>
        %max3A_735 = arith.maximumf %add3A_732, %max3A_734 : vector<16xf32>
        %swap3A_736 = arith.index_cast %add3A_506 : i32 to index
        %swap3A_737 = arith.constant 64 : index
        %swap3A_738 = tpu.vector_load %arg12[%swap3A_736, %swap3A_737] {strides = array<i32>} : memref<64x128xf32, #tpu.memory_space<vmem>>, vector<1x16xf32>,
        %swap3A_739 = vector.shape_cast %swap3A_738 : vector<1x16xf32> to vector<16xf32>
        %swap3A_740 = vector.shape_cast %max3A_735 : vector<16xf32> to vector<1x16xf32>
        tpu.vector_store %arg12[%swap3A_736, %swap3A_737], %swap3A_740 {strides = array<i32>} : memref<64x128xf32, #tpu.memory_space<vmem>>, vector<1x16xf32>,
        %get3A_741 = arith.index_cast %scan3A_504 : i32 to index
        %get3A_742 = arith.constant 80 : index
        %get3A_743 = tpu.vector_load %arg14[%get3A_741, %get3A_742] {strides = array<i32>} : memref<32x128xi32, #tpu.memory_space<vmem>>, vector<1x16xi32>,
        %get3A_744 = vector.shape_cast %get3A_743 : vector<1x16xi32> to vector<16xi32>
        %shift_left3A_745 = arith.constant 16 : i32
        %shift_left3A_746 = vector.broadcast %shift_left3A_745 : i32 to vector<16xi32>
        %shift_left3A_747 = arith.shli %get3A_744, %shift_left3A_746 : vector<16xi32>
        %bitcast_convert_type3A_748 = tpu.bitcast %shift_left3A_747 : vector<16xi32> -> vector<16xf32>
        %and3A_749 = arith.constant -65536 : i32
        %and3A_750 = vector.broadcast %and3A_749 : i32 to vector<16xi32>
        %and3A_751 = arith.andi %get3A_744, %and3A_750 : vector<16xi32>
        %bitcast_convert_type3A_752 = tpu.bitcast %and3A_751 : vector<16xi32> -> vector<16xf32>
        %get3A_753 = arith.index_cast %scan3A_504 : i32 to index
        %get3A_754 = arith.constant 80 : index
        %get3A_755 = tpu.vector_load %arg12[%get3A_753, %get3A_754] {strides = array<i32>} : memref<64x128xf32, #tpu.memory_space<vmem>>, vector<1x16xf32>,
        %get3A_756 = vector.shape_cast %get3A_755 : vector<1x16xf32> to vector<16xf32>
        %add3A_757 = arith.addf %bitcast_convert_type3A_748, %get3A_756 : vector<16xf32>
        %get3A_758 = arith.index_cast %scan3A_504 : i32 to index
        %get3A_759 = arith.constant 80 : index
        %get3A_760 = tpu.vector_load %arg13[%get3A_758, %get3A_759] {strides = array<i32>} : memref<64x128xf32, #tpu.memory_space<vmem>>, vector<1x16xf32>,
        %get3A_761 = vector.shape_cast %get3A_760 : vector<1x16xf32> to vector<16xf32>
        %add3A_762 = arith.addf %add3A_757, %get3A_761 : vector<16xf32>
        %max3A_763 = arith.constant 0.000000e+00 : f32
        %max3A_764 = vector.broadcast %max3A_763 : f32 to vector<16xf32>
        %max3A_765 = arith.maximumf %add3A_762, %max3A_764 : vector<16xf32>
        %swap3A_766 = arith.index_cast %scan3A_504 : i32 to index
        %swap3A_767 = arith.constant 80 : index
        %swap3A_768 = tpu.vector_load %arg12[%swap3A_766, %swap3A_767] {strides = array<i32>} : memref<64x128xf32, #tpu.memory_space<vmem>>, vector<1x16xf32>,
        %swap3A_769 = vector.shape_cast %swap3A_768 : vector<1x16xf32> to vector<16xf32>
        %swap3A_770 = vector.shape_cast %max3A_765 : vector<16xf32> to vector<1x16xf32>
        tpu.vector_store %arg12[%swap3A_766, %swap3A_767], %swap3A_770 {strides = array<i32>} : memref<64x128xf32, #tpu.memory_space<vmem>>, vector<1x16xf32>,
        %get3A_771 = arith.index_cast %add3A_506 : i32 to index
        %get3A_772 = arith.constant 80 : index
        %get3A_773 = tpu.vector_load %arg12[%get3A_771, %get3A_772] {strides = array<i32>} : memref<64x128xf32, #tpu.memory_space<vmem>>, vector<1x16xf32>,
        %get3A_774 = vector.shape_cast %get3A_773 : vector<1x16xf32> to vector<16xf32>
        %add3A_775 = arith.addf %bitcast_convert_type3A_752, %get3A_774 : vector<16xf32>
        %get3A_776 = arith.index_cast %add3A_506 : i32 to index
        %get3A_777 = arith.constant 80 : index
        %get3A_778 = tpu.vector_load %arg13[%get3A_776, %get3A_777] {strides = array<i32>} : memref<64x128xf32, #tpu.memory_space<vmem>>, vector<1x16xf32>,
        %get3A_779 = vector.shape_cast %get3A_778 : vector<1x16xf32> to vector<16xf32>
        %add3A_780 = arith.addf %add3A_775, %get3A_779 : vector<16xf32>
        %max3A_781 = arith.constant 0.000000e+00 : f32
        %max3A_782 = vector.broadcast %max3A_781 : f32 to vector<16xf32>
        %max3A_783 = arith.maximumf %add3A_780, %max3A_782 : vector<16xf32>
        %swap3A_784 = arith.index_cast %add3A_506 : i32 to index
        %swap3A_785 = arith.constant 80 : index
        %swap3A_786 = tpu.vector_load %arg12[%swap3A_784, %swap3A_785] {strides = array<i32>} : memref<64x128xf32, #tpu.memory_space<vmem>>, vector<1x16xf32>,
        %swap3A_787 = vector.shape_cast %swap3A_786 : vector<1x16xf32> to vector<16xf32>
        %swap3A_788 = vector.shape_cast %max3A_783 : vector<16xf32> to vector<1x16xf32>
        tpu.vector_store %arg12[%swap3A_784, %swap3A_785], %swap3A_788 {strides = array<i32>} : memref<64x128xf32, #tpu.memory_space<vmem>>, vector<1x16xf32>,
        %get3A_789 = arith.index_cast %scan3A_504 : i32 to index
        %get3A_790 = arith.constant 96 : index
        %get3A_791 = tpu.vector_load %arg14[%get3A_789, %get3A_790] {strides = array<i32>} : memref<32x128xi32, #tpu.memory_space<vmem>>, vector<1x16xi32>,
        %get3A_792 = vector.shape_cast %get3A_791 : vector<1x16xi32> to vector<16xi32>
        %shift_left3A_793 = arith.constant 16 : i32
        %shift_left3A_794 = vector.broadcast %shift_left3A_793 : i32 to vector<16xi32>
        %shift_left3A_795 = arith.shli %get3A_792, %shift_left3A_794 : vector<16xi32>
        %bitcast_convert_type3A_796 = tpu.bitcast %shift_left3A_795 : vector<16xi32> -> vector<16xf32>
        %and3A_797 = arith.constant -65536 : i32
        %and3A_798 = vector.broadcast %and3A_797 : i32 to vector<16xi32>
        %and3A_799 = arith.andi %get3A_792, %and3A_798 : vector<16xi32>
        %bitcast_convert_type3A_800 = tpu.bitcast %and3A_799 : vector<16xi32> -> vector<16xf32>
        %get3A_801 = arith.index_cast %scan3A_504 : i32 to index
        %get3A_802 = arith.constant 96 : index
        %get3A_803 = tpu.vector_load %arg12[%get3A_801, %get3A_802] {strides = array<i32>} : memref<64x128xf32, #tpu.memory_space<vmem>>, vector<1x16xf32>,
        %get3A_804 = vector.shape_cast %get3A_803 : vector<1x16xf32> to vector<16xf32>
        %add3A_805 = arith.addf %bitcast_convert_type3A_796, %get3A_804 : vector<16xf32>
        %get3A_806 = arith.index_cast %scan3A_504 : i32 to index
        %get3A_807 = arith.constant 96 : index
        %get3A_808 = tpu.vector_load %arg13[%get3A_806, %get3A_807] {strides = array<i32>} : memref<64x128xf32, #tpu.memory_space<vmem>>, vector<1x16xf32>,
        %get3A_809 = vector.shape_cast %get3A_808 : vector<1x16xf32> to vector<16xf32>
        %add3A_810 = arith.addf %add3A_805, %get3A_809 : vector<16xf32>
        %max3A_811 = arith.constant 0.000000e+00 : f32
        %max3A_812 = vector.broadcast %max3A_811 : f32 to vector<16xf32>
        %max3A_813 = arith.maximumf %add3A_810, %max3A_812 : vector<16xf32>
        %swap3A_814 = arith.index_cast %scan3A_504 : i32 to index
        %swap3A_815 = arith.constant 96 : index
        %swap3A_816 = tpu.vector_load %arg12[%swap3A_814, %swap3A_815] {strides = array<i32>} : memref<64x128xf32, #tpu.memory_space<vmem>>, vector<1x16xf32>,
        %swap3A_817 = vector.shape_cast %swap3A_816 : vector<1x16xf32> to vector<16xf32>
        %swap3A_818 = vector.shape_cast %max3A_813 : vector<16xf32> to vector<1x16xf32>
        tpu.vector_store %arg12[%swap3A_814, %swap3A_815], %swap3A_818 {strides = array<i32>} : memref<64x128xf32, #tpu.memory_space<vmem>>, vector<1x16xf32>,
        %get3A_819 = arith.index_cast %add3A_506 : i32 to index
        %get3A_820 = arith.constant 96 : index
        %get3A_821 = tpu.vector_load %arg12[%get3A_819, %get3A_820] {strides = array<i32>} : memref<64x128xf32, #tpu.memory_space<vmem>>, vector<1x16xf32>,
        %get3A_822 = vector.shape_cast %get3A_821 : vector<1x16xf32> to vector<16xf32>
        %add3A_823 = arith.addf %bitcast_convert_type3A_800, %get3A_822 : vector<16xf32>
        %get3A_824 = arith.index_cast %add3A_506 : i32 to index
        %get3A_825 = arith.constant 96 : index
        %get3A_826 = tpu.vector_load %arg13[%get3A_824, %get3A_825] {strides = array<i32>} : memref<64x128xf32, #tpu.memory_space<vmem>>, vector<1x16xf32>,
        %get3A_827 = vector.shape_cast %get3A_826 : vector<1x16xf32> to vector<16xf32>
        %add3A_828 = arith.addf %add3A_823, %get3A_827 : vector<16xf32>
        %max3A_829 = arith.constant 0.000000e+00 : f32
        %max3A_830 = vector.broadcast %max3A_829 : f32 to vector<16xf32>
        %max3A_831 = arith.maximumf %add3A_828, %max3A_830 : vector<16xf32>
        %swap3A_832 = arith.index_cast %add3A_506 : i32 to index
        %swap3A_833 = arith.constant 96 : index
        %swap3A_834 = tpu.vector_load %arg12[%swap3A_832, %swap3A_833] {strides = array<i32>} : memref<64x128xf32, #tpu.memory_space<vmem>>, vector<1x16xf32>,
        %swap3A_835 = vector.shape_cast %swap3A_834 : vector<1x16xf32> to vector<16xf32>
        %swap3A_836 = vector.shape_cast %max3A_831 : vector<16xf32> to vector<1x16xf32>
        tpu.vector_store %arg12[%swap3A_832, %swap3A_833], %swap3A_836 {strides = array<i32>} : memref<64x128xf32, #tpu.memory_space<vmem>>, vector<1x16xf32>,
        %get3A_837 = arith.index_cast %scan3A_504 : i32 to index
        %get3A_838 = arith.constant 112 : index
        %get3A_839 = tpu.vector_load %arg14[%get3A_837, %get3A_838] {strides = array<i32>} : memref<32x128xi32, #tpu.memory_space<vmem>>, vector<1x16xi32>,
        %get3A_840 = vector.shape_cast %get3A_839 : vector<1x16xi32> to vector<16xi32>
        %shift_left3A_841 = arith.constant 16 : i32
        %shift_left3A_842 = vector.broadcast %shift_left3A_841 : i32 to vector<16xi32>
        %shift_left3A_843 = arith.shli %get3A_840, %shift_left3A_842 : vector<16xi32>
        %bitcast_convert_type3A_844 = tpu.bitcast %shift_left3A_843 : vector<16xi32> -> vector<16xf32>
        %and3A_845 = arith.constant -65536 : i32
        %and3A_846 = vector.broadcast %and3A_845 : i32 to vector<16xi32>
        %and3A_847 = arith.andi %get3A_840, %and3A_846 : vector<16xi32>
        %bitcast_convert_type3A_848 = tpu.bitcast %and3A_847 : vector<16xi32> -> vector<16xf32>
        %get3A_849 = arith.index_cast %scan3A_504 : i32 to index
        %get3A_850 = arith.constant 112 : index
        %get3A_851 = tpu.vector_load %arg12[%get3A_849, %get3A_850] {strides = array<i32>} : memref<64x128xf32, #tpu.memory_space<vmem>>, vector<1x16xf32>,
        %get3A_852 = vector.shape_cast %get3A_851 : vector<1x16xf32> to vector<16xf32>
        %add3A_853 = arith.addf %bitcast_convert_type3A_844, %get3A_852 : vector<16xf32>
        %get3A_854 = arith.index_cast %scan3A_504 : i32 to index
        %get3A_855 = arith.constant 112 : index
        %get3A_856 = tpu.vector_load %arg13[%get3A_854, %get3A_855] {strides = array<i32>} : memref<64x128xf32, #tpu.memory_space<vmem>>, vector<1x16xf32>,
        %get3A_857 = vector.shape_cast %get3A_856 : vector<1x16xf32> to vector<16xf32>
        %add3A_858 = arith.addf %add3A_853, %get3A_857 : vector<16xf32>
        %max3A_859 = arith.constant 0.000000e+00 : f32
        %max3A_860 = vector.broadcast %max3A_859 : f32 to vector<16xf32>
        %max3A_861 = arith.maximumf %add3A_858, %max3A_860 : vector<16xf32>
        %swap3A_862 = arith.index_cast %scan3A_504 : i32 to index
        %swap3A_863 = arith.constant 112 : index
        %swap3A_864 = tpu.vector_load %arg12[%swap3A_862, %swap3A_863] {strides = array<i32>} : memref<64x128xf32, #tpu.memory_space<vmem>>, vector<1x16xf32>,
        %swap3A_865 = vector.shape_cast %swap3A_864 : vector<1x16xf32> to vector<16xf32>
        %swap3A_866 = vector.shape_cast %max3A_861 : vector<16xf32> to vector<1x16xf32>
        tpu.vector_store %arg12[%swap3A_862, %swap3A_863], %swap3A_866 {strides = array<i32>} : memref<64x128xf32, #tpu.memory_space<vmem>>, vector<1x16xf32>,
        %get3A_867 = arith.index_cast %add3A_506 : i32 to index
        %get3A_868 = arith.constant 112 : index
        %get3A_869 = tpu.vector_load %arg12[%get3A_867, %get3A_868] {strides = array<i32>} : memref<64x128xf32, #tpu.memory_space<vmem>>, vector<1x16xf32>,
        %get3A_870 = vector.shape_cast %get3A_869 : vector<1x16xf32> to vector<16xf32>
        %add3A_871 = arith.addf %bitcast_convert_type3A_848, %get3A_870 : vector<16xf32>
        %get3A_872 = arith.index_cast %add3A_506 : i32 to index
        %get3A_873 = arith.constant 112 : index
        %get3A_874 = tpu.vector_load %arg13[%get3A_872, %get3A_873] {strides = array<i32>} : memref<64x128xf32, #tpu.memory_space<vmem>>, vector<1x16xf32>,
        %get3A_875 = vector.shape_cast %get3A_874 : vector<1x16xf32> to vector<16xf32>
        %add3A_876 = arith.addf %add3A_871, %get3A_875 : vector<16xf32>
        %max3A_877 = arith.constant 0.000000e+00 : f32
        %max3A_878 = vector.broadcast %max3A_877 : f32 to vector<16xf32>
        %max3A_879 = arith.maximumf %add3A_876, %max3A_878 : vector<16xf32>
        %swap3A_880 = arith.index_cast %add3A_506 : i32 to index
        %swap3A_881 = arith.constant 112 : index
        %swap3A_882 = tpu.vector_load %arg12[%swap3A_880, %swap3A_881] {strides = array<i32>} : memref<64x128xf32, #tpu.memory_space<vmem>>, vector<1x16xf32>,
        %swap3A_883 = vector.shape_cast %swap3A_882 : vector<1x16xf32> to vector<16xf32>
        %swap3A_884 = vector.shape_cast %max3A_879 : vector<16xf32> to vector<1x16xf32>
        tpu.vector_store %arg12[%swap3A_880, %swap3A_881], %swap3A_884 {strides = array<i32>} : memref<64x128xf32, #tpu.memory_space<vmem>>, vector<1x16xf32>,
      }
      %scan3A_457 = arith.constant 32 : i32
      %dma_wait3A_458 = arith.constant 0 : i32
      %dma_wait3A_459 = tpu.memref_slice %arg11[%dma_wait3A_458] : memref<64xi32, #tpu.memory_space<vmem>> -> memref<32xi32, #tpu.memory_space<vmem>>
      %dma_wait3A_460 = arith.constant 0 : i32
      %dma_wait3A_461 = tpu.memref_slice %arg3[%dma_wait3A_460] : memref<320000xi32, #tpu.memory_space<hbm>> -> memref<32xi32, #tpu.memory_space<hbm>>
      %dma_wait3A_462 = arith.constant 0 : i32
      %dma_wait3A_463 = tpu.memref_slice %arg11[%dma_wait3A_462] : memref<64xi32, #tpu.memory_space<vmem>> -> memref<32xi32, #tpu.memory_space<vmem>>
      %dma_wait3A_464 = arith.constant 0 : i32
      %dma_wait3A_465 = tpu.memref_slice %arg3[%dma_wait3A_464] : memref<320000xi32, #tpu.memory_space<hbm>> -> memref<32xi32, #tpu.memory_space<hbm>>
      tpu.wait_dma2 semaphore(%arg22 : memref<!tpu.dma_semaphore, #tpu.memory_space<semaphore_mem>>) src(%dma_wait3A_465 : memref<32xi32, #tpu.memory_space<hbm>>) dst(%dma_wait3A_463 : memref<32xi32, #tpu.memory_space<vmem>>)
      %dma_wait3A_466 = arith.constant 32 : i32
      %dma_wait3A_467 = tpu.memref_slice %arg11[%dma_wait3A_466] : memref<64xi32, #tpu.memory_space<vmem>> -> memref<32xi32, #tpu.memory_space<vmem>>
      %dma_wait3A_468 = arith.constant 0 : i32
      %dma_wait3A_469 = tpu.memref_slice %arg3[%dma_wait3A_468] : memref<320000xi32, #tpu.memory_space<hbm>> -> memref<32xi32, #tpu.memory_space<hbm>>
      %dma_wait3A_470 = arith.constant 32 : i32
      %dma_wait3A_471 = tpu.memref_slice %arg11[%dma_wait3A_470] : memref<64xi32, #tpu.memory_space<vmem>> -> memref<32xi32, #tpu.memory_space<vmem>>
      %dma_wait3A_472 = arith.constant 0 : i32
      %dma_wait3A_473 = tpu.memref_slice %arg3[%dma_wait3A_472] : memref<320000xi32, #tpu.memory_space<hbm>> -> memref<32xi32, #tpu.memory_space<hbm>>
      tpu.wait_dma2 semaphore(%arg22 : memref<!tpu.dma_semaphore, #tpu.memory_space<semaphore_mem>>) src(%dma_wait3A_473 : memref<32xi32, #tpu.memory_space<hbm>>) dst(%dma_wait3A_471 : memref<32xi32, #tpu.memory_space<vmem>>)
      %mul3A_474 = arith.constant 32 : i32
      %mul3A_475 = arith.muli %add3A_421, %mul3A_474 : i32
      %add3A_476 = arith.addi %mul3A_475, %add3A : i32
      %mul3A_477 = arith.constant 32 : i32
      %mul3A_478 = arith.muli %add3A_476, %mul3A_477 : i32
      %dma_start3A_479 = arith.constant 0 : i32
      %dma_start3A_480 = arith.constant 0 : i32
      %dma_start3A_481 = tpu.memref_slice %arg12[%dma_start3A_479, %dma_start3A_480] : memref<64x128xf32, #tpu.memory_space<vmem>> -> memref<32x128xf32, #tpu.memory_space<vmem>>
      %dma_start3A_482 = arith.constant 0 : i32
      %dma_start3A_483 = tpu.memref_slice %arg8[%mul3A_478, %dma_start3A_482] : memref<320000x128xf32, #tpu.memory_space<hbm>> -> memref<32x128xf32, #tpu.memory_space<hbm>>
      %dma_start3A_484 = arith.constant 0 : i32
      %dma_start3A_485 = tpu.memref_slice %arg8[%mul3A_478, %dma_start3A_484] : memref<320000x128xf32, #tpu.memory_space<hbm>> -> memref<32x128xf32, #tpu.memory_space<hbm>>
      %dma_start3A_486 = arith.constant 0 : i32
      %dma_start3A_487 = arith.constant 0 : i32
      %dma_start3A_488 = tpu.memref_slice %arg12[%dma_start3A_486, %dma_start3A_487] : memref<64x128xf32, #tpu.memory_space<vmem>> -> memref<32x128xf32, #tpu.memory_space<vmem>>
      tpu.enqueue_dma source(%dma_start3A_488 : memref<32x128xf32, #tpu.memory_space<vmem>>) target(%dma_start3A_485 : memref<32x128xf32, #tpu.memory_space<hbm>>) target_semaphore(%arg26 : memref<!tpu.dma_semaphore, #tpu.memory_space<semaphore_mem>>)
      %add3A_489 = arith.constant 160000 : i32
      %add3A_490 = arith.addi %add3A_489, %mul3A_478 : i32
      %dma_start3A_491 = arith.constant 32 : i32
      %dma_start3A_492 = arith.constant 0 : i32
      %dma_start3A_493 = tpu.memref_slice %arg12[%dma_start3A_491, %dma_start3A_492] : memref<64x128xf32, #tpu.memory_space<vmem>> -> memref<32x128xf32, #tpu.memory_space<vmem>>
      %dma_start3A_494 = arith.constant 0 : i32
      %dma_start3A_495 = tpu.memref_slice %arg8[%add3A_490, %dma_start3A_494] : memref<320000x128xf32, #tpu.memory_space<hbm>> -> memref<32x128xf32, #tpu.memory_space<hbm>>
      %dma_start3A_496 = arith.constant 0 : i32
      %dma_start3A_497 = tpu.memref_slice %arg8[%add3A_490, %dma_start3A_496] : memref<320000x128xf32, #tpu.memory_space<hbm>> -> memref<32x128xf32, #tpu.memory_space<hbm>>
      %dma_start3A_498 = arith.constant 32 : i32
      %dma_start3A_499 = arith.constant 0 : i32
      %dma_start3A_500 = tpu.memref_slice %arg12[%dma_start3A_498, %dma_start3A_499] : memref<64x128xf32, #tpu.memory_space<vmem>> -> memref<32x128xf32, #tpu.memory_space<vmem>>
      tpu.enqueue_dma source(%dma_start3A_500 : memref<32x128xf32, #tpu.memory_space<vmem>>) target(%dma_start3A_497 : memref<32x128xf32, #tpu.memory_space<hbm>>) target_semaphore(%arg26 : memref<!tpu.dma_semaphore, #tpu.memory_space<semaphore_mem>>)
      %dma_start3A_501 = arith.constant 0 : i32
      %dma_start3A_502 = arith.constant 0 : i32
      %dma_start3A_503 = tpu.memref_slice %arg20[%dma_start3A_501, %dma_start3A_502] : memref<10112x128xf32, #tpu.memory_space<vmem_shared>> -> memref<10112x128xf32, #tpu.memory_space<vmem_shared>>
      tpu.enqueue_indirect_dma source(%arg12 : memref<64x128xf32, #tpu.memory_space<vmem>>) target(%dma_start3A_503 : memref<10112x128xf32, #tpu.memory_space<vmem_shared>>) offsets(%arg11 : memref<64xi32, #tpu.memory_space<vmem>>) semaphore(%arg27 : memref<!tpu.dma_semaphore, #tpu.memory_space<semaphore_mem>>) {add = true}
    }
    %scan3A_219 = arith.constant 77 : i32
    %gt3A_220 = arith.constant 156 : i32
    %gt3A_221 = arith.cmpi sgt, %add3A_3, %gt3A_220 : i32
    %convert_element_type3A_222 = arith.extui %gt3A_221 : i1 to i32
    %cond3A_223 = arith.constant 0 : i32
    %cond3A_224 = arith.cmpi ne, %convert_element_type3A_222, %cond3A_223 : i32
    scf.if %cond3A_224 {
      %dma_wait3A_333 = arith.constant 0 : i32
      %dma_wait3A_334 = arith.constant 0 : i32
      %dma_wait3A_335 = tpu.memref_slice %arg5[%dma_wait3A_333, %dma_wait3A_334] : memref<10000x128xf32, #tpu.memory_space<hbm>> -> memref<64x128xf32, #tpu.memory_space<hbm>>
      %dma_wait3A_336 = arith.constant 0 : i32
      %dma_wait3A_337 = arith.constant 0 : i32
      %dma_wait3A_338 = tpu.memref_slice %arg5[%dma_wait3A_336, %dma_wait3A_337] : memref<10000x128xf32, #tpu.memory_space<hbm>> -> memref<64x128xf32, #tpu.memory_space<hbm>>
      tpu.wait_dma2 semaphore(%arg26 : memref<!tpu.dma_semaphore, #tpu.memory_space<semaphore_mem>>) src(%dma_wait3A_338 : memref<64x128xf32, #tpu.memory_space<hbm>>) dst(%arg12 : memref<64x128xf32, #tpu.memory_space<vmem>>)
      %dma_wait3A_339 = arith.constant 0 : i32
      %dma_wait3A_340 = arith.constant 0 : i32
      %dma_wait3A_341 = tpu.memref_slice %arg5[%dma_wait3A_339, %dma_wait3A_340] : memref<10000x128xf32, #tpu.memory_space<hbm>> -> memref<64x128xf32, #tpu.memory_space<hbm>>
      %dma_wait3A_342 = arith.constant 0 : i32
      %dma_wait3A_343 = arith.constant 0 : i32
      %dma_wait3A_344 = tpu.memref_slice %arg5[%dma_wait3A_342, %dma_wait3A_343] : memref<10000x128xf32, #tpu.memory_space<hbm>> -> memref<64x128xf32, #tpu.memory_space<hbm>>
      tpu.wait_dma2 semaphore(%arg27 : memref<!tpu.dma_semaphore, #tpu.memory_space<semaphore_mem>>) src(%dma_wait3A_344 : memref<64x128xf32, #tpu.memory_space<hbm>>) dst(%arg12 : memref<64x128xf32, #tpu.memory_space<vmem>>)
      %add3A_345 = arith.constant 4992 : i32
      %add3A_346 = arith.addi %add3A_345, %add3A : i32
      %mul3A_347 = arith.constant 32 : i32
      %mul3A_348 = arith.muli %add3A_346, %mul3A_347 : i32
      %dma_start3A_349 = arith.constant 0 : i32
      %dma_start3A_350 = tpu.memref_slice %arg11[%dma_start3A_349] : memref<64xi32, #tpu.memory_space<vmem>> -> memref<32xi32, #tpu.memory_space<vmem>>
      %dma_start3A_351 = tpu.memref_slice %arg3[%mul3A_348] : memref<320000xi32, #tpu.memory_space<hbm>> -> memref<32xi32, #tpu.memory_space<hbm>>
      %dma_start3A_352 = arith.constant 0 : i32
      %dma_start3A_353 = tpu.memref_slice %arg11[%dma_start3A_352] : memref<64xi32, #tpu.memory_space<vmem>> -> memref<32xi32, #tpu.memory_space<vmem>>
      %dma_start3A_354 = tpu.memref_slice %arg3[%mul3A_348] : memref<320000xi32, #tpu.memory_space<hbm>> -> memref<32xi32, #tpu.memory_space<hbm>>
      tpu.enqueue_dma source(%dma_start3A_354 : memref<32xi32, #tpu.memory_space<hbm>>) target(%dma_start3A_353 : memref<32xi32, #tpu.memory_space<vmem>>) target_semaphore(%arg22 : memref<!tpu.dma_semaphore, #tpu.memory_space<semaphore_mem>>)
      %add3A_355 = arith.constant 160000 : i32
      %add3A_356 = arith.addi %add3A_355, %mul3A_348 : i32
      %dma_start3A_357 = arith.constant 32 : i32
      %dma_start3A_358 = tpu.memref_slice %arg11[%dma_start3A_357] : memref<64xi32, #tpu.memory_space<vmem>> -> memref<32xi32, #tpu.memory_space<vmem>>
      %dma_start3A_359 = tpu.memref_slice %arg3[%add3A_356] : memref<320000xi32, #tpu.memory_space<hbm>> -> memref<32xi32, #tpu.memory_space<hbm>>
      %dma_start3A_360 = arith.constant 32 : i32
      %dma_start3A_361 = tpu.memref_slice %arg11[%dma_start3A_360] : memref<64xi32, #tpu.memory_space<vmem>> -> memref<32xi32, #tpu.memory_space<vmem>>
      %dma_start3A_362 = tpu.memref_slice %arg3[%add3A_356] : memref<320000xi32, #tpu.memory_space<hbm>> -> memref<32xi32, #tpu.memory_space<hbm>>
      tpu.enqueue_dma source(%dma_start3A_362 : memref<32xi32, #tpu.memory_space<hbm>>) target(%dma_start3A_361 : memref<32xi32, #tpu.memory_space<vmem>>) target_semaphore(%arg22 : memref<!tpu.dma_semaphore, #tpu.memory_space<semaphore_mem>>)
      %dma_wait3A_363 = arith.constant 0 : i32
      %dma_wait3A_364 = tpu.memref_slice %arg10[%dma_wait3A_363] : memref<128xi32, #tpu.memory_space<vmem>> -> memref<32xi32, #tpu.memory_space<vmem>>
      %dma_wait3A_365 = arith.constant 0 : i32
      %dma_wait3A_366 = tpu.memref_slice %arg3[%dma_wait3A_365] : memref<320000xi32, #tpu.memory_space<hbm>> -> memref<32xi32, #tpu.memory_space<hbm>>
      %dma_wait3A_367 = arith.constant 0 : i32
      %dma_wait3A_368 = tpu.memref_slice %arg10[%dma_wait3A_367] : memref<128xi32, #tpu.memory_space<vmem>> -> memref<32xi32, #tpu.memory_space<vmem>>
      %dma_wait3A_369 = arith.constant 0 : i32
      %dma_wait3A_370 = tpu.memref_slice %arg3[%dma_wait3A_369] : memref<320000xi32, #tpu.memory_space<hbm>> -> memref<32xi32, #tpu.memory_space<hbm>>
      tpu.wait_dma2 semaphore(%arg21 : memref<!tpu.dma_semaphore, #tpu.memory_space<semaphore_mem>>) src(%dma_wait3A_370 : memref<32xi32, #tpu.memory_space<hbm>>) dst(%dma_wait3A_368 : memref<32xi32, #tpu.memory_space<vmem>>)
      %dma_wait3A_371 = arith.constant 32 : i32
      %dma_wait3A_372 = tpu.memref_slice %arg10[%dma_wait3A_371] : memref<128xi32, #tpu.memory_space<vmem>> -> memref<32xi32, #tpu.memory_space<vmem>>
      %dma_wait3A_373 = arith.constant 0 : i32
      %dma_wait3A_374 = tpu.memref_slice %arg3[%dma_wait3A_373] : memref<320000xi32, #tpu.memory_space<hbm>> -> memref<32xi32, #tpu.memory_space<hbm>>
      %dma_wait3A_375 = arith.constant 32 : i32
      %dma_wait3A_376 = tpu.memref_slice %arg10[%dma_wait3A_375] : memref<128xi32, #tpu.memory_space<vmem>> -> memref<32xi32, #tpu.memory_space<vmem>>
      %dma_wait3A_377 = arith.constant 0 : i32
      %dma_wait3A_378 = tpu.memref_slice %arg3[%dma_wait3A_377] : memref<320000xi32, #tpu.memory_space<hbm>> -> memref<32xi32, #tpu.memory_space<hbm>>
      tpu.wait_dma2 semaphore(%arg21 : memref<!tpu.dma_semaphore, #tpu.memory_space<semaphore_mem>>) src(%dma_wait3A_378 : memref<32xi32, #tpu.memory_space<hbm>>) dst(%dma_wait3A_376 : memref<32xi32, #tpu.memory_space<vmem>>)
      %dma_wait3A_379 = arith.constant 64 : i32
      %dma_wait3A_380 = tpu.memref_slice %arg10[%dma_wait3A_379] : memref<128xi32, #tpu.memory_space<vmem>> -> memref<32xi32, #tpu.memory_space<vmem>>
      %dma_wait3A_381 = arith.constant 0 : i32
      %dma_wait3A_382 = tpu.memref_slice %arg3[%dma_wait3A_381] : memref<320000xi32, #tpu.memory_space<hbm>> -> memref<32xi32, #tpu.memory_space<hbm>>
      %dma_wait3A_383 = arith.constant 64 : i32
      %dma_wait3A_384 = tpu.memref_slice %arg10[%dma_wait3A_383] : memref<128xi32, #tpu.memory_space<vmem>> -> memref<32xi32, #tpu.memory_space<vmem>>
      %dma_wait3A_385 = arith.constant 0 : i32
      %dma_wait3A_386 = tpu.memref_slice %arg3[%dma_wait3A_385] : memref<320000xi32, #tpu.memory_space<hbm>> -> memref<32xi32, #tpu.memory_space<hbm>>
      tpu.wait_dma2 semaphore(%arg21 : memref<!tpu.dma_semaphore, #tpu.memory_space<semaphore_mem>>) src(%dma_wait3A_386 : memref<32xi32, #tpu.memory_space<hbm>>) dst(%dma_wait3A_384 : memref<32xi32, #tpu.memory_space<vmem>>)
      %dma_wait3A_387 = arith.constant 96 : i32
      %dma_wait3A_388 = tpu.memref_slice %arg10[%dma_wait3A_387] : memref<128xi32, #tpu.memory_space<vmem>> -> memref<32xi32, #tpu.memory_space<vmem>>
      %dma_wait3A_389 = arith.constant 0 : i32
      %dma_wait3A_390 = tpu.memref_slice %arg3[%dma_wait3A_389] : memref<320000xi32, #tpu.memory_space<hbm>> -> memref<32xi32, #tpu.memory_space<hbm>>
      %dma_wait3A_391 = arith.constant 96 : i32
      %dma_wait3A_392 = tpu.memref_slice %arg10[%dma_wait3A_391] : memref<128xi32, #tpu.memory_space<vmem>> -> memref<32xi32, #tpu.memory_space<vmem>>
      %dma_wait3A_393 = arith.constant 0 : i32
      %dma_wait3A_394 = tpu.memref_slice %arg3[%dma_wait3A_393] : memref<320000xi32, #tpu.memory_space<hbm>> -> memref<32xi32, #tpu.memory_space<hbm>>
      tpu.wait_dma2 semaphore(%arg21 : memref<!tpu.dma_semaphore, #tpu.memory_space<semaphore_mem>>) src(%dma_wait3A_394 : memref<32xi32, #tpu.memory_space<hbm>>) dst(%dma_wait3A_392 : memref<32xi32, #tpu.memory_space<vmem>>)
      %dma_start3A_395 = arith.constant 0 : i32
      %dma_start3A_396 = tpu.memref_slice %arg10[%dma_start3A_395] : memref<128xi32, #tpu.memory_space<vmem>> -> memref<64xi32, #tpu.memory_space<vmem>>
      %dma_start3A_397 = arith.constant 0 : i32
      %dma_start3A_398 = arith.constant 0 : i32
      %dma_start3A_399 = tpu.memref_slice %arg5[%dma_start3A_397, %dma_start3A_398] : memref<10000x128xf32, #tpu.memory_space<hbm>> -> memref<10000x128xf32, #tpu.memory_space<hbm>>
      tpu.enqueue_indirect_dma source(%dma_start3A_399 : memref<10000x128xf32, #tpu.memory_space<hbm>>) target(%arg12 : memref<64x128xf32, #tpu.memory_space<vmem>>) offsets(%dma_start3A_396 : memref<64xi32, #tpu.memory_space<vmem>>) semaphore(%arg23 : memref<!tpu.dma_semaphore, #tpu.memory_space<semaphore_mem>>)
      %dma_start3A_400 = arith.constant 64 : i32
      %dma_start3A_401 = tpu.memref_slice %arg10[%dma_start3A_400] : memref<128xi32, #tpu.memory_space<vmem>> -> memref<64xi32, #tpu.memory_space<vmem>>
      %dma_start3A_402 = arith.constant 0 : i32
      %dma_start3A_403 = arith.constant 0 : i32
      %dma_start3A_404 = tpu.memref_slice %arg6[%dma_start3A_402, %dma_start3A_403] : memref<10000x128xf32, #tpu.memory_space<hbm>> -> memref<10000x128xf32, #tpu.memory_space<hbm>>
      tpu.enqueue_indirect_dma source(%dma_start3A_404 : memref<10000x128xf32, #tpu.memory_space<hbm>>) target(%arg13 : memref<64x128xf32, #tpu.memory_space<vmem>>) offsets(%dma_start3A_401 : memref<64xi32, #tpu.memory_space<vmem>>) semaphore(%arg24 : memref<!tpu.dma_semaphore, #tpu.memory_space<semaphore_mem>>)
      %add3A_405 = arith.constant 4992 : i32
      %add3A_406 = arith.addi %add3A_405, %add3A : i32
      %mul3A_407 = arith.constant 32 : i32
      %mul3A_408 = arith.muli %add3A_406, %mul3A_407 : i32
      %dma_start3A_409 = arith.constant 0 : i32
      %dma_start3A_410 = tpu.memref_slice %arg2[%mul3A_408, %dma_start3A_409] : memref<160000x128xi32, #tpu.memory_space<hbm>> -> memref<32x128xi32, #tpu.memory_space<hbm>>
      %dma_start3A_411 = arith.constant 0 : i32
      %dma_start3A_412 = tpu.memref_slice %arg2[%mul3A_408, %dma_start3A_411] : memref<160000x128xi32, #tpu.memory_space<hbm>> -> memref<32x128xi32, #tpu.memory_space<hbm>>
      tpu.enqueue_dma source(%dma_start3A_412 : memref<32x128xi32, #tpu.memory_space<hbm>>) target(%arg14 : memref<32x128xi32, #tpu.memory_space<vmem>>) target_semaphore(%arg25 : memref<!tpu.dma_semaphore, #tpu.memory_space<semaphore_mem>>)
    } else {
    }
    %dma_wait3A_225 = arith.constant 0 : i32
    %dma_wait3A_226 = arith.constant 0 : i32
    %dma_wait3A_227 = tpu.memref_slice %arg5[%dma_wait3A_225, %dma_wait3A_226] : memref<10000x128xf32, #tpu.memory_space<hbm>> -> memref<64x128xf32, #tpu.memory_space<hbm>>
    %dma_wait3A_228 = arith.constant 0 : i32
    %dma_wait3A_229 = arith.constant 0 : i32
    %dma_wait3A_230 = tpu.memref_slice %arg5[%dma_wait3A_228, %dma_wait3A_229] : memref<10000x128xf32, #tpu.memory_space<hbm>> -> memref<64x128xf32, #tpu.memory_space<hbm>>
    tpu.wait_dma2 semaphore(%arg30 : memref<!tpu.dma_semaphore, #tpu.memory_space<semaphore_mem>>) src(%dma_wait3A_230 : memref<64x128xf32, #tpu.memory_space<hbm>>) dst(%arg17 : memref<64x128xf32, #tpu.memory_space<vmem>>)
    %dma_wait3A_231 = arith.constant 0 : i32
    %dma_wait3A_232 = arith.constant 0 : i32
    %dma_wait3A_233 = tpu.memref_slice %arg5[%dma_wait3A_231, %dma_wait3A_232] : memref<10000x128xf32, #tpu.memory_space<hbm>> -> memref<64x128xf32, #tpu.memory_space<hbm>>
    %dma_wait3A_234 = arith.constant 0 : i32
    %dma_wait3A_235 = arith.constant 0 : i32
    %dma_wait3A_236 = tpu.memref_slice %arg5[%dma_wait3A_234, %dma_wait3A_235] : memref<10000x128xf32, #tpu.memory_space<hbm>> -> memref<64x128xf32, #tpu.memory_space<hbm>>
    tpu.wait_dma2 semaphore(%arg31 : memref<!tpu.dma_semaphore, #tpu.memory_space<semaphore_mem>>) src(%dma_wait3A_236 : memref<64x128xf32, #tpu.memory_space<hbm>>) dst(%arg18 : memref<64x128xf32, #tpu.memory_space<vmem>>)
    %dma_wait3A_237 = arith.constant 0 : i32
    %dma_wait3A_238 = arith.constant 0 : i32
    %dma_wait3A_239 = tpu.memref_slice %arg2[%dma_wait3A_237, %dma_wait3A_238] : memref<160000x128xi32, #tpu.memory_space<hbm>> -> memref<32x128xi32, #tpu.memory_space<hbm>>
    %dma_wait3A_240 = arith.constant 0 : i32
    %dma_wait3A_241 = arith.constant 0 : i32
    %dma_wait3A_242 = tpu.memref_slice %arg2[%dma_wait3A_240, %dma_wait3A_241] : memref<160000x128xi32, #tpu.memory_space<hbm>> -> memref<32x128xi32, #tpu.memory_space<hbm>>
    tpu.wait_dma2 semaphore(%arg32 : memref<!tpu.dma_semaphore, #tpu.memory_space<semaphore_mem>>) src(%dma_wait3A_242 : memref<32x128xi32, #tpu.memory_space<hbm>>) dst(%arg19 : memref<32x128xi32, #tpu.memory_space<vmem>>)
    %gt3A_243 = arith.constant 157 : i32
    %gt3A_244 = arith.cmpi sgt, %add3A_3, %gt3A_243 : i32
    %convert_element_type3A_245 = arith.extui %gt3A_244 : i1 to i32
    %cond3A_246 = arith.constant 0 : i32
    %cond3A_247 = arith.cmpi ne, %convert_element_type3A_245, %cond3A_246 : i32
    scf.if %cond3A_247 {
      %add3A_333 = arith.constant 5024 : i32
      %add3A_334 = arith.addi %add3A_333, %add3A : i32
      %mul3A_335 = arith.constant 32 : i32
      %mul3A_336 = arith.muli %add3A_334, %mul3A_335 : i32
      %dma_start3A_337 = arith.constant 0 : i32
      %dma_start3A_338 = tpu.memref_slice %arg15[%dma_start3A_337] : memref<128xi32, #tpu.memory_space<vmem>> -> memref<32xi32, #tpu.memory_space<vmem>>
      %dma_start3A_339 = tpu.memref_slice %arg3[%mul3A_336] : memref<320000xi32, #tpu.memory_space<hbm>> -> memref<32xi32, #tpu.memory_space<hbm>>
      %dma_start3A_340 = arith.constant 0 : i32
      %dma_start3A_341 = tpu.memref_slice %arg15[%dma_start3A_340] : memref<128xi32, #tpu.memory_space<vmem>> -> memref<32xi32, #tpu.memory_space<vmem>>
      %dma_start3A_342 = tpu.memref_slice %arg3[%mul3A_336] : memref<320000xi32, #tpu.memory_space<hbm>> -> memref<32xi32, #tpu.memory_space<hbm>>
      tpu.enqueue_dma source(%dma_start3A_342 : memref<32xi32, #tpu.memory_space<hbm>>) target(%dma_start3A_341 : memref<32xi32, #tpu.memory_space<vmem>>) target_semaphore(%arg28 : memref<!tpu.dma_semaphore, #tpu.memory_space<semaphore_mem>>)
      %add3A_343 = arith.constant 160000 : i32
      %add3A_344 = arith.addi %add3A_343, %mul3A_336 : i32
      %dma_start3A_345 = arith.constant 32 : i32
      %dma_start3A_346 = tpu.memref_slice %arg15[%dma_start3A_345] : memref<128xi32, #tpu.memory_space<vmem>> -> memref<32xi32, #tpu.memory_space<vmem>>
      %dma_start3A_347 = tpu.memref_slice %arg3[%add3A_344] : memref<320000xi32, #tpu.memory_space<hbm>> -> memref<32xi32, #tpu.memory_space<hbm>>
      %dma_start3A_348 = arith.constant 32 : i32
      %dma_start3A_349 = tpu.memref_slice %arg15[%dma_start3A_348] : memref<128xi32, #tpu.memory_space<vmem>> -> memref<32xi32, #tpu.memory_space<vmem>>
      %dma_start3A_350 = tpu.memref_slice %arg3[%add3A_344] : memref<320000xi32, #tpu.memory_space<hbm>> -> memref<32xi32, #tpu.memory_space<hbm>>
      tpu.enqueue_dma source(%dma_start3A_350 : memref<32xi32, #tpu.memory_space<hbm>>) target(%dma_start3A_349 : memref<32xi32, #tpu.memory_space<vmem>>) target_semaphore(%arg28 : memref<!tpu.dma_semaphore, #tpu.memory_space<semaphore_mem>>)
      %dma_start3A_351 = arith.constant 64 : i32
      %dma_start3A_352 = tpu.memref_slice %arg15[%dma_start3A_351] : memref<128xi32, #tpu.memory_space<vmem>> -> memref<32xi32, #tpu.memory_space<vmem>>
      %dma_start3A_353 = tpu.memref_slice %arg4[%mul3A_336] : memref<320000xi32, #tpu.memory_space<hbm>> -> memref<32xi32, #tpu.memory_space<hbm>>
      %dma_start3A_354 = arith.constant 64 : i32
      %dma_start3A_355 = tpu.memref_slice %arg15[%dma_start3A_354] : memref<128xi32, #tpu.memory_space<vmem>> -> memref<32xi32, #tpu.memory_space<vmem>>
      %dma_start3A_356 = tpu.memref_slice %arg4[%mul3A_336] : memref<320000xi32, #tpu.memory_space<hbm>> -> memref<32xi32, #tpu.memory_space<hbm>>
      tpu.enqueue_dma source(%dma_start3A_356 : memref<32xi32, #tpu.memory_space<hbm>>) target(%dma_start3A_355 : memref<32xi32, #tpu.memory_space<vmem>>) target_semaphore(%arg28 : memref<!tpu.dma_semaphore, #tpu.memory_space<semaphore_mem>>)
      %add3A_357 = arith.constant 160000 : i32
      %add3A_358 = arith.addi %add3A_357, %mul3A_336 : i32
      %dma_start3A_359 = arith.constant 96 : i32
      %dma_start3A_360 = tpu.memref_slice %arg15[%dma_start3A_359] : memref<128xi32, #tpu.memory_space<vmem>> -> memref<32xi32, #tpu.memory_space<vmem>>
      %dma_start3A_361 = tpu.memref_slice %arg4[%add3A_358] : memref<320000xi32, #tpu.memory_space<hbm>> -> memref<32xi32, #tpu.memory_space<hbm>>
      %dma_start3A_362 = arith.constant 96 : i32
      %dma_start3A_363 = tpu.memref_slice %arg15[%dma_start3A_362] : memref<128xi32, #tpu.memory_space<vmem>> -> memref<32xi32, #tpu.memory_space<vmem>>
      %dma_start3A_364 = tpu.memref_slice %arg4[%add3A_358] : memref<320000xi32, #tpu.memory_space<hbm>> -> memref<32xi32, #tpu.memory_space<hbm>>
      tpu.enqueue_dma source(%dma_start3A_364 : memref<32xi32, #tpu.memory_space<hbm>>) target(%dma_start3A_363 : memref<32xi32, #tpu.memory_space<vmem>>) target_semaphore(%arg28 : memref<!tpu.dma_semaphore, #tpu.memory_space<semaphore_mem>>)
    } else {
    }
    %scan3A_248 = arith.constant 0 : i32
    %scan3A_249 = arith.constant 0 : i32
    %scan3A_250 = arith.constant 32 : i32
    %scan3A_251 = arith.addi %scan3A_249, %scan3A_250 : i32
    %scan3A_252 = arith.constant 1 : i32
    scf.for %scan3A_333 = %scan3A_249 to %scan3A_251 step %scan3A_252  : i32 {
      %add3A_334 = arith.constant 32 : i32
      %add3A_335 = arith.addi %scan3A_333, %add3A_334 : i32
      %get3A = arith.index_cast %scan3A_333 : i32 to index
      %get3A_336 = arith.constant 0 : index
      %get3A_337 = tpu.vector_load %arg19[%get3A, %get3A_336] {strides = array<i32>} : memref<32x128xi32, #tpu.memory_space<vmem>>, vector<1x16xi32>,
      %get3A_338 = vector.shape_cast %get3A_337 : vector<1x16xi32> to vector<16xi32>
      %shift_left3A = arith.constant 16 : i32
      %shift_left3A_339 = vector.broadcast %shift_left3A : i32 to vector<16xi32>
      %shift_left3A_340 = arith.shli %get3A_338, %shift_left3A_339 : vector<16xi32>
      %bitcast_convert_type3A = tpu.bitcast %shift_left3A_340 : vector<16xi32> -> vector<16xf32>
      %and3A = arith.constant -65536 : i32
      %and3A_341 = vector.broadcast %and3A : i32 to vector<16xi32>
      %and3A_342 = arith.andi %get3A_338, %and3A_341 : vector<16xi32>
      %bitcast_convert_type3A_343 = tpu.bitcast %and3A_342 : vector<16xi32> -> vector<16xf32>
      %get3A_344 = arith.index_cast %scan3A_333 : i32 to index
      %get3A_345 = arith.constant 0 : index
      %get3A_346 = tpu.vector_load %arg17[%get3A_344, %get3A_345] {strides = array<i32>} : memref<64x128xf32, #tpu.memory_space<vmem>>, vector<1x16xf32>,
      %get3A_347 = vector.shape_cast %get3A_346 : vector<1x16xf32> to vector<16xf32>
      %add3A_348 = arith.addf %bitcast_convert_type3A, %get3A_347 : vector<16xf32>
      %get3A_349 = arith.index_cast %scan3A_333 : i32 to index
      %get3A_350 = arith.constant 0 : index
      %get3A_351 = tpu.vector_load %arg18[%get3A_349, %get3A_350] {strides = array<i32>} : memref<64x128xf32, #tpu.memory_space<vmem>>, vector<1x16xf32>,
      %get3A_352 = vector.shape_cast %get3A_351 : vector<1x16xf32> to vector<16xf32>
      %add3A_353 = arith.addf %add3A_348, %get3A_352 : vector<16xf32>
      %max3A = arith.constant 0.000000e+00 : f32
      %max3A_354 = vector.broadcast %max3A : f32 to vector<16xf32>
      %max3A_355 = arith.maximumf %add3A_353, %max3A_354 : vector<16xf32>
      %swap3A = arith.index_cast %scan3A_333 : i32 to index
      %swap3A_356 = arith.constant 0 : index
      %swap3A_357 = tpu.vector_load %arg17[%swap3A, %swap3A_356] {strides = array<i32>} : memref<64x128xf32, #tpu.memory_space<vmem>>, vector<1x16xf32>,
      %swap3A_358 = vector.shape_cast %swap3A_357 : vector<1x16xf32> to vector<16xf32>
      %swap3A_359 = vector.shape_cast %max3A_355 : vector<16xf32> to vector<1x16xf32>
      tpu.vector_store %arg17[%swap3A, %swap3A_356], %swap3A_359 {strides = array<i32>} : memref<64x128xf32, #tpu.memory_space<vmem>>, vector<1x16xf32>,
      %get3A_360 = arith.index_cast %add3A_335 : i32 to index
      %get3A_361 = arith.constant 0 : index
      %get3A_362 = tpu.vector_load %arg17[%get3A_360, %get3A_361] {strides = array<i32>} : memref<64x128xf32, #tpu.memory_space<vmem>>, vector<1x16xf32>,
      %get3A_363 = vector.shape_cast %get3A_362 : vector<1x16xf32> to vector<16xf32>
      %add3A_364 = arith.addf %bitcast_convert_type3A_343, %get3A_363 : vector<16xf32>
      %get3A_365 = arith.index_cast %add3A_335 : i32 to index
      %get3A_366 = arith.constant 0 : index
      %get3A_367 = tpu.vector_load %arg18[%get3A_365, %get3A_366] {strides = array<i32>} : memref<64x128xf32, #tpu.memory_space<vmem>>, vector<1x16xf32>,
      %get3A_368 = vector.shape_cast %get3A_367 : vector<1x16xf32> to vector<16xf32>
      %add3A_369 = arith.addf %add3A_364, %get3A_368 : vector<16xf32>
      %max3A_370 = arith.constant 0.000000e+00 : f32
      %max3A_371 = vector.broadcast %max3A_370 : f32 to vector<16xf32>
      %max3A_372 = arith.maximumf %add3A_369, %max3A_371 : vector<16xf32>
      %swap3A_373 = arith.index_cast %add3A_335 : i32 to index
      %swap3A_374 = arith.constant 0 : index
      %swap3A_375 = tpu.vector_load %arg17[%swap3A_373, %swap3A_374] {strides = array<i32>} : memref<64x128xf32, #tpu.memory_space<vmem>>, vector<1x16xf32>,
      %swap3A_376 = vector.shape_cast %swap3A_375 : vector<1x16xf32> to vector<16xf32>
      %swap3A_377 = vector.shape_cast %max3A_372 : vector<16xf32> to vector<1x16xf32>
      tpu.vector_store %arg17[%swap3A_373, %swap3A_374], %swap3A_377 {strides = array<i32>} : memref<64x128xf32, #tpu.memory_space<vmem>>, vector<1x16xf32>,
      %get3A_378 = arith.index_cast %scan3A_333 : i32 to index
      %get3A_379 = arith.constant 16 : index
      %get3A_380 = tpu.vector_load %arg19[%get3A_378, %get3A_379] {strides = array<i32>} : memref<32x128xi32, #tpu.memory_space<vmem>>, vector<1x16xi32>,
      %get3A_381 = vector.shape_cast %get3A_380 : vector<1x16xi32> to vector<16xi32>
      %shift_left3A_382 = arith.constant 16 : i32
      %shift_left3A_383 = vector.broadcast %shift_left3A_382 : i32 to vector<16xi32>
      %shift_left3A_384 = arith.shli %get3A_381, %shift_left3A_383 : vector<16xi32>
      %bitcast_convert_type3A_385 = tpu.bitcast %shift_left3A_384 : vector<16xi32> -> vector<16xf32>
      %and3A_386 = arith.constant -65536 : i32
      %and3A_387 = vector.broadcast %and3A_386 : i32 to vector<16xi32>
      %and3A_388 = arith.andi %get3A_381, %and3A_387 : vector<16xi32>
      %bitcast_convert_type3A_389 = tpu.bitcast %and3A_388 : vector<16xi32> -> vector<16xf32>
      %get3A_390 = arith.index_cast %scan3A_333 : i32 to index
      %get3A_391 = arith.constant 16 : index
      %get3A_392 = tpu.vector_load %arg17[%get3A_390, %get3A_391] {strides = array<i32>} : memref<64x128xf32, #tpu.memory_space<vmem>>, vector<1x16xf32>,
      %get3A_393 = vector.shape_cast %get3A_392 : vector<1x16xf32> to vector<16xf32>
      %add3A_394 = arith.addf %bitcast_convert_type3A_385, %get3A_393 : vector<16xf32>
      %get3A_395 = arith.index_cast %scan3A_333 : i32 to index
      %get3A_396 = arith.constant 16 : index
      %get3A_397 = tpu.vector_load %arg18[%get3A_395, %get3A_396] {strides = array<i32>} : memref<64x128xf32, #tpu.memory_space<vmem>>, vector<1x16xf32>,
      %get3A_398 = vector.shape_cast %get3A_397 : vector<1x16xf32> to vector<16xf32>
      %add3A_399 = arith.addf %add3A_394, %get3A_398 : vector<16xf32>
      %max3A_400 = arith.constant 0.000000e+00 : f32
      %max3A_401 = vector.broadcast %max3A_400 : f32 to vector<16xf32>
      %max3A_402 = arith.maximumf %add3A_399, %max3A_401 : vector<16xf32>
      %swap3A_403 = arith.index_cast %scan3A_333 : i32 to index
      %swap3A_404 = arith.constant 16 : index
      %swap3A_405 = tpu.vector_load %arg17[%swap3A_403, %swap3A_404] {strides = array<i32>} : memref<64x128xf32, #tpu.memory_space<vmem>>, vector<1x16xf32>,
      %swap3A_406 = vector.shape_cast %swap3A_405 : vector<1x16xf32> to vector<16xf32>
      %swap3A_407 = vector.shape_cast %max3A_402 : vector<16xf32> to vector<1x16xf32>
      tpu.vector_store %arg17[%swap3A_403, %swap3A_404], %swap3A_407 {strides = array<i32>} : memref<64x128xf32, #tpu.memory_space<vmem>>, vector<1x16xf32>,
      %get3A_408 = arith.index_cast %add3A_335 : i32 to index
      %get3A_409 = arith.constant 16 : index
      %get3A_410 = tpu.vector_load %arg17[%get3A_408, %get3A_409] {strides = array<i32>} : memref<64x128xf32, #tpu.memory_space<vmem>>, vector<1x16xf32>,
      %get3A_411 = vector.shape_cast %get3A_410 : vector<1x16xf32> to vector<16xf32>
      %add3A_412 = arith.addf %bitcast_convert_type3A_389, %get3A_411 : vector<16xf32>
      %get3A_413 = arith.index_cast %add3A_335 : i32 to index
      %get3A_414 = arith.constant 16 : index
      %get3A_415 = tpu.vector_load %arg18[%get3A_413, %get3A_414] {strides = array<i32>} : memref<64x128xf32, #tpu.memory_space<vmem>>, vector<1x16xf32>,
      %get3A_416 = vector.shape_cast %get3A_415 : vector<1x16xf32> to vector<16xf32>
      %add3A_417 = arith.addf %add3A_412, %get3A_416 : vector<16xf32>
      %max3A_418 = arith.constant 0.000000e+00 : f32
      %max3A_419 = vector.broadcast %max3A_418 : f32 to vector<16xf32>
      %max3A_420 = arith.maximumf %add3A_417, %max3A_419 : vector<16xf32>
      %swap3A_421 = arith.index_cast %add3A_335 : i32 to index
      %swap3A_422 = arith.constant 16 : index
      %swap3A_423 = tpu.vector_load %arg17[%swap3A_421, %swap3A_422] {strides = array<i32>} : memref<64x128xf32, #tpu.memory_space<vmem>>, vector<1x16xf32>,
      %swap3A_424 = vector.shape_cast %swap3A_423 : vector<1x16xf32> to vector<16xf32>
      %swap3A_425 = vector.shape_cast %max3A_420 : vector<16xf32> to vector<1x16xf32>
      tpu.vector_store %arg17[%swap3A_421, %swap3A_422], %swap3A_425 {strides = array<i32>} : memref<64x128xf32, #tpu.memory_space<vmem>>, vector<1x16xf32>,
      %get3A_426 = arith.index_cast %scan3A_333 : i32 to index
      %get3A_427 = arith.constant 32 : index
      %get3A_428 = tpu.vector_load %arg19[%get3A_426, %get3A_427] {strides = array<i32>} : memref<32x128xi32, #tpu.memory_space<vmem>>, vector<1x16xi32>,
      %get3A_429 = vector.shape_cast %get3A_428 : vector<1x16xi32> to vector<16xi32>
      %shift_left3A_430 = arith.constant 16 : i32
      %shift_left3A_431 = vector.broadcast %shift_left3A_430 : i32 to vector<16xi32>
      %shift_left3A_432 = arith.shli %get3A_429, %shift_left3A_431 : vector<16xi32>
      %bitcast_convert_type3A_433 = tpu.bitcast %shift_left3A_432 : vector<16xi32> -> vector<16xf32>
      %and3A_434 = arith.constant -65536 : i32
      %and3A_435 = vector.broadcast %and3A_434 : i32 to vector<16xi32>
      %and3A_436 = arith.andi %get3A_429, %and3A_435 : vector<16xi32>
      %bitcast_convert_type3A_437 = tpu.bitcast %and3A_436 : vector<16xi32> -> vector<16xf32>
      %get3A_438 = arith.index_cast %scan3A_333 : i32 to index
      %get3A_439 = arith.constant 32 : index
      %get3A_440 = tpu.vector_load %arg17[%get3A_438, %get3A_439] {strides = array<i32>} : memref<64x128xf32, #tpu.memory_space<vmem>>, vector<1x16xf32>,
      %get3A_441 = vector.shape_cast %get3A_440 : vector<1x16xf32> to vector<16xf32>
      %add3A_442 = arith.addf %bitcast_convert_type3A_433, %get3A_441 : vector<16xf32>
      %get3A_443 = arith.index_cast %scan3A_333 : i32 to index
      %get3A_444 = arith.constant 32 : index
      %get3A_445 = tpu.vector_load %arg18[%get3A_443, %get3A_444] {strides = array<i32>} : memref<64x128xf32, #tpu.memory_space<vmem>>, vector<1x16xf32>,
      %get3A_446 = vector.shape_cast %get3A_445 : vector<1x16xf32> to vector<16xf32>
      %add3A_447 = arith.addf %add3A_442, %get3A_446 : vector<16xf32>
      %max3A_448 = arith.constant 0.000000e+00 : f32
      %max3A_449 = vector.broadcast %max3A_448 : f32 to vector<16xf32>
      %max3A_450 = arith.maximumf %add3A_447, %max3A_449 : vector<16xf32>
      %swap3A_451 = arith.index_cast %scan3A_333 : i32 to index
      %swap3A_452 = arith.constant 32 : index
      %swap3A_453 = tpu.vector_load %arg17[%swap3A_451, %swap3A_452] {strides = array<i32>} : memref<64x128xf32, #tpu.memory_space<vmem>>, vector<1x16xf32>,
      %swap3A_454 = vector.shape_cast %swap3A_453 : vector<1x16xf32> to vector<16xf32>
      %swap3A_455 = vector.shape_cast %max3A_450 : vector<16xf32> to vector<1x16xf32>
      tpu.vector_store %arg17[%swap3A_451, %swap3A_452], %swap3A_455 {strides = array<i32>} : memref<64x128xf32, #tpu.memory_space<vmem>>, vector<1x16xf32>,
      %get3A_456 = arith.index_cast %add3A_335 : i32 to index
      %get3A_457 = arith.constant 32 : index
      %get3A_458 = tpu.vector_load %arg17[%get3A_456, %get3A_457] {strides = array<i32>} : memref<64x128xf32, #tpu.memory_space<vmem>>, vector<1x16xf32>,
      %get3A_459 = vector.shape_cast %get3A_458 : vector<1x16xf32> to vector<16xf32>
      %add3A_460 = arith.addf %bitcast_convert_type3A_437, %get3A_459 : vector<16xf32>
      %get3A_461 = arith.index_cast %add3A_335 : i32 to index
      %get3A_462 = arith.constant 32 : index
      %get3A_463 = tpu.vector_load %arg18[%get3A_461, %get3A_462] {strides = array<i32>} : memref<64x128xf32, #tpu.memory_space<vmem>>, vector<1x16xf32>,
      %get3A_464 = vector.shape_cast %get3A_463 : vector<1x16xf32> to vector<16xf32>
      %add3A_465 = arith.addf %add3A_460, %get3A_464 : vector<16xf32>
      %max3A_466 = arith.constant 0.000000e+00 : f32
      %max3A_467 = vector.broadcast %max3A_466 : f32 to vector<16xf32>
      %max3A_468 = arith.maximumf %add3A_465, %max3A_467 : vector<16xf32>
      %swap3A_469 = arith.index_cast %add3A_335 : i32 to index
      %swap3A_470 = arith.constant 32 : index
      %swap3A_471 = tpu.vector_load %arg17[%swap3A_469, %swap3A_470] {strides = array<i32>} : memref<64x128xf32, #tpu.memory_space<vmem>>, vector<1x16xf32>,
      %swap3A_472 = vector.shape_cast %swap3A_471 : vector<1x16xf32> to vector<16xf32>
      %swap3A_473 = vector.shape_cast %max3A_468 : vector<16xf32> to vector<1x16xf32>
      tpu.vector_store %arg17[%swap3A_469, %swap3A_470], %swap3A_473 {strides = array<i32>} : memref<64x128xf32, #tpu.memory_space<vmem>>, vector<1x16xf32>,
      %get3A_474 = arith.index_cast %scan3A_333 : i32 to index
      %get3A_475 = arith.constant 48 : index
      %get3A_476 = tpu.vector_load %arg19[%get3A_474, %get3A_475] {strides = array<i32>} : memref<32x128xi32, #tpu.memory_space<vmem>>, vector<1x16xi32>,
      %get3A_477 = vector.shape_cast %get3A_476 : vector<1x16xi32> to vector<16xi32>
      %shift_left3A_478 = arith.constant 16 : i32
      %shift_left3A_479 = vector.broadcast %shift_left3A_478 : i32 to vector<16xi32>
      %shift_left3A_480 = arith.shli %get3A_477, %shift_left3A_479 : vector<16xi32>
      %bitcast_convert_type3A_481 = tpu.bitcast %shift_left3A_480 : vector<16xi32> -> vector<16xf32>
      %and3A_482 = arith.constant -65536 : i32
      %and3A_483 = vector.broadcast %and3A_482 : i32 to vector<16xi32>
      %and3A_484 = arith.andi %get3A_477, %and3A_483 : vector<16xi32>
      %bitcast_convert_type3A_485 = tpu.bitcast %and3A_484 : vector<16xi32> -> vector<16xf32>
      %get3A_486 = arith.index_cast %scan3A_333 : i32 to index
      %get3A_487 = arith.constant 48 : index
      %get3A_488 = tpu.vector_load %arg17[%get3A_486, %get3A_487] {strides = array<i32>} : memref<64x128xf32, #tpu.memory_space<vmem>>, vector<1x16xf32>,
      %get3A_489 = vector.shape_cast %get3A_488 : vector<1x16xf32> to vector<16xf32>
      %add3A_490 = arith.addf %bitcast_convert_type3A_481, %get3A_489 : vector<16xf32>
      %get3A_491 = arith.index_cast %scan3A_333 : i32 to index
      %get3A_492 = arith.constant 48 : index
      %get3A_493 = tpu.vector_load %arg18[%get3A_491, %get3A_492] {strides = array<i32>} : memref<64x128xf32, #tpu.memory_space<vmem>>, vector<1x16xf32>,
      %get3A_494 = vector.shape_cast %get3A_493 : vector<1x16xf32> to vector<16xf32>
      %add3A_495 = arith.addf %add3A_490, %get3A_494 : vector<16xf32>
      %max3A_496 = arith.constant 0.000000e+00 : f32
      %max3A_497 = vector.broadcast %max3A_496 : f32 to vector<16xf32>
      %max3A_498 = arith.maximumf %add3A_495, %max3A_497 : vector<16xf32>
      %swap3A_499 = arith.index_cast %scan3A_333 : i32 to index
      %swap3A_500 = arith.constant 48 : index
      %swap3A_501 = tpu.vector_load %arg17[%swap3A_499, %swap3A_500] {strides = array<i32>} : memref<64x128xf32, #tpu.memory_space<vmem>>, vector<1x16xf32>,
      %swap3A_502 = vector.shape_cast %swap3A_501 : vector<1x16xf32> to vector<16xf32>
      %swap3A_503 = vector.shape_cast %max3A_498 : vector<16xf32> to vector<1x16xf32>
      tpu.vector_store %arg17[%swap3A_499, %swap3A_500], %swap3A_503 {strides = array<i32>} : memref<64x128xf32, #tpu.memory_space<vmem>>, vector<1x16xf32>,
      %get3A_504 = arith.index_cast %add3A_335 : i32 to index
      %get3A_505 = arith.constant 48 : index
      %get3A_506 = tpu.vector_load %arg17[%get3A_504, %get3A_505] {strides = array<i32>} : memref<64x128xf32, #tpu.memory_space<vmem>>, vector<1x16xf32>,
      %get3A_507 = vector.shape_cast %get3A_506 : vector<1x16xf32> to vector<16xf32>
      %add3A_508 = arith.addf %bitcast_convert_type3A_485, %get3A_507 : vector<16xf32>
      %get3A_509 = arith.index_cast %add3A_335 : i32 to index
      %get3A_510 = arith.constant 48 : index
      %get3A_511 = tpu.vector_load %arg18[%get3A_509, %get3A_510] {strides = array<i32>} : memref<64x128xf32, #tpu.memory_space<vmem>>, vector<1x16xf32>,
      %get3A_512 = vector.shape_cast %get3A_511 : vector<1x16xf32> to vector<16xf32>
      %add3A_513 = arith.addf %add3A_508, %get3A_512 : vector<16xf32>
      %max3A_514 = arith.constant 0.000000e+00 : f32
      %max3A_515 = vector.broadcast %max3A_514 : f32 to vector<16xf32>
      %max3A_516 = arith.maximumf %add3A_513, %max3A_515 : vector<16xf32>
      %swap3A_517 = arith.index_cast %add3A_335 : i32 to index
      %swap3A_518 = arith.constant 48 : index
      %swap3A_519 = tpu.vector_load %arg17[%swap3A_517, %swap3A_518] {strides = array<i32>} : memref<64x128xf32, #tpu.memory_space<vmem>>, vector<1x16xf32>,
      %swap3A_520 = vector.shape_cast %swap3A_519 : vector<1x16xf32> to vector<16xf32>
      %swap3A_521 = vector.shape_cast %max3A_516 : vector<16xf32> to vector<1x16xf32>
      tpu.vector_store %arg17[%swap3A_517, %swap3A_518], %swap3A_521 {strides = array<i32>} : memref<64x128xf32, #tpu.memory_space<vmem>>, vector<1x16xf32>,
      %get3A_522 = arith.index_cast %scan3A_333 : i32 to index
      %get3A_523 = arith.constant 64 : index
      %get3A_524 = tpu.vector_load %arg19[%get3A_522, %get3A_523] {strides = array<i32>} : memref<32x128xi32, #tpu.memory_space<vmem>>, vector<1x16xi32>,
      %get3A_525 = vector.shape_cast %get3A_524 : vector<1x16xi32> to vector<16xi32>
      %shift_left3A_526 = arith.constant 16 : i32
      %shift_left3A_527 = vector.broadcast %shift_left3A_526 : i32 to vector<16xi32>
      %shift_left3A_528 = arith.shli %get3A_525, %shift_left3A_527 : vector<16xi32>
      %bitcast_convert_type3A_529 = tpu.bitcast %shift_left3A_528 : vector<16xi32> -> vector<16xf32>
      %and3A_530 = arith.constant -65536 : i32
      %and3A_531 = vector.broadcast %and3A_530 : i32 to vector<16xi32>
      %and3A_532 = arith.andi %get3A_525, %and3A_531 : vector<16xi32>
      %bitcast_convert_type3A_533 = tpu.bitcast %and3A_532 : vector<16xi32> -> vector<16xf32>
      %get3A_534 = arith.index_cast %scan3A_333 : i32 to index
      %get3A_535 = arith.constant 64 : index
      %get3A_536 = tpu.vector_load %arg17[%get3A_534, %get3A_535] {strides = array<i32>} : memref<64x128xf32, #tpu.memory_space<vmem>>, vector<1x16xf32>,
      %get3A_537 = vector.shape_cast %get3A_536 : vector<1x16xf32> to vector<16xf32>
      %add3A_538 = arith.addf %bitcast_convert_type3A_529, %get3A_537 : vector<16xf32>
      %get3A_539 = arith.index_cast %scan3A_333 : i32 to index
      %get3A_540 = arith.constant 64 : index
      %get3A_541 = tpu.vector_load %arg18[%get3A_539, %get3A_540] {strides = array<i32>} : memref<64x128xf32, #tpu.memory_space<vmem>>, vector<1x16xf32>,
      %get3A_542 = vector.shape_cast %get3A_541 : vector<1x16xf32> to vector<16xf32>
      %add3A_543 = arith.addf %add3A_538, %get3A_542 : vector<16xf32>
      %max3A_544 = arith.constant 0.000000e+00 : f32
      %max3A_545 = vector.broadcast %max3A_544 : f32 to vector<16xf32>
      %max3A_546 = arith.maximumf %add3A_543, %max3A_545 : vector<16xf32>
      %swap3A_547 = arith.index_cast %scan3A_333 : i32 to index
      %swap3A_548 = arith.constant 64 : index
      %swap3A_549 = tpu.vector_load %arg17[%swap3A_547, %swap3A_548] {strides = array<i32>} : memref<64x128xf32, #tpu.memory_space<vmem>>, vector<1x16xf32>,
      %swap3A_550 = vector.shape_cast %swap3A_549 : vector<1x16xf32> to vector<16xf32>
      %swap3A_551 = vector.shape_cast %max3A_546 : vector<16xf32> to vector<1x16xf32>
      tpu.vector_store %arg17[%swap3A_547, %swap3A_548], %swap3A_551 {strides = array<i32>} : memref<64x128xf32, #tpu.memory_space<vmem>>, vector<1x16xf32>,
      %get3A_552 = arith.index_cast %add3A_335 : i32 to index
      %get3A_553 = arith.constant 64 : index
      %get3A_554 = tpu.vector_load %arg17[%get3A_552, %get3A_553] {strides = array<i32>} : memref<64x128xf32, #tpu.memory_space<vmem>>, vector<1x16xf32>,
      %get3A_555 = vector.shape_cast %get3A_554 : vector<1x16xf32> to vector<16xf32>
      %add3A_556 = arith.addf %bitcast_convert_type3A_533, %get3A_555 : vector<16xf32>
      %get3A_557 = arith.index_cast %add3A_335 : i32 to index
      %get3A_558 = arith.constant 64 : index
      %get3A_559 = tpu.vector_load %arg18[%get3A_557, %get3A_558] {strides = array<i32>} : memref<64x128xf32, #tpu.memory_space<vmem>>, vector<1x16xf32>,
      %get3A_560 = vector.shape_cast %get3A_559 : vector<1x16xf32> to vector<16xf32>
      %add3A_561 = arith.addf %add3A_556, %get3A_560 : vector<16xf32>
      %max3A_562 = arith.constant 0.000000e+00 : f32
      %max3A_563 = vector.broadcast %max3A_562 : f32 to vector<16xf32>
      %max3A_564 = arith.maximumf %add3A_561, %max3A_563 : vector<16xf32>
      %swap3A_565 = arith.index_cast %add3A_335 : i32 to index
      %swap3A_566 = arith.constant 64 : index
      %swap3A_567 = tpu.vector_load %arg17[%swap3A_565, %swap3A_566] {strides = array<i32>} : memref<64x128xf32, #tpu.memory_space<vmem>>, vector<1x16xf32>,
      %swap3A_568 = vector.shape_cast %swap3A_567 : vector<1x16xf32> to vector<16xf32>
      %swap3A_569 = vector.shape_cast %max3A_564 : vector<16xf32> to vector<1x16xf32>
      tpu.vector_store %arg17[%swap3A_565, %swap3A_566], %swap3A_569 {strides = array<i32>} : memref<64x128xf32, #tpu.memory_space<vmem>>, vector<1x16xf32>,
      %get3A_570 = arith.index_cast %scan3A_333 : i32 to index
      %get3A_571 = arith.constant 80 : index
      %get3A_572 = tpu.vector_load %arg19[%get3A_570, %get3A_571] {strides = array<i32>} : memref<32x128xi32, #tpu.memory_space<vmem>>, vector<1x16xi32>,
      %get3A_573 = vector.shape_cast %get3A_572 : vector<1x16xi32> to vector<16xi32>
      %shift_left3A_574 = arith.constant 16 : i32
      %shift_left3A_575 = vector.broadcast %shift_left3A_574 : i32 to vector<16xi32>
      %shift_left3A_576 = arith.shli %get3A_573, %shift_left3A_575 : vector<16xi32>
      %bitcast_convert_type3A_577 = tpu.bitcast %shift_left3A_576 : vector<16xi32> -> vector<16xf32>
      %and3A_578 = arith.constant -65536 : i32
      %and3A_579 = vector.broadcast %and3A_578 : i32 to vector<16xi32>
      %and3A_580 = arith.andi %get3A_573, %and3A_579 : vector<16xi32>
      %bitcast_convert_type3A_581 = tpu.bitcast %and3A_580 : vector<16xi32> -> vector<16xf32>
      %get3A_582 = arith.index_cast %scan3A_333 : i32 to index
      %get3A_583 = arith.constant 80 : index
      %get3A_584 = tpu.vector_load %arg17[%get3A_582, %get3A_583] {strides = array<i32>} : memref<64x128xf32, #tpu.memory_space<vmem>>, vector<1x16xf32>,
      %get3A_585 = vector.shape_cast %get3A_584 : vector<1x16xf32> to vector<16xf32>
      %add3A_586 = arith.addf %bitcast_convert_type3A_577, %get3A_585 : vector<16xf32>
      %get3A_587 = arith.index_cast %scan3A_333 : i32 to index
      %get3A_588 = arith.constant 80 : index
      %get3A_589 = tpu.vector_load %arg18[%get3A_587, %get3A_588] {strides = array<i32>} : memref<64x128xf32, #tpu.memory_space<vmem>>, vector<1x16xf32>,
      %get3A_590 = vector.shape_cast %get3A_589 : vector<1x16xf32> to vector<16xf32>
      %add3A_591 = arith.addf %add3A_586, %get3A_590 : vector<16xf32>
      %max3A_592 = arith.constant 0.000000e+00 : f32
      %max3A_593 = vector.broadcast %max3A_592 : f32 to vector<16xf32>
      %max3A_594 = arith.maximumf %add3A_591, %max3A_593 : vector<16xf32>
      %swap3A_595 = arith.index_cast %scan3A_333 : i32 to index
      %swap3A_596 = arith.constant 80 : index
      %swap3A_597 = tpu.vector_load %arg17[%swap3A_595, %swap3A_596] {strides = array<i32>} : memref<64x128xf32, #tpu.memory_space<vmem>>, vector<1x16xf32>,
      %swap3A_598 = vector.shape_cast %swap3A_597 : vector<1x16xf32> to vector<16xf32>
      %swap3A_599 = vector.shape_cast %max3A_594 : vector<16xf32> to vector<1x16xf32>
      tpu.vector_store %arg17[%swap3A_595, %swap3A_596], %swap3A_599 {strides = array<i32>} : memref<64x128xf32, #tpu.memory_space<vmem>>, vector<1x16xf32>,
      %get3A_600 = arith.index_cast %add3A_335 : i32 to index
      %get3A_601 = arith.constant 80 : index
      %get3A_602 = tpu.vector_load %arg17[%get3A_600, %get3A_601] {strides = array<i32>} : memref<64x128xf32, #tpu.memory_space<vmem>>, vector<1x16xf32>,
      %get3A_603 = vector.shape_cast %get3A_602 : vector<1x16xf32> to vector<16xf32>
      %add3A_604 = arith.addf %bitcast_convert_type3A_581, %get3A_603 : vector<16xf32>
      %get3A_605 = arith.index_cast %add3A_335 : i32 to index
      %get3A_606 = arith.constant 80 : index
      %get3A_607 = tpu.vector_load %arg18[%get3A_605, %get3A_606] {strides = array<i32>} : memref<64x128xf32, #tpu.memory_space<vmem>>, vector<1x16xf32>,
      %get3A_608 = vector.shape_cast %get3A_607 : vector<1x16xf32> to vector<16xf32>
      %add3A_609 = arith.addf %add3A_604, %get3A_608 : vector<16xf32>
      %max3A_610 = arith.constant 0.000000e+00 : f32
      %max3A_611 = vector.broadcast %max3A_610 : f32 to vector<16xf32>
      %max3A_612 = arith.maximumf %add3A_609, %max3A_611 : vector<16xf32>
      %swap3A_613 = arith.index_cast %add3A_335 : i32 to index
      %swap3A_614 = arith.constant 80 : index
      %swap3A_615 = tpu.vector_load %arg17[%swap3A_613, %swap3A_614] {strides = array<i32>} : memref<64x128xf32, #tpu.memory_space<vmem>>, vector<1x16xf32>,
      %swap3A_616 = vector.shape_cast %swap3A_615 : vector<1x16xf32> to vector<16xf32>
      %swap3A_617 = vector.shape_cast %max3A_612 : vector<16xf32> to vector<1x16xf32>
      tpu.vector_store %arg17[%swap3A_613, %swap3A_614], %swap3A_617 {strides = array<i32>} : memref<64x128xf32, #tpu.memory_space<vmem>>, vector<1x16xf32>,
      %get3A_618 = arith.index_cast %scan3A_333 : i32 to index
      %get3A_619 = arith.constant 96 : index
      %get3A_620 = tpu.vector_load %arg19[%get3A_618, %get3A_619] {strides = array<i32>} : memref<32x128xi32, #tpu.memory_space<vmem>>, vector<1x16xi32>,
      %get3A_621 = vector.shape_cast %get3A_620 : vector<1x16xi32> to vector<16xi32>
      %shift_left3A_622 = arith.constant 16 : i32
      %shift_left3A_623 = vector.broadcast %shift_left3A_622 : i32 to vector<16xi32>
      %shift_left3A_624 = arith.shli %get3A_621, %shift_left3A_623 : vector<16xi32>
      %bitcast_convert_type3A_625 = tpu.bitcast %shift_left3A_624 : vector<16xi32> -> vector<16xf32>
      %and3A_626 = arith.constant -65536 : i32
      %and3A_627 = vector.broadcast %and3A_626 : i32 to vector<16xi32>
      %and3A_628 = arith.andi %get3A_621, %and3A_627 : vector<16xi32>
      %bitcast_convert_type3A_629 = tpu.bitcast %and3A_628 : vector<16xi32> -> vector<16xf32>
      %get3A_630 = arith.index_cast %scan3A_333 : i32 to index
      %get3A_631 = arith.constant 96 : index
      %get3A_632 = tpu.vector_load %arg17[%get3A_630, %get3A_631] {strides = array<i32>} : memref<64x128xf32, #tpu.memory_space<vmem>>, vector<1x16xf32>,
      %get3A_633 = vector.shape_cast %get3A_632 : vector<1x16xf32> to vector<16xf32>
      %add3A_634 = arith.addf %bitcast_convert_type3A_625, %get3A_633 : vector<16xf32>
      %get3A_635 = arith.index_cast %scan3A_333 : i32 to index
      %get3A_636 = arith.constant 96 : index
      %get3A_637 = tpu.vector_load %arg18[%get3A_635, %get3A_636] {strides = array<i32>} : memref<64x128xf32, #tpu.memory_space<vmem>>, vector<1x16xf32>,
      %get3A_638 = vector.shape_cast %get3A_637 : vector<1x16xf32> to vector<16xf32>
      %add3A_639 = arith.addf %add3A_634, %get3A_638 : vector<16xf32>
      %max3A_640 = arith.constant 0.000000e+00 : f32
      %max3A_641 = vector.broadcast %max3A_640 : f32 to vector<16xf32>
      %max3A_642 = arith.maximumf %add3A_639, %max3A_641 : vector<16xf32>
      %swap3A_643 = arith.index_cast %scan3A_333 : i32 to index
      %swap3A_644 = arith.constant 96 : index
      %swap3A_645 = tpu.vector_load %arg17[%swap3A_643, %swap3A_644] {strides = array<i32>} : memref<64x128xf32, #tpu.memory_space<vmem>>, vector<1x16xf32>,
      %swap3A_646 = vector.shape_cast %swap3A_645 : vector<1x16xf32> to vector<16xf32>
      %swap3A_647 = vector.shape_cast %max3A_642 : vector<16xf32> to vector<1x16xf32>
      tpu.vector_store %arg17[%swap3A_643, %swap3A_644], %swap3A_647 {strides = array<i32>} : memref<64x128xf32, #tpu.memory_space<vmem>>, vector<1x16xf32>,
      %get3A_648 = arith.index_cast %add3A_335 : i32 to index
      %get3A_649 = arith.constant 96 : index
      %get3A_650 = tpu.vector_load %arg17[%get3A_648, %get3A_649] {strides = array<i32>} : memref<64x128xf32, #tpu.memory_space<vmem>>, vector<1x16xf32>,
      %get3A_651 = vector.shape_cast %get3A_650 : vector<1x16xf32> to vector<16xf32>
      %add3A_652 = arith.addf %bitcast_convert_type3A_629, %get3A_651 : vector<16xf32>
      %get3A_653 = arith.index_cast %add3A_335 : i32 to index
      %get3A_654 = arith.constant 96 : index
      %get3A_655 = tpu.vector_load %arg18[%get3A_653, %get3A_654] {strides = array<i32>} : memref<64x128xf32, #tpu.memory_space<vmem>>, vector<1x16xf32>,
      %get3A_656 = vector.shape_cast %get3A_655 : vector<1x16xf32> to vector<16xf32>
      %add3A_657 = arith.addf %add3A_652, %get3A_656 : vector<16xf32>
      %max3A_658 = arith.constant 0.000000e+00 : f32
      %max3A_659 = vector.broadcast %max3A_658 : f32 to vector<16xf32>
      %max3A_660 = arith.maximumf %add3A_657, %max3A_659 : vector<16xf32>
      %swap3A_661 = arith.index_cast %add3A_335 : i32 to index
      %swap3A_662 = arith.constant 96 : index
      %swap3A_663 = tpu.vector_load %arg17[%swap3A_661, %swap3A_662] {strides = array<i32>} : memref<64x128xf32, #tpu.memory_space<vmem>>, vector<1x16xf32>,
      %swap3A_664 = vector.shape_cast %swap3A_663 : vector<1x16xf32> to vector<16xf32>
      %swap3A_665 = vector.shape_cast %max3A_660 : vector<16xf32> to vector<1x16xf32>
      tpu.vector_store %arg17[%swap3A_661, %swap3A_662], %swap3A_665 {strides = array<i32>} : memref<64x128xf32, #tpu.memory_space<vmem>>, vector<1x16xf32>,
      %get3A_666 = arith.index_cast %scan3A_333 : i32 to index
      %get3A_667 = arith.constant 112 : index
      %get3A_668 = tpu.vector_load %arg19[%get3A_666, %get3A_667] {strides = array<i32>} : memref<32x128xi32, #tpu.memory_space<vmem>>, vector<1x16xi32>,
      %get3A_669 = vector.shape_cast %get3A_668 : vector<1x16xi32> to vector<16xi32>
      %shift_left3A_670 = arith.constant 16 : i32
      %shift_left3A_671 = vector.broadcast %shift_left3A_670 : i32 to vector<16xi32>
      %shift_left3A_672 = arith.shli %get3A_669, %shift_left3A_671 : vector<16xi32>
      %bitcast_convert_type3A_673 = tpu.bitcast %shift_left3A_672 : vector<16xi32> -> vector<16xf32>
      %and3A_674 = arith.constant -65536 : i32
      %and3A_675 = vector.broadcast %and3A_674 : i32 to vector<16xi32>
      %and3A_676 = arith.andi %get3A_669, %and3A_675 : vector<16xi32>
      %bitcast_convert_type3A_677 = tpu.bitcast %and3A_676 : vector<16xi32> -> vector<16xf32>
      %get3A_678 = arith.index_cast %scan3A_333 : i32 to index
      %get3A_679 = arith.constant 112 : index
      %get3A_680 = tpu.vector_load %arg17[%get3A_678, %get3A_679] {strides = array<i32>} : memref<64x128xf32, #tpu.memory_space<vmem>>, vector<1x16xf32>,
      %get3A_681 = vector.shape_cast %get3A_680 : vector<1x16xf32> to vector<16xf32>
      %add3A_682 = arith.addf %bitcast_convert_type3A_673, %get3A_681 : vector<16xf32>
      %get3A_683 = arith.index_cast %scan3A_333 : i32 to index
      %get3A_684 = arith.constant 112 : index
      %get3A_685 = tpu.vector_load %arg18[%get3A_683, %get3A_684] {strides = array<i32>} : memref<64x128xf32, #tpu.memory_space<vmem>>, vector<1x16xf32>,
      %get3A_686 = vector.shape_cast %get3A_685 : vector<1x16xf32> to vector<16xf32>
      %add3A_687 = arith.addf %add3A_682, %get3A_686 : vector<16xf32>
      %max3A_688 = arith.constant 0.000000e+00 : f32
      %max3A_689 = vector.broadcast %max3A_688 : f32 to vector<16xf32>
      %max3A_690 = arith.maximumf %add3A_687, %max3A_689 : vector<16xf32>
      %swap3A_691 = arith.index_cast %scan3A_333 : i32 to index
      %swap3A_692 = arith.constant 112 : index
      %swap3A_693 = tpu.vector_load %arg17[%swap3A_691, %swap3A_692] {strides = array<i32>} : memref<64x128xf32, #tpu.memory_space<vmem>>, vector<1x16xf32>,
      %swap3A_694 = vector.shape_cast %swap3A_693 : vector<1x16xf32> to vector<16xf32>
      %swap3A_695 = vector.shape_cast %max3A_690 : vector<16xf32> to vector<1x16xf32>
      tpu.vector_store %arg17[%swap3A_691, %swap3A_692], %swap3A_695 {strides = array<i32>} : memref<64x128xf32, #tpu.memory_space<vmem>>, vector<1x16xf32>,
      %get3A_696 = arith.index_cast %add3A_335 : i32 to index
      %get3A_697 = arith.constant 112 : index
      %get3A_698 = tpu.vector_load %arg17[%get3A_696, %get3A_697] {strides = array<i32>} : memref<64x128xf32, #tpu.memory_space<vmem>>, vector<1x16xf32>,
      %get3A_699 = vector.shape_cast %get3A_698 : vector<1x16xf32> to vector<16xf32>
      %add3A_700 = arith.addf %bitcast_convert_type3A_677, %get3A_699 : vector<16xf32>
      %get3A_701 = arith.index_cast %add3A_335 : i32 to index
      %get3A_702 = arith.constant 112 : index
      %get3A_703 = tpu.vector_load %arg18[%get3A_701, %get3A_702] {strides = array<i32>} : memref<64x128xf32, #tpu.memory_space<vmem>>, vector<1x16xf32>,
      %get3A_704 = vector.shape_cast %get3A_703 : vector<1x16xf32> to vector<16xf32>
      %add3A_705 = arith.addf %add3A_700, %get3A_704 : vector<16xf32>
      %max3A_706 = arith.constant 0.000000e+00 : f32
      %max3A_707 = vector.broadcast %max3A_706 : f32 to vector<16xf32>
      %max3A_708 = arith.maximumf %add3A_705, %max3A_707 : vector<16xf32>
      %swap3A_709 = arith.index_cast %add3A_335 : i32 to index
      %swap3A_710 = arith.constant 112 : index
      %swap3A_711 = tpu.vector_load %arg17[%swap3A_709, %swap3A_710] {strides = array<i32>} : memref<64x128xf32, #tpu.memory_space<vmem>>, vector<1x16xf32>,
      %swap3A_712 = vector.shape_cast %swap3A_711 : vector<1x16xf32> to vector<16xf32>
      %swap3A_713 = vector.shape_cast %max3A_708 : vector<16xf32> to vector<1x16xf32>
      tpu.vector_store %arg17[%swap3A_709, %swap3A_710], %swap3A_713 {strides = array<i32>} : memref<64x128xf32, #tpu.memory_space<vmem>>, vector<1x16xf32>,
    }
    %scan3A_253 = arith.constant 32 : i32
    %dma_wait3A_254 = arith.constant 0 : i32
    %dma_wait3A_255 = tpu.memref_slice %arg16[%dma_wait3A_254] : memref<64xi32, #tpu.memory_space<vmem>> -> memref<32xi32, #tpu.memory_space<vmem>>
    %dma_wait3A_256 = arith.constant 0 : i32
    %dma_wait3A_257 = tpu.memref_slice %arg3[%dma_wait3A_256] : memref<320000xi32, #tpu.memory_space<hbm>> -> memref<32xi32, #tpu.memory_space<hbm>>
    %dma_wait3A_258 = arith.constant 0 : i32
    %dma_wait3A_259 = tpu.memref_slice %arg16[%dma_wait3A_258] : memref<64xi32, #tpu.memory_space<vmem>> -> memref<32xi32, #tpu.memory_space<vmem>>
    %dma_wait3A_260 = arith.constant 0 : i32
    %dma_wait3A_261 = tpu.memref_slice %arg3[%dma_wait3A_260] : memref<320000xi32, #tpu.memory_space<hbm>> -> memref<32xi32, #tpu.memory_space<hbm>>
    tpu.wait_dma2 semaphore(%arg29 : memref<!tpu.dma_semaphore, #tpu.memory_space<semaphore_mem>>) src(%dma_wait3A_261 : memref<32xi32, #tpu.memory_space<hbm>>) dst(%dma_wait3A_259 : memref<32xi32, #tpu.memory_space<vmem>>)
    %dma_wait3A_262 = arith.constant 32 : i32
    %dma_wait3A_263 = tpu.memref_slice %arg16[%dma_wait3A_262] : memref<64xi32, #tpu.memory_space<vmem>> -> memref<32xi32, #tpu.memory_space<vmem>>
    %dma_wait3A_264 = arith.constant 0 : i32
    %dma_wait3A_265 = tpu.memref_slice %arg3[%dma_wait3A_264] : memref<320000xi32, #tpu.memory_space<hbm>> -> memref<32xi32, #tpu.memory_space<hbm>>
    %dma_wait3A_266 = arith.constant 32 : i32
    %dma_wait3A_267 = tpu.memref_slice %arg16[%dma_wait3A_266] : memref<64xi32, #tpu.memory_space<vmem>> -> memref<32xi32, #tpu.memory_space<vmem>>
    %dma_wait3A_268 = arith.constant 0 : i32
    %dma_wait3A_269 = tpu.memref_slice %arg3[%dma_wait3A_268] : memref<320000xi32, #tpu.memory_space<hbm>> -> memref<32xi32, #tpu.memory_space<hbm>>
    tpu.wait_dma2 semaphore(%arg29 : memref<!tpu.dma_semaphore, #tpu.memory_space<semaphore_mem>>) src(%dma_wait3A_269 : memref<32xi32, #tpu.memory_space<hbm>>) dst(%dma_wait3A_267 : memref<32xi32, #tpu.memory_space<vmem>>)
    %add3A_270 = arith.constant 4960 : i32
    %add3A_271 = arith.addi %add3A_270, %add3A : i32
    %mul3A_272 = arith.constant 32 : i32
    %mul3A_273 = arith.muli %add3A_271, %mul3A_272 : i32
    %dma_start3A_274 = arith.constant 0 : i32
    %dma_start3A_275 = arith.constant 0 : i32
    %dma_start3A_276 = tpu.memref_slice %arg17[%dma_start3A_274, %dma_start3A_275] : memref<64x128xf32, #tpu.memory_space<vmem>> -> memref<32x128xf32, #tpu.memory_space<vmem>>
    %dma_start3A_277 = arith.constant 0 : i32
    %dma_start3A_278 = tpu.memref_slice %arg8[%mul3A_273, %dma_start3A_277] : memref<320000x128xf32, #tpu.memory_space<hbm>> -> memref<32x128xf32, #tpu.memory_space<hbm>>
    %dma_start3A_279 = arith.constant 0 : i32
    %dma_start3A_280 = tpu.memref_slice %arg8[%mul3A_273, %dma_start3A_279] : memref<320000x128xf32, #tpu.memory_space<hbm>> -> memref<32x128xf32, #tpu.memory_space<hbm>>
    %dma_start3A_281 = arith.constant 0 : i32
    %dma_start3A_282 = arith.constant 0 : i32
    %dma_start3A_283 = tpu.memref_slice %arg17[%dma_start3A_281, %dma_start3A_282] : memref<64x128xf32, #tpu.memory_space<vmem>> -> memref<32x128xf32, #tpu.memory_space<vmem>>
    tpu.enqueue_dma source(%dma_start3A_283 : memref<32x128xf32, #tpu.memory_space<vmem>>) target(%dma_start3A_280 : memref<32x128xf32, #tpu.memory_space<hbm>>) target_semaphore(%arg33 : memref<!tpu.dma_semaphore, #tpu.memory_space<semaphore_mem>>)
    %add3A_284 = arith.constant 160000 : i32
    %add3A_285 = arith.addi %add3A_284, %mul3A_273 : i32
    %dma_start3A_286 = arith.constant 32 : i32
    %dma_start3A_287 = arith.constant 0 : i32
    %dma_start3A_288 = tpu.memref_slice %arg17[%dma_start3A_286, %dma_start3A_287] : memref<64x128xf32, #tpu.memory_space<vmem>> -> memref<32x128xf32, #tpu.memory_space<vmem>>
    %dma_start3A_289 = arith.constant 0 : i32
    %dma_start3A_290 = tpu.memref_slice %arg8[%add3A_285, %dma_start3A_289] : memref<320000x128xf32, #tpu.memory_space<hbm>> -> memref<32x128xf32, #tpu.memory_space<hbm>>
    %dma_start3A_291 = arith.constant 0 : i32
    %dma_start3A_292 = tpu.memref_slice %arg8[%add3A_285, %dma_start3A_291] : memref<320000x128xf32, #tpu.memory_space<hbm>> -> memref<32x128xf32, #tpu.memory_space<hbm>>
    %dma_start3A_293 = arith.constant 32 : i32
    %dma_start3A_294 = arith.constant 0 : i32
    %dma_start3A_295 = tpu.memref_slice %arg17[%dma_start3A_293, %dma_start3A_294] : memref<64x128xf32, #tpu.memory_space<vmem>> -> memref<32x128xf32, #tpu.memory_space<vmem>>
    tpu.enqueue_dma source(%dma_start3A_295 : memref<32x128xf32, #tpu.memory_space<vmem>>) target(%dma_start3A_292 : memref<32x128xf32, #tpu.memory_space<hbm>>) target_semaphore(%arg33 : memref<!tpu.dma_semaphore, #tpu.memory_space<semaphore_mem>>)
    %dma_start3A_296 = arith.constant 0 : i32
    %dma_start3A_297 = arith.constant 0 : i32
    %dma_start3A_298 = tpu.memref_slice %arg20[%dma_start3A_296, %dma_start3A_297] : memref<10112x128xf32, #tpu.memory_space<vmem_shared>> -> memref<10112x128xf32, #tpu.memory_space<vmem_shared>>
    tpu.enqueue_indirect_dma source(%arg17 : memref<64x128xf32, #tpu.memory_space<vmem>>) target(%dma_start3A_298 : memref<10112x128xf32, #tpu.memory_space<vmem_shared>>) offsets(%arg16 : memref<64xi32, #tpu.memory_space<vmem>>) semaphore(%arg34 : memref<!tpu.dma_semaphore, #tpu.memory_space<semaphore_mem>>) {add = true}
    %gt3A_299 = arith.constant 156 : i32
    %gt3A_300 = arith.cmpi sgt, %add3A_3, %gt3A_299 : i32
    %convert_element_type3A_301 = arith.extui %gt3A_300 : i1 to i32
    %cond3A_302 = arith.constant 0 : i32
    %cond3A_303 = arith.cmpi ne, %convert_element_type3A_301, %cond3A_302 : i32
    scf.if %cond3A_303 {
      %gt3A_333 = arith.constant 157 : i32
      %gt3A_334 = arith.cmpi sgt, %add3A_3, %gt3A_333 : i32
      %convert_element_type3A_335 = arith.extui %gt3A_334 : i1 to i32
      %cond3A_336 = arith.constant 0 : i32
      %cond3A_337 = arith.cmpi ne, %convert_element_type3A_335, %cond3A_336 : i32
      scf.if %cond3A_337 {
        %dma_wait3A_412 = arith.constant 0 : i32
        %dma_wait3A_413 = arith.constant 0 : i32
        %dma_wait3A_414 = tpu.memref_slice %arg5[%dma_wait3A_412, %dma_wait3A_413] : memref<10000x128xf32, #tpu.memory_space<hbm>> -> memref<64x128xf32, #tpu.memory_space<hbm>>
        %dma_wait3A_415 = arith.constant 0 : i32
        %dma_wait3A_416 = arith.constant 0 : i32
        %dma_wait3A_417 = tpu.memref_slice %arg5[%dma_wait3A_415, %dma_wait3A_416] : memref<10000x128xf32, #tpu.memory_space<hbm>> -> memref<64x128xf32, #tpu.memory_space<hbm>>
        tpu.wait_dma2 semaphore(%arg33 : memref<!tpu.dma_semaphore, #tpu.memory_space<semaphore_mem>>) src(%dma_wait3A_417 : memref<64x128xf32, #tpu.memory_space<hbm>>) dst(%arg17 : memref<64x128xf32, #tpu.memory_space<vmem>>)
        %dma_wait3A_418 = arith.constant 0 : i32
        %dma_wait3A_419 = arith.constant 0 : i32
        %dma_wait3A_420 = tpu.memref_slice %arg5[%dma_wait3A_418, %dma_wait3A_419] : memref<10000x128xf32, #tpu.memory_space<hbm>> -> memref<64x128xf32, #tpu.memory_space<hbm>>
        %dma_wait3A_421 = arith.constant 0 : i32
        %dma_wait3A_422 = arith.constant 0 : i32
        %dma_wait3A_423 = tpu.memref_slice %arg5[%dma_wait3A_421, %dma_wait3A_422] : memref<10000x128xf32, #tpu.memory_space<hbm>> -> memref<64x128xf32, #tpu.memory_space<hbm>>
        tpu.wait_dma2 semaphore(%arg34 : memref<!tpu.dma_semaphore, #tpu.memory_space<semaphore_mem>>) src(%dma_wait3A_423 : memref<64x128xf32, #tpu.memory_space<hbm>>) dst(%arg17 : memref<64x128xf32, #tpu.memory_space<vmem>>)
        %add3A_424 = arith.constant 5024 : i32
        %add3A_425 = arith.addi %add3A_424, %add3A : i32
        %mul3A_426 = arith.constant 32 : i32
        %mul3A_427 = arith.muli %add3A_425, %mul3A_426 : i32
        %dma_start3A_428 = arith.constant 0 : i32
        %dma_start3A_429 = tpu.memref_slice %arg16[%dma_start3A_428] : memref<64xi32, #tpu.memory_space<vmem>> -> memref<32xi32, #tpu.memory_space<vmem>>
        %dma_start3A_430 = tpu.memref_slice %arg3[%mul3A_427] : memref<320000xi32, #tpu.memory_space<hbm>> -> memref<32xi32, #tpu.memory_space<hbm>>
        %dma_start3A_431 = arith.constant 0 : i32
        %dma_start3A_432 = tpu.memref_slice %arg16[%dma_start3A_431] : memref<64xi32, #tpu.memory_space<vmem>> -> memref<32xi32, #tpu.memory_space<vmem>>
        %dma_start3A_433 = tpu.memref_slice %arg3[%mul3A_427] : memref<320000xi32, #tpu.memory_space<hbm>> -> memref<32xi32, #tpu.memory_space<hbm>>
        tpu.enqueue_dma source(%dma_start3A_433 : memref<32xi32, #tpu.memory_space<hbm>>) target(%dma_start3A_432 : memref<32xi32, #tpu.memory_space<vmem>>) target_semaphore(%arg29 : memref<!tpu.dma_semaphore, #tpu.memory_space<semaphore_mem>>)
        %add3A_434 = arith.constant 160000 : i32
        %add3A_435 = arith.addi %add3A_434, %mul3A_427 : i32
        %dma_start3A_436 = arith.constant 32 : i32
        %dma_start3A_437 = tpu.memref_slice %arg16[%dma_start3A_436] : memref<64xi32, #tpu.memory_space<vmem>> -> memref<32xi32, #tpu.memory_space<vmem>>
        %dma_start3A_438 = tpu.memref_slice %arg3[%add3A_435] : memref<320000xi32, #tpu.memory_space<hbm>> -> memref<32xi32, #tpu.memory_space<hbm>>
        %dma_start3A_439 = arith.constant 32 : i32
        %dma_start3A_440 = tpu.memref_slice %arg16[%dma_start3A_439] : memref<64xi32, #tpu.memory_space<vmem>> -> memref<32xi32, #tpu.memory_space<vmem>>
        %dma_start3A_441 = tpu.memref_slice %arg3[%add3A_435] : memref<320000xi32, #tpu.memory_space<hbm>> -> memref<32xi32, #tpu.memory_space<hbm>>
        tpu.enqueue_dma source(%dma_start3A_441 : memref<32xi32, #tpu.memory_space<hbm>>) target(%dma_start3A_440 : memref<32xi32, #tpu.memory_space<vmem>>) target_semaphore(%arg29 : memref<!tpu.dma_semaphore, #tpu.memory_space<semaphore_mem>>)
        %dma_wait3A_442 = arith.constant 0 : i32
        %dma_wait3A_443 = tpu.memref_slice %arg15[%dma_wait3A_442] : memref<128xi32, #tpu.memory_space<vmem>> -> memref<32xi32, #tpu.memory_space<vmem>>
        %dma_wait3A_444 = arith.constant 0 : i32
        %dma_wait3A_445 = tpu.memref_slice %arg3[%dma_wait3A_444] : memref<320000xi32, #tpu.memory_space<hbm>> -> memref<32xi32, #tpu.memory_space<hbm>>
        %dma_wait3A_446 = arith.constant 0 : i32
        %dma_wait3A_447 = tpu.memref_slice %arg15[%dma_wait3A_446] : memref<128xi32, #tpu.memory_space<vmem>> -> memref<32xi32, #tpu.memory_space<vmem>>
        %dma_wait3A_448 = arith.constant 0 : i32
        %dma_wait3A_449 = tpu.memref_slice %arg3[%dma_wait3A_448] : memref<320000xi32, #tpu.memory_space<hbm>> -> memref<32xi32, #tpu.memory_space<hbm>>
        tpu.wait_dma2 semaphore(%arg28 : memref<!tpu.dma_semaphore, #tpu.memory_space<semaphore_mem>>) src(%dma_wait3A_449 : memref<32xi32, #tpu.memory_space<hbm>>) dst(%dma_wait3A_447 : memref<32xi32, #tpu.memory_space<vmem>>)
        %dma_wait3A_450 = arith.constant 32 : i32
        %dma_wait3A_451 = tpu.memref_slice %arg15[%dma_wait3A_450] : memref<128xi32, #tpu.memory_space<vmem>> -> memref<32xi32, #tpu.memory_space<vmem>>
        %dma_wait3A_452 = arith.constant 0 : i32
        %dma_wait3A_453 = tpu.memref_slice %arg3[%dma_wait3A_452] : memref<320000xi32, #tpu.memory_space<hbm>> -> memref<32xi32, #tpu.memory_space<hbm>>
        %dma_wait3A_454 = arith.constant 32 : i32
        %dma_wait3A_455 = tpu.memref_slice %arg15[%dma_wait3A_454] : memref<128xi32, #tpu.memory_space<vmem>> -> memref<32xi32, #tpu.memory_space<vmem>>
        %dma_wait3A_456 = arith.constant 0 : i32
        %dma_wait3A_457 = tpu.memref_slice %arg3[%dma_wait3A_456] : memref<320000xi32, #tpu.memory_space<hbm>> -> memref<32xi32, #tpu.memory_space<hbm>>
        tpu.wait_dma2 semaphore(%arg28 : memref<!tpu.dma_semaphore, #tpu.memory_space<semaphore_mem>>) src(%dma_wait3A_457 : memref<32xi32, #tpu.memory_space<hbm>>) dst(%dma_wait3A_455 : memref<32xi32, #tpu.memory_space<vmem>>)
        %dma_wait3A_458 = arith.constant 64 : i32
        %dma_wait3A_459 = tpu.memref_slice %arg15[%dma_wait3A_458] : memref<128xi32, #tpu.memory_space<vmem>> -> memref<32xi32, #tpu.memory_space<vmem>>
        %dma_wait3A_460 = arith.constant 0 : i32
        %dma_wait3A_461 = tpu.memref_slice %arg3[%dma_wait3A_460] : memref<320000xi32, #tpu.memory_space<hbm>> -> memref<32xi32, #tpu.memory_space<hbm>>
        %dma_wait3A_462 = arith.constant 64 : i32
        %dma_wait3A_463 = tpu.memref_slice %arg15[%dma_wait3A_462] : memref<128xi32, #tpu.memory_space<vmem>> -> memref<32xi32, #tpu.memory_space<vmem>>
        %dma_wait3A_464 = arith.constant 0 : i32
        %dma_wait3A_465 = tpu.memref_slice %arg3[%dma_wait3A_464] : memref<320000xi32, #tpu.memory_space<hbm>> -> memref<32xi32, #tpu.memory_space<hbm>>
        tpu.wait_dma2 semaphore(%arg28 : memref<!tpu.dma_semaphore, #tpu.memory_space<semaphore_mem>>) src(%dma_wait3A_465 : memref<32xi32, #tpu.memory_space<hbm>>) dst(%dma_wait3A_463 : memref<32xi32, #tpu.memory_space<vmem>>)
        %dma_wait3A_466 = arith.constant 96 : i32
        %dma_wait3A_467 = tpu.memref_slice %arg15[%dma_wait3A_466] : memref<128xi32, #tpu.memory_space<vmem>> -> memref<32xi32, #tpu.memory_space<vmem>>
        %dma_wait3A_468 = arith.constant 0 : i32
        %dma_wait3A_469 = tpu.memref_slice %arg3[%dma_wait3A_468] : memref<320000xi32, #tpu.memory_space<hbm>> -> memref<32xi32, #tpu.memory_space<hbm>>
        %dma_wait3A_470 = arith.constant 96 : i32
        %dma_wait3A_471 = tpu.memref_slice %arg15[%dma_wait3A_470] : memref<128xi32, #tpu.memory_space<vmem>> -> memref<32xi32, #tpu.memory_space<vmem>>
        %dma_wait3A_472 = arith.constant 0 : i32
        %dma_wait3A_473 = tpu.memref_slice %arg3[%dma_wait3A_472] : memref<320000xi32, #tpu.memory_space<hbm>> -> memref<32xi32, #tpu.memory_space<hbm>>
        tpu.wait_dma2 semaphore(%arg28 : memref<!tpu.dma_semaphore, #tpu.memory_space<semaphore_mem>>) src(%dma_wait3A_473 : memref<32xi32, #tpu.memory_space<hbm>>) dst(%dma_wait3A_471 : memref<32xi32, #tpu.memory_space<vmem>>)
        %dma_start3A_474 = arith.constant 0 : i32
        %dma_start3A_475 = tpu.memref_slice %arg15[%dma_start3A_474] : memref<128xi32, #tpu.memory_space<vmem>> -> memref<64xi32, #tpu.memory_space<vmem>>
        %dma_start3A_476 = arith.constant 0 : i32
        %dma_start3A_477 = arith.constant 0 : i32
        %dma_start3A_478 = tpu.memref_slice %arg5[%dma_start3A_476, %dma_start3A_477] : memref<10000x128xf32, #tpu.memory_space<hbm>> -> memref<10000x128xf32, #tpu.memory_space<hbm>>
        tpu.enqueue_indirect_dma source(%dma_start3A_478 : memref<10000x128xf32, #tpu.memory_space<hbm>>) target(%arg17 : memref<64x128xf32, #tpu.memory_space<vmem>>) offsets(%dma_start3A_475 : memref<64xi32, #tpu.memory_space<vmem>>) semaphore(%arg30 : memref<!tpu.dma_semaphore, #tpu.memory_space<semaphore_mem>>)
        %dma_start3A_479 = arith.constant 64 : i32
        %dma_start3A_480 = tpu.memref_slice %arg15[%dma_start3A_479] : memref<128xi32, #tpu.memory_space<vmem>> -> memref<64xi32, #tpu.memory_space<vmem>>
        %dma_start3A_481 = arith.constant 0 : i32
        %dma_start3A_482 = arith.constant 0 : i32
        %dma_start3A_483 = tpu.memref_slice %arg6[%dma_start3A_481, %dma_start3A_482] : memref<10000x128xf32, #tpu.memory_space<hbm>> -> memref<10000x128xf32, #tpu.memory_space<hbm>>
        tpu.enqueue_indirect_dma source(%dma_start3A_483 : memref<10000x128xf32, #tpu.memory_space<hbm>>) target(%arg18 : memref<64x128xf32, #tpu.memory_space<vmem>>) offsets(%dma_start3A_480 : memref<64xi32, #tpu.memory_space<vmem>>) semaphore(%arg31 : memref<!tpu.dma_semaphore, #tpu.memory_space<semaphore_mem>>)
        %add3A_484 = arith.constant 5024 : i32
        %add3A_485 = arith.addi %add3A_484, %add3A : i32
        %mul3A_486 = arith.constant 32 : i32
        %mul3A_487 = arith.muli %add3A_485, %mul3A_486 : i32
        %dma_start3A_488 = arith.constant 0 : i32
        %dma_start3A_489 = tpu.memref_slice %arg2[%mul3A_487, %dma_start3A_488] : memref<160000x128xi32, #tpu.memory_space<hbm>> -> memref<32x128xi32, #tpu.memory_space<hbm>>
        %dma_start3A_490 = arith.constant 0 : i32
        %dma_start3A_491 = tpu.memref_slice %arg2[%mul3A_487, %dma_start3A_490] : memref<160000x128xi32, #tpu.memory_space<hbm>> -> memref<32x128xi32, #tpu.memory_space<hbm>>
        tpu.enqueue_dma source(%dma_start3A_491 : memref<32x128xi32, #tpu.memory_space<hbm>>) target(%arg19 : memref<32x128xi32, #tpu.memory_space<vmem>>) target_semaphore(%arg32 : memref<!tpu.dma_semaphore, #tpu.memory_space<semaphore_mem>>)
      } else {
      }
      %dma_wait3A_338 = arith.constant 0 : i32
      %dma_wait3A_339 = arith.constant 0 : i32
      %dma_wait3A_340 = tpu.memref_slice %arg5[%dma_wait3A_338, %dma_wait3A_339] : memref<10000x128xf32, #tpu.memory_space<hbm>> -> memref<64x128xf32, #tpu.memory_space<hbm>>
      %dma_wait3A_341 = arith.constant 0 : i32
      %dma_wait3A_342 = arith.constant 0 : i32
      %dma_wait3A_343 = tpu.memref_slice %arg5[%dma_wait3A_341, %dma_wait3A_342] : memref<10000x128xf32, #tpu.memory_space<hbm>> -> memref<64x128xf32, #tpu.memory_space<hbm>>
      tpu.wait_dma2 semaphore(%arg23 : memref<!tpu.dma_semaphore, #tpu.memory_space<semaphore_mem>>) src(%dma_wait3A_343 : memref<64x128xf32, #tpu.memory_space<hbm>>) dst(%arg12 : memref<64x128xf32, #tpu.memory_space<vmem>>)
      %dma_wait3A_344 = arith.constant 0 : i32
      %dma_wait3A_345 = arith.constant 0 : i32
      %dma_wait3A_346 = tpu.memref_slice %arg5[%dma_wait3A_344, %dma_wait3A_345] : memref<10000x128xf32, #tpu.memory_space<hbm>> -> memref<64x128xf32, #tpu.memory_space<hbm>>
      %dma_wait3A_347 = arith.constant 0 : i32
      %dma_wait3A_348 = arith.constant 0 : i32
      %dma_wait3A_349 = tpu.memref_slice %arg5[%dma_wait3A_347, %dma_wait3A_348] : memref<10000x128xf32, #tpu.memory_space<hbm>> -> memref<64x128xf32, #tpu.memory_space<hbm>>
      tpu.wait_dma2 semaphore(%arg24 : memref<!tpu.dma_semaphore, #tpu.memory_space<semaphore_mem>>) src(%dma_wait3A_349 : memref<64x128xf32, #tpu.memory_space<hbm>>) dst(%arg13 : memref<64x128xf32, #tpu.memory_space<vmem>>)
      %dma_wait3A_350 = arith.constant 0 : i32
      %dma_wait3A_351 = arith.constant 0 : i32
      %dma_wait3A_352 = tpu.memref_slice %arg2[%dma_wait3A_350, %dma_wait3A_351] : memref<160000x128xi32, #tpu.memory_space<hbm>> -> memref<32x128xi32, #tpu.memory_space<hbm>>
      %dma_wait3A_353 = arith.constant 0 : i32
      %dma_wait3A_354 = arith.constant 0 : i32
      %dma_wait3A_355 = tpu.memref_slice %arg2[%dma_wait3A_353, %dma_wait3A_354] : memref<160000x128xi32, #tpu.memory_space<hbm>> -> memref<32x128xi32, #tpu.memory_space<hbm>>
      tpu.wait_dma2 semaphore(%arg25 : memref<!tpu.dma_semaphore, #tpu.memory_space<semaphore_mem>>) src(%dma_wait3A_355 : memref<32x128xi32, #tpu.memory_space<hbm>>) dst(%arg14 : memref<32x128xi32, #tpu.memory_space<vmem>>)
      %gt3A_356 = arith.constant 158 : i32
      %gt3A_357 = arith.cmpi sgt, %add3A_3, %gt3A_356 : i32
      %convert_element_type3A_358 = arith.extui %gt3A_357 : i1 to i32
      %cond3A_359 = arith.constant 0 : i32
      %cond3A_360 = arith.cmpi ne, %convert_element_type3A_358, %cond3A_359 : i32
      scf.if %cond3A_360 {
        %add3A_412 = arith.constant 5056 : i32
        %add3A_413 = arith.addi %add3A_412, %add3A : i32
        %mul3A_414 = arith.constant 32 : i32
        %mul3A_415 = arith.muli %add3A_413, %mul3A_414 : i32
        %dma_start3A_416 = arith.constant 0 : i32
        %dma_start3A_417 = tpu.memref_slice %arg10[%dma_start3A_416] : memref<128xi32, #tpu.memory_space<vmem>> -> memref<32xi32, #tpu.memory_space<vmem>>
        %dma_start3A_418 = tpu.memref_slice %arg3[%mul3A_415] : memref<320000xi32, #tpu.memory_space<hbm>> -> memref<32xi32, #tpu.memory_space<hbm>>
        %dma_start3A_419 = arith.constant 0 : i32
        %dma_start3A_420 = tpu.memref_slice %arg10[%dma_start3A_419] : memref<128xi32, #tpu.memory_space<vmem>> -> memref<32xi32, #tpu.memory_space<vmem>>
        %dma_start3A_421 = tpu.memref_slice %arg3[%mul3A_415] : memref<320000xi32, #tpu.memory_space<hbm>> -> memref<32xi32, #tpu.memory_space<hbm>>
        tpu.enqueue_dma source(%dma_start3A_421 : memref<32xi32, #tpu.memory_space<hbm>>) target(%dma_start3A_420 : memref<32xi32, #tpu.memory_space<vmem>>) target_semaphore(%arg21 : memref<!tpu.dma_semaphore, #tpu.memory_space<semaphore_mem>>)
        %add3A_422 = arith.constant 160000 : i32
        %add3A_423 = arith.addi %add3A_422, %mul3A_415 : i32
        %dma_start3A_424 = arith.constant 32 : i32
        %dma_start3A_425 = tpu.memref_slice %arg10[%dma_start3A_424] : memref<128xi32, #tpu.memory_space<vmem>> -> memref<32xi32, #tpu.memory_space<vmem>>
        %dma_start3A_426 = tpu.memref_slice %arg3[%add3A_423] : memref<320000xi32, #tpu.memory_space<hbm>> -> memref<32xi32, #tpu.memory_space<hbm>>
        %dma_start3A_427 = arith.constant 32 : i32
        %dma_start3A_428 = tpu.memref_slice %arg10[%dma_start3A_427] : memref<128xi32, #tpu.memory_space<vmem>> -> memref<32xi32, #tpu.memory_space<vmem>>
        %dma_start3A_429 = tpu.memref_slice %arg3[%add3A_423] : memref<320000xi32, #tpu.memory_space<hbm>> -> memref<32xi32, #tpu.memory_space<hbm>>
        tpu.enqueue_dma source(%dma_start3A_429 : memref<32xi32, #tpu.memory_space<hbm>>) target(%dma_start3A_428 : memref<32xi32, #tpu.memory_space<vmem>>) target_semaphore(%arg21 : memref<!tpu.dma_semaphore, #tpu.memory_space<semaphore_mem>>)
        %dma_start3A_430 = arith.constant 64 : i32
        %dma_start3A_431 = tpu.memref_slice %arg10[%dma_start3A_430] : memref<128xi32, #tpu.memory_space<vmem>> -> memref<32xi32, #tpu.memory_space<vmem>>
        %dma_start3A_432 = tpu.memref_slice %arg4[%mul3A_415] : memref<320000xi32, #tpu.memory_space<hbm>> -> memref<32xi32, #tpu.memory_space<hbm>>
        %dma_start3A_433 = arith.constant 64 : i32
        %dma_start3A_434 = tpu.memref_slice %arg10[%dma_start3A_433] : memref<128xi32, #tpu.memory_space<vmem>> -> memref<32xi32, #tpu.memory_space<vmem>>
        %dma_start3A_435 = tpu.memref_slice %arg4[%mul3A_415] : memref<320000xi32, #tpu.memory_space<hbm>> -> memref<32xi32, #tpu.memory_space<hbm>>
        tpu.enqueue_dma source(%dma_start3A_435 : memref<32xi32, #tpu.memory_space<hbm>>) target(%dma_start3A_434 : memref<32xi32, #tpu.memory_space<vmem>>) target_semaphore(%arg21 : memref<!tpu.dma_semaphore, #tpu.memory_space<semaphore_mem>>)
        %add3A_436 = arith.constant 160000 : i32
        %add3A_437 = arith.addi %add3A_436, %mul3A_415 : i32
        %dma_start3A_438 = arith.constant 96 : i32
        %dma_start3A_439 = tpu.memref_slice %arg10[%dma_start3A_438] : memref<128xi32, #tpu.memory_space<vmem>> -> memref<32xi32, #tpu.memory_space<vmem>>
        %dma_start3A_440 = tpu.memref_slice %arg4[%add3A_437] : memref<320000xi32, #tpu.memory_space<hbm>> -> memref<32xi32, #tpu.memory_space<hbm>>
        %dma_start3A_441 = arith.constant 96 : i32
        %dma_start3A_442 = tpu.memref_slice %arg10[%dma_start3A_441] : memref<128xi32, #tpu.memory_space<vmem>> -> memref<32xi32, #tpu.memory_space<vmem>>
        %dma_start3A_443 = tpu.memref_slice %arg4[%add3A_437] : memref<320000xi32, #tpu.memory_space<hbm>> -> memref<32xi32, #tpu.memory_space<hbm>>
        tpu.enqueue_dma source(%dma_start3A_443 : memref<32xi32, #tpu.memory_space<hbm>>) target(%dma_start3A_442 : memref<32xi32, #tpu.memory_space<vmem>>) target_semaphore(%arg21 : memref<!tpu.dma_semaphore, #tpu.memory_space<semaphore_mem>>)
      } else {
      }
      %scan3A_361 = arith.constant 0 : i32
      %scan3A_362 = arith.constant 0 : i32
      %scan3A_363 = arith.constant 32 : i32
      %scan3A_364 = arith.addi %scan3A_362, %scan3A_363 : i32
      %scan3A_365 = arith.constant 1 : i32
      scf.for %scan3A_412 = %scan3A_362 to %scan3A_364 step %scan3A_365  : i32 {
        %add3A_413 = arith.constant 32 : i32
        %add3A_414 = arith.addi %scan3A_412, %add3A_413 : i32
        %get3A = arith.index_cast %scan3A_412 : i32 to index
        %get3A_415 = arith.constant 0 : index
        %get3A_416 = tpu.vector_load %arg14[%get3A, %get3A_415] {strides = array<i32>} : memref<32x128xi32, #tpu.memory_space<vmem>>, vector<1x16xi32>,
        %get3A_417 = vector.shape_cast %get3A_416 : vector<1x16xi32> to vector<16xi32>
        %shift_left3A = arith.constant 16 : i32
        %shift_left3A_418 = vector.broadcast %shift_left3A : i32 to vector<16xi32>
        %shift_left3A_419 = arith.shli %get3A_417, %shift_left3A_418 : vector<16xi32>
        %bitcast_convert_type3A = tpu.bitcast %shift_left3A_419 : vector<16xi32> -> vector<16xf32>
        %and3A = arith.constant -65536 : i32
        %and3A_420 = vector.broadcast %and3A : i32 to vector<16xi32>
        %and3A_421 = arith.andi %get3A_417, %and3A_420 : vector<16xi32>
        %bitcast_convert_type3A_422 = tpu.bitcast %and3A_421 : vector<16xi32> -> vector<16xf32>
        %get3A_423 = arith.index_cast %scan3A_412 : i32 to index
        %get3A_424 = arith.constant 0 : index
        %get3A_425 = tpu.vector_load %arg12[%get3A_423, %get3A_424] {strides = array<i32>} : memref<64x128xf32, #tpu.memory_space<vmem>>, vector<1x16xf32>,
        %get3A_426 = vector.shape_cast %get3A_425 : vector<1x16xf32> to vector<16xf32>
        %add3A_427 = arith.addf %bitcast_convert_type3A, %get3A_426 : vector<16xf32>
        %get3A_428 = arith.index_cast %scan3A_412 : i32 to index
        %get3A_429 = arith.constant 0 : index
        %get3A_430 = tpu.vector_load %arg13[%get3A_428, %get3A_429] {strides = array<i32>} : memref<64x128xf32, #tpu.memory_space<vmem>>, vector<1x16xf32>,
        %get3A_431 = vector.shape_cast %get3A_430 : vector<1x16xf32> to vector<16xf32>
        %add3A_432 = arith.addf %add3A_427, %get3A_431 : vector<16xf32>
        %max3A = arith.constant 0.000000e+00 : f32
        %max3A_433 = vector.broadcast %max3A : f32 to vector<16xf32>
        %max3A_434 = arith.maximumf %add3A_432, %max3A_433 : vector<16xf32>
        %swap3A = arith.index_cast %scan3A_412 : i32 to index
        %swap3A_435 = arith.constant 0 : index
        %swap3A_436 = tpu.vector_load %arg12[%swap3A, %swap3A_435] {strides = array<i32>} : memref<64x128xf32, #tpu.memory_space<vmem>>, vector<1x16xf32>,
        %swap3A_437 = vector.shape_cast %swap3A_436 : vector<1x16xf32> to vector<16xf32>
        %swap3A_438 = vector.shape_cast %max3A_434 : vector<16xf32> to vector<1x16xf32>
        tpu.vector_store %arg12[%swap3A, %swap3A_435], %swap3A_438 {strides = array<i32>} : memref<64x128xf32, #tpu.memory_space<vmem>>, vector<1x16xf32>,
        %get3A_439 = arith.index_cast %add3A_414 : i32 to index
        %get3A_440 = arith.constant 0 : index
        %get3A_441 = tpu.vector_load %arg12[%get3A_439, %get3A_440] {strides = array<i32>} : memref<64x128xf32, #tpu.memory_space<vmem>>, vector<1x16xf32>,
        %get3A_442 = vector.shape_cast %get3A_441 : vector<1x16xf32> to vector<16xf32>
        %add3A_443 = arith.addf %bitcast_convert_type3A_422, %get3A_442 : vector<16xf32>
        %get3A_444 = arith.index_cast %add3A_414 : i32 to index
        %get3A_445 = arith.constant 0 : index
        %get3A_446 = tpu.vector_load %arg13[%get3A_444, %get3A_445] {strides = array<i32>} : memref<64x128xf32, #tpu.memory_space<vmem>>, vector<1x16xf32>,
        %get3A_447 = vector.shape_cast %get3A_446 : vector<1x16xf32> to vector<16xf32>
        %add3A_448 = arith.addf %add3A_443, %get3A_447 : vector<16xf32>
        %max3A_449 = arith.constant 0.000000e+00 : f32
        %max3A_450 = vector.broadcast %max3A_449 : f32 to vector<16xf32>
        %max3A_451 = arith.maximumf %add3A_448, %max3A_450 : vector<16xf32>
        %swap3A_452 = arith.index_cast %add3A_414 : i32 to index
        %swap3A_453 = arith.constant 0 : index
        %swap3A_454 = tpu.vector_load %arg12[%swap3A_452, %swap3A_453] {strides = array<i32>} : memref<64x128xf32, #tpu.memory_space<vmem>>, vector<1x16xf32>,
        %swap3A_455 = vector.shape_cast %swap3A_454 : vector<1x16xf32> to vector<16xf32>
        %swap3A_456 = vector.shape_cast %max3A_451 : vector<16xf32> to vector<1x16xf32>
        tpu.vector_store %arg12[%swap3A_452, %swap3A_453], %swap3A_456 {strides = array<i32>} : memref<64x128xf32, #tpu.memory_space<vmem>>, vector<1x16xf32>,
        %get3A_457 = arith.index_cast %scan3A_412 : i32 to index
        %get3A_458 = arith.constant 16 : index
        %get3A_459 = tpu.vector_load %arg14[%get3A_457, %get3A_458] {strides = array<i32>} : memref<32x128xi32, #tpu.memory_space<vmem>>, vector<1x16xi32>,
        %get3A_460 = vector.shape_cast %get3A_459 : vector<1x16xi32> to vector<16xi32>
        %shift_left3A_461 = arith.constant 16 : i32
        %shift_left3A_462 = vector.broadcast %shift_left3A_461 : i32 to vector<16xi32>
        %shift_left3A_463 = arith.shli %get3A_460, %shift_left3A_462 : vector<16xi32>
        %bitcast_convert_type3A_464 = tpu.bitcast %shift_left3A_463 : vector<16xi32> -> vector<16xf32>
        %and3A_465 = arith.constant -65536 : i32
        %and3A_466 = vector.broadcast %and3A_465 : i32 to vector<16xi32>
        %and3A_467 = arith.andi %get3A_460, %and3A_466 : vector<16xi32>
        %bitcast_convert_type3A_468 = tpu.bitcast %and3A_467 : vector<16xi32> -> vector<16xf32>
        %get3A_469 = arith.index_cast %scan3A_412 : i32 to index
        %get3A_470 = arith.constant 16 : index
        %get3A_471 = tpu.vector_load %arg12[%get3A_469, %get3A_470] {strides = array<i32>} : memref<64x128xf32, #tpu.memory_space<vmem>>, vector<1x16xf32>,
        %get3A_472 = vector.shape_cast %get3A_471 : vector<1x16xf32> to vector<16xf32>
        %add3A_473 = arith.addf %bitcast_convert_type3A_464, %get3A_472 : vector<16xf32>
        %get3A_474 = arith.index_cast %scan3A_412 : i32 to index
        %get3A_475 = arith.constant 16 : index
        %get3A_476 = tpu.vector_load %arg13[%get3A_474, %get3A_475] {strides = array<i32>} : memref<64x128xf32, #tpu.memory_space<vmem>>, vector<1x16xf32>,
        %get3A_477 = vector.shape_cast %get3A_476 : vector<1x16xf32> to vector<16xf32>
        %add3A_478 = arith.addf %add3A_473, %get3A_477 : vector<16xf32>
        %max3A_479 = arith.constant 0.000000e+00 : f32
        %max3A_480 = vector.broadcast %max3A_479 : f32 to vector<16xf32>
        %max3A_481 = arith.maximumf %add3A_478, %max3A_480 : vector<16xf32>
        %swap3A_482 = arith.index_cast %scan3A_412 : i32 to index
        %swap3A_483 = arith.constant 16 : index
        %swap3A_484 = tpu.vector_load %arg12[%swap3A_482, %swap3A_483] {strides = array<i32>} : memref<64x128xf32, #tpu.memory_space<vmem>>, vector<1x16xf32>,
        %swap3A_485 = vector.shape_cast %swap3A_484 : vector<1x16xf32> to vector<16xf32>
        %swap3A_486 = vector.shape_cast %max3A_481 : vector<16xf32> to vector<1x16xf32>
        tpu.vector_store %arg12[%swap3A_482, %swap3A_483], %swap3A_486 {strides = array<i32>} : memref<64x128xf32, #tpu.memory_space<vmem>>, vector<1x16xf32>,
        %get3A_487 = arith.index_cast %add3A_414 : i32 to index
        %get3A_488 = arith.constant 16 : index
        %get3A_489 = tpu.vector_load %arg12[%get3A_487, %get3A_488] {strides = array<i32>} : memref<64x128xf32, #tpu.memory_space<vmem>>, vector<1x16xf32>,
        %get3A_490 = vector.shape_cast %get3A_489 : vector<1x16xf32> to vector<16xf32>
        %add3A_491 = arith.addf %bitcast_convert_type3A_468, %get3A_490 : vector<16xf32>
        %get3A_492 = arith.index_cast %add3A_414 : i32 to index
        %get3A_493 = arith.constant 16 : index
        %get3A_494 = tpu.vector_load %arg13[%get3A_492, %get3A_493] {strides = array<i32>} : memref<64x128xf32, #tpu.memory_space<vmem>>, vector<1x16xf32>,
        %get3A_495 = vector.shape_cast %get3A_494 : vector<1x16xf32> to vector<16xf32>
        %add3A_496 = arith.addf %add3A_491, %get3A_495 : vector<16xf32>
        %max3A_497 = arith.constant 0.000000e+00 : f32
        %max3A_498 = vector.broadcast %max3A_497 : f32 to vector<16xf32>
        %max3A_499 = arith.maximumf %add3A_496, %max3A_498 : vector<16xf32>
        %swap3A_500 = arith.index_cast %add3A_414 : i32 to index
        %swap3A_501 = arith.constant 16 : index
        %swap3A_502 = tpu.vector_load %arg12[%swap3A_500, %swap3A_501] {strides = array<i32>} : memref<64x128xf32, #tpu.memory_space<vmem>>, vector<1x16xf32>,
        %swap3A_503 = vector.shape_cast %swap3A_502 : vector<1x16xf32> to vector<16xf32>
        %swap3A_504 = vector.shape_cast %max3A_499 : vector<16xf32> to vector<1x16xf32>
        tpu.vector_store %arg12[%swap3A_500, %swap3A_501], %swap3A_504 {strides = array<i32>} : memref<64x128xf32, #tpu.memory_space<vmem>>, vector<1x16xf32>,
        %get3A_505 = arith.index_cast %scan3A_412 : i32 to index
        %get3A_506 = arith.constant 32 : index
        %get3A_507 = tpu.vector_load %arg14[%get3A_505, %get3A_506] {strides = array<i32>} : memref<32x128xi32, #tpu.memory_space<vmem>>, vector<1x16xi32>,
        %get3A_508 = vector.shape_cast %get3A_507 : vector<1x16xi32> to vector<16xi32>
        %shift_left3A_509 = arith.constant 16 : i32
        %shift_left3A_510 = vector.broadcast %shift_left3A_509 : i32 to vector<16xi32>
        %shift_left3A_511 = arith.shli %get3A_508, %shift_left3A_510 : vector<16xi32>
        %bitcast_convert_type3A_512 = tpu.bitcast %shift_left3A_511 : vector<16xi32> -> vector<16xf32>
        %and3A_513 = arith.constant -65536 : i32
        %and3A_514 = vector.broadcast %and3A_513 : i32 to vector<16xi32>
        %and3A_515 = arith.andi %get3A_508, %and3A_514 : vector<16xi32>
        %bitcast_convert_type3A_516 = tpu.bitcast %and3A_515 : vector<16xi32> -> vector<16xf32>
        %get3A_517 = arith.index_cast %scan3A_412 : i32 to index
        %get3A_518 = arith.constant 32 : index
        %get3A_519 = tpu.vector_load %arg12[%get3A_517, %get3A_518] {strides = array<i32>} : memref<64x128xf32, #tpu.memory_space<vmem>>, vector<1x16xf32>,
        %get3A_520 = vector.shape_cast %get3A_519 : vector<1x16xf32> to vector<16xf32>
        %add3A_521 = arith.addf %bitcast_convert_type3A_512, %get3A_520 : vector<16xf32>
        %get3A_522 = arith.index_cast %scan3A_412 : i32 to index
        %get3A_523 = arith.constant 32 : index
        %get3A_524 = tpu.vector_load %arg13[%get3A_522, %get3A_523] {strides = array<i32>} : memref<64x128xf32, #tpu.memory_space<vmem>>, vector<1x16xf32>,
        %get3A_525 = vector.shape_cast %get3A_524 : vector<1x16xf32> to vector<16xf32>
        %add3A_526 = arith.addf %add3A_521, %get3A_525 : vector<16xf32>
        %max3A_527 = arith.constant 0.000000e+00 : f32
        %max3A_528 = vector.broadcast %max3A_527 : f32 to vector<16xf32>
        %max3A_529 = arith.maximumf %add3A_526, %max3A_528 : vector<16xf32>
        %swap3A_530 = arith.index_cast %scan3A_412 : i32 to index
        %swap3A_531 = arith.constant 32 : index
        %swap3A_532 = tpu.vector_load %arg12[%swap3A_530, %swap3A_531] {strides = array<i32>} : memref<64x128xf32, #tpu.memory_space<vmem>>, vector<1x16xf32>,
        %swap3A_533 = vector.shape_cast %swap3A_532 : vector<1x16xf32> to vector<16xf32>
        %swap3A_534 = vector.shape_cast %max3A_529 : vector<16xf32> to vector<1x16xf32>
        tpu.vector_store %arg12[%swap3A_530, %swap3A_531], %swap3A_534 {strides = array<i32>} : memref<64x128xf32, #tpu.memory_space<vmem>>, vector<1x16xf32>,
        %get3A_535 = arith.index_cast %add3A_414 : i32 to index
        %get3A_536 = arith.constant 32 : index
        %get3A_537 = tpu.vector_load %arg12[%get3A_535, %get3A_536] {strides = array<i32>} : memref<64x128xf32, #tpu.memory_space<vmem>>, vector<1x16xf32>,
        %get3A_538 = vector.shape_cast %get3A_537 : vector<1x16xf32> to vector<16xf32>
        %add3A_539 = arith.addf %bitcast_convert_type3A_516, %get3A_538 : vector<16xf32>
        %get3A_540 = arith.index_cast %add3A_414 : i32 to index
        %get3A_541 = arith.constant 32 : index
        %get3A_542 = tpu.vector_load %arg13[%get3A_540, %get3A_541] {strides = array<i32>} : memref<64x128xf32, #tpu.memory_space<vmem>>, vector<1x16xf32>,
        %get3A_543 = vector.shape_cast %get3A_542 : vector<1x16xf32> to vector<16xf32>
        %add3A_544 = arith.addf %add3A_539, %get3A_543 : vector<16xf32>
        %max3A_545 = arith.constant 0.000000e+00 : f32
        %max3A_546 = vector.broadcast %max3A_545 : f32 to vector<16xf32>
        %max3A_547 = arith.maximumf %add3A_544, %max3A_546 : vector<16xf32>
        %swap3A_548 = arith.index_cast %add3A_414 : i32 to index
        %swap3A_549 = arith.constant 32 : index
        %swap3A_550 = tpu.vector_load %arg12[%swap3A_548, %swap3A_549] {strides = array<i32>} : memref<64x128xf32, #tpu.memory_space<vmem>>, vector<1x16xf32>,
        %swap3A_551 = vector.shape_cast %swap3A_550 : vector<1x16xf32> to vector<16xf32>
        %swap3A_552 = vector.shape_cast %max3A_547 : vector<16xf32> to vector<1x16xf32>
        tpu.vector_store %arg12[%swap3A_548, %swap3A_549], %swap3A_552 {strides = array<i32>} : memref<64x128xf32, #tpu.memory_space<vmem>>, vector<1x16xf32>,
        %get3A_553 = arith.index_cast %scan3A_412 : i32 to index
        %get3A_554 = arith.constant 48 : index
        %get3A_555 = tpu.vector_load %arg14[%get3A_553, %get3A_554] {strides = array<i32>} : memref<32x128xi32, #tpu.memory_space<vmem>>, vector<1x16xi32>,
        %get3A_556 = vector.shape_cast %get3A_555 : vector<1x16xi32> to vector<16xi32>
        %shift_left3A_557 = arith.constant 16 : i32
        %shift_left3A_558 = vector.broadcast %shift_left3A_557 : i32 to vector<16xi32>
        %shift_left3A_559 = arith.shli %get3A_556, %shift_left3A_558 : vector<16xi32>
        %bitcast_convert_type3A_560 = tpu.bitcast %shift_left3A_559 : vector<16xi32> -> vector<16xf32>
        %and3A_561 = arith.constant -65536 : i32
        %and3A_562 = vector.broadcast %and3A_561 : i32 to vector<16xi32>
        %and3A_563 = arith.andi %get3A_556, %and3A_562 : vector<16xi32>
        %bitcast_convert_type3A_564 = tpu.bitcast %and3A_563 : vector<16xi32> -> vector<16xf32>
        %get3A_565 = arith.index_cast %scan3A_412 : i32 to index
        %get3A_566 = arith.constant 48 : index
        %get3A_567 = tpu.vector_load %arg12[%get3A_565, %get3A_566] {strides = array<i32>} : memref<64x128xf32, #tpu.memory_space<vmem>>, vector<1x16xf32>,
        %get3A_568 = vector.shape_cast %get3A_567 : vector<1x16xf32> to vector<16xf32>
        %add3A_569 = arith.addf %bitcast_convert_type3A_560, %get3A_568 : vector<16xf32>
        %get3A_570 = arith.index_cast %scan3A_412 : i32 to index
        %get3A_571 = arith.constant 48 : index
        %get3A_572 = tpu.vector_load %arg13[%get3A_570, %get3A_571] {strides = array<i32>} : memref<64x128xf32, #tpu.memory_space<vmem>>, vector<1x16xf32>,
        %get3A_573 = vector.shape_cast %get3A_572 : vector<1x16xf32> to vector<16xf32>
        %add3A_574 = arith.addf %add3A_569, %get3A_573 : vector<16xf32>
        %max3A_575 = arith.constant 0.000000e+00 : f32
        %max3A_576 = vector.broadcast %max3A_575 : f32 to vector<16xf32>
        %max3A_577 = arith.maximumf %add3A_574, %max3A_576 : vector<16xf32>
        %swap3A_578 = arith.index_cast %scan3A_412 : i32 to index
        %swap3A_579 = arith.constant 48 : index
        %swap3A_580 = tpu.vector_load %arg12[%swap3A_578, %swap3A_579] {strides = array<i32>} : memref<64x128xf32, #tpu.memory_space<vmem>>, vector<1x16xf32>,
        %swap3A_581 = vector.shape_cast %swap3A_580 : vector<1x16xf32> to vector<16xf32>
        %swap3A_582 = vector.shape_cast %max3A_577 : vector<16xf32> to vector<1x16xf32>
        tpu.vector_store %arg12[%swap3A_578, %swap3A_579], %swap3A_582 {strides = array<i32>} : memref<64x128xf32, #tpu.memory_space<vmem>>, vector<1x16xf32>,
        %get3A_583 = arith.index_cast %add3A_414 : i32 to index
        %get3A_584 = arith.constant 48 : index
        %get3A_585 = tpu.vector_load %arg12[%get3A_583, %get3A_584] {strides = array<i32>} : memref<64x128xf32, #tpu.memory_space<vmem>>, vector<1x16xf32>,
        %get3A_586 = vector.shape_cast %get3A_585 : vector<1x16xf32> to vector<16xf32>
        %add3A_587 = arith.addf %bitcast_convert_type3A_564, %get3A_586 : vector<16xf32>
        %get3A_588 = arith.index_cast %add3A_414 : i32 to index
        %get3A_589 = arith.constant 48 : index
        %get3A_590 = tpu.vector_load %arg13[%get3A_588, %get3A_589] {strides = array<i32>} : memref<64x128xf32, #tpu.memory_space<vmem>>, vector<1x16xf32>,
        %get3A_591 = vector.shape_cast %get3A_590 : vector<1x16xf32> to vector<16xf32>
        %add3A_592 = arith.addf %add3A_587, %get3A_591 : vector<16xf32>
        %max3A_593 = arith.constant 0.000000e+00 : f32
        %max3A_594 = vector.broadcast %max3A_593 : f32 to vector<16xf32>
        %max3A_595 = arith.maximumf %add3A_592, %max3A_594 : vector<16xf32>
        %swap3A_596 = arith.index_cast %add3A_414 : i32 to index
        %swap3A_597 = arith.constant 48 : index
        %swap3A_598 = tpu.vector_load %arg12[%swap3A_596, %swap3A_597] {strides = array<i32>} : memref<64x128xf32, #tpu.memory_space<vmem>>, vector<1x16xf32>,
        %swap3A_599 = vector.shape_cast %swap3A_598 : vector<1x16xf32> to vector<16xf32>
        %swap3A_600 = vector.shape_cast %max3A_595 : vector<16xf32> to vector<1x16xf32>
        tpu.vector_store %arg12[%swap3A_596, %swap3A_597], %swap3A_600 {strides = array<i32>} : memref<64x128xf32, #tpu.memory_space<vmem>>, vector<1x16xf32>,
        %get3A_601 = arith.index_cast %scan3A_412 : i32 to index
        %get3A_602 = arith.constant 64 : index
        %get3A_603 = tpu.vector_load %arg14[%get3A_601, %get3A_602] {strides = array<i32>} : memref<32x128xi32, #tpu.memory_space<vmem>>, vector<1x16xi32>,
        %get3A_604 = vector.shape_cast %get3A_603 : vector<1x16xi32> to vector<16xi32>
        %shift_left3A_605 = arith.constant 16 : i32
        %shift_left3A_606 = vector.broadcast %shift_left3A_605 : i32 to vector<16xi32>
        %shift_left3A_607 = arith.shli %get3A_604, %shift_left3A_606 : vector<16xi32>
        %bitcast_convert_type3A_608 = tpu.bitcast %shift_left3A_607 : vector<16xi32> -> vector<16xf32>
        %and3A_609 = arith.constant -65536 : i32
        %and3A_610 = vector.broadcast %and3A_609 : i32 to vector<16xi32>
        %and3A_611 = arith.andi %get3A_604, %and3A_610 : vector<16xi32>
        %bitcast_convert_type3A_612 = tpu.bitcast %and3A_611 : vector<16xi32> -> vector<16xf32>
        %get3A_613 = arith.index_cast %scan3A_412 : i32 to index
        %get3A_614 = arith.constant 64 : index
        %get3A_615 = tpu.vector_load %arg12[%get3A_613, %get3A_614] {strides = array<i32>} : memref<64x128xf32, #tpu.memory_space<vmem>>, vector<1x16xf32>,
        %get3A_616 = vector.shape_cast %get3A_615 : vector<1x16xf32> to vector<16xf32>
        %add3A_617 = arith.addf %bitcast_convert_type3A_608, %get3A_616 : vector<16xf32>
        %get3A_618 = arith.index_cast %scan3A_412 : i32 to index
        %get3A_619 = arith.constant 64 : index
        %get3A_620 = tpu.vector_load %arg13[%get3A_618, %get3A_619] {strides = array<i32>} : memref<64x128xf32, #tpu.memory_space<vmem>>, vector<1x16xf32>,
        %get3A_621 = vector.shape_cast %get3A_620 : vector<1x16xf32> to vector<16xf32>
        %add3A_622 = arith.addf %add3A_617, %get3A_621 : vector<16xf32>
        %max3A_623 = arith.constant 0.000000e+00 : f32
        %max3A_624 = vector.broadcast %max3A_623 : f32 to vector<16xf32>
        %max3A_625 = arith.maximumf %add3A_622, %max3A_624 : vector<16xf32>
        %swap3A_626 = arith.index_cast %scan3A_412 : i32 to index
        %swap3A_627 = arith.constant 64 : index
        %swap3A_628 = tpu.vector_load %arg12[%swap3A_626, %swap3A_627] {strides = array<i32>} : memref<64x128xf32, #tpu.memory_space<vmem>>, vector<1x16xf32>,
        %swap3A_629 = vector.shape_cast %swap3A_628 : vector<1x16xf32> to vector<16xf32>
        %swap3A_630 = vector.shape_cast %max3A_625 : vector<16xf32> to vector<1x16xf32>
        tpu.vector_store %arg12[%swap3A_626, %swap3A_627], %swap3A_630 {strides = array<i32>} : memref<64x128xf32, #tpu.memory_space<vmem>>, vector<1x16xf32>,
        %get3A_631 = arith.index_cast %add3A_414 : i32 to index
        %get3A_632 = arith.constant 64 : index
        %get3A_633 = tpu.vector_load %arg12[%get3A_631, %get3A_632] {strides = array<i32>} : memref<64x128xf32, #tpu.memory_space<vmem>>, vector<1x16xf32>,
        %get3A_634 = vector.shape_cast %get3A_633 : vector<1x16xf32> to vector<16xf32>
        %add3A_635 = arith.addf %bitcast_convert_type3A_612, %get3A_634 : vector<16xf32>
        %get3A_636 = arith.index_cast %add3A_414 : i32 to index
        %get3A_637 = arith.constant 64 : index
        %get3A_638 = tpu.vector_load %arg13[%get3A_636, %get3A_637] {strides = array<i32>} : memref<64x128xf32, #tpu.memory_space<vmem>>, vector<1x16xf32>,
        %get3A_639 = vector.shape_cast %get3A_638 : vector<1x16xf32> to vector<16xf32>
        %add3A_640 = arith.addf %add3A_635, %get3A_639 : vector<16xf32>
        %max3A_641 = arith.constant 0.000000e+00 : f32
        %max3A_642 = vector.broadcast %max3A_641 : f32 to vector<16xf32>
        %max3A_643 = arith.maximumf %add3A_640, %max3A_642 : vector<16xf32>
        %swap3A_644 = arith.index_cast %add3A_414 : i32 to index
        %swap3A_645 = arith.constant 64 : index
        %swap3A_646 = tpu.vector_load %arg12[%swap3A_644, %swap3A_645] {strides = array<i32>} : memref<64x128xf32, #tpu.memory_space<vmem>>, vector<1x16xf32>,
        %swap3A_647 = vector.shape_cast %swap3A_646 : vector<1x16xf32> to vector<16xf32>
        %swap3A_648 = vector.shape_cast %max3A_643 : vector<16xf32> to vector<1x16xf32>
        tpu.vector_store %arg12[%swap3A_644, %swap3A_645], %swap3A_648 {strides = array<i32>} : memref<64x128xf32, #tpu.memory_space<vmem>>, vector<1x16xf32>,
        %get3A_649 = arith.index_cast %scan3A_412 : i32 to index
        %get3A_650 = arith.constant 80 : index
        %get3A_651 = tpu.vector_load %arg14[%get3A_649, %get3A_650] {strides = array<i32>} : memref<32x128xi32, #tpu.memory_space<vmem>>, vector<1x16xi32>,
        %get3A_652 = vector.shape_cast %get3A_651 : vector<1x16xi32> to vector<16xi32>
        %shift_left3A_653 = arith.constant 16 : i32
        %shift_left3A_654 = vector.broadcast %shift_left3A_653 : i32 to vector<16xi32>
        %shift_left3A_655 = arith.shli %get3A_652, %shift_left3A_654 : vector<16xi32>
        %bitcast_convert_type3A_656 = tpu.bitcast %shift_left3A_655 : vector<16xi32> -> vector<16xf32>
        %and3A_657 = arith.constant -65536 : i32
        %and3A_658 = vector.broadcast %and3A_657 : i32 to vector<16xi32>
        %and3A_659 = arith.andi %get3A_652, %and3A_658 : vector<16xi32>
        %bitcast_convert_type3A_660 = tpu.bitcast %and3A_659 : vector<16xi32> -> vector<16xf32>
        %get3A_661 = arith.index_cast %scan3A_412 : i32 to index
        %get3A_662 = arith.constant 80 : index
        %get3A_663 = tpu.vector_load %arg12[%get3A_661, %get3A_662] {strides = array<i32>} : memref<64x128xf32, #tpu.memory_space<vmem>>, vector<1x16xf32>,
        %get3A_664 = vector.shape_cast %get3A_663 : vector<1x16xf32> to vector<16xf32>
        %add3A_665 = arith.addf %bitcast_convert_type3A_656, %get3A_664 : vector<16xf32>
        %get3A_666 = arith.index_cast %scan3A_412 : i32 to index
        %get3A_667 = arith.constant 80 : index
        %get3A_668 = tpu.vector_load %arg13[%get3A_666, %get3A_667] {strides = array<i32>} : memref<64x128xf32, #tpu.memory_space<vmem>>, vector<1x16xf32>,
        %get3A_669 = vector.shape_cast %get3A_668 : vector<1x16xf32> to vector<16xf32>
        %add3A_670 = arith.addf %add3A_665, %get3A_669 : vector<16xf32>
        %max3A_671 = arith.constant 0.000000e+00 : f32
        %max3A_672 = vector.broadcast %max3A_671 : f32 to vector<16xf32>
        %max3A_673 = arith.maximumf %add3A_670, %max3A_672 : vector<16xf32>
        %swap3A_674 = arith.index_cast %scan3A_412 : i32 to index
        %swap3A_675 = arith.constant 80 : index
        %swap3A_676 = tpu.vector_load %arg12[%swap3A_674, %swap3A_675] {strides = array<i32>} : memref<64x128xf32, #tpu.memory_space<vmem>>, vector<1x16xf32>,
        %swap3A_677 = vector.shape_cast %swap3A_676 : vector<1x16xf32> to vector<16xf32>
        %swap3A_678 = vector.shape_cast %max3A_673 : vector<16xf32> to vector<1x16xf32>
        tpu.vector_store %arg12[%swap3A_674, %swap3A_675], %swap3A_678 {strides = array<i32>} : memref<64x128xf32, #tpu.memory_space<vmem>>, vector<1x16xf32>,
        %get3A_679 = arith.index_cast %add3A_414 : i32 to index
        %get3A_680 = arith.constant 80 : index
        %get3A_681 = tpu.vector_load %arg12[%get3A_679, %get3A_680] {strides = array<i32>} : memref<64x128xf32, #tpu.memory_space<vmem>>, vector<1x16xf32>,
        %get3A_682 = vector.shape_cast %get3A_681 : vector<1x16xf32> to vector<16xf32>
        %add3A_683 = arith.addf %bitcast_convert_type3A_660, %get3A_682 : vector<16xf32>
        %get3A_684 = arith.index_cast %add3A_414 : i32 to index
        %get3A_685 = arith.constant 80 : index
        %get3A_686 = tpu.vector_load %arg13[%get3A_684, %get3A_685] {strides = array<i32>} : memref<64x128xf32, #tpu.memory_space<vmem>>, vector<1x16xf32>,
        %get3A_687 = vector.shape_cast %get3A_686 : vector<1x16xf32> to vector<16xf32>
        %add3A_688 = arith.addf %add3A_683, %get3A_687 : vector<16xf32>
        %max3A_689 = arith.constant 0.000000e+00 : f32
        %max3A_690 = vector.broadcast %max3A_689 : f32 to vector<16xf32>
        %max3A_691 = arith.maximumf %add3A_688, %max3A_690 : vector<16xf32>
        %swap3A_692 = arith.index_cast %add3A_414 : i32 to index
        %swap3A_693 = arith.constant 80 : index
        %swap3A_694 = tpu.vector_load %arg12[%swap3A_692, %swap3A_693] {strides = array<i32>} : memref<64x128xf32, #tpu.memory_space<vmem>>, vector<1x16xf32>,
        %swap3A_695 = vector.shape_cast %swap3A_694 : vector<1x16xf32> to vector<16xf32>
        %swap3A_696 = vector.shape_cast %max3A_691 : vector<16xf32> to vector<1x16xf32>
        tpu.vector_store %arg12[%swap3A_692, %swap3A_693], %swap3A_696 {strides = array<i32>} : memref<64x128xf32, #tpu.memory_space<vmem>>, vector<1x16xf32>,
        %get3A_697 = arith.index_cast %scan3A_412 : i32 to index
        %get3A_698 = arith.constant 96 : index
        %get3A_699 = tpu.vector_load %arg14[%get3A_697, %get3A_698] {strides = array<i32>} : memref<32x128xi32, #tpu.memory_space<vmem>>, vector<1x16xi32>,
        %get3A_700 = vector.shape_cast %get3A_699 : vector<1x16xi32> to vector<16xi32>
        %shift_left3A_701 = arith.constant 16 : i32
        %shift_left3A_702 = vector.broadcast %shift_left3A_701 : i32 to vector<16xi32>
        %shift_left3A_703 = arith.shli %get3A_700, %shift_left3A_702 : vector<16xi32>
        %bitcast_convert_type3A_704 = tpu.bitcast %shift_left3A_703 : vector<16xi32> -> vector<16xf32>
        %and3A_705 = arith.constant -65536 : i32
        %and3A_706 = vector.broadcast %and3A_705 : i32 to vector<16xi32>
        %and3A_707 = arith.andi %get3A_700, %and3A_706 : vector<16xi32>
        %bitcast_convert_type3A_708 = tpu.bitcast %and3A_707 : vector<16xi32> -> vector<16xf32>
        %get3A_709 = arith.index_cast %scan3A_412 : i32 to index
        %get3A_710 = arith.constant 96 : index
        %get3A_711 = tpu.vector_load %arg12[%get3A_709, %get3A_710] {strides = array<i32>} : memref<64x128xf32, #tpu.memory_space<vmem>>, vector<1x16xf32>,
        %get3A_712 = vector.shape_cast %get3A_711 : vector<1x16xf32> to vector<16xf32>
        %add3A_713 = arith.addf %bitcast_convert_type3A_704, %get3A_712 : vector<16xf32>
        %get3A_714 = arith.index_cast %scan3A_412 : i32 to index
        %get3A_715 = arith.constant 96 : index
        %get3A_716 = tpu.vector_load %arg13[%get3A_714, %get3A_715] {strides = array<i32>} : memref<64x128xf32, #tpu.memory_space<vmem>>, vector<1x16xf32>,
        %get3A_717 = vector.shape_cast %get3A_716 : vector<1x16xf32> to vector<16xf32>
        %add3A_718 = arith.addf %add3A_713, %get3A_717 : vector<16xf32>
        %max3A_719 = arith.constant 0.000000e+00 : f32
        %max3A_720 = vector.broadcast %max3A_719 : f32 to vector<16xf32>
        %max3A_721 = arith.maximumf %add3A_718, %max3A_720 : vector<16xf32>
        %swap3A_722 = arith.index_cast %scan3A_412 : i32 to index
        %swap3A_723 = arith.constant 96 : index
        %swap3A_724 = tpu.vector_load %arg12[%swap3A_722, %swap3A_723] {strides = array<i32>} : memref<64x128xf32, #tpu.memory_space<vmem>>, vector<1x16xf32>,
        %swap3A_725 = vector.shape_cast %swap3A_724 : vector<1x16xf32> to vector<16xf32>
        %swap3A_726 = vector.shape_cast %max3A_721 : vector<16xf32> to vector<1x16xf32>
        tpu.vector_store %arg12[%swap3A_722, %swap3A_723], %swap3A_726 {strides = array<i32>} : memref<64x128xf32, #tpu.memory_space<vmem>>, vector<1x16xf32>,
        %get3A_727 = arith.index_cast %add3A_414 : i32 to index
        %get3A_728 = arith.constant 96 : index
        %get3A_729 = tpu.vector_load %arg12[%get3A_727, %get3A_728] {strides = array<i32>} : memref<64x128xf32, #tpu.memory_space<vmem>>, vector<1x16xf32>,
        %get3A_730 = vector.shape_cast %get3A_729 : vector<1x16xf32> to vector<16xf32>
        %add3A_731 = arith.addf %bitcast_convert_type3A_708, %get3A_730 : vector<16xf32>
        %get3A_732 = arith.index_cast %add3A_414 : i32 to index
        %get3A_733 = arith.constant 96 : index
        %get3A_734 = tpu.vector_load %arg13[%get3A_732, %get3A_733] {strides = array<i32>} : memref<64x128xf32, #tpu.memory_space<vmem>>, vector<1x16xf32>,
        %get3A_735 = vector.shape_cast %get3A_734 : vector<1x16xf32> to vector<16xf32>
        %add3A_736 = arith.addf %add3A_731, %get3A_735 : vector<16xf32>
        %max3A_737 = arith.constant 0.000000e+00 : f32
        %max3A_738 = vector.broadcast %max3A_737 : f32 to vector<16xf32>
        %max3A_739 = arith.maximumf %add3A_736, %max3A_738 : vector<16xf32>
        %swap3A_740 = arith.index_cast %add3A_414 : i32 to index
        %swap3A_741 = arith.constant 96 : index
        %swap3A_742 = tpu.vector_load %arg12[%swap3A_740, %swap3A_741] {strides = array<i32>} : memref<64x128xf32, #tpu.memory_space<vmem>>, vector<1x16xf32>,
        %swap3A_743 = vector.shape_cast %swap3A_742 : vector<1x16xf32> to vector<16xf32>
        %swap3A_744 = vector.shape_cast %max3A_739 : vector<16xf32> to vector<1x16xf32>
        tpu.vector_store %arg12[%swap3A_740, %swap3A_741], %swap3A_744 {strides = array<i32>} : memref<64x128xf32, #tpu.memory_space<vmem>>, vector<1x16xf32>,
        %get3A_745 = arith.index_cast %scan3A_412 : i32 to index
        %get3A_746 = arith.constant 112 : index
        %get3A_747 = tpu.vector_load %arg14[%get3A_745, %get3A_746] {strides = array<i32>} : memref<32x128xi32, #tpu.memory_space<vmem>>, vector<1x16xi32>,
        %get3A_748 = vector.shape_cast %get3A_747 : vector<1x16xi32> to vector<16xi32>
        %shift_left3A_749 = arith.constant 16 : i32
        %shift_left3A_750 = vector.broadcast %shift_left3A_749 : i32 to vector<16xi32>
        %shift_left3A_751 = arith.shli %get3A_748, %shift_left3A_750 : vector<16xi32>
        %bitcast_convert_type3A_752 = tpu.bitcast %shift_left3A_751 : vector<16xi32> -> vector<16xf32>
        %and3A_753 = arith.constant -65536 : i32
        %and3A_754 = vector.broadcast %and3A_753 : i32 to vector<16xi32>
        %and3A_755 = arith.andi %get3A_748, %and3A_754 : vector<16xi32>
        %bitcast_convert_type3A_756 = tpu.bitcast %and3A_755 : vector<16xi32> -> vector<16xf32>
        %get3A_757 = arith.index_cast %scan3A_412 : i32 to index
        %get3A_758 = arith.constant 112 : index
        %get3A_759 = tpu.vector_load %arg12[%get3A_757, %get3A_758] {strides = array<i32>} : memref<64x128xf32, #tpu.memory_space<vmem>>, vector<1x16xf32>,
        %get3A_760 = vector.shape_cast %get3A_759 : vector<1x16xf32> to vector<16xf32>
        %add3A_761 = arith.addf %bitcast_convert_type3A_752, %get3A_760 : vector<16xf32>
        %get3A_762 = arith.index_cast %scan3A_412 : i32 to index
        %get3A_763 = arith.constant 112 : index
        %get3A_764 = tpu.vector_load %arg13[%get3A_762, %get3A_763] {strides = array<i32>} : memref<64x128xf32, #tpu.memory_space<vmem>>, vector<1x16xf32>,
        %get3A_765 = vector.shape_cast %get3A_764 : vector<1x16xf32> to vector<16xf32>
        %add3A_766 = arith.addf %add3A_761, %get3A_765 : vector<16xf32>
        %max3A_767 = arith.constant 0.000000e+00 : f32
        %max3A_768 = vector.broadcast %max3A_767 : f32 to vector<16xf32>
        %max3A_769 = arith.maximumf %add3A_766, %max3A_768 : vector<16xf32>
        %swap3A_770 = arith.index_cast %scan3A_412 : i32 to index
        %swap3A_771 = arith.constant 112 : index
        %swap3A_772 = tpu.vector_load %arg12[%swap3A_770, %swap3A_771] {strides = array<i32>} : memref<64x128xf32, #tpu.memory_space<vmem>>, vector<1x16xf32>,
        %swap3A_773 = vector.shape_cast %swap3A_772 : vector<1x16xf32> to vector<16xf32>
        %swap3A_774 = vector.shape_cast %max3A_769 : vector<16xf32> to vector<1x16xf32>
        tpu.vector_store %arg12[%swap3A_770, %swap3A_771], %swap3A_774 {strides = array<i32>} : memref<64x128xf32, #tpu.memory_space<vmem>>, vector<1x16xf32>,
        %get3A_775 = arith.index_cast %add3A_414 : i32 to index
        %get3A_776 = arith.constant 112 : index
        %get3A_777 = tpu.vector_load %arg12[%get3A_775, %get3A_776] {strides = array<i32>} : memref<64x128xf32, #tpu.memory_space<vmem>>, vector<1x16xf32>,
        %get3A_778 = vector.shape_cast %get3A_777 : vector<1x16xf32> to vector<16xf32>
        %add3A_779 = arith.addf %bitcast_convert_type3A_756, %get3A_778 : vector<16xf32>
        %get3A_780 = arith.index_cast %add3A_414 : i32 to index
        %get3A_781 = arith.constant 112 : index
        %get3A_782 = tpu.vector_load %arg13[%get3A_780, %get3A_781] {strides = array<i32>} : memref<64x128xf32, #tpu.memory_space<vmem>>, vector<1x16xf32>,
        %get3A_783 = vector.shape_cast %get3A_782 : vector<1x16xf32> to vector<16xf32>
        %add3A_784 = arith.addf %add3A_779, %get3A_783 : vector<16xf32>
        %max3A_785 = arith.constant 0.000000e+00 : f32
        %max3A_786 = vector.broadcast %max3A_785 : f32 to vector<16xf32>
        %max3A_787 = arith.maximumf %add3A_784, %max3A_786 : vector<16xf32>
        %swap3A_788 = arith.index_cast %add3A_414 : i32 to index
        %swap3A_789 = arith.constant 112 : index
        %swap3A_790 = tpu.vector_load %arg12[%swap3A_788, %swap3A_789] {strides = array<i32>} : memref<64x128xf32, #tpu.memory_space<vmem>>, vector<1x16xf32>,
        %swap3A_791 = vector.shape_cast %swap3A_790 : vector<1x16xf32> to vector<16xf32>
        %swap3A_792 = vector.shape_cast %max3A_787 : vector<16xf32> to vector<1x16xf32>
        tpu.vector_store %arg12[%swap3A_788, %swap3A_789], %swap3A_792 {strides = array<i32>} : memref<64x128xf32, #tpu.memory_space<vmem>>, vector<1x16xf32>,
      }
      %scan3A_366 = arith.constant 32 : i32
      %dma_wait3A_367 = arith.constant 0 : i32
      %dma_wait3A_368 = tpu.memref_slice %arg11[%dma_wait3A_367] : memref<64xi32, #tpu.memory_space<vmem>> -> memref<32xi32, #tpu.memory_space<vmem>>
      %dma_wait3A_369 = arith.constant 0 : i32
      %dma_wait3A_370 = tpu.memref_slice %arg3[%dma_wait3A_369] : memref<320000xi32, #tpu.memory_space<hbm>> -> memref<32xi32, #tpu.memory_space<hbm>>
      %dma_wait3A_371 = arith.constant 0 : i32
      %dma_wait3A_372 = tpu.memref_slice %arg11[%dma_wait3A_371] : memref<64xi32, #tpu.memory_space<vmem>> -> memref<32xi32, #tpu.memory_space<vmem>>
      %dma_wait3A_373 = arith.constant 0 : i32
      %dma_wait3A_374 = tpu.memref_slice %arg3[%dma_wait3A_373] : memref<320000xi32, #tpu.memory_space<hbm>> -> memref<32xi32, #tpu.memory_space<hbm>>
      tpu.wait_dma2 semaphore(%arg22 : memref<!tpu.dma_semaphore, #tpu.memory_space<semaphore_mem>>) src(%dma_wait3A_374 : memref<32xi32, #tpu.memory_space<hbm>>) dst(%dma_wait3A_372 : memref<32xi32, #tpu.memory_space<vmem>>)
      %dma_wait3A_375 = arith.constant 32 : i32
      %dma_wait3A_376 = tpu.memref_slice %arg11[%dma_wait3A_375] : memref<64xi32, #tpu.memory_space<vmem>> -> memref<32xi32, #tpu.memory_space<vmem>>
      %dma_wait3A_377 = arith.constant 0 : i32
      %dma_wait3A_378 = tpu.memref_slice %arg3[%dma_wait3A_377] : memref<320000xi32, #tpu.memory_space<hbm>> -> memref<32xi32, #tpu.memory_space<hbm>>
      %dma_wait3A_379 = arith.constant 32 : i32
      %dma_wait3A_380 = tpu.memref_slice %arg11[%dma_wait3A_379] : memref<64xi32, #tpu.memory_space<vmem>> -> memref<32xi32, #tpu.memory_space<vmem>>
      %dma_wait3A_381 = arith.constant 0 : i32
      %dma_wait3A_382 = tpu.memref_slice %arg3[%dma_wait3A_381] : memref<320000xi32, #tpu.memory_space<hbm>> -> memref<32xi32, #tpu.memory_space<hbm>>
      tpu.wait_dma2 semaphore(%arg22 : memref<!tpu.dma_semaphore, #tpu.memory_space<semaphore_mem>>) src(%dma_wait3A_382 : memref<32xi32, #tpu.memory_space<hbm>>) dst(%dma_wait3A_380 : memref<32xi32, #tpu.memory_space<vmem>>)
      %add3A_383 = arith.constant 4992 : i32
      %add3A_384 = arith.addi %add3A_383, %add3A : i32
      %mul3A_385 = arith.constant 32 : i32
      %mul3A_386 = arith.muli %add3A_384, %mul3A_385 : i32
      %dma_start3A_387 = arith.constant 0 : i32
      %dma_start3A_388 = arith.constant 0 : i32
      %dma_start3A_389 = tpu.memref_slice %arg12[%dma_start3A_387, %dma_start3A_388] : memref<64x128xf32, #tpu.memory_space<vmem>> -> memref<32x128xf32, #tpu.memory_space<vmem>>
      %dma_start3A_390 = arith.constant 0 : i32
      %dma_start3A_391 = tpu.memref_slice %arg8[%mul3A_386, %dma_start3A_390] : memref<320000x128xf32, #tpu.memory_space<hbm>> -> memref<32x128xf32, #tpu.memory_space<hbm>>
      %dma_start3A_392 = arith.constant 0 : i32
      %dma_start3A_393 = tpu.memref_slice %arg8[%mul3A_386, %dma_start3A_392] : memref<320000x128xf32, #tpu.memory_space<hbm>> -> memref<32x128xf32, #tpu.memory_space<hbm>>
      %dma_start3A_394 = arith.constant 0 : i32
      %dma_start3A_395 = arith.constant 0 : i32
      %dma_start3A_396 = tpu.memref_slice %arg12[%dma_start3A_394, %dma_start3A_395] : memref<64x128xf32, #tpu.memory_space<vmem>> -> memref<32x128xf32, #tpu.memory_space<vmem>>
      tpu.enqueue_dma source(%dma_start3A_396 : memref<32x128xf32, #tpu.memory_space<vmem>>) target(%dma_start3A_393 : memref<32x128xf32, #tpu.memory_space<hbm>>) target_semaphore(%arg26 : memref<!tpu.dma_semaphore, #tpu.memory_space<semaphore_mem>>)
      %add3A_397 = arith.constant 160000 : i32
      %add3A_398 = arith.addi %add3A_397, %mul3A_386 : i32
      %dma_start3A_399 = arith.constant 32 : i32
      %dma_start3A_400 = arith.constant 0 : i32
      %dma_start3A_401 = tpu.memref_slice %arg12[%dma_start3A_399, %dma_start3A_400] : memref<64x128xf32, #tpu.memory_space<vmem>> -> memref<32x128xf32, #tpu.memory_space<vmem>>
      %dma_start3A_402 = arith.constant 0 : i32
      %dma_start3A_403 = tpu.memref_slice %arg8[%add3A_398, %dma_start3A_402] : memref<320000x128xf32, #tpu.memory_space<hbm>> -> memref<32x128xf32, #tpu.memory_space<hbm>>
      %dma_start3A_404 = arith.constant 0 : i32
      %dma_start3A_405 = tpu.memref_slice %arg8[%add3A_398, %dma_start3A_404] : memref<320000x128xf32, #tpu.memory_space<hbm>> -> memref<32x128xf32, #tpu.memory_space<hbm>>
      %dma_start3A_406 = arith.constant 32 : i32
      %dma_start3A_407 = arith.constant 0 : i32
      %dma_start3A_408 = tpu.memref_slice %arg12[%dma_start3A_406, %dma_start3A_407] : memref<64x128xf32, #tpu.memory_space<vmem>> -> memref<32x128xf32, #tpu.memory_space<vmem>>
      tpu.enqueue_dma source(%dma_start3A_408 : memref<32x128xf32, #tpu.memory_space<vmem>>) target(%dma_start3A_405 : memref<32x128xf32, #tpu.memory_space<hbm>>) target_semaphore(%arg26 : memref<!tpu.dma_semaphore, #tpu.memory_space<semaphore_mem>>)
      %dma_start3A_409 = arith.constant 0 : i32
      %dma_start3A_410 = arith.constant 0 : i32
      %dma_start3A_411 = tpu.memref_slice %arg20[%dma_start3A_409, %dma_start3A_410] : memref<10112x128xf32, #tpu.memory_space<vmem_shared>> -> memref<10112x128xf32, #tpu.memory_space<vmem_shared>>
      tpu.enqueue_indirect_dma source(%arg12 : memref<64x128xf32, #tpu.memory_space<vmem>>) target(%dma_start3A_411 : memref<10112x128xf32, #tpu.memory_space<vmem_shared>>) offsets(%arg11 : memref<64xi32, #tpu.memory_space<vmem>>) semaphore(%arg27 : memref<!tpu.dma_semaphore, #tpu.memory_space<semaphore_mem>>) {add = true}
    } else {
    }
    %dma_wait3A_304 = arith.constant 0 : i32
    %dma_wait3A_305 = arith.constant 0 : i32
    %dma_wait3A_306 = tpu.memref_slice %arg5[%dma_wait3A_304, %dma_wait3A_305] : memref<10000x128xf32, #tpu.memory_space<hbm>> -> memref<64x128xf32, #tpu.memory_space<hbm>>
    %dma_wait3A_307 = arith.constant 0 : i32
    %dma_wait3A_308 = arith.constant 0 : i32
    %dma_wait3A_309 = tpu.memref_slice %arg5[%dma_wait3A_307, %dma_wait3A_308] : memref<10000x128xf32, #tpu.memory_space<hbm>> -> memref<64x128xf32, #tpu.memory_space<hbm>>
    tpu.wait_dma2 semaphore(%arg26 : memref<!tpu.dma_semaphore, #tpu.memory_space<semaphore_mem>>) src(%dma_wait3A_309 : memref<64x128xf32, #tpu.memory_space<hbm>>) dst(%arg12 : memref<64x128xf32, #tpu.memory_space<vmem>>)
    %dma_wait3A_310 = arith.constant 0 : i32
    %dma_wait3A_311 = arith.constant 0 : i32
    %dma_wait3A_312 = tpu.memref_slice %arg5[%dma_wait3A_310, %dma_wait3A_311] : memref<10000x128xf32, #tpu.memory_space<hbm>> -> memref<64x128xf32, #tpu.memory_space<hbm>>
    %dma_wait3A_313 = arith.constant 0 : i32
    %dma_wait3A_314 = arith.constant 0 : i32
    %dma_wait3A_315 = tpu.memref_slice %arg5[%dma_wait3A_313, %dma_wait3A_314] : memref<10000x128xf32, #tpu.memory_space<hbm>> -> memref<64x128xf32, #tpu.memory_space<hbm>>
    tpu.wait_dma2 semaphore(%arg27 : memref<!tpu.dma_semaphore, #tpu.memory_space<semaphore_mem>>) src(%dma_wait3A_315 : memref<64x128xf32, #tpu.memory_space<hbm>>) dst(%arg12 : memref<64x128xf32, #tpu.memory_space<vmem>>)
    %dma_wait3A_316 = arith.constant 0 : i32
    %dma_wait3A_317 = arith.constant 0 : i32
    %dma_wait3A_318 = tpu.memref_slice %arg5[%dma_wait3A_316, %dma_wait3A_317] : memref<10000x128xf32, #tpu.memory_space<hbm>> -> memref<64x128xf32, #tpu.memory_space<hbm>>
    %dma_wait3A_319 = arith.constant 0 : i32
    %dma_wait3A_320 = arith.constant 0 : i32
    %dma_wait3A_321 = tpu.memref_slice %arg5[%dma_wait3A_319, %dma_wait3A_320] : memref<10000x128xf32, #tpu.memory_space<hbm>> -> memref<64x128xf32, #tpu.memory_space<hbm>>
    tpu.wait_dma2 semaphore(%arg33 : memref<!tpu.dma_semaphore, #tpu.memory_space<semaphore_mem>>) src(%dma_wait3A_321 : memref<64x128xf32, #tpu.memory_space<hbm>>) dst(%arg17 : memref<64x128xf32, #tpu.memory_space<vmem>>)
    %dma_wait3A_322 = arith.constant 0 : i32
    %dma_wait3A_323 = arith.constant 0 : i32
    %dma_wait3A_324 = tpu.memref_slice %arg5[%dma_wait3A_322, %dma_wait3A_323] : memref<10000x128xf32, #tpu.memory_space<hbm>> -> memref<64x128xf32, #tpu.memory_space<hbm>>
    %dma_wait3A_325 = arith.constant 0 : i32
    %dma_wait3A_326 = arith.constant 0 : i32
    %dma_wait3A_327 = tpu.memref_slice %arg5[%dma_wait3A_325, %dma_wait3A_326] : memref<10000x128xf32, #tpu.memory_space<hbm>> -> memref<64x128xf32, #tpu.memory_space<hbm>>
    tpu.wait_dma2 semaphore(%arg34 : memref<!tpu.dma_semaphore, #tpu.memory_space<semaphore_mem>>) src(%dma_wait3A_327 : memref<64x128xf32, #tpu.memory_space<hbm>>) dst(%arg17 : memref<64x128xf32, #tpu.memory_space<vmem>>)
    %barrier3A_328 = arith.constant 0 : index
    tpu.barrier barrier_id(%barrier3A_328)
    %mul3A_329 = arith.constant 632 : i32
    %mul3A_330 = arith.muli %arg1, %mul3A_329 : i32
    %mul3A_331 = arith.constant 632 : i32
    %mul3A_332 = arith.muli %arg1, %mul3A_331 : i32
    "tpu.region"() ({
      %run_scoped3A = tpu.sem_alloc : memref<!tpu.dma_semaphore, #tpu.memory_space<semaphore_mem>>
      %dma_start3A_333 = arith.constant 0 : i32
      %dma_start3A_334 = tpu.memref_slice %arg9[%arg0, %mul3A_332, %dma_start3A_333] : memref<2x10112x128xf32, #tpu.memory_space<hbm>> -> memref<1x632x128xf32, #tpu.memory_space<hbm>>
      %dma_start3A_335 = tpu.memref_squeeze %dma_start3A_334 : memref<1x632x128xf32, #tpu.memory_space<hbm>> -> memref<632x128xf32, #tpu.memory_space<hbm>>
      %dma_start3A_336 = arith.constant 0 : i32
      %dma_start3A_337 = tpu.memref_slice %arg20[%mul3A_330, %dma_start3A_336] : memref<10112x128xf32, #tpu.memory_space<vmem_shared>> -> memref<632x128xf32, #tpu.memory_space<vmem_shared>>
      tpu.enqueue_dma source(%dma_start3A_337 : memref<632x128xf32, #tpu.memory_space<vmem_shared>>) target(%dma_start3A_335 : memref<632x128xf32, #tpu.memory_space<hbm>>) target_semaphore(%run_scoped3A : memref<!tpu.dma_semaphore, #tpu.memory_space<semaphore_mem>>)
      %dma_wait3A_338 = arith.constant 0 : i32
      %dma_wait3A_339 = tpu.memref_slice %arg9[%arg0, %mul3A_332, %dma_wait3A_338] : memref<2x10112x128xf32, #tpu.memory_space<hbm>> -> memref<1x632x128xf32, #tpu.memory_space<hbm>>
      %dma_wait3A_340 = tpu.memref_squeeze %dma_wait3A_339 : memref<1x632x128xf32, #tpu.memory_space<hbm>> -> memref<632x128xf32, #tpu.memory_space<hbm>>
      %dma_wait3A_341 = arith.constant 0 : i32
      %dma_wait3A_342 = tpu.memref_slice %arg20[%mul3A_330, %dma_wait3A_341] : memref<10112x128xf32, #tpu.memory_space<vmem_shared>> -> memref<632x128xf32, #tpu.memory_space<vmem_shared>>
      tpu.wait_dma2 semaphore(%run_scoped3A : memref<!tpu.dma_semaphore, #tpu.memory_space<semaphore_mem>>) src(%dma_wait3A_342 : memref<632x128xf32, #tpu.memory_space<vmem_shared>>) dst(%dma_wait3A_340 : memref<632x128xf32, #tpu.memory_space<hbm>>)
      tpu.yield
    }) : () -> ()
    return
  }
}

module attributes {stable_mosaic.version = 14 : i64} {
  func.func @_proj_body(%arg0: memref<10000x128xf32, #tpu.memory_space<vmem>>, %arg1: memref<128x128xf32, #tpu.memory_space<vmem>>, %arg2: memref<128x128xf32, #tpu.memory_space<vmem>>, %arg3: memref<1x128xf32, #tpu.memory_space<vmem>>, %arg4: memref<128x128xf32, #tpu.memory_space<vmem>>, %arg5: memref<1x128xf32, #tpu.memory_space<vmem>>, %arg6: memref<10000x128xf32, #tpu.memory_space<vmem>>, %arg7: memref<10000x128xf32, #tpu.memory_space<vmem>>, %arg8: memref<1x128xf32, #tpu.memory_space<vmem>>) attributes {dimension_semantics = [], scalar_prefetch = 0 : i64, scratch_operands = 0 : i64, tpu.core_type = #tpu.core_type<tc>} {
    %get3A = arith.constant 0 : index
    %get3A_0 = arith.constant 0 : index
    %get3A_1 = vector.load %arg0[%get3A, %get3A_0] : memref<10000x128xf32, #tpu.memory_space<vmem>>, vector<10000x128xf32>
    %get3A_2 = arith.constant 0 : index
    %get3A_3 = arith.constant 0 : index
    %get3A_4 = vector.load %arg1[%get3A_2, %get3A_3] : memref<128x128xf32, #tpu.memory_space<vmem>>, vector<128x128xf32>
    %dot_general3A = arith.constant dense<0.000000e+00> : vector<10000x128xf32>
    %dot_general3A_5 = tpu.matmul %get3A_1, %get3A_4, %dot_general3A {dimension_numbers = #tpu.dot_dimension_numbers<[1], [0], [0], [1], [0, 0, 1, 1], [], []>, transpose_lhs_hint = false} : vector<10000x128xf32>, vector<128x128xf32>, vector<10000x128xf32> -> vector<10000x128xf32>
    %swap3A = arith.constant 0 : index
    %swap3A_6 = arith.constant 0 : index
    %swap3A_7 = vector.load %arg6[%swap3A, %swap3A_6] : memref<10000x128xf32, #tpu.memory_space<vmem>>, vector<10000x128xf32>
    tpu.vector_store %arg6[%swap3A, %swap3A_6], %dot_general3A_5 {strides = array<i32>} : memref<10000x128xf32, #tpu.memory_space<vmem>>, vector<10000x128xf32>,
    %get3A_8 = arith.constant 0 : index
    %get3A_9 = arith.constant 0 : index
    %get3A_10 = vector.load %arg0[%get3A_8, %get3A_9] : memref<10000x128xf32, #tpu.memory_space<vmem>>, vector<10000x128xf32>
    %get3A_11 = arith.constant 0 : index
    %get3A_12 = arith.constant 0 : index
    %get3A_13 = vector.load %arg2[%get3A_11, %get3A_12] : memref<128x128xf32, #tpu.memory_space<vmem>>, vector<128x128xf32>
    %dot_general3A_14 = arith.constant dense<0.000000e+00> : vector<10000x128xf32>
    %dot_general3A_15 = tpu.matmul %get3A_10, %get3A_13, %dot_general3A_14 {dimension_numbers = #tpu.dot_dimension_numbers<[1], [0], [0], [1], [0, 0, 1, 1], [], []>, transpose_lhs_hint = false} : vector<10000x128xf32>, vector<128x128xf32>, vector<10000x128xf32> -> vector<10000x128xf32>
    %swap3A_16 = arith.constant 0 : index
    %swap3A_17 = arith.constant 0 : index
    %swap3A_18 = vector.load %arg7[%swap3A_16, %swap3A_17] : memref<10000x128xf32, #tpu.memory_space<vmem>>, vector<10000x128xf32>
    tpu.vector_store %arg7[%swap3A_16, %swap3A_17], %dot_general3A_15 {strides = array<i32>} : memref<10000x128xf32, #tpu.memory_space<vmem>>, vector<10000x128xf32>,
    %get3A_19 = arith.constant 0 : index
    %get3A_20 = arith.constant 0 : index
    %get3A_21 = vector.load %arg3[%get3A_19, %get3A_20] : memref<1x128xf32, #tpu.memory_space<vmem>>, vector<1x128xf32>
    %get3A_22 = arith.constant 0 : index
    %get3A_23 = arith.constant 0 : index
    %get3A_24 = vector.load %arg4[%get3A_22, %get3A_23] : memref<128x128xf32, #tpu.memory_space<vmem>>, vector<128x128xf32>
    %dot_general3A_25 = arith.constant dense<0.000000e+00> : vector<1x128xf32>
    %dot_general3A_26 = tpu.matmul %get3A_21, %get3A_24, %dot_general3A_25 {dimension_numbers = #tpu.dot_dimension_numbers<[1], [0], [0], [1], [0, 0, 1, 1], [], []>, transpose_lhs_hint = false} : vector<1x128xf32>, vector<128x128xf32>, vector<1x128xf32> -> vector<1x128xf32>
    %get3A_27 = arith.constant 0 : index
    %get3A_28 = arith.constant 0 : index
    %get3A_29 = vector.load %arg5[%get3A_27, %get3A_28] : memref<1x128xf32, #tpu.memory_space<vmem>>, vector<1x128xf32>
    %add3A = arith.addf %dot_general3A_26, %get3A_29 : vector<1x128xf32>
    %swap3A_30 = arith.constant 0 : index
    %swap3A_31 = arith.constant 0 : index
    %swap3A_32 = vector.load %arg8[%swap3A_30, %swap3A_31] : memref<1x128xf32, #tpu.memory_space<vmem>>, vector<1x128xf32>
    tpu.vector_store %arg8[%swap3A_30, %swap3A_31], %add3A {strides = array<i32>} : memref<1x128xf32, #tpu.memory_space<vmem>>, vector<1x128xf32>,
    return
  }
}

module attributes {stable_mosaic.version = 14 : i64} {
  func.func @_edge_body(%arg0: i32, %arg1: memref<16x3200xf32, #tpu.memory_space<vmem>>, %arg2: memref<16x3200xf32, #tpu.memory_space<vmem>>, %arg3: memref<16x128xf32, #tpu.memory_space<vmem>>, %arg4: memref<1x128xf32, #tpu.memory_space<vmem>>, %arg5: memref<3200x128xi32, #tpu.memory_space<vmem>>) attributes {dimension_semantics = [#tpu.dimension_semantics<arbitrary>], iteration_bounds = array<i64: 50>, scalar_prefetch = 0 : i64, scratch_operands = 0 : i64, tpu.core_type = #tpu.core_type<tc>, window_params = [{transform_indices = @transform_0, window_bounds = array<i64: 16, 3200>}, {transform_indices = @transform_1, window_bounds = array<i64: 16, 3200>}, {pipeline_mode = #tpu.pipeline_mode<synchronous>, transform_indices = @transform_2, window_bounds = array<i64: 16, 128>}, {pipeline_mode = #tpu.pipeline_mode<synchronous>, transform_indices = @transform_3, window_bounds = array<i64: 1, 128>}, {transform_indices = @transform_4, window_bounds = array<i64: 3200, 128>}]} {
    %get3A = arith.constant 0 : index
    %get3A_0 = arith.constant 0 : index
    %get3A_1 = vector.load %arg1[%get3A, %get3A_0] : memref<16x3200xf32, #tpu.memory_space<vmem>>, vector<16x3200xf32>
    %get3A_2 = arith.constant 0 : index
    %get3A_3 = arith.constant 0 : index
    %get3A_4 = vector.load %arg3[%get3A_2, %get3A_3] : memref<16x128xf32, #tpu.memory_space<vmem>>, vector<16x128xf32>
    %dot_general3A = arith.constant dense<0.000000e+00> : vector<3200x128xf32>
    %dot_general3A_5 = tpu.matmul %get3A_1, %get3A_4, %dot_general3A {dimension_numbers = #tpu.dot_dimension_numbers<[0], [0], [1], [1], [0, 1, 1, 1], [], []>, transpose_lhs_hint = false} : vector<16x3200xf32>, vector<16x128xf32>, vector<3200x128xf32> -> vector<3200x128xf32>
    %get3A_6 = arith.constant 0 : index
    %get3A_7 = arith.constant 0 : index
    %get3A_8 = vector.load %arg4[%get3A_6, %get3A_7] : memref<1x128xf32, #tpu.memory_space<vmem>>, vector<1x128xf32>
    %add3A = vector.broadcast %get3A_8 : vector<1x128xf32> to vector<3200x128xf32>
    %add3A_9 = arith.addf %dot_general3A_5, %add3A : vector<3200x128xf32>
    %get3A_10 = arith.constant 0 : index
    %get3A_11 = arith.constant 0 : index
    %get3A_12 = vector.load %arg2[%get3A_10, %get3A_11] : memref<16x3200xf32, #tpu.memory_space<vmem>>, vector<16x3200xf32>
    %get3A_13 = arith.constant 0 : index
    %get3A_14 = arith.constant 0 : index
    %get3A_15 = vector.load %arg3[%get3A_13, %get3A_14] : memref<16x128xf32, #tpu.memory_space<vmem>>, vector<16x128xf32>
    %dot_general3A_16 = arith.constant dense<0.000000e+00> : vector<3200x128xf32>
    %dot_general3A_17 = tpu.matmul %get3A_12, %get3A_15, %dot_general3A_16 {dimension_numbers = #tpu.dot_dimension_numbers<[0], [0], [1], [1], [0, 1, 1, 1], [], []>, transpose_lhs_hint = false} : vector<16x3200xf32>, vector<16x128xf32>, vector<3200x128xf32> -> vector<3200x128xf32>
    %get3A_18 = arith.constant 0 : index
    %get3A_19 = arith.constant 0 : index
    %get3A_20 = vector.load %arg4[%get3A_18, %get3A_19] : memref<1x128xf32, #tpu.memory_space<vmem>>, vector<1x128xf32>
    %add3A_21 = vector.broadcast %get3A_20 : vector<1x128xf32> to vector<3200x128xf32>
    %add3A_22 = arith.addf %dot_general3A_17, %add3A_21 : vector<3200x128xf32>
    %convert_element_type3A = arith.truncf %add3A_9 : vector<3200x128xf32> to vector<3200x128xbf16>
    %bitcast_convert_type3A = tpu.bitcast %convert_element_type3A : vector<3200x128xbf16> -> vector<3200x128xi16>
    %convert_element_type3A_23 = arith.extsi %bitcast_convert_type3A : vector<3200x128xi16> to vector<3200x128xi32>
    %convert_element_type3A_24 = arith.truncf %add3A_22 : vector<3200x128xf32> to vector<3200x128xbf16>
    %bitcast_convert_type3A_25 = tpu.bitcast %convert_element_type3A_24 : vector<3200x128xbf16> -> vector<3200x128xi16>
    %convert_element_type3A_26 = arith.extsi %bitcast_convert_type3A_25 : vector<3200x128xi16> to vector<3200x128xi32>
    %and3A = arith.constant 65535 : i32
    %and3A_27 = vector.broadcast %and3A : i32 to vector<3200x128xi32>
    %and3A_28 = arith.andi %convert_element_type3A_23, %and3A_27 : vector<3200x128xi32>
    %shift_left3A = arith.constant 16 : i32
    %shift_left3A_29 = vector.broadcast %shift_left3A : i32 to vector<3200x128xi32>
    %shift_left3A_30 = arith.shli %convert_element_type3A_26, %shift_left3A_29 : vector<3200x128xi32>
    %or3A = arith.ori %and3A_28, %shift_left3A_30 : vector<3200x128xi32>
    %swap3A = arith.constant 0 : index
    %swap3A_31 = arith.constant 0 : index
    %swap3A_32 = vector.load %arg5[%swap3A, %swap3A_31] : memref<3200x128xi32, #tpu.memory_space<vmem>>, vector<3200x128xi32>
    tpu.vector_store %arg5[%swap3A, %swap3A_31], %or3A {strides = array<i32>} : memref<3200x128xi32, #tpu.memory_space<vmem>>, vector<3200x128xi32>,
    return
  }
  func.func @transform_0(%arg0: i32) -> (i32, i32) {
    %c0_i32 = arith.constant 0 : i32
    %c0_i32_0 = arith.constant 0 : i32
    return %c0_i32, %arg0 : i32, i32
  }
  func.func @transform_1(%arg0: i32) -> (i32, i32) {
    %add3A = arith.constant 50 : i32
    %add3A_0 = arith.addi %arg0, %add3A : i32
    %c0_i32 = arith.constant 0 : i32
    %c0_i32_1 = arith.constant 0 : i32
    return %c0_i32, %add3A_0 : i32, i32
  }
  func.func @transform_2(%arg0: i32) -> (i32, i32) {
    %c0_i32 = arith.constant 0 : i32
    %c0_i32_0 = arith.constant 0 : i32
    %c0_i32_1 = arith.constant 0 : i32
    return %c0_i32, %c0_i32_0 : i32, i32
  }
  func.func @transform_3(%arg0: i32) -> (i32, i32) {
    %c0_i32 = arith.constant 0 : i32
    %c0_i32_0 = arith.constant 0 : i32
    %c0_i32_1 = arith.constant 0 : i32
    return %c0_i32, %c0_i32_0 : i32, i32
  }
  func.func @transform_4(%arg0: i32) -> (i32, i32) {
    %c0_i32 = arith.constant 0 : i32
    %c0_i32_0 = arith.constant 0 : i32
    return %arg0, %c0_i32 : i32, i32
  }
}

module attributes {stable_mosaic.version = 14 : i64} {
  func.func @_node_body(%arg0: memref<2x10112x128xf32, #tpu.memory_space<vmem>>, %arg1: memref<10000x128xf32, #tpu.memory_space<vmem>>, %arg2: memref<1x128xf32, #tpu.memory_space<vmem>>, %arg3: memref<128x128xf32, #tpu.memory_space<vmem>>, %arg4: memref<128x128xf32, #tpu.memory_space<vmem>>, %arg5: memref<128x128xf32, #tpu.memory_space<vmem>>, %arg6: memref<1x128xf32, #tpu.memory_space<vmem>>, %arg7: memref<128x128xf32, #tpu.memory_space<vmem>>, %arg8: memref<128x128xf32, #tpu.memory_space<vmem>>, %arg9: memref<128x128xf32, #tpu.memory_space<vmem>>, %arg10: memref<1x128xf32, #tpu.memory_space<vmem>>, %arg11: memref<10000x128xf32, #tpu.memory_space<vmem>>, %arg12: memref<1x128xf32, #tpu.memory_space<vmem>>) attributes {dimension_semantics = [], scalar_prefetch = 0 : i64, scratch_operands = 0 : i64, tpu.core_type = #tpu.core_type<tc>} {
    %get3A = arith.constant 0 : index
    %get3A_0 = arith.constant 0 : index
    %get3A_1 = arith.constant 0 : index
    %get3A_2 = vector.load %arg0[%get3A, %get3A_0, %get3A_1] : memref<2x10112x128xf32, #tpu.memory_space<vmem>>, vector<1x10000x128xf32>
    %get3A_3 = vector.shape_cast %get3A_2 : vector<1x10000x128xf32> to vector<10000x128xf32>
    %get3A_4 = arith.constant 1 : index
    %get3A_5 = arith.constant 0 : index
    %get3A_6 = arith.constant 0 : index
    %get3A_7 = vector.load %arg0[%get3A_4, %get3A_5, %get3A_6] : memref<2x10112x128xf32, #tpu.memory_space<vmem>>, vector<1x10000x128xf32>
    %get3A_8 = vector.shape_cast %get3A_7 : vector<1x10000x128xf32> to vector<10000x128xf32>
    %add3A = arith.addf %get3A_3, %get3A_8 : vector<10000x128xf32>
    %get3A_9 = arith.constant 0 : index
    %get3A_10 = arith.constant 0 : index
    %get3A_11 = vector.load %arg2[%get3A_9, %get3A_10] : memref<1x128xf32, #tpu.memory_space<vmem>>, vector<1x128xf32>
    %get3A_12 = arith.constant 0 : index
    %get3A_13 = arith.constant 0 : index
    %get3A_14 = vector.load %arg5[%get3A_12, %get3A_13] : memref<128x128xf32, #tpu.memory_space<vmem>>, vector<128x128xf32>
    %dot_general3A = arith.constant dense<0.000000e+00> : vector<1x128xf32>
    %dot_general3A_15 = tpu.matmul %get3A_11, %get3A_14, %dot_general3A {dimension_numbers = #tpu.dot_dimension_numbers<[1], [0], [0], [1], [0, 0, 1, 1], [], []>, transpose_lhs_hint = false} : vector<1x128xf32>, vector<128x128xf32>, vector<1x128xf32> -> vector<1x128xf32>
    %get3A_16 = arith.constant 0 : index
    %get3A_17 = arith.constant 0 : index
    %get3A_18 = vector.load %arg6[%get3A_16, %get3A_17] : memref<1x128xf32, #tpu.memory_space<vmem>>, vector<1x128xf32>
    %add3A_19 = arith.addf %dot_general3A_15, %get3A_18 : vector<1x128xf32>
    %get3A_20 = arith.constant 0 : index
    %get3A_21 = arith.constant 0 : index
    %get3A_22 = vector.load %arg3[%get3A_20, %get3A_21] : memref<128x128xf32, #tpu.memory_space<vmem>>, vector<128x128xf32>
    %dot_general3A_23 = arith.constant dense<0.000000e+00> : vector<10000x128xf32>
    %dot_general3A_24 = tpu.matmul %add3A, %get3A_22, %dot_general3A_23 {dimension_numbers = #tpu.dot_dimension_numbers<[1], [0], [0], [1], [0, 0, 1, 1], [], []>, transpose_lhs_hint = false} : vector<10000x128xf32>, vector<128x128xf32>, vector<10000x128xf32> -> vector<10000x128xf32>
    %get3A_25 = arith.constant 0 : index
    %get3A_26 = arith.constant 0 : index
    %get3A_27 = vector.load %arg1[%get3A_25, %get3A_26] : memref<10000x128xf32, #tpu.memory_space<vmem>>, vector<10000x128xf32>
    %get3A_28 = arith.constant 0 : index
    %get3A_29 = arith.constant 0 : index
    %get3A_30 = vector.load %arg4[%get3A_28, %get3A_29] : memref<128x128xf32, #tpu.memory_space<vmem>>, vector<128x128xf32>
    %dot_general3A_31 = arith.constant dense<0.000000e+00> : vector<10000x128xf32>
    %dot_general3A_32 = tpu.matmul %get3A_27, %get3A_30, %dot_general3A_31 {dimension_numbers = #tpu.dot_dimension_numbers<[1], [0], [0], [1], [0, 0, 1, 1], [], []>, transpose_lhs_hint = false} : vector<10000x128xf32>, vector<128x128xf32>, vector<10000x128xf32> -> vector<10000x128xf32>
    %add3A_33 = arith.addf %dot_general3A_24, %dot_general3A_32 : vector<10000x128xf32>
    %add3A_34 = vector.broadcast %add3A_19 : vector<1x128xf32> to vector<10000x128xf32>
    %add3A_35 = arith.addf %add3A_33, %add3A_34 : vector<10000x128xf32>
    %max3A = arith.constant 0.000000e+00 : f32
    %max3A_36 = vector.broadcast %max3A : f32 to vector<10000x128xf32>
    %max3A_37 = arith.maximumf %add3A_35, %max3A_36 : vector<10000x128xf32>
    %swap3A = arith.constant 0 : index
    %swap3A_38 = arith.constant 0 : index
    %swap3A_39 = vector.load %arg11[%swap3A, %swap3A_38] : memref<10000x128xf32, #tpu.memory_space<vmem>>, vector<10000x128xf32>
    tpu.vector_store %arg11[%swap3A, %swap3A_38], %max3A_37 {strides = array<i32>} : memref<10000x128xf32, #tpu.memory_space<vmem>>, vector<10000x128xf32>,
    %reduce_sum3A = arith.constant dense<0.000000e+00> : vector<128xf32>
    %reduce_sum3A_40 = vector.multi_reduction <add>, %add3A, %reduce_sum3A [0] : vector<10000x128xf32> to vector<128xf32>
    %broadcast_in_dim3A = vector.shape_cast %reduce_sum3A_40 : vector<128xf32> to vector<1x128xf32>
    %mul3A = arith.constant 3.125000e-06 : f32
    %mul3A_41 = vector.broadcast %mul3A : f32 to vector<1x128xf32>
    %mul3A_42 = arith.mulf %broadcast_in_dim3A, %mul3A_41 : vector<1x128xf32>
    %reduce_sum3A_43 = arith.constant dense<0.000000e+00> : vector<128xf32>
    %reduce_sum3A_44 = vector.multi_reduction <add>, %max3A_37, %reduce_sum3A_43 [0] : vector<10000x128xf32> to vector<128xf32>
    %broadcast_in_dim3A_45 = vector.shape_cast %reduce_sum3A_44 : vector<128xf32> to vector<1x128xf32>
    %mul3A_46 = arith.constant 9.99999974E-5 : f32
    %mul3A_47 = vector.broadcast %mul3A_46 : f32 to vector<1x128xf32>
    %mul3A_48 = arith.mulf %broadcast_in_dim3A_45, %mul3A_47 : vector<1x128xf32>
    %get3A_49 = arith.constant 0 : index
    %get3A_50 = arith.constant 0 : index
    %get3A_51 = vector.load %arg7[%get3A_49, %get3A_50] : memref<128x128xf32, #tpu.memory_space<vmem>>, vector<128x128xf32>
    %dot_general3A_52 = arith.constant dense<0.000000e+00> : vector<1x128xf32>
    %dot_general3A_53 = tpu.matmul %mul3A_42, %get3A_51, %dot_general3A_52 {dimension_numbers = #tpu.dot_dimension_numbers<[1], [0], [0], [1], [0, 0, 1, 1], [], []>, transpose_lhs_hint = false} : vector<1x128xf32>, vector<128x128xf32>, vector<1x128xf32> -> vector<1x128xf32>
    %get3A_54 = arith.constant 0 : index
    %get3A_55 = arith.constant 0 : index
    %get3A_56 = vector.load %arg8[%get3A_54, %get3A_55] : memref<128x128xf32, #tpu.memory_space<vmem>>, vector<128x128xf32>
    %dot_general3A_57 = arith.constant dense<0.000000e+00> : vector<1x128xf32>
    %dot_general3A_58 = tpu.matmul %mul3A_48, %get3A_56, %dot_general3A_57 {dimension_numbers = #tpu.dot_dimension_numbers<[1], [0], [0], [1], [0, 0, 1, 1], [], []>, transpose_lhs_hint = false} : vector<1x128xf32>, vector<128x128xf32>, vector<1x128xf32> -> vector<1x128xf32>
    %add3A_59 = arith.addf %dot_general3A_53, %dot_general3A_58 : vector<1x128xf32>
    %get3A_60 = arith.constant 0 : index
    %get3A_61 = arith.constant 0 : index
    %get3A_62 = vector.load %arg2[%get3A_60, %get3A_61] : memref<1x128xf32, #tpu.memory_space<vmem>>, vector<1x128xf32>
    %get3A_63 = arith.constant 0 : index
    %get3A_64 = arith.constant 0 : index
    %get3A_65 = vector.load %arg9[%get3A_63, %get3A_64] : memref<128x128xf32, #tpu.memory_space<vmem>>, vector<128x128xf32>
    %dot_general3A_66 = arith.constant dense<0.000000e+00> : vector<1x128xf32>
    %dot_general3A_67 = tpu.matmul %get3A_62, %get3A_65, %dot_general3A_66 {dimension_numbers = #tpu.dot_dimension_numbers<[1], [0], [0], [1], [0, 0, 1, 1], [], []>, transpose_lhs_hint = false} : vector<1x128xf32>, vector<128x128xf32>, vector<1x128xf32> -> vector<1x128xf32>
    %add3A_68 = arith.addf %add3A_59, %dot_general3A_67 : vector<1x128xf32>
    %get3A_69 = arith.constant 0 : index
    %get3A_70 = arith.constant 0 : index
    %get3A_71 = vector.load %arg10[%get3A_69, %get3A_70] : memref<1x128xf32, #tpu.memory_space<vmem>>, vector<1x128xf32>
    %add3A_72 = arith.addf %add3A_68, %get3A_71 : vector<1x128xf32>
    %max3A_73 = arith.constant 0.000000e+00 : f32
    %max3A_74 = vector.broadcast %max3A_73 : f32 to vector<1x128xf32>
    %max3A_75 = arith.maximumf %add3A_72, %max3A_74 : vector<1x128xf32>
    %swap3A_76 = arith.constant 0 : index
    %swap3A_77 = arith.constant 0 : index
    %swap3A_78 = vector.load %arg12[%swap3A_76, %swap3A_77] : memref<1x128xf32, #tpu.memory_space<vmem>>, vector<1x128xf32>
    tpu.vector_store %arg12[%swap3A_76, %swap3A_77], %max3A_75 {strides = array<i32>} : memref<1x128xf32, #tpu.memory_space<vmem>>, vector<1x128xf32>,
    return
  }
}

</mosaic_0001>

<sc_bundles>
// kernel: kernel.6.cloned.1.call-start
scs
__scs_entry_jumppad:
0x0: {  	(pc) =	sbr.rel $0x88, $3  }
0x1: {  	(tag) =	ssettag $0x0;
	lr =	simm.s32 $0x1  }
0x2: {  	[smem:$0x3F97] =	sst lr;
	_ =	strace $0xD0000000  }
0x3: {  	_ = 	snop  }
0x4: {  	_ = 	snop  }
0x5: {  	_ = 	snop  }
0x6: {  	_ = 	snop  }
0x7: {  	_ = 	snop  }
__scs_overlays_trampoline_lowered:
0x8: {  	[smem:$0x3FA6] =	sst s0  }
0x9: {  	[smem:$0x3FA7] =	sst s1  }
0xa: {  	[smem:$0x3FA8] =	sst s2  }
0xb: {  	[smem:$0x3FA9] =	sst s3  }
0xc: {  	[smem:$0x3FAA] =	sst s4  }
0xd: {  	[smem:$0x3FAB] =	sst s5  }
0xe: {  	[smem:$0x3FAC] =	sst s6  }
0xf: {  	[smem:$0x3FAD] =	sst s7  }
0x10: {  	[smem:$0x3FAE] =	sst s8  }
0x11: {  	[smem:$0x3FAF] =	sst s9;
	s0 =	simm.s32 @!p0 $0x0  }
0x12: {  	s1 =	sld [smem:$0x3F95];
	s0 =	simm.s32 @p0 $0x1  }
0x13: {  	[smem:$0x3FB0] =	sst s0;
	s0 =	simm.s32 @!p1 $0x0  }
0x14: {  	s2 =	sld [smem:$0x3F94];
	s0 =	simm.s32 @p1 $0x1  }
0x15: {  	[smem:$0x3FB1] =	sst s0;
	s0 =	simm.s32 @!p2 $0x0  }
0x16: {  	s3 =	sld [smem:$0x3FDB];
	s0 =	simm.s32 @p2 $0x1  }
0x17: {  	s4 =	simm.s32 $0x1BF5;
	[smem:$0x3FB3] =	sst s0  }
0x18: {  	s0 =	sld [smem:$0x3F96];
	_ =	swait.ge [sflag:s4], $0x0  }
0x19: {  	s7 =	sld [smem:$0x3F97]  }
0x1a: {  	s8 =	sadd.s32 $0xFFFFE003, lr  }
0x1b: {  	s9 =	sadd.s32 $0xFFFFFEF7, lr;
	s5 =	simm.s32 $0xFFFFFFFF;
	p2 =	slt.u32 s8, $0xFFFFF086  }
0x1c: {  	p1 =	slt.u32 s9, $0xF7A;
	s5 =	simm.s32 @!p2 $0x0  }
0x1d: {  	s5 =	simm.s32 @p1 $0x1;
	p0 =	seq.s32 s7, s2  }
0x1e: {  	s7 =	smul.u32 @!p0 $0xF7A, s2;
	p2 =	seq.s32 @!p0 s5, $0x0  }
0x1f: {  	s9 =	smul.u32 $0xF7A, s1;
	s8 =	simm.s32 @!p0 $0x1BF5;
	p2 =	por !p2, p0  }
0x20: {  	[sflag:s8] =	ssyncset.s32 @!p0 $0xFFFFF086;
	s6 =	sadd.s32 @!p0 s3, s7;
	s7 =	simm.s32 @!p0 $0x108  }
0x21: {  	s3 =	sadd.s32 s3, s9;
	s6 =	sadd.s32 @!p0 $0x88, s6;
	s7 =	simm.s32 @p2 $0x1082  }
0x22: {  	[simem:s7], [sflag:s8] =	dma.local @!p0 [hbm:s6], $0xF7A  }
0x23: {  	s9 =	sor.u32 $0xD0000000, s2;
	s6 =	simm.s32 $0x108;
	_ =	swait.ge @!p0 [sflag:s8], $0x0  }
0x24: {  	s3 =	sadd.s32 $0x88, s3;
	s6 =	simm.s32 @!p1 $0x1082;
	[sflag:s4] =	ssyncset.s32 $0xFFFFF086  }
0x25: {  	[simem:s6], [sflag:s4] =	dma.local [hbm:s3], $0xF7A  }
0x26: {  	[smem:$0x3F97] =	sst s1;
	(tag) =	ssettag s2;
	_ =	strace s9  }
0x27: {  	s1 =	sld [smem:$0x3FA7]  }
0x28: {  	s2 =	sld [smem:$0x3FA8]  }
0x29: {  	s4 =	sld [smem:$0x3FAA]  }
0x2a: {  	p0 =	seq.s32 s5, $0x0;
	s5 =	sld [smem:$0x3FAB]  }
0x2b: {  	s6 =	sld [smem:$0x3FAC]  }
0x2c: {  	s7 =	sld [smem:$0x3FAD]  }
0x2d: {  	s3 =	simm.s32 $0x108;
	s8 =	sld [smem:$0x3FAE]  }
0x2e: {  	s3 =	simm.s32 @!p0 $0x1082;
	s9 =	sld [smem:$0x3FAF]  }
0x2f: {  	lr =	sadd.s32 s0, s3;
	s0 =	sld [smem:$0x3FA6]  }
0x30: {  	s3 =	sld [smem:$0x3FA9]  }
0x31: {  	[smem:$0x3FB2] =	sst s10  }
0x32: {  	s10 =	sld [smem:$0x3FB0];
	_ =	sdelay $0x3  }
0x33: {  	p0 =	seq.s32 s10, $0x1;
	s10 =	sld [smem:$0x3FB2];
	_ =	sdelay $0x3  }
0x34: {  	[smem:$0x3FB2] =	sst s10  }
0x35: {  	s10 =	sld [smem:$0x3FB1];
	_ =	sdelay $0x3  }
0x36: {  	p1 =	seq.s32 s10, $0x1;
	s10 =	sld [smem:$0x3FB2];
	_ =	sdelay $0x3  }
0x37: {  	[smem:$0x3FB2] =	sst s10  }
0x38: {  	s10 =	sld [smem:$0x3FB3]  }
0x39: {  	_ = 	snop;
	(pc) =	sbr.ind lr, $3  }
0x3a: {  	_ = 	snop  }
0x3b: {  	_ = 	snop  }
0x3c: {  	p2 =	seq.s32 s10, $0x1;
	s10 =	sld [smem:$0x3FB2]  }
0x3d: {  	_ =	shalt  }
0x3e: {  	_ =	shalt  }
0x3f: {  	_ =	shalt  }
0x40: {  	_ =	shalt  }
0x41: {  	_ =	shalt  }
0x42: {  	_ =	shalt  }
0x43: {  	_ =	shalt  }
0x44: {  	_ =	shalt  }
0x45: {  	_ =	shalt  }
0x46: {  	_ =	shalt  }
0x47: {  	_ =	shalt  }
0x48: {  	_ =	shalt  }
0x49: {  	_ =	shalt  }
0x4a: {  	_ =	shalt  }
0x4b: {  	_ =	shalt  }
0x4c: {  	_ =	shalt  }
0x4d: {  	_ =	shalt  }
0x4e: {  	_ =	shalt  }
0x4f: {  	_ =	shalt  }
0x50: {  	_ =	shalt  }
0x51: {  	_ =	shalt  }
0x52: {  	_ =	shalt  }
0x53: {  	_ =	shalt  }
0x54: {  	_ =	shalt  }
0x55: {  	_ =	shalt  }
0x56: {  	_ =	shalt  }
0x57: {  	_ =	shalt  }
0x58: {  	_ =	shalt  }
0x59: {  	_ =	shalt  }
0x5a: {  	_ =	shalt  }
0x5b: {  	_ =	shalt  }
0x5c: {  	_ =	shalt  }
0x5d: {  	_ =	shalt  }
0x5e: {  	_ =	shalt  }
0x5f: {  	_ =	shalt  }
0x60: {  	_ =	shalt  }
0x61: {  	_ =	shalt  }
0x62: {  	_ =	shalt  }
0x63: {  	_ =	shalt  }
0x64: {  	_ =	shalt  }
0x65: {  	_ =	shalt  }
0x66: {  	_ =	shalt  }
0x67: {  	_ =	shalt  }
0x68: {  	_ =	shalt  }
0x69: {  	_ =	shalt  }
0x6a: {  	_ =	shalt  }
0x6b: {  	_ =	shalt  }
0x6c: {  	_ =	shalt  }
0x6d: {  	_ =	shalt  }
0x6e: {  	_ =	shalt  }
0x6f: {  	_ =	shalt  }
0x70: {  	_ =	shalt  }
0x71: {  	_ =	shalt  }
0x72: {  	_ =	shalt  }
0x73: {  	_ =	shalt  }
0x74: {  	_ =	shalt  }
0x75: {  	_ =	shalt  }
0x76: {  	_ =	shalt  }
0x77: {  	_ =	shalt  }
0x78: {  	_ =	shalt  }
0x79: {  	_ =	shalt  }
0x7a: {  	_ =	shalt  }
0x7b: {  	_ =	shalt  }
0x7c: {  	_ =	shalt  }
0x7d: {  	_ =	shalt  }
0x7e: {  	_ =	shalt  }
0x7f: {  	_ =	shalt  }
0x80: {  	_ =	shalt  }
0x81: {  	_ =	shalt  }
0x82: {  	_ =	shalt  }
0x83: {  	_ =	shalt  }
0x84: {  	_ =	shalt  }
0x85: {  	_ =	shalt  }
0x86: {  	_ =	shalt  }
0x87: {  	_ =	shalt  }
.Lfunc_end0:
.L_simem_size_0:
called_computation_lowered:
.L_overlay_start_0:
0x88: {  	s2 =	sld [smem:$0x3FD9]  }
0x89: {  	s3 =	sld [smem:$0x3FFE];
	_ =	sdelay $0x1  }
0x8a: {  	s1 =	srdreg.scid  }
0x8b: {  	s0 =	sand.u32 $0x1, s1  }
0x8c: {  	s14 =	sshll.u32 s0, $0xA;
	s2 =	sadd.s32 s3, s2  }
0x8d: {  	s2 =	sadd.s32 s2, s14  }
0x8e: {  	[smem:$0x3FBE] =	sst s2  }
0x8f: {  	_ = 	snop  }
0x90: {  	s2 =	sld [smem:$0x3FD0];
	_ =	sdelay $0x2  }
0x91: {  	s15 =	simm.s32 $0xA;
	s4 =	simm.s32 $0x10  }
0x92: {  	[smem:s4], [sflag:s15] =	dma.local [hbm:s2], $0x1  }
0x93: {  	_ =	swait.eq [sflag:s15], $0x1  }
0x94: {  	[sflag:s15] =	ssyncset.done $0x0  }
0x95: {  	s16 =	sld [smem:$0x10];
	[sflag:s15] =	ssyncadd.s32 $0xFFFFFFFF  }
0x96: {  	s17 =	sld [smem:$0x11];
	(tm) =	ssettm $0x1  }
0x97: {  	s18 =	sld [smem:$0x3FFB];
	_ =	sdelay $0x3  }
0x98: {  	_ =	strace s18  }
0x99: {  	s4 =	sld [smem:$0x3FFC];
	_ =	sdelay $0x3  }
0x9a: {  	_ =	strace s4  }
0x9b: {  	s4 =	sld [smem:$0x3FFD];
	_ =	sdelay $0x3  }
0x9c: {  	_ =	strace s4  }
0x9d: {  	_ =	strace $0x8FFFFFFF  }
0x9e: {  	s19 =	sld [smem:$0x3FDB];
	_ =	sdelay $0x1  }
0x9f: {  	s5 =	simm.s32 $_scs_section_size  }
0xa0: {  	s6 =	simm.s32 $_size__tile_overlayer_lowered;
	s7 =	simm.s32 $_tile_overlayer_lowered  }
0xa1: {  	s22 =	simm.s32 $0x1BFF;
	s21 =	sshll.u32 s7, $0x1;
	s4 =	sadd.s32 s5, s19  }
0xa2: {  	s8 =	simm.s32 $0x0;
	s20 =	sshll.u32 s6, $0x1;
	s6 =	sadd.s32 s21, s4  }
0xa3: {  	[timem:s8], [sflag:s22] =	dma.local [hbm:s6], s20  }
0xa4: {  	_ =	swait.ge [sflag:s22], s20  }
0xa5: {  	s5 =	ssub.s32 $0x0, s20;
	[sflag:s22] =	ssyncset.done $0x0  }
0xa6: {  	[sflag:s22] =	ssyncadd.s32 s5;
	_ =	sdelay $0x1  }
0xa7: {  	s23 =	simm.s32 $0x1B8B  }
0xa8: {  	_ =	swait.ge [sflag:s23], $0x1  }
0xa9: {  	[sflag:s23] =	ssyncset.done $0x0  }
0xaa: {  	s25 =	simm.s32 $0x1B8E;
	s24 =	sld [smem:$0x3FFE];
	[sflag:s23] =	ssyncadd.s32 $0xFFFFFFFF  }
0xab: {  	s26 =	simm.s32 $execute0_lowered;
	[smem:$0x3FD2] =	sst s25  }
0xac: {  	s6 =	sshll.u32 s26, $0x1;
	_ =	strace $0x80000046;
	[dreg:$0x1] =	wrdreg $0xFFFFFFFF  }
0xad: {  	s28 =	simm.s32 $_size_execute0_lowered;
	s4 =	sadd.s32 s4, s6;
	[dreg:$0x0] =	wrdreg $0x0  }
0xae: {  	s6 =	sshll.u32 s28, $0x1;
	[dreg:$0x2] =	wrdreg s4  }
0xaf: {  	[dreg:$0x3] =	wrdreg s6  }
0xb0: {  	[dreg:$0x4] =	wrdreg $0xC0  }
0xb1: {  	_ =	task [dreg:s8], $0x5FFFF  }
0xb2: {  	[dreg:$0x1] =	wrdreg $0xFFFFFFFF  }
0xb3: {  	[dreg:$0x0] =	wrdreg $0x60  }
0xb4: {  	[dreg:$0x2] =	wrdreg s24  }
0xb5: {  	[dreg:$0x3] =	wrdreg s17  }
0xb6: {  	[dreg:$0x4] =	wrdreg s16  }
0xb7: {  	[dreg:$0x5] =	wrdreg $0xA2000  }
0xb8: {  	[dreg:$0x6] =	wrdreg $0x9  }
0xb9: {  	_ =	task.clear_ibuf [dreg:s8], $0x7FFFF;
	_ =	strace $0x90000046  }
0xba: {  	s29 =	simm.s32 $0x9;
	_ =	strace $0x80000048  }
0xbb: {  	_ =	swait.ge [sflag:s29], $0x1  }
0xbc: {  	[sflag:s29] =	ssyncadd.s32 $0xFFFFFFFF  }
0xbd: {  	_ =	strace $0x90000048  }
0xbe: {  	_ =	sfence  }
0xbf: {  	s30 =	sld [smem:$0x0];
	_ =	sdelay $0x2  }
0xc0: {  	s31 =	sshll.u32 s1, $0xD;
	s1 =	sshrl.u32 s1, $0x2  }
0xc1: {  	s3 =	sand.u32 $0x4000, s31;
	s1 =	sadd.s32 s1, s30  }
0xc2: {  	s0 =	sor.u32 s3, s0;
	s1 =	sshll.u32 s1, $0x11  }
0xc3: {  	s0 =	sor.u32 s1, s0  }
0xc4: {  	s0 =	sadd.s32 $0x8F2B, s0  }
0xc5: {  	[sflag:s0] =	ssyncadd.remote.s32 $0x1  }
0xc6: {  	_ =	sfence.sel $0xFFFF  }
0xc7: {  	[dreg:$0x0] =	wrdreg $0xFFFFFFFF;
	(pc) =	sbr.abs _section_cstart, $3  }
0xc8: {  	[dreg:$0x1] =	wrdreg $0xFFFFFFFF  }
0xc9: {  	_ =	task.clear_ibuf [dreg:s8], $0x2FFFF;
	_ =	strace $0x9FFFFFFF  }
0xca: {  	(tm) =	ssettm $0x7FFFFFFF  }
0xcb: {  	_ =	shalt  }
tec
execute0_lowered:
.L_overlay_start_1:
0x0: {  	(tag) =	ssettag $0x1  }
0x1: {  	s0 =	rddreg [dreg:$0x0]  }
0x2: {  	s19 =	rddreg [dreg:$0x1]  }
0x3: {  	s15 =	rddreg [dreg:$0x2]  }
0x4: {  	s12 =	rddreg [dreg:$0x3]  }
0x5: {  	s14 =	stileid.u32;
	s1 =	srdreg.scid  }
0x6: {  	s5 =	simm.s32 $0x0;
	s2 =	smul.u32 $0x13C00, s14;
	s1 =	sand.u32 $0x1, s1  }
0x7: {  	[smem:$0x7FF] =	sst s5;
	s6 =	sadd.s32 $0x3CC00, s0;
	s7 =	sadd.s32 $0xBC00, s0  }
0x8: {  	s8 =	sadd.s32 $0x1E00, s0;
	s9 =	sadd.s32 $0x15A00, s0;
	s10 =	sshll.u32 s14, $0x1  }
0x9: {  	s11 =	smul.u32 $0x4F000, s14;
	p0 =	slt.u32 s14, $0x4;
	s16 =	sshll.u32 s14, $0x6  }
0xa: {  	s3 =	smul.u32 $0x13C000, s1;
	_ =	strace $0x80000047;
	s26 =	ssub.s32 $0x2, s1  }
0xb: {  	s1 =	sor.u32 s1, s10;
	s10 =	simm.s32 $0x9D;
	s16 =	sor.u32 $0x1C0F, s16  }
0xc: {  	s4 =	sshrl.u32 s26, $0x1;
	s13 =	sshrl.u32 s11, $0x2;
	s11 =	sshll.u32 s1, $0x5  }
0xd: {  	s10 =	simm.s32 @!p0 $0x9C;
	[dreg:$0x8] =	wrdreg s16;
	s3 =	sadd.s32 s2, s3  }
0xe: {  	s2 =	sshrl.u32 s2, $0x3;
	[dreg:$0x5] =	wrdreg s10;
	s20 =	sor.u32 $0x400, s11  }
0xf: {  	s22 =	sshrl.u32 s11, $0x3;
	s3 =	sshrl.u32 s3, $0x3;
	s2 =	sadd.s32 s2, s0  }
0x10: {  	s0 =	sadd.s32 s3, s0;
	s3 =	ssub.s32 s26, s4;
	s4 =	sadd.s32 s13, s12  }
0x11: {  	s21 =	sshrl.u32 s20, $0x3;
	s2 =	sadd.s32 $0x2ADC00, s2;
	[dreg:$0x6] =	wrdreg s4  }
0x12: {  	s23 =	sadd.s32 $0x4EA0, s22;
	s13 =	sadd.s32 s7, s21;
	[dreg:$0x7] =	wrdreg s2  }
0x13: {  	s24 =	sadd.s32 s7, s23;
	[dreg:$0xb] =	wrdreg s13  }
0x14: {  	s29 =	simm.s32 $0x40;
	s25 =	sadd.s32 s8, s23;
	[dreg:$0xd] =	wrdreg s24  }
0x15: {  	s30 =	simm.s32 $0x5100;
	[dreg:$0xe] =	wrdreg s25;
	s0 =	sadd.s32 $0x2D5400, s0  }
0x16: {  	s2 =	sshll.u32 s20, $0x4;
	s12 =	smax.u32 s3, $0x1;
	[dreg:$0x19] =	wrdreg s0  }
0x17: {  	s20 =	sadd.s32 $0x4F20, s22;
	s13 =	sadd.s32 s6, s2;
	[dreg:$0x1a] =	wrdreg s12  }
0x18: {  	s31 =	simm.s32 $0x4;
	s22 =	sadd.s32 s7, s20;
	[dreg:$0xf] =	wrdreg s13  }
0x19: {  	s4 =	sadd.s32 $0x27100, s11;
	s23 =	sadd.s32 s8, s20;
	[dreg:$0x14] =	wrdreg s22  }
0x1a: {  	s17 =	sshrl.u32 s4, $0x3;
	s20 =	sadd.s32 $0x275000, s15;
	[dreg:$0x15] =	wrdreg s23  }
0x1b: {  	s28 =	simm.s32 $0x5140;
	s18 =	sadd.s32 s7, s17;
	[dreg:$0x1e] =	wrdreg s20  }
0x1c: {  	s26 =	sshll.u32 s1, $0x2;
	s10 =	sadd.s32 s8, s17;
	[dreg:$0x9] =	wrdreg s18  }
0x1d: {  	s25 =	sshll.u32 s4, $0x4;
	s17 =	sadd.s32 s8, s26;
	[dreg:$0xa] =	wrdreg s10  }
0x1e: {  	p0 =	sgt.u32 s14, $0x3;
	s2 =	sadd.s32 s15, s25;
	[dreg:$0x11] =	wrdreg s17  }
0x1f: {  	s24 =	sor.u32 $0x27000, s11;
	s22 =	sadd.s32 $0x271000, s15;
	[dreg:$0x16] =	wrdreg s2  }
0x20: {  	s3 =	simm.s32 $0x3;
	s13 =	sadd.s32 s7, s26;
	[dreg:$0x1f] =	wrdreg s22  }
0x21: {  	s4 =	simm.s32 $0x0;
	s10 =	sadd.s32 s8, s21;
	[dreg:$0x10] =	wrdreg s13  }
0x22: {  	s18 =	sor.u32 $0x100, s26;
	s23 =	sadd.s32 $0x9C20, s13;
	[dreg:$0xc] =	wrdreg s10  }
0x23: {  	s20 =	simm.s32 $0xE;
	s10 =	sadd.s32 s7, s18;
	[smem:$0x7F9] =	sst s23  }
0x24: {  	s21 =	sshll.u32 s1, $0x9;
	s1 =	sadd.s32 s8, s18;
	[dreg:$0x12] =	wrdreg s10  }
0x25: {  	s26 =	sshrl.u32 s24, $0x3;
	s14 =	sadd.s32 s6, s21;
	[dreg:$0x13] =	wrdreg s1  }
0x26: {  	s2 =	simm.s32 $0xF;
	s18 =	sadd.s32 $0x4000, s15;
	[dreg:$0x1b] =	wrdreg s14  }
0x27: {  	s13 =	simm.s32 $0x2;
	s17 =	sadd.s32 s15, s21;
	[dreg:$0x1d] =	wrdreg s18  }
0x28: {  	s15 =	simm.s32 $0x80;
	s10 =	sadd.s32 s7, s26;
	[dreg:$0x1c] =	wrdreg s17  }
0x29: {  	s1 =	sshll.u32 s24, $0x4;
	s24 =	sadd.s32 $0x26C000, s17;
	[dreg:$0x17] =	wrdreg s10  }
0x2a: {  	s23 =	simm.s32 $0x5200;
	s25 =	sadd.s32 $0x4DD000, s17;
	[smem:$0x7FA] =	sst s24  }
.Ltmp0:
0x2b: {  	s26 =	sadd.s32 $0x270000, s17;
	[smem:$0x7FB] =	sst s25;
	(pc) =	sbr.rel .LBB2_1-.Ltmp0, $4  }
0x2c: {  	s0 =	sadd.s32 $0x4E1000, s17;
	s17 =	simm.s32 $0x8;
	[smem:$0x7FC] =	sst s26  }
0x2d: {  	s18 =	simm.s32 $0xD;
	s1 =	sadd.s32 s6, s1;
	[smem:$0x7FD] =	sst s0  }
0x2e: {  	s24 =	simm.s32 $0x1;
	s25 =	simm.s32 $0x100;
	s26 =	simm.s32 $0x5180  }
0x2f: {  	s10 =	simm.s32 $0x9;
	[dreg:$0x18] =	wrdreg s1;
	s1 =	simm.s32 $0x5  }
.LBB2_15:
0x30: {  	s0 =	simm.s32 $0x6  }
0x31: {  	_ =	swait.ge [sflag:s0], $0x2000  }
0x32: {  	[sflag:s0] =	ssyncset.done $0x0  }
0x33: {  	s12 =	simm.s32 $0x7;
	[sflag:s0] =	ssyncadd.s32 $0xFFFFE000  }
0x34: {  	_ =	swait.ge [sflag:s12], $0x2000  }
0x35: {  	[sflag:s12] =	ssyncset.done $0x0  }
0x36: {  	[sflag:s12] =	ssyncadd.s32 $0xFFFFE000  }
0x37: {  	_ =	swait.ge [sflag:s18], $0x2000  }
0x38: {  	[sflag:s18] =	ssyncset.done $0x0  }
0x39: {  	[sflag:s18] =	ssyncadd.s32 $0xFFFFE000  }
0x3a: {  	_ =	swait.ge [sflag:s20], $0x2000  }
0x3b: {  	[sflag:s20] =	ssyncset.done $0x0  }
0x3c: {  	[sflag:s20] =	ssyncadd.s32 $0xFFFFE000  }
0x3d: {  	[bflag:$0x0] =	sbarrier.arrive $0xFFFF  }
0x3e: {  	s2 =	sld [smem:$0x7F8];
	_ =	sdelay $0x1  }
0x3f: {  	s14 =	rddreg [dreg:$0x19]  }
0x40: {  	[hbm:s14], [sflag:s16] =	dma.local [spmem:s2], $0x2780  }
0x41: {  	s2 =	simm.s32 $0xF  }
0x42: {  	_ =	swait.ge [sflag:s2], $0x2780  }
0x43: {  	s4 =	sadd.s32 $0x1, s4;
	s22 =	rddreg [dreg:$0x1a]  }
0x44: {  	p1 =	sne.s32 s4, s22  }
.Ltmp1:
0x45: {  	_ = 	snop;
	(pc) =	sbr.rel @!p1 .LBB2_16-.Ltmp1, $3  }
0x46: {  	_ =	sdelay $0x1  }
0x47: {  	[sflag:s2] =	ssyncset.done $0x0  }
0x48: {  	[sflag:s2] =	ssyncadd.s32 $0xFFFFD880  }
.LBB2_1:
0x49: {  	[smem:$0x7F7] =	sst s4  }
0x4a: {  	s0 =	rddreg [dreg:$0x6]  }
0x4b: {  	s14 =	rddreg [dreg:$0x7];
	s12 =	sshrl.u32 s0, $0x3  }
0x4c: {  	[smem:$0x7F8] =	sst s12  }
0x4d: {  	[spmem:s12], [sflag:s16] =	dma.local [hbm:s14], $0x2780  }
0x4e: {  	_ =	swait.ge [sflag:s2], $0x2780  }
0x4f: {  	[sflag:s2] =	ssyncset.done $0x0  }
0x50: {  	[sflag:s2] =	ssyncadd.s32 $0xFFFFD880  }
0x51: {  	[bflag:$0x0] =	sbarrier.arrive $0xFFFF  }
0x52: {  	s4 =	rddreg [dreg:$0x10]  }
0x53: {  	[tilespmem:s5], [sflag:$0x1] =	stream.linear.gather [hbm4b:s4+s5], $0x20, $0x38;
	[tilespmem:$0x1DE00] =	vst v63  }
0x54: {  	s12 =	simm.s32 $0x20;
	s0 =	rddreg [dreg:$0x9]  }
0x55: {  	[tilespmem:s12], [sflag:$0x1] =	stream.linear.gather [hbm4b:s0+s5], $0x20, $0x38;
	[tilespmem:$0x1DE00] =	vst v63  }
0x56: {  	s16 =	rddreg [dreg:$0x11]  }
0x57: {  	[tilespmem:s29], [sflag:$0x1] =	stream.linear.gather [hbm4b:s16+s5], $0x20, $0x38;
	[tilespmem:$0x1DE00] =	vst v63  }
0x58: {  	s14 =	simm.s32 $0x60;
	s22 =	rddreg [dreg:$0xa]  }
0x59: {  	[tilespmem:s14], [sflag:$0x1] =	stream.linear.gather [hbm4b:s22+s5], $0x20, $0x38;
	[tilespmem:$0x1DE00] =	vst v63  }
0x5a: {  	_ = 	snop  }
0x5b: {  	[tilespmem:s15], [sflag:$0x2] =	stream.linear.gather [hbm4b:s4+s5], $0x20, $0x38;
	[tilespmem:$0x1DE00] =	vst v63  }
0x5c: {  	s4 =	simm.s32 $0xA0  }
0x5d: {  	[tilespmem:s4], [sflag:$0x2] =	stream.linear.gather [hbm4b:s0+s5], $0x20, $0x38;
	[tilespmem:$0x1DE00] =	vst v63  }
0x5e: {  	s0 =	rddreg [dreg:$0xb]  }
0x5f: {  	[tilespmem:s30], [sflag:$0x8] =	stream.linear.gather [hbm4b:s0+s5], $0x20, $0x38;
	[tilespmem:$0x1DE00] =	vst v63  }
0x60: {  	s16 =	simm.s32 $0x5120;
	s4 =	rddreg [dreg:$0xd]  }
0x61: {  	[tilespmem:s16], [sflag:$0x8] =	stream.linear.gather [hbm4b:s4+s5], $0x20, $0x38;
	[tilespmem:$0x1DE00] =	vst v63  }
0x62: {  	s22 =	rddreg [dreg:$0xc];
	s16 =	simm.s32 $0x5140  }
0x63: {  	[tilespmem:s16], [sflag:$0x8] =	stream.linear.gather [hbm4b:s22+s5], $0x20, $0x38;
	[tilespmem:$0x1DE00] =	vst v63  }
0x64: {  	s2 =	rddreg [dreg:$0xe];
	s22 =	simm.s32 $0x5160  }
0x65: {  	[tilespmem:s22], [sflag:$0x8] =	stream.linear.gather [hbm4b:s2+s5], $0x20, $0x38;
	[tilespmem:$0x1DE00] =	vst v63  }
0x66: {  	_ =	swait.ge [sflag:s24], $0x20  }
0x67: {  	[sflag:s24] =	ssyncset.done $0x0  }
0x68: {  	[sflag:s24] =	ssyncadd.s32 $0xFFFFFFE0  }
0x69: {  	_ =	swait.ge [sflag:s24], $0x20  }
0x6a: {  	[sflag:s24] =	ssyncset.done $0x0  }
0x6b: {  	[sflag:s24] =	ssyncadd.s32 $0xFFFFFFE0  }
0x6c: {  	_ =	swait.ge [sflag:s24], $0x20  }
0x6d: {  	[sflag:s24] =	ssyncset.done $0x0  }
0x6e: {  	[sflag:s24] =	ssyncadd.s32 $0xFFFFFFE0  }
0x6f: {  	_ =	swait.ge [sflag:s24], $0x20  }
0x70: {  	[sflag:s24] =	ssyncset.done $0x0  }
0x71: {  	[sflag:s24] =	ssyncadd.s32 $0xFFFFFFE0  }
0x72: {  	[tilespmem:s25], [sflag:$0x3] =	stream.indirect.gather [hbm4b:s19+s29], $0x80, s5, s29, $0xb8;
	[tilespmem:$0x1DE00] =	vst v63  }
0x73: {  	s22 =	simm.s32 $0x2100  }
0x74: {  	[tilespmem:s22], [sflag:$0x4] =	stream.indirect.gather [hbm4b:s9+s29], $0x80, s29, s29, $0xb8;
	[tilespmem:$0x1DE00] =	vst v63  }
0x75: {  	s2 =	rddreg [dreg:$0x1b];
	s22 =	simm.s32 $0x4100  }
0x76: {  	[tilespmem:s22], [sflag:$0x5] =	stream.linear.gather [hbm4b:s2+s5], $0x1000, $0x38;
	[tilespmem:$0x1DE00] =	vst v63  }
0x77: {  	_ = 	snop  }
0x78: {  	[tilespmem:s26], [sflag:$0x9] =	stream.linear.gather [hbm4b:s0+s5], $0x20, $0x38;
	[tilespmem:$0x1DE00] =	vst v63  }
0x79: {  	s22 =	simm.s32 $0x51A0  }
0x7a: {  	[tilespmem:s22], [sflag:$0x9] =	stream.linear.gather [hbm4b:s4+s5], $0x20, $0x38;
	[tilespmem:$0x1DE00] =	vst v63  }
0x7b: {  	_ =	swait.ge [sflag:s17], $0x20  }
0x7c: {  	[sflag:s17] =	ssyncset.done $0x0  }
0x7d: {  	[sflag:s17] =	ssyncadd.s32 $0xFFFFFFE0  }
0x7e: {  	_ =	swait.ge [sflag:s17], $0x20  }
0x7f: {  	[sflag:s17] =	ssyncset.done $0x0  }
0x80: {  	[sflag:s17] =	ssyncadd.s32 $0xFFFFFFE0  }
0x81: {  	_ =	swait.ge [sflag:s17], $0x20  }
0x82: {  	[sflag:s17] =	ssyncset.done $0x0  }
0x83: {  	[sflag:s17] =	ssyncadd.s32 $0xFFFFFFE0  }
0x84: {  	_ =	swait.ge [sflag:s17], $0x20  }
0x85: {  	[sflag:s17] =	ssyncset.done $0x0  }
0x86: {  	[sflag:s17] =	ssyncadd.s32 $0xFFFFFFE0  }
0x87: {  	[tilespmem:s23], [sflag:$0xA] =	stream.indirect.gather [hbm4b:s19+s29], $0x80, s30, s29, $0xb8;
	[tilespmem:$0x1DE00] =	vst v63  }
0x88: {  	s26 =	simm.s32 $0x7200  }
0x89: {  	[tilespmem:s26], [sflag:$0xB] =	stream.indirect.gather [hbm4b:s9+s29], $0x80, s16, s29, $0xb8;
	[tilespmem:$0x1DE00] =	vst v63  }
0x8a: {  	s4 =	simm.s32 $0x9200;
	s2 =	rddreg [dreg:$0xf]  }
0x8b: {  	[tilespmem:s4], [sflag:$0xC] =	stream.linear.gather [hbm4b:s2+s5], $0x1000, $0x38;
	[tilespmem:$0x1DE00] =	vst v63  }
0x8c: {  	_ =	swait.ge [sflag:s3], $0x2000  }
0x8d: {  	[sflag:s3] =	ssyncset.done $0x0  }
0x8e: {  	[sflag:s3] =	ssyncadd.s32 $0xFFFFE000  }
0x8f: {  	_ =	swait.ge [sflag:s31], $0x2000  }
0x90: {  	[sflag:s31] =	ssyncset.done $0x0  }
0x91: {  	[sflag:s31] =	ssyncadd.s32 $0xFFFFE000  }
0x92: {  	_ =	swait.ge [sflag:s1], $0x1000  }
0x93: {  	[sflag:s1] =	ssyncset.done $0x0  }
0x94: {  	s16 =	rddreg [dreg:$0x12];
	[sflag:s1] =	ssyncadd.s32 $0xFFFFF000  }
0x95: {  	[tilespmem:s5], [sflag:$0x1] =	stream.linear.gather [hbm4b:s16+s5], $0x20, $0x38;
	[tilespmem:$0x1DE00] =	vst v63  }
0x96: {  	s22 =	rddreg [dreg:$0x14]  }
0x97: {  	[tilespmem:s12], [sflag:$0x1] =	stream.linear.gather [hbm4b:s22+s5], $0x20, $0x38;
	[tilespmem:$0x1DE00] =	vst v63  }
0x98: {  	s23 =	rddreg [dreg:$0x13]  }
0x99: {  	[tilespmem:s29], [sflag:$0x1] =	stream.linear.gather [hbm4b:s23+s5], $0x20, $0x38;
	[tilespmem:$0x1DE00] =	vst v63  }
0x9a: {  	s0 =	simm.s32 $0x0;
	s26 =	rddreg [dreg:$0x15]  }
0x9b: {  	[tilespmem:s14], [sflag:$0x1] =	stream.linear.gather [hbm4b:s26+s5], $0x20, $0x38;
	[tilespmem:$0x1DE00] =	vst v63  }
0x9c: {  	v7 =	vld [tilespmem:s0+$0x2100]  }
0x9d: {  	v8 =	vld [tilespmem:s0+$0x3100]  }
0x9e: {  	v9 =	vld [tilespmem:s0+$0x2110]  }
0x9f: {  	v16 =	vld [tilespmem:s0+$0x3110]  }
0xa0: {  	v17 =	vld [tilespmem:s0+$0x2120]  }
0xa1: {  	v18 =	vld [tilespmem:s0+$0x3120]  }
0xa2: {  	v19 =	vld [tilespmem:s0+$0x2130]  }
0xa3: {  	v6 =	vld [tilespmem:s0+$0x3130]  }
0xa4: {  	v5 =	vld [tilespmem:s0+$0x2140]  }
0xa5: {  	v4 =	vld [tilespmem:s0+$0x3140]  }
0xa6: {  	v3 =	vld [tilespmem:s0+$0x2150]  }
0xa7: {  	v2 =	vld [tilespmem:s0+$0x3150]  }
0xa8: {  	v1 =	vld [tilespmem:s0+$0x2160]  }
0xa9: {  	v0 =	vld [tilespmem:s0+$0x3160]  }
0xaa: {  	v10 =	vld [tilespmem:s0+$0x4100]  }
0xab: {  	v11 =	vld [tilespmem:s0+$0x4110]  }
0xac: {  	v12 =	vld [tilespmem:s0+$0x4120]  }
0xad: {  	v13 =	vld [tilespmem:s0+$0x4130]  }
0xae: {  	v15 =	vld [tilespmem:s0+$0x4140]  }
0xaf: {  	v14 =	vld [tilespmem:s0+$0x100]  }
0xb0: {  	v23 =	vld [tilespmem:s0+$0x1100]  }
0xb1: {  	v24 =	vld [tilespmem:s0+$0x110]  }
0xb2: {  	v20 =	vld [tilespmem:s0+$0x4150]  }
0xb3: {  	v21 =	vld [tilespmem:s0+$0x4160];
	v26 =	vshll.u32 v10, $0x10  }
0xb4: {  	v25 =	vld [tilespmem:s0+$0x1110];
	v10 =	vand.u32 $0xFFFF0000, v10;
	v28 =	vshll.u32 v11, $0x10;
	v11 =	vand.u32 $0xFFFF0000, v11  }
0xb5: {  	v27 =	vld [tilespmem:s0+$0x120];
	v30 =	vshll.u32 v12, $0x10;
	v31 =	vand.u32 $0xFFFF0000, v12;
	v14 =	vadd.f32 v26, v14  }
0xb6: {  	v59 =	vld [tilespmem:s0+$0x1120];
	v32 =	vshll.u32 v13, $0x10;
	v10 =	vadd.f32 v10, v23;
	v24 =	vadd.f32 v28, v24  }
0xb7: {  	v29 =	vld [tilespmem:s0+$0x130];
	v60 =	vand.u32 $0xFFFF0000, v13;
	v34 =	vshll.u32 v15, $0x10;
	v7 =	vadd.f32 v14, v7  }
0xb8: {  	v22 =	vld [tilespmem:s0+$0x4170];
	v12 =	vand.u32 $0xFFFF0000, v15;
	v8 =	vadd.f32 v8, v10;
	v9 =	vadd.f32 v24, v9  }
0xb9: {  	v13 =	vshll.u32 v20, $0x10;
	v23 =	vld [tilespmem:s0+$0x1130];
	v10 =	vshll.u32 v21, $0x10;
	v7 =	vmax.f32 v7, $0.0e+00  }
0xba: {  	v33 =	vld [tilespmem:s0+$0x140];
	v8 =	vmax.f32 v8, $0.0e+00;
	v24 =	vmax.f32 v9, $0.0e+00;
	[tilespmem:s0+$0x100] =	vst v7;
	v7 =	vadd.f32 v11, v25  }
0xbb: {  	v14 =	vld [tilespmem:s0+$0x1140];
	v9 =	vand.u32 $0xFFFF0000, v21;
	v21 =	vadd.f32 v31, v59;
	[tilespmem:s0+$0x1100] =	vst v8;
	v8 =	vadd.f32 v30, v27  }
0xbc: {  	v15 =	vld [tilespmem:s0+$0x150];
	v62 =	vadd.f32 v32, v29;
	v11 =	vand.u32 $0xFFFF0000, v20;
	v20 =	vadd.f32 v16, v7  }
0xbd: {  	v21 =	vadd.f32 v18, v21;
	v16 =	vld [tilespmem:s0+$0x1150];
	v7 =	vshll.u32 v22, $0x10;
	v61 =	vadd.f32 v8, v17  }
0xbe: {  	[tilespmem:s0+$0x110] =	vst v24;
	v17 =	vld [tilespmem:s0+$0x160];
	v8 =	vand.u32 $0xFFFF0000, v22;
	v63 =	vmax.f32 v20, $0.0e+00;
	v20 =	vadd.f32 v60, v23  }
0xbf: {  	s2 =	simm.s32 $0x200;
	v18 =	vld [tilespmem:s0+$0x1160];
	v22 =	vadd.f32 v62, v19;
	v19 =	vadd.f32 v34, v33;
	v23 =	vmax.f32 v61, $0.0e+00;
	[tilespmem:s0+$0x1110] =	vst v63  }
.LBB2_2:
0xc0: {  	p1 =	sne.s32 s2, $0x3E00;
	[tilespmem:s0+$0x120] =	vst v23;
	v21 =	vmax.f32 v21, $0.0e+00;
	v6 =	vadd.f32 v6, v20;
	v12 =	vadd.f32 v12, v14;
	v14 =	vld [tilespmem:s0+$0x170]  }
0xc1: {  	[tilespmem:s0+$0x1120] =	vst v21;
	v20 =	vmax.f32 v22, $0.0e+00;
	v5 =	vadd.f32 v19, v5;
	v13 =	vadd.f32 v13, v15;
	v15 =	vld [tilespmem:s0+$0x1170]  }
0xc2: {  	[tilespmem:s0+$0x130] =	vst v20;
	v6 =	vmax.f32 v6, $0.0e+00;
	v4 =	vadd.f32 v4, v12;
	v11 =	vadd.f32 v11, v16;
	v12 =	vld [tilespmem:s0+$0x2170]  }
0xc3: {  	s4 =	sshra.s32 s2, $0x2;
	[tilespmem:s0+$0x1130] =	vst v6;
	v5 =	vmax.f32 v5, $0.0e+00;
	v3 =	vadd.f32 v13, v3;
	v6 =	vadd.f32 v10, v17;
	v10 =	vld [tilespmem:s0+$0x3170]  }
0xc4: {  	v16 =	vld [tilespmem:s4+$0x2100];
	[tilespmem:s0+$0x140] =	vst v5;
	v4 =	vmax.f32 v4, $0.0e+00;
	v2 =	vadd.f32 v2, v11;
	v5 =	vadd.f32 v9, v18  }
0xc5: {  	v17 =	vld [tilespmem:s4+$0x3100];
	[tilespmem:s0+$0x1140] =	vst v4;
	v3 =	vmax.f32 v3, $0.0e+00;
	v1 =	vadd.f32 v6, v1;
	v4 =	vadd.f32 v7, v14  }
0xc6: {  	v14 =	vld [tilespmem:s4+$0x2110];
	[tilespmem:s0+$0x150] =	vst v3;
	v2 =	vmax.f32 v2, $0.0e+00;
	v0 =	vadd.f32 v0, v5;
	v3 =	vadd.f32 v8, v15  }
0xc7: {  	v15 =	vld [tilespmem:s4+$0x3110];
	[tilespmem:s0+$0x1150] =	vst v2;
	v1 =	vmax.f32 v1, $0.0e+00;
	v2 =	vadd.f32 v4, v12  }
0xc8: {  	v18 =	vld [tilespmem:s4+$0x2120];
	[tilespmem:s0+$0x160] =	vst v1;
	v0 =	vmax.f32 v0, $0.0e+00;
	v1 =	vadd.f32 v10, v3  }
0xc9: {  	v19 =	vld [tilespmem:s4+$0x3120];
	[tilespmem:s0+$0x1160] =	vst v0;
	v0 =	vmax.f32 v2, $0.0e+00  }
0xca: {  	v22 =	vld [tilespmem:s4+$0x2130];
	[tilespmem:s0+$0x170] =	vst v0;
	v0 =	vmax.f32 v1, $0.0e+00  }
0xcb: {  	v6 =	vld [tilespmem:s4+$0x3130];
	[tilespmem:s0+$0x1170] =	vst v0;
	s0 =	smov.u32 s4  }
0xcc: {  	v5 =	vld [tilespmem:s0+$0x2140]  }
0xcd: {  	v4 =	vld [tilespmem:s0+$0x3140]  }
0xce: {  	v3 =	vld [tilespmem:s0+$0x2150]  }
0xcf: {  	v2 =	vld [tilespmem:s0+$0x3150]  }
0xd0: {  	v1 =	vld [tilespmem:s0+$0x2160]  }
0xd1: {  	v0 =	vld [tilespmem:s0+$0x3160]  }
0xd2: {  	v7 =	vld [tilespmem:s0+$0x4100]  }
0xd3: {  	v8 =	vld [tilespmem:s0+$0x4110]  }
0xd4: {  	v9 =	vld [tilespmem:s0+$0x4120]  }
0xd5: {  	v10 =	vld [tilespmem:s0+$0x4130]  }
0xd6: {  	v11 =	vld [tilespmem:s0+$0x4140]  }
0xd7: {  	v20 =	vld [tilespmem:s0+$0x4150]  }
0xd8: {  	v21 =	vld [tilespmem:s0+$0x4160]  }
0xd9: {  	v23 =	vld [tilespmem:s0+$0x4170]  }
0xda: {  	v13 =	vld [tilespmem:s0+$0x100]  }
0xdb: {  	v24 =	vshll.u32 v7, $0x10;
	v25 =	vld [tilespmem:s0+$0x1100]  }
0xdc: {  	v7 =	vand.u32 $0xFFFF0000, v7;
	v26 =	vshll.u32 v8, $0x10;
	v8 =	vand.u32 $0xFFFF0000, v8;
	v27 =	vld [tilespmem:s0+$0x110]  }
0xdd: {  	v29 =	vshll.u32 v9, $0x10;
	v30 =	vand.u32 $0xFFFF0000, v9;
	v31 =	vshll.u32 v10, $0x10;
	v28 =	vld [tilespmem:s0+$0x1110]  }
0xde: {  	v33 =	vand.u32 $0xFFFF0000, v10;
	v34 =	vshll.u32 v11, $0x10;
	v12 =	vand.u32 $0xFFFF0000, v11;
	v32 =	vld [tilespmem:s0+$0x120]  }
0xdf: {  	v11 =	vand.u32 $0xFFFF0000, v20;
	v24 =	vadd.f32 v24, v13;
	v35 =	vld [tilespmem:s0+$0x1120];
	v13 =	vshll.u32 v20, $0x10  }
0xe0: {  	v10 =	vshll.u32 v21, $0x10;
	v9 =	vand.u32 $0xFFFF0000, v21;
	v20 =	vadd.f32 v7, v25;
	v25 =	vld [tilespmem:s0+$0x130]  }
0xe1: {  	v7 =	vshll.u32 v23, $0x10;
	v16 =	vadd.f32 v24, v16;
	v21 =	vadd.f32 v26, v27;
	v24 =	vld [tilespmem:s0+$0x1130]  }
0xe2: {  	v17 =	vadd.f32 v17, v20;
	v20 =	vadd.f32 v8, v28;
	v26 =	vld [tilespmem:s0+$0x140];
	v8 =	vand.u32 $0xFFFF0000, v23  }
.Ltmp2:
0xe3: {  	v16 =	vmax.f32 v16, $0.0e+00;
	v21 =	vadd.f32 v21, v14;
	v23 =	vadd.f32 v29, v32;
	v14 =	vld [tilespmem:s0+$0x1140];
	(pc) =	sbr.rel @p1 .LBB2_2-.Ltmp2, $4  }
0xe4: {  	[tilespmem:s0+$0x100] =	vst v16;
	v16 =	vmax.f32 v17, $0.0e+00;
	v17 =	vadd.f32 v15, v20;
	v20 =	vadd.f32 v30, v35;
	v15 =	vld [tilespmem:s0+$0x150]  }
0xe5: {  	[tilespmem:s0+$0x1100] =	vst v16;
	v21 =	vmax.f32 v21, $0.0e+00;
	v18 =	vadd.f32 v23, v18;
	v25 =	vadd.f32 v31, v25;
	v16 =	vld [tilespmem:s0+$0x1150]  }
0xe6: {  	[tilespmem:s0+$0x110] =	vst v21;
	v23 =	vmax.f32 v17, $0.0e+00;
	v21 =	vadd.f32 v19, v20;
	v20 =	vadd.f32 v33, v24;
	v17 =	vld [tilespmem:s0+$0x160]  }
0xe7: {  	s2 =	sadd.s32 $0x200, s2;
	[tilespmem:s0+$0x1110] =	vst v23;
	v23 =	vmax.f32 v18, $0.0e+00;
	v22 =	vadd.f32 v25, v22;
	v19 =	vadd.f32 v34, v26;
	v18 =	vld [tilespmem:s0+$0x1160]  }
0xe8: {  	[tilespmem:s0+$0x120] =	vst v23;
	v21 =	vmax.f32 v21, $0.0e+00;
	v51 =	vld [tilespmem:s0+$0x170];
	v6 =	vadd.f32 v6, v20;
	v12 =	vadd.f32 v12, v14  }
0xe9: {  	v53 =	vld [tilespmem:s0+$0x1170];
	[tilespmem:s0+$0x1120] =	vst v21;
	v52 =	vmax.f32 v22, $0.0e+00;
	v5 =	vadd.f32 v19, v5;
	v13 =	vadd.f32 v13, v15  }
0xea: {  	v54 =	vld [tilespmem:s0+$0x2170];
	[tilespmem:s0+$0x130] =	vst v52;
	v6 =	vmax.f32 v6, $0.0e+00;
	v4 =	vadd.f32 v4, v12;
	v11 =	vadd.f32 v11, v16  }
0xeb: {  	v56 =	vld [tilespmem:s0+$0x3170];
	[tilespmem:s0+$0x1130] =	vst v6;
	v5 =	vmax.f32 v5, $0.0e+00;
	v3 =	vadd.f32 v13, v3;
	v55 =	vadd.f32 v10, v17  }
0xec: {  	[tilespmem:s0+$0x140] =	vst v5;
	v4 =	vmax.f32 v4, $0.0e+00;
	v2 =	vadd.f32 v2, v11;
	v57 =	vadd.f32 v9, v18  }
0xed: {  	[tilespmem:s0+$0x1140] =	vst v4;
	v3 =	vmax.f32 v3, $0.0e+00;
	v1 =	vadd.f32 v55, v1;
	v58 =	vadd.f32 v7, v51  }
0xee: {  	v59 =	vadd.f32 v8, v53;
	[tilespmem:s0+$0x150] =	vst v3;
	v2 =	vmax.f32 v2, $0.0e+00;
	v0 =	vadd.f32 v0, v57  }
0xef: {  	[tilespmem:s0+$0x1150] =	vst v2;
	v1 =	vmax.f32 v1, $0.0e+00;
	v60 =	vadd.f32 v58, v54  }
0xf0: {  	v61 =	vadd.f32 v56, v59;
	[tilespmem:s0+$0x160] =	vst v1;
	v0 =	vmax.f32 v0, $0.0e+00  }
0xf1: {  	[tilespmem:s0+$0x1160] =	vst v0;
	v62 =	vmax.f32 v60, $0.0e+00  }
0xf2: {  	v63 =	vmax.f32 v61, $0.0e+00;
	[tilespmem:s0+$0x170] =	vst v62  }
0xf3: {  	[tilespmem:s0+$0x1170] =	vst v63  }
0xf4: {  	_ =	swait.ge [sflag:s13], $0x20  }
0xf5: {  	[sflag:s13] =	ssyncset.done $0x0  }
0xf6: {  	[sflag:s13] =	ssyncadd.s32 $0xFFFFFFE0  }
0xf7: {  	_ =	swait.ge [sflag:s13], $0x20  }
0xf8: {  	[sflag:s13] =	ssyncset.done $0x0  }
0xf9: {  	s4 =	simm.s32 $0x0;
	s22 =	rddreg [dreg:$0x1c];
	[sflag:s13] =	ssyncadd.s32 $0xFFFFFFE0  }
0xfa: {  	[hbm4b:s22+s4] =	stream.linear.scatter [tilespmem:s25], [sflag:$0x6], $0x1000, $0x38;
	[tilespmem:$0x1DE00] =	vst v63  }
0xfb: {  	s2 =	simm.s32 $0x1100;
	s23 =	rddreg [dreg:$0x16]  }
0xfc: {  	[hbm4b:s23+s4] =	stream.linear.scatter [tilespmem:s2], [sflag:$0x6], $0x1000, $0x38;
	[tilespmem:$0x1DE00] =	vst v63  }
0xfd: {  	s26 =	rddreg [dreg:$0x3];
	s22 =	simm.s32 $0x0  }
0xfe: {  	[spmem:s26] =	stream.indirect.scatter.add.f32 [tilespmem:s25], [sflag:$0x7], $0x80, s15, s29, $0xb8;
	[tilespmem:$0x1DE00] =	vst v63  }
.LBB2_4:
0xff: {  	s12 =	simm.s32 $0x6  }
0x100: {  	s0 =	sshll.u32 s22, $0x1;
	_ =	swait.ge [sflag:s12], $0x2000  }
0x101: {  	s2 =	sadd.s32 $0x2, s0;
	[sflag:s12] =	ssyncset.done $0x0  }
0x102: {  	s16 =	simm.s32 $0x7;
	s14 =	sshll.u32 s2, $0xA;
	[sflag:s12] =	ssyncadd.s32 $0xFFFFE000  }
0x103: {  	s12 =	sor.u32 s11, s14;
	_ =	swait.ge [sflag:s16], $0x2000  }
0x104: {  	s14 =	sshrl.u32 s12, $0x3;
	[sflag:s16] =	ssyncset.done $0x0  }
0x105: {  	s14 =	sadd.s32 s7, s14;
	[sflag:s16] =	ssyncadd.s32 $0xFFFFE000  }
0x106: {  	[tilespmem:s15], [sflag:$0x2] =	stream.linear.gather [hbm4b:s14+s4], $0x20, $0x38;
	[tilespmem:$0x1DE00] =	vst v63  }
0x107: {  	s16 =	simm.s32 $0xA0;
	s14 =	sadd.s32 $0x4E20, s14  }
0x108: {  	[tilespmem:s16], [sflag:$0x2] =	stream.linear.gather [hbm4b:s14+s4], $0x20, $0x38;
	[tilespmem:$0x1DE00] =	vst v63  }
0x109: {  	_ =	swait.ge [sflag:s24], $0x20  }
0x10a: {  	[sflag:s24] =	ssyncset.done $0x0  }
0x10b: {  	[sflag:s24] =	ssyncadd.s32 $0xFFFFFFE0  }
0x10c: {  	_ =	swait.ge [sflag:s24], $0x20  }
0x10d: {  	[sflag:s24] =	ssyncset.done $0x0  }
0x10e: {  	[sflag:s24] =	ssyncadd.s32 $0xFFFFFFE0  }
0x10f: {  	_ =	swait.ge [sflag:s24], $0x20  }
0x110: {  	[sflag:s24] =	ssyncset.done $0x0  }
0x111: {  	[sflag:s24] =	ssyncadd.s32 $0xFFFFFFE0  }
0x112: {  	_ =	swait.ge [sflag:s24], $0x20  }
0x113: {  	[sflag:s24] =	ssyncset.done $0x0  }
0x114: {  	[sflag:s24] =	ssyncadd.s32 $0xFFFFFFE0  }
0x115: {  	[tilespmem:s25], [sflag:$0x3] =	stream.indirect.gather [hbm4b:s19+s29], $0x80, s4, s29, $0xb8;
	[tilespmem:$0x1DE00] =	vst v63  }
0x116: {  	s23 =	smov.u32 s19;
	s12 =	sshll.u32 s12, $0x4;
	s19 =	simm.s32 $0x2100  }
0x117: {  	[tilespmem:s19], [sflag:$0x4] =	stream.indirect.gather [hbm4b:s9+s29], $0x80, s29, s29, $0xb8;
	[tilespmem:$0x1DE00] =	vst v63  }
0x118: {  	s26 =	simm.s32 $0xA;
	s12 =	sadd.s32 s6, s12;
	s25 =	simm.s32 $0x4100  }
0x119: {  	[tilespmem:s25], [sflag:$0x5] =	stream.linear.gather [hbm4b:s12+s4], $0x1000, $0x38;
	[tilespmem:$0x1DE00] =	vst v63  }
0x11a: {  	_ =	swait.ge [sflag:s26], $0x2000  }
0x11b: {  	[sflag:s26] =	ssyncset.done $0x0  }
0x11c: {  	s12 =	simm.s32 $0xB;
	[sflag:s26] =	ssyncadd.s32 $0xFFFFE000  }
0x11d: {  	_ =	swait.ge [sflag:s12], $0x2000  }
0x11e: {  	s15 =	sshll.u32 s22, $0xB;
	[sflag:s12] =	ssyncset.done $0x0  }
0x11f: {  	s16 =	simm.s32 $0xC;
	[sflag:s12] =	ssyncadd.s32 $0xFFFFE000;
	s12 =	sor.u32 s11, s15  }
0x120: {  	_ =	swait.ge [sflag:s16], $0x1000;
	s12 =	sadd.s32 $0xC00, s12  }
0x121: {  	[sflag:s16] =	ssyncset.done $0x0;
	s19 =	sshrl.u32 s12, $0x3  }
0x122: {  	[sflag:s16] =	ssyncadd.s32 $0xFFFFF000;
	s14 =	sadd.s32 s7, s19;
	s25 =	sadd.s32 $0x4E20, s19  }
0x123: {  	[tilespmem:s30], [sflag:$0x8] =	stream.linear.gather [hbm4b:s14+s4], $0x20, $0x38;
	[tilespmem:$0x1DE00] =	vst v63  }
0x124: {  	s26 =	simm.s32 $0x5120;
	s30 =	sadd.s32 s7, s25  }
0x125: {  	[tilespmem:s26], [sflag:$0x8] =	stream.linear.gather [hbm4b:s30+s4], $0x20, $0x38;
	[tilespmem:$0x1DE00] =	vst v63  }
0x126: {  	s16 =	sadd.s32 s8, s19  }
0x127: {  	[tilespmem:s28], [sflag:$0x8] =	stream.linear.gather [hbm4b:s16+s4], $0x20, $0x38;
	[tilespmem:$0x1DE00] =	vst v63  }
0x128: {  	s19 =	simm.s32 $0x0;
	s25 =	sadd.s32 s8, s25;
	s26 =	simm.s32 $0x5160  }
0x129: {  	[tilespmem:s26], [sflag:$0x8] =	stream.linear.gather [hbm4b:s25+s4], $0x20, $0x38;
	[tilespmem:$0x1DE00] =	vst v63  }
0x12a: {  	v7 =	vld [tilespmem:s19+$0x7200]  }
0x12b: {  	v8 =	vld [tilespmem:s19+$0x8200]  }
0x12c: {  	v9 =	vld [tilespmem:s19+$0x7210]  }
0x12d: {  	v16 =	vld [tilespmem:s19+$0x8210]  }
0x12e: {  	v17 =	vld [tilespmem:s19+$0x7220]  }
0x12f: {  	v18 =	vld [tilespmem:s19+$0x8220]  }
0x130: {  	v19 =	vld [tilespmem:s19+$0x7230]  }
0x131: {  	v6 =	vld [tilespmem:s19+$0x8230]  }
0x132: {  	v5 =	vld [tilespmem:s19+$0x7240]  }
0x133: {  	v4 =	vld [tilespmem:s19+$0x8240]  }
0x134: {  	v3 =	vld [tilespmem:s19+$0x7250]  }
0x135: {  	v2 =	vld [tilespmem:s19+$0x8250]  }
0x136: {  	v1 =	vld [tilespmem:s19+$0x7260]  }
0x137: {  	v0 =	vld [tilespmem:s19+$0x8260]  }
0x138: {  	v10 =	vld [tilespmem:s19+$0x9200]  }
0x139: {  	v11 =	vld [tilespmem:s19+$0x9210]  }
0x13a: {  	v12 =	vld [tilespmem:s19+$0x9220]  }
0x13b: {  	v13 =	vld [tilespmem:s19+$0x9230]  }
0x13c: {  	v15 =	vld [tilespmem:s19+$0x9240]  }
0x13d: {  	v14 =	vld [tilespmem:s19+$0x5200]  }
0x13e: {  	v23 =	vld [tilespmem:s19+$0x6200]  }
0x13f: {  	v24 =	vld [tilespmem:s19+$0x5210]  }
0x140: {  	v20 =	vld [tilespmem:s19+$0x9250]  }
0x141: {  	v21 =	vld [tilespmem:s19+$0x9260];
	v26 =	vshll.u32 v10, $0x10  }
0x142: {  	v25 =	vld [tilespmem:s19+$0x6210];
	v10 =	vand.u32 $0xFFFF0000, v10;
	v28 =	vshll.u32 v11, $0x10;
	v11 =	vand.u32 $0xFFFF0000, v11  }
0x143: {  	v27 =	vld [tilespmem:s19+$0x5220];
	v30 =	vshll.u32 v12, $0x10;
	v31 =	vand.u32 $0xFFFF0000, v12;
	v14 =	vadd.f32 v26, v14  }
0x144: {  	v59 =	vld [tilespmem:s19+$0x6220];
	v32 =	vshll.u32 v13, $0x10;
	v10 =	vadd.f32 v10, v23;
	v24 =	vadd.f32 v28, v24  }
0x145: {  	v29 =	vld [tilespmem:s19+$0x5230];
	v60 =	vand.u32 $0xFFFF0000, v13;
	v34 =	vshll.u32 v15, $0x10;
	v7 =	vadd.f32 v14, v7  }
0x146: {  	v22 =	vld [tilespmem:s19+$0x9270];
	v12 =	vand.u32 $0xFFFF0000, v15;
	v8 =	vadd.f32 v8, v10;
	v9 =	vadd.f32 v24, v9  }
0x147: {  	v13 =	vshll.u32 v20, $0x10;
	v23 =	vld [tilespmem:s19+$0x6230];
	v10 =	vshll.u32 v21, $0x10;
	v7 =	vmax.f32 v7, $0.0e+00  }
0x148: {  	v33 =	vld [tilespmem:s19+$0x5240];
	v8 =	vmax.f32 v8, $0.0e+00;
	v24 =	vmax.f32 v9, $0.0e+00;
	[tilespmem:s19+$0x5200] =	vst v7;
	v7 =	vadd.f32 v11, v25  }
0x149: {  	v14 =	vld [tilespmem:s19+$0x6240];
	v9 =	vand.u32 $0xFFFF0000, v21;
	v21 =	vadd.f32 v31, v59;
	[tilespmem:s19+$0x6200] =	vst v8;
	v8 =	vadd.f32 v30, v27  }
0x14a: {  	v15 =	vld [tilespmem:s19+$0x5250];
	v62 =	vadd.f32 v32, v29;
	v11 =	vand.u32 $0xFFFF0000, v20;
	v20 =	vadd.f32 v16, v7  }
0x14b: {  	v21 =	vadd.f32 v18, v21;
	v16 =	vld [tilespmem:s19+$0x6250];
	v7 =	vshll.u32 v22, $0x10;
	v61 =	vadd.f32 v8, v17  }
0x14c: {  	[tilespmem:s19+$0x5210] =	vst v24;
	v17 =	vld [tilespmem:s19+$0x5260];
	v8 =	vand.u32 $0xFFFF0000, v22;
	v63 =	vmax.f32 v20, $0.0e+00;
	v20 =	vadd.f32 v60, v23  }
0x14d: {  	s16 =	simm.s32 $0x200;
	v18 =	vld [tilespmem:s19+$0x6260];
	v22 =	vadd.f32 v62, v19;
	v19 =	vadd.f32 v34, v33;
	v23 =	vmax.f32 v61, $0.0e+00;
	[tilespmem:s19+$0x6210] =	vst v63  }
.LBB2_5:
0x14e: {  	p1 =	sne.s32 s16, $0x3E00;
	[tilespmem:s19+$0x5220] =	vst v23;
	v21 =	vmax.f32 v21, $0.0e+00;
	v6 =	vadd.f32 v6, v20;
	v12 =	vadd.f32 v12, v14;
	v14 =	vld [tilespmem:s19+$0x5270]  }
0x14f: {  	[tilespmem:s19+$0x6220] =	vst v21;
	v20 =	vmax.f32 v22, $0.0e+00;
	v5 =	vadd.f32 v19, v5;
	v13 =	vadd.f32 v13, v15;
	v15 =	vld [tilespmem:s19+$0x6270]  }
0x150: {  	[tilespmem:s19+$0x5230] =	vst v20;
	v6 =	vmax.f32 v6, $0.0e+00;
	v4 =	vadd.f32 v4, v12;
	v11 =	vadd.f32 v11, v16;
	v12 =	vld [tilespmem:s19+$0x7270]  }
0x151: {  	s15 =	sshra.s32 s16, $0x2;
	[tilespmem:s19+$0x6230] =	vst v6;
	v5 =	vmax.f32 v5, $0.0e+00;
	v3 =	vadd.f32 v13, v3;
	v6 =	vadd.f32 v10, v17;
	v10 =	vld [tilespmem:s19+$0x8270]  }
0x152: {  	v16 =	vld [tilespmem:s15+$0x7200];
	[tilespmem:s19+$0x5240] =	vst v5;
	v4 =	vmax.f32 v4, $0.0e+00;
	v2 =	vadd.f32 v2, v11;
	v5 =	vadd.f32 v9, v18  }
0x153: {  	v17 =	vld [tilespmem:s15+$0x8200];
	[tilespmem:s19+$0x6240] =	vst v4;
	v3 =	vmax.f32 v3, $0.0e+00;
	v1 =	vadd.f32 v6, v1;
	v4 =	vadd.f32 v7, v14  }
0x154: {  	v14 =	vld [tilespmem:s15+$0x7210];
	[tilespmem:s19+$0x5250] =	vst v3;
	v2 =	vmax.f32 v2, $0.0e+00;
	v0 =	vadd.f32 v0, v5;
	v3 =	vadd.f32 v8, v15  }
0x155: {  	v15 =	vld [tilespmem:s15+$0x8210];
	[tilespmem:s19+$0x6250] =	vst v2;
	v1 =	vmax.f32 v1, $0.0e+00;
	v2 =	vadd.f32 v4, v12  }
0x156: {  	v18 =	vld [tilespmem:s15+$0x7220];
	[tilespmem:s19+$0x5260] =	vst v1;
	v0 =	vmax.f32 v0, $0.0e+00;
	v1 =	vadd.f32 v10, v3  }
0x157: {  	v19 =	vld [tilespmem:s15+$0x8220];
	[tilespmem:s19+$0x6260] =	vst v0;
	v0 =	vmax.f32 v2, $0.0e+00  }
0x158: {  	v22 =	vld [tilespmem:s15+$0x7230];
	[tilespmem:s19+$0x5270] =	vst v0;
	v0 =	vmax.f32 v1, $0.0e+00  }
0x159: {  	v6 =	vld [tilespmem:s15+$0x8230];
	[tilespmem:s19+$0x6270] =	vst v0;
	s19 =	smov.u32 s15  }
0x15a: {  	v5 =	vld [tilespmem:s19+$0x7240]  }
0x15b: {  	v4 =	vld [tilespmem:s19+$0x8240]  }
0x15c: {  	v3 =	vld [tilespmem:s19+$0x7250]  }
0x15d: {  	v2 =	vld [tilespmem:s19+$0x8250]  }
0x15e: {  	v1 =	vld [tilespmem:s19+$0x7260]  }
0x15f: {  	v0 =	vld [tilespmem:s19+$0x8260]  }
0x160: {  	v7 =	vld [tilespmem:s19+$0x9200]  }
0x161: {  	v8 =	vld [tilespmem:s19+$0x9210]  }
0x162: {  	v9 =	vld [tilespmem:s19+$0x9220]  }
0x163: {  	v10 =	vld [tilespmem:s19+$0x9230]  }
0x164: {  	v11 =	vld [tilespmem:s19+$0x9240]  }
0x165: {  	v20 =	vld [tilespmem:s19+$0x9250]  }
0x166: {  	v21 =	vld [tilespmem:s19+$0x9260]  }
0x167: {  	v23 =	vld [tilespmem:s19+$0x9270]  }
0x168: {  	v13 =	vld [tilespmem:s19+$0x5200]  }
0x169: {  	v24 =	vshll.u32 v7, $0x10;
	v25 =	vld [tilespmem:s19+$0x6200]  }
0x16a: {  	v7 =	vand.u32 $0xFFFF0000, v7;
	v26 =	vshll.u32 v8, $0x10;
	v8 =	vand.u32 $0xFFFF0000, v8;
	v27 =	vld [tilespmem:s19+$0x5210]  }
0x16b: {  	v29 =	vshll.u32 v9, $0x10;
	v30 =	vand.u32 $0xFFFF0000, v9;
	v31 =	vshll.u32 v10, $0x10;
	v28 =	vld [tilespmem:s19+$0x6210]  }
0x16c: {  	v33 =	vand.u32 $0xFFFF0000, v10;
	v34 =	vshll.u32 v11, $0x10;
	v12 =	vand.u32 $0xFFFF0000, v11;
	v32 =	vld [tilespmem:s19+$0x5220]  }
0x16d: {  	v11 =	vand.u32 $0xFFFF0000, v20;
	v24 =	vadd.f32 v24, v13;
	v35 =	vld [tilespmem:s19+$0x6220];
	v13 =	vshll.u32 v20, $0x10  }
0x16e: {  	v10 =	vshll.u32 v21, $0x10;
	v9 =	vand.u32 $0xFFFF0000, v21;
	v20 =	vadd.f32 v7, v25;
	v25 =	vld [tilespmem:s19+$0x5230]  }
0x16f: {  	v7 =	vshll.u32 v23, $0x10;
	v16 =	vadd.f32 v24, v16;
	v21 =	vadd.f32 v26, v27;
	v24 =	vld [tilespmem:s19+$0x6230]  }
0x170: {  	v17 =	vadd.f32 v17, v20;
	v20 =	vadd.f32 v8, v28;
	v26 =	vld [tilespmem:s19+$0x5240];
	v8 =	vand.u32 $0xFFFF0000, v23  }
.Ltmp3:
0x171: {  	v16 =	vmax.f32 v16, $0.0e+00;
	v21 =	vadd.f32 v21, v14;
	v23 =	vadd.f32 v29, v32;
	v14 =	vld [tilespmem:s19+$0x6240];
	(pc) =	sbr.rel @p1 .LBB2_5-.Ltmp3, $4  }
0x172: {  	[tilespmem:s19+$0x5200] =	vst v16;
	v16 =	vmax.f32 v17, $0.0e+00;
	v17 =	vadd.f32 v15, v20;
	v20 =	vadd.f32 v30, v35;
	v15 =	vld [tilespmem:s19+$0x5250]  }
0x173: {  	[tilespmem:s19+$0x6200] =	vst v16;
	v21 =	vmax.f32 v21, $0.0e+00;
	v18 =	vadd.f32 v23, v18;
	v25 =	vadd.f32 v31, v25;
	v16 =	vld [tilespmem:s19+$0x6250]  }
0x174: {  	[tilespmem:s19+$0x5210] =	vst v21;
	v23 =	vmax.f32 v17, $0.0e+00;
	v21 =	vadd.f32 v19, v20;
	v20 =	vadd.f32 v33, v24;
	v17 =	vld [tilespmem:s19+$0x5260]  }
0x175: {  	s16 =	sadd.s32 $0x200, s16;
	[tilespmem:s19+$0x6210] =	vst v23;
	v23 =	vmax.f32 v18, $0.0e+00;
	v22 =	vadd.f32 v25, v22;
	v19 =	vadd.f32 v34, v26;
	v18 =	vld [tilespmem:s19+$0x6260]  }
0x176: {  	[tilespmem:s19+$0x5220] =	vst v23;
	v21 =	vmax.f32 v21, $0.0e+00;
	v23 =	vld [tilespmem:s19+$0x5270];
	v6 =	vadd.f32 v6, v20;
	v12 =	vadd.f32 v12, v14  }
0x177: {  	[tilespmem:s19+$0x6220] =	vst v21;
	v20 =	vmax.f32 v22, $0.0e+00;
	v21 =	vld [tilespmem:s19+$0x6270];
	v5 =	vadd.f32 v19, v5;
	v13 =	vadd.f32 v13, v15  }
0x178: {  	v14 =	vld [tilespmem:s19+$0x7270];
	[tilespmem:s19+$0x5230] =	vst v20;
	v6 =	vmax.f32 v6, $0.0e+00;
	v4 =	vadd.f32 v4, v12;
	v11 =	vadd.f32 v11, v16  }
0x179: {  	[tilespmem:s19+$0x6230] =	vst v6;
	v5 =	vmax.f32 v5, $0.0e+00;
	v3 =	vadd.f32 v13, v3;
	v6 =	vadd.f32 v10, v17;
	v10 =	vld [tilespmem:s19+$0x8270]  }
0x17a: {  	[tilespmem:s19+$0x5240] =	vst v5;
	v4 =	vmax.f32 v4, $0.0e+00;
	v2 =	vadd.f32 v2, v11;
	v5 =	vadd.f32 v9, v18  }
0x17b: {  	[tilespmem:s19+$0x6240] =	vst v4;
	v3 =	vmax.f32 v3, $0.0e+00;
	v1 =	vadd.f32 v6, v1;
	v4 =	vadd.f32 v7, v23  }
0x17c: {  	[tilespmem:s19+$0x5250] =	vst v3;
	v2 =	vmax.f32 v2, $0.0e+00;
	v0 =	vadd.f32 v0, v5;
	v3 =	vadd.f32 v8, v21  }
0x17d: {  	[tilespmem:s19+$0x6250] =	vst v2;
	v1 =	vmax.f32 v1, $0.0e+00;
	v2 =	vadd.f32 v4, v14  }
0x17e: {  	[tilespmem:s19+$0x5260] =	vst v1;
	v0 =	vmax.f32 v0, $0.0e+00;
	v1 =	vadd.f32 v10, v3  }
0x17f: {  	[tilespmem:s19+$0x6260] =	vst v0;
	v0 =	vmax.f32 v2, $0.0e+00  }
0x180: {  	[tilespmem:s19+$0x5270] =	vst v0;
	v0 =	vmax.f32 v1, $0.0e+00  }
0x181: {  	[tilespmem:s19+$0x6270] =	vst v0  }
0x182: {  	_ =	swait.ge [sflag:s10], $0x20  }
0x183: {  	[sflag:s10] =	ssyncset.done $0x0  }
0x184: {  	[sflag:s10] =	ssyncadd.s32 $0xFFFFFFE0  }
0x185: {  	s15 =	sshll.u32 s22, $0xF;
	s25 =	simm.s32 $0x5200;
	_ =	swait.ge [sflag:s10], $0x20  }
0x186: {  	s15 =	sor.u32 s21, s15;
	[sflag:s10] =	ssyncset.done $0x0;
	s16 =	rddreg [dreg:$0x1d]  }
0x187: {  	s19 =	rddreg [dreg:$0x1e];
	[sflag:s10] =	ssyncadd.s32 $0xFFFFFFE0;
	s16 =	sadd.s32 s15, s16  }
0x188: {  	[hbm4b:s16+s5] =	stream.linear.scatter [tilespmem:s25], [sflag:$0xD], $0x1000, $0x38;
	[tilespmem:$0x1DE00] =	vst v63  }
0x189: {  	s26 =	simm.s32 $0x6200;
	s15 =	sadd.s32 s15, s19  }
0x18a: {  	[hbm4b:s15+s5] =	stream.linear.scatter [tilespmem:s26], [sflag:$0xD], $0x1000, $0x38;
	[tilespmem:$0x1DE00] =	vst v63  }
0x18b: {  	s19 =	simm.s32 $0x5180;
	s16 =	rddreg [dreg:$0x3]  }
0x18c: {  	[spmem:s16] =	stream.indirect.scatter.add.f32 [tilespmem:s25], [sflag:$0xE], $0x80, s19, s29, $0xb8;
	[tilespmem:$0x1DE00] =	vst v63  }
0x18d: {  	_ =	swait.ge [sflag:s18], $0x2000  }
0x18e: {  	[sflag:s18] =	ssyncset.done $0x0  }
0x18f: {  	[sflag:s18] =	ssyncadd.s32 $0xFFFFE000  }
0x190: {  	_ =	swait.ge [sflag:s20], $0x2000  }
0x191: {  	[sflag:s20] =	ssyncset.done $0x0  }
0x192: {  	[sflag:s20] =	ssyncadd.s32 $0xFFFFE000  }
0x193: {  	[tilespmem:s19], [sflag:$0x9] =	stream.linear.gather [hbm4b:s14+s5], $0x20, $0x38;
	[tilespmem:$0x1DE00] =	vst v63  }
0x194: {  	s15 =	simm.s32 $0x51A0  }
0x195: {  	[tilespmem:s15], [sflag:$0x9] =	stream.linear.gather [hbm4b:s30+s5], $0x20, $0x38;
	[tilespmem:$0x1DE00] =	vst v63  }
0x196: {  	_ =	swait.ge [sflag:s17], $0x20  }
0x197: {  	[sflag:s17] =	ssyncset.done $0x0  }
0x198: {  	[sflag:s17] =	ssyncadd.s32 $0xFFFFFFE0  }
0x199: {  	_ =	swait.ge [sflag:s17], $0x20  }
0x19a: {  	[sflag:s17] =	ssyncset.done $0x0  }
0x19b: {  	[sflag:s17] =	ssyncadd.s32 $0xFFFFFFE0  }
0x19c: {  	_ =	swait.ge [sflag:s17], $0x20  }
0x19d: {  	[sflag:s17] =	ssyncset.done $0x0  }
0x19e: {  	[sflag:s17] =	ssyncadd.s32 $0xFFFFFFE0  }
0x19f: {  	_ =	swait.ge [sflag:s17], $0x20  }
0x1a0: {  	[sflag:s17] =	ssyncset.done $0x0  }
0x1a1: {  	s30 =	simm.s32 $0x5100;
	[sflag:s17] =	ssyncadd.s32 $0xFFFFFFE0  }
0x1a2: {  	[tilespmem:s25], [sflag:$0xA] =	stream.indirect.gather [hbm4b:s23+s29], $0x80, s30, s29, $0xb8;
	[tilespmem:$0x1DE00] =	vst v63  }
0x1a3: {  	s12 =	sshll.u32 s12, $0x4;
	s16 =	simm.s32 $0x7200  }
0x1a4: {  	[tilespmem:s16], [sflag:$0xB] =	stream.indirect.gather [hbm4b:s9+s29], $0x80, s28, s29, $0xb8;
	[tilespmem:$0x1DE00] =	vst v63  }
0x1a5: {  	s12 =	sadd.s32 s6, s12;
	s19 =	smov.u32 s23;
	s23 =	simm.s32 $0x9200  }
0x1a6: {  	[tilespmem:s23], [sflag:$0xC] =	stream.linear.gather [hbm4b:s12+s5], $0x1000, $0x38;
	[tilespmem:$0x1DE00] =	vst v63  }
0x1a7: {  	_ =	swait.ge [sflag:s3], $0x2000  }
0x1a8: {  	[sflag:s3] =	ssyncset.done $0x0  }
0x1a9: {  	[sflag:s3] =	ssyncadd.s32 $0xFFFFE000  }
0x1aa: {  	_ =	swait.ge [sflag:s31], $0x2000  }
0x1ab: {  	s0 =	sadd.s32 $0x4, s0;
	s25 =	rddreg [dreg:$0x5]  }
0x1ac: {  	[sflag:s31] =	ssyncset.done $0x0;
	p1 =	sge.u32 s0, s25  }
0x1ad: {  	[sflag:s31] =	ssyncadd.s32 $0xFFFFE000;
	s0 =	sshll.u32 @!p1 s0, $0xA  }
0x1ae: {  	_ =	swait.ge [sflag:s1], $0x1000;
	s0 =	sor.u32 @!p1 s11, s0  }
0x1af: {  	[sflag:s1] =	ssyncset.done $0x0;
	s0 =	sshrl.u32 @!p1 s0, $0x3  }
0x1b0: {  	s14 =	simm.s32 @!p1 $0x0;
	[sflag:s1] =	ssyncadd.s32 $0xFFFFF000;
	s12 =	sadd.s32 @!p1 s7, s0  }
0x1b1: {  	[tilespmem:s14], [sflag:$0x1] =	stream.linear.gather @!p1 [hbm4b:s12+s14], $0x20, $0x38;
	[tilespmem:$0x1DE00] =	vst v63  }
0x1b2: {  	s12 =	sadd.s32 @!p1 $0x4E20, s0  }
0x1b3: {  	s16 =	simm.s32 @!p1 $0x20;
	s15 =	sadd.s32 @!p1 s7, s12  }
0x1b4: {  	[tilespmem:s16], [sflag:$0x1] =	stream.linear.gather @!p1 [hbm4b:s15+s14], $0x20, $0x38;
	[tilespmem:$0x1DE00] =	vst v63  }
0x1b5: {  	s0 =	sadd.s32 @!p1 s8, s0;
	s15 =	simm.s32 @!p1 $0x40  }
0x1b6: {  	[tilespmem:s15], [sflag:$0x1] =	stream.linear.gather @!p1 [hbm4b:s0+s14], $0x20, $0x38;
	[tilespmem:$0x1DE00] =	vst v63  }
0x1b7: {  	s0 =	sadd.s32 @!p1 s8, s12;
	s12 =	simm.s32 @!p1 $0x60  }
0x1b8: {  	[tilespmem:s12], [sflag:$0x1] =	stream.linear.gather @!p1 [hbm4b:s0+s14], $0x20, $0x38;
	[tilespmem:$0x1DE00] =	vst v63  }
0x1b9: {  	s0 =	simm.s32 $0x0  }
0x1ba: {  	v7 =	vld [tilespmem:s0+$0x2100]  }
0x1bb: {  	v8 =	vld [tilespmem:s0+$0x3100]  }
0x1bc: {  	v9 =	vld [tilespmem:s0+$0x2110]  }
0x1bd: {  	v16 =	vld [tilespmem:s0+$0x3110]  }
0x1be: {  	v17 =	vld [tilespmem:s0+$0x2120]  }
0x1bf: {  	v18 =	vld [tilespmem:s0+$0x3120]  }
0x1c0: {  	v19 =	vld [tilespmem:s0+$0x2130]  }
0x1c1: {  	v6 =	vld [tilespmem:s0+$0x3130]  }
0x1c2: {  	v5 =	vld [tilespmem:s0+$0x2140]  }
0x1c3: {  	v4 =	vld [tilespmem:s0+$0x3140]  }
0x1c4: {  	v3 =	vld [tilespmem:s0+$0x2150]  }
0x1c5: {  	v2 =	vld [tilespmem:s0+$0x3150]  }
0x1c6: {  	v1 =	vld [tilespmem:s0+$0x2160]  }
0x1c7: {  	v0 =	vld [tilespmem:s0+$0x3160]  }
0x1c8: {  	v10 =	vld [tilespmem:s0+$0x4100]  }
0x1c9: {  	v11 =	vld [tilespmem:s0+$0x4110]  }
0x1ca: {  	v12 =	vld [tilespmem:s0+$0x4120]  }
0x1cb: {  	v13 =	vld [tilespmem:s0+$0x4130]  }
0x1cc: {  	v15 =	vld [tilespmem:s0+$0x4140]  }
0x1cd: {  	v14 =	vld [tilespmem:s0+$0x100]  }
0x1ce: {  	v23 =	vld [tilespmem:s0+$0x1100]  }
0x1cf: {  	v24 =	vld [tilespmem:s0+$0x110]  }
0x1d0: {  	v20 =	vld [tilespmem:s0+$0x4150]  }
0x1d1: {  	v21 =	vld [tilespmem:s0+$0x4160];
	v26 =	vshll.u32 v10, $0x10  }
0x1d2: {  	v25 =	vld [tilespmem:s0+$0x1110];
	v10 =	vand.u32 $0xFFFF0000, v10;
	v28 =	vshll.u32 v11, $0x10;
	v11 =	vand.u32 $0xFFFF0000, v11  }
0x1d3: {  	v27 =	vld [tilespmem:s0+$0x120];
	v30 =	vshll.u32 v12, $0x10;
	v31 =	vand.u32 $0xFFFF0000, v12;
	v14 =	vadd.f32 v26, v14  }
0x1d4: {  	v59 =	vld [tilespmem:s0+$0x1120];
	v32 =	vshll.u32 v13, $0x10;
	v10 =	vadd.f32 v10, v23;
	v24 =	vadd.f32 v28, v24  }
0x1d5: {  	v29 =	vld [tilespmem:s0+$0x130];
	v60 =	vand.u32 $0xFFFF0000, v13;
	v34 =	vshll.u32 v15, $0x10;
	v7 =	vadd.f32 v14, v7  }
0x1d6: {  	v22 =	vld [tilespmem:s0+$0x4170];
	v12 =	vand.u32 $0xFFFF0000, v15;
	v8 =	vadd.f32 v8, v10;
	v9 =	vadd.f32 v24, v9  }
0x1d7: {  	v13 =	vshll.u32 v20, $0x10;
	v23 =	vld [tilespmem:s0+$0x1130];
	v10 =	vshll.u32 v21, $0x10;
	v7 =	vmax.f32 v7, $0.0e+00  }
0x1d8: {  	v33 =	vld [tilespmem:s0+$0x140];
	v8 =	vmax.f32 v8, $0.0e+00;
	v24 =	vmax.f32 v9, $0.0e+00;
	[tilespmem:s0+$0x100] =	vst v7;
	v7 =	vadd.f32 v11, v25  }
0x1d9: {  	v14 =	vld [tilespmem:s0+$0x1140];
	v9 =	vand.u32 $0xFFFF0000, v21;
	v21 =	vadd.f32 v31, v59;
	[tilespmem:s0+$0x1100] =	vst v8;
	v8 =	vadd.f32 v30, v27  }
0x1da: {  	v15 =	vld [tilespmem:s0+$0x150];
	v62 =	vadd.f32 v32, v29;
	v11 =	vand.u32 $0xFFFF0000, v20;
	v20 =	vadd.f32 v16, v7  }
0x1db: {  	v21 =	vadd.f32 v18, v21;
	v16 =	vld [tilespmem:s0+$0x1150];
	v7 =	vshll.u32 v22, $0x10;
	v61 =	vadd.f32 v8, v17  }
0x1dc: {  	[tilespmem:s0+$0x110] =	vst v24;
	v17 =	vld [tilespmem:s0+$0x160];
	v8 =	vand.u32 $0xFFFF0000, v22;
	v63 =	vmax.f32 v20, $0.0e+00;
	v20 =	vadd.f32 v60, v23  }
0x1dd: {  	s26 =	simm.s32 $0x5180;
	s12 =	simm.s32 $0x200;
	v18 =	vld [tilespmem:s0+$0x1160];
	v22 =	vadd.f32 v62, v19;
	v19 =	vadd.f32 v34, v33;
	v23 =	vmax.f32 v61, $0.0e+00;
	[tilespmem:s0+$0x1110] =	vst v63  }
.LBB2_7:
0x1de: {  	p1 =	sne.s32 s12, $0x3E00;
	[tilespmem:s0+$0x120] =	vst v23;
	v21 =	vmax.f32 v21, $0.0e+00;
	v6 =	vadd.f32 v6, v20;
	v12 =	vadd.f32 v12, v14;
	v14 =	vld [tilespmem:s0+$0x170]  }
0x1df: {  	[tilespmem:s0+$0x1120] =	vst v21;
	v20 =	vmax.f32 v22, $0.0e+00;
	v5 =	vadd.f32 v19, v5;
	v13 =	vadd.f32 v13, v15;
	v15 =	vld [tilespmem:s0+$0x1170]  }
0x1e0: {  	[tilespmem:s0+$0x130] =	vst v20;
	v6 =	vmax.f32 v6, $0.0e+00;
	v4 =	vadd.f32 v4, v12;
	v11 =	vadd.f32 v11, v16;
	v12 =	vld [tilespmem:s0+$0x2170]  }
0x1e1: {  	s14 =	sshra.s32 s12, $0x2;
	[tilespmem:s0+$0x1130] =	vst v6;
	v5 =	vmax.f32 v5, $0.0e+00;
	v3 =	vadd.f32 v13, v3;
	v6 =	vadd.f32 v10, v17;
	v10 =	vld [tilespmem:s0+$0x3170]  }
0x1e2: {  	v16 =	vld [tilespmem:s14+$0x2100];
	[tilespmem:s0+$0x140] =	vst v5;
	v4 =	vmax.f32 v4, $0.0e+00;
	v2 =	vadd.f32 v2, v11;
	v5 =	vadd.f32 v9, v18  }
0x1e3: {  	v17 =	vld [tilespmem:s14+$0x3100];
	[tilespmem:s0+$0x1140] =	vst v4;
	v3 =	vmax.f32 v3, $0.0e+00;
	v1 =	vadd.f32 v6, v1;
	v4 =	vadd.f32 v7, v14  }
0x1e4: {  	v14 =	vld [tilespmem:s14+$0x2110];
	[tilespmem:s0+$0x150] =	vst v3;
	v2 =	vmax.f32 v2, $0.0e+00;
	v0 =	vadd.f32 v0, v5;
	v3 =	vadd.f32 v8, v15  }
0x1e5: {  	v15 =	vld [tilespmem:s14+$0x3110];
	[tilespmem:s0+$0x1150] =	vst v2;
	v1 =	vmax.f32 v1, $0.0e+00;
	v2 =	vadd.f32 v4, v12  }
0x1e6: {  	v18 =	vld [tilespmem:s14+$0x2120];
	[tilespmem:s0+$0x160] =	vst v1;
	v0 =	vmax.f32 v0, $0.0e+00;
	v1 =	vadd.f32 v10, v3  }
0x1e7: {  	v19 =	vld [tilespmem:s14+$0x3120];
	[tilespmem:s0+$0x1160] =	vst v0;
	v0 =	vmax.f32 v2, $0.0e+00  }
0x1e8: {  	v22 =	vld [tilespmem:s14+$0x2130];
	[tilespmem:s0+$0x170] =	vst v0;
	v0 =	vmax.f32 v1, $0.0e+00  }
0x1e9: {  	v6 =	vld [tilespmem:s14+$0x3130];
	[tilespmem:s0+$0x1170] =	vst v0;
	s0 =	smov.u32 s14  }
0x1ea: {  	v5 =	vld [tilespmem:s0+$0x2140]  }
0x1eb: {  	v4 =	vld [tilespmem:s0+$0x3140]  }
0x1ec: {  	v3 =	vld [tilespmem:s0+$0x2150]  }
0x1ed: {  	v2 =	vld [tilespmem:s0+$0x3150]  }
0x1ee: {  	v1 =	vld [tilespmem:s0+$0x2160]  }
0x1ef: {  	v0 =	vld [tilespmem:s0+$0x3160]  }
0x1f0: {  	v7 =	vld [tilespmem:s0+$0x4100]  }
0x1f1: {  	v8 =	vld [tilespmem:s0+$0x4110]  }
0x1f2: {  	v9 =	vld [tilespmem:s0+$0x4120]  }
0x1f3: {  	v10 =	vld [tilespmem:s0+$0x4130]  }
0x1f4: {  	v11 =	vld [tilespmem:s0+$0x4140]  }
0x1f5: {  	v20 =	vld [tilespmem:s0+$0x4150]  }
0x1f6: {  	v21 =	vld [tilespmem:s0+$0x4160]  }
0x1f7: {  	v23 =	vld [tilespmem:s0+$0x4170]  }
0x1f8: {  	v13 =	vld [tilespmem:s0+$0x100]  }
0x1f9: {  	v24 =	vshll.u32 v7, $0x10;
	v25 =	vld [tilespmem:s0+$0x1100]  }
0x1fa: {  	v7 =	vand.u32 $0xFFFF0000, v7;
	v26 =	vshll.u32 v8, $0x10;
	v8 =	vand.u32 $0xFFFF0000, v8;
	v27 =	vld [tilespmem:s0+$0x110]  }
0x1fb: {  	v29 =	vshll.u32 v9, $0x10;
	v30 =	vand.u32 $0xFFFF0000, v9;
	v31 =	vshll.u32 v10, $0x10;
	v28 =	vld [tilespmem:s0+$0x1110]  }
0x1fc: {  	v33 =	vand.u32 $0xFFFF0000, v10;
	v34 =	vshll.u32 v11, $0x10;
	v12 =	vand.u32 $0xFFFF0000, v11;
	v32 =	vld [tilespmem:s0+$0x120]  }
0x1fd: {  	v11 =	vand.u32 $0xFFFF0000, v20;
	v24 =	vadd.f32 v24, v13;
	v35 =	vld [tilespmem:s0+$0x1120];
	v13 =	vshll.u32 v20, $0x10  }
0x1fe: {  	v10 =	vshll.u32 v21, $0x10;
	v9 =	vand.u32 $0xFFFF0000, v21;
	v20 =	vadd.f32 v7, v25;
	v25 =	vld [tilespmem:s0+$0x130]  }
0x1ff: {  	v7 =	vshll.u32 v23, $0x10;
	v16 =	vadd.f32 v24, v16;
	v21 =	vadd.f32 v26, v27;
	v24 =	vld [tilespmem:s0+$0x1130]  }
0x200: {  	v17 =	vadd.f32 v17, v20;
	v20 =	vadd.f32 v8, v28;
	v26 =	vld [tilespmem:s0+$0x140];
	v8 =	vand.u32 $0xFFFF0000, v23  }
.Ltmp4:
0x201: {  	v16 =	vmax.f32 v16, $0.0e+00;
	v21 =	vadd.f32 v21, v14;
	v23 =	vadd.f32 v29, v32;
	v14 =	vld [tilespmem:s0+$0x1140];
	(pc) =	sbr.rel @p1 .LBB2_7-.Ltmp4, $4  }
0x202: {  	[tilespmem:s0+$0x100] =	vst v16;
	v16 =	vmax.f32 v17, $0.0e+00;
	v17 =	vadd.f32 v15, v20;
	v20 =	vadd.f32 v30, v35;
	v15 =	vld [tilespmem:s0+$0x150]  }
0x203: {  	[tilespmem:s0+$0x1100] =	vst v16;
	v21 =	vmax.f32 v21, $0.0e+00;
	v18 =	vadd.f32 v23, v18;
	v25 =	vadd.f32 v31, v25;
	v16 =	vld [tilespmem:s0+$0x1150]  }
0x204: {  	[tilespmem:s0+$0x110] =	vst v21;
	v23 =	vmax.f32 v17, $0.0e+00;
	v21 =	vadd.f32 v19, v20;
	v20 =	vadd.f32 v33, v24;
	v17 =	vld [tilespmem:s0+$0x160]  }
0x205: {  	s12 =	sadd.s32 $0x200, s12;
	[tilespmem:s0+$0x1110] =	vst v23;
	v23 =	vmax.f32 v18, $0.0e+00;
	v22 =	vadd.f32 v25, v22;
	v19 =	vadd.f32 v34, v26;
	v18 =	vld [tilespmem:s0+$0x1160]  }
0x206: {  	[tilespmem:s0+$0x120] =	vst v23;
	v21 =	vmax.f32 v21, $0.0e+00;
	v51 =	vld [tilespmem:s0+$0x170];
	v6 =	vadd.f32 v6, v20;
	v12 =	vadd.f32 v12, v14  }
0x207: {  	v53 =	vld [tilespmem:s0+$0x1170];
	[tilespmem:s0+$0x1120] =	vst v21;
	v52 =	vmax.f32 v22, $0.0e+00;
	v5 =	vadd.f32 v19, v5;
	v13 =	vadd.f32 v13, v15  }
0x208: {  	v54 =	vld [tilespmem:s0+$0x2170];
	[tilespmem:s0+$0x130] =	vst v52;
	v6 =	vmax.f32 v6, $0.0e+00;
	v4 =	vadd.f32 v4, v12;
	v11 =	vadd.f32 v11, v16  }
0x209: {  	v56 =	vld [tilespmem:s0+$0x3170];
	[tilespmem:s0+$0x1130] =	vst v6;
	v5 =	vmax.f32 v5, $0.0e+00;
	v3 =	vadd.f32 v13, v3;
	v55 =	vadd.f32 v10, v17  }
0x20a: {  	[tilespmem:s0+$0x140] =	vst v5;
	v4 =	vmax.f32 v4, $0.0e+00;
	v2 =	vadd.f32 v2, v11;
	v57 =	vadd.f32 v9, v18  }
0x20b: {  	[tilespmem:s0+$0x1140] =	vst v4;
	v3 =	vmax.f32 v3, $0.0e+00;
	v1 =	vadd.f32 v55, v1;
	v58 =	vadd.f32 v7, v51  }
0x20c: {  	v59 =	vadd.f32 v8, v53;
	[tilespmem:s0+$0x150] =	vst v3;
	v2 =	vmax.f32 v2, $0.0e+00;
	v0 =	vadd.f32 v0, v57  }
0x20d: {  	[tilespmem:s0+$0x1150] =	vst v2;
	v1 =	vmax.f32 v1, $0.0e+00;
	v60 =	vadd.f32 v58, v54  }
0x20e: {  	v61 =	vadd.f32 v56, v59;
	[tilespmem:s0+$0x160] =	vst v1;
	v0 =	vmax.f32 v0, $0.0e+00  }
0x20f: {  	[tilespmem:s0+$0x1160] =	vst v0;
	v62 =	vmax.f32 v60, $0.0e+00  }
0x210: {  	v63 =	vmax.f32 v61, $0.0e+00;
	[tilespmem:s0+$0x170] =	vst v62  }
0x211: {  	[tilespmem:s0+$0x1170] =	vst v63  }
0x212: {  	_ =	swait.ge [sflag:s13], $0x20  }
0x213: {  	[sflag:s13] =	ssyncset.done $0x0  }
0x214: {  	[sflag:s13] =	ssyncadd.s32 $0xFFFFFFE0  }
0x215: {  	_ =	swait.ge [sflag:s13], $0x20  }
0x216: {  	[sflag:s13] =	ssyncset.done $0x0  }
0x217: {  	s12 =	sshll.u32 s2, $0xE;
	[sflag:s13] =	ssyncadd.s32 $0xFFFFFFE0  }
0x218: {  	s22 =	sadd.s32 $0x1, s22;
	s0 =	sor.u32 s21, s12;
	s14 =	rddreg [dreg:$0x2]  }
0x219: {  	s25 =	simm.s32 $0x100;
	p1 =	sne.s32 s22, $0x4D;
	s2 =	sadd.s32 s14, s0  }
0x21a: {  	[hbm4b:s2+s5] =	stream.linear.scatter [tilespmem:s25], [sflag:$0x6], $0x1000, $0x38;
	[tilespmem:$0x1DE00] =	vst v63  }
.Ltmp5:
0x21b: {  	s15 =	rddreg [dreg:$0x1f];
	(pc) =	sbr.rel @p1 .LBB2_4-.Ltmp5, $4  }
0x21c: {  	s16 =	simm.s32 $0x1100;
	s0 =	sadd.s32 s0, s15  }
0x21d: {  	[hbm4b:s0+s5] =	stream.linear.scatter [tilespmem:s16], [sflag:$0x6], $0x1000, $0x38;
	[tilespmem:$0x1DE00] =	vst v63  }
0x21e: {  	s23 =	rddreg [dreg:$0x3];
	s15 =	simm.s32 $0x80  }
0x21f: {  	[spmem:s23] =	stream.indirect.scatter.add.f32 [tilespmem:s25], [sflag:$0x7], $0x80, s15, s29, $0xb8;
	[tilespmem:$0x1DE00] =	vst v63  }
0x220: {  	s0 =	simm.s32 @!p0 $0x6  }
0x221: {  	_ =	swait.ge @!p0 [sflag:s0], $0x2000  }
0x222: {  	[sflag:s0] =	ssyncset.done @!p0 $0x0  }
0x223: {  	[sflag:s0] =	ssyncadd.s32 @!p0 $0xFFFFE000;
	s0 =	simm.s32 @!p0 $0x7  }
0x224: {  	_ =	swait.ge @!p0 [sflag:s0], $0x2000  }
0x225: {  	s2 =	simm.s32 @!p0 $0x80;
	[sflag:s0] =	ssyncset.done @!p0 $0x0  }
0x226: {  	s4 =	rddreg [dreg:$0x17];
	[sflag:s0] =	ssyncadd.s32 @!p0 $0xFFFFE000;
	s0 =	simm.s32 @!p0 $0x0  }
0x227: {  	[tilespmem:s2], [sflag:$0x2] =	stream.linear.gather @!p0 [hbm4b:s4+s0], $0x20, $0x38;
	[tilespmem:$0x1DE00] =	vst v63  }
0x228: {  	s4 =	sld [smem:$0x7F9];
	_ =	sdelay $0x1  }
0x229: {  	s2 =	simm.s32 @!p0 $0xA0  }
0x22a: {  	[tilespmem:s2], [sflag:$0x2] =	stream.linear.gather @!p0 [hbm4b:s4+s0], $0x20, $0x38;
	[tilespmem:$0x1DE00] =	vst v63  }
0x22b: {  	s2 =	simm.s32 @!p0 $0x1  }
0x22c: {  	_ =	swait.ge @!p0 [sflag:s2], $0x20  }
0x22d: {  	[sflag:s2] =	ssyncset.done @!p0 $0x0  }
0x22e: {  	[sflag:s2] =	ssyncadd.s32 @!p0 $0xFFFFFFE0  }
0x22f: {  	_ =	swait.ge @!p0 [sflag:s2], $0x20  }
0x230: {  	[sflag:s2] =	ssyncset.done @!p0 $0x0  }
0x231: {  	[sflag:s2] =	ssyncadd.s32 @!p0 $0xFFFFFFE0  }
0x232: {  	_ =	swait.ge @!p0 [sflag:s2], $0x20  }
0x233: {  	[sflag:s2] =	ssyncset.done @!p0 $0x0  }
0x234: {  	[sflag:s2] =	ssyncadd.s32 @!p0 $0xFFFFFFE0  }
0x235: {  	_ =	swait.ge @!p0 [sflag:s2], $0x20  }
0x236: {  	[sflag:s2] =	ssyncset.done @!p0 $0x0  }
0x237: {  	s4 =	simm.s32 @!p0 $0x100;
	[sflag:s2] =	ssyncadd.s32 @!p0 $0xFFFFFFE0;
	s2 =	simm.s32 @!p0 $0x40  }
0x238: {  	[tilespmem:s4], [sflag:$0x3] =	stream.indirect.gather @!p0 [hbm4b:s19+s2], $0x80, s0, s2, $0xb8;
	[tilespmem:$0x1DE00] =	vst v63  }
0x239: {  	s4 =	simm.s32 @!p0 $0x2100  }
0x23a: {  	[tilespmem:s4], [sflag:$0x4] =	stream.indirect.gather @!p0 [hbm4b:s9+s2], $0x80, s2, s2, $0xb8;
	[tilespmem:$0x1DE00] =	vst v63  }
0x23b: {  	s16 =	simm.s32 $0xA;
	s2 =	simm.s32 @!p0 $0x4100;
	s4 =	rddreg [dreg:$0x18]  }
0x23c: {  	[tilespmem:s2], [sflag:$0x5] =	stream.linear.gather @!p0 [hbm4b:s4+s0], $0x1000, $0x38;
	[tilespmem:$0x1DE00] =	vst v63  }
0x23d: {  	_ =	swait.ge [sflag:s16], $0x2000  }
0x23e: {  	[sflag:s16] =	ssyncset.done $0x0  }
0x23f: {  	s22 =	simm.s32 $0xB;
	[sflag:s16] =	ssyncadd.s32 $0xFFFFE000  }
0x240: {  	_ =	swait.ge [sflag:s22], $0x2000  }
0x241: {  	[sflag:s22] =	ssyncset.done $0x0  }
0x242: {  	s23 =	simm.s32 $0xC;
	[sflag:s22] =	ssyncadd.s32 $0xFFFFE000  }
0x243: {  	_ =	swait.ge [sflag:s23], $0x1000  }
0x244: {  	[sflag:s23] =	ssyncset.done $0x0  }
0x245: {  	s0 =	simm.s32 $0x0;
	[sflag:s23] =	ssyncadd.s32 $0xFFFFF000  }
0x246: {  	v7 =	vld [tilespmem:s0+$0x7200]  }
0x247: {  	v8 =	vld [tilespmem:s0+$0x8200]  }
0x248: {  	v9 =	vld [tilespmem:s0+$0x7210]  }
0x249: {  	v16 =	vld [tilespmem:s0+$0x8210]  }
0x24a: {  	v17 =	vld [tilespmem:s0+$0x7220]  }
0x24b: {  	v18 =	vld [tilespmem:s0+$0x8220]  }
0x24c: {  	v19 =	vld [tilespmem:s0+$0x7230]  }
0x24d: {  	v6 =	vld [tilespmem:s0+$0x8230]  }
0x24e: {  	v5 =	vld [tilespmem:s0+$0x7240]  }
0x24f: {  	v4 =	vld [tilespmem:s0+$0x8240]  }
0x250: {  	v3 =	vld [tilespmem:s0+$0x7250]  }
0x251: {  	v2 =	vld [tilespmem:s0+$0x8250]  }
0x252: {  	v1 =	vld [tilespmem:s0+$0x7260]  }
0x253: {  	v0 =	vld [tilespmem:s0+$0x8260]  }
0x254: {  	v10 =	vld [tilespmem:s0+$0x9200]  }
0x255: {  	v11 =	vld [tilespmem:s0+$0x9210]  }
0x256: {  	v12 =	vld [tilespmem:s0+$0x9220]  }
0x257: {  	v13 =	vld [tilespmem:s0+$0x9230]  }
0x258: {  	v15 =	vld [tilespmem:s0+$0x9240]  }
0x259: {  	v14 =	vld [tilespmem:s0+$0x5200]  }
0x25a: {  	v23 =	vld [tilespmem:s0+$0x6200]  }
0x25b: {  	v24 =	vld [tilespmem:s0+$0x5210]  }
0x25c: {  	v20 =	vld [tilespmem:s0+$0x9250]  }
0x25d: {  	v21 =	vld [tilespmem:s0+$0x9260];
	v26 =	vshll.u32 v10, $0x10  }
0x25e: {  	v25 =	vld [tilespmem:s0+$0x6210];
	v10 =	vand.u32 $0xFFFF0000, v10;
	v28 =	vshll.u32 v11, $0x10;
	v11 =	vand.u32 $0xFFFF0000, v11  }
0x25f: {  	v27 =	vld [tilespmem:s0+$0x5220];
	v30 =	vshll.u32 v12, $0x10;
	v31 =	vand.u32 $0xFFFF0000, v12;
	v14 =	vadd.f32 v26, v14  }
0x260: {  	v59 =	vld [tilespmem:s0+$0x6220];
	v32 =	vshll.u32 v13, $0x10;
	v10 =	vadd.f32 v10, v23;
	v24 =	vadd.f32 v28, v24  }
0x261: {  	v29 =	vld [tilespmem:s0+$0x5230];
	v60 =	vand.u32 $0xFFFF0000, v13;
	v34 =	vshll.u32 v15, $0x10;
	v7 =	vadd.f32 v14, v7  }
0x262: {  	v22 =	vld [tilespmem:s0+$0x9270];
	v12 =	vand.u32 $0xFFFF0000, v15;
	v8 =	vadd.f32 v8, v10;
	v9 =	vadd.f32 v24, v9  }
0x263: {  	v13 =	vshll.u32 v20, $0x10;
	v23 =	vld [tilespmem:s0+$0x6230];
	v10 =	vshll.u32 v21, $0x10;
	v7 =	vmax.f32 v7, $0.0e+00  }
0x264: {  	v33 =	vld [tilespmem:s0+$0x5240];
	v8 =	vmax.f32 v8, $0.0e+00;
	v24 =	vmax.f32 v9, $0.0e+00;
	[tilespmem:s0+$0x5200] =	vst v7;
	v7 =	vadd.f32 v11, v25  }
0x265: {  	v14 =	vld [tilespmem:s0+$0x6240];
	v9 =	vand.u32 $0xFFFF0000, v21;
	v21 =	vadd.f32 v31, v59;
	[tilespmem:s0+$0x6200] =	vst v8;
	v8 =	vadd.f32 v30, v27  }
0x266: {  	v15 =	vld [tilespmem:s0+$0x5250];
	v62 =	vadd.f32 v32, v29;
	v11 =	vand.u32 $0xFFFF0000, v20;
	v20 =	vadd.f32 v16, v7  }
0x267: {  	v21 =	vadd.f32 v18, v21;
	v16 =	vld [tilespmem:s0+$0x6250];
	v7 =	vshll.u32 v22, $0x10;
	v61 =	vadd.f32 v8, v17  }
0x268: {  	[tilespmem:s0+$0x5210] =	vst v24;
	v17 =	vld [tilespmem:s0+$0x5260];
	v8 =	vand.u32 $0xFFFF0000, v22;
	v63 =	vmax.f32 v20, $0.0e+00;
	v20 =	vadd.f32 v60, v23  }
0x269: {  	s2 =	simm.s32 $0x200;
	v18 =	vld [tilespmem:s0+$0x6260];
	v22 =	vadd.f32 v62, v19;
	v19 =	vadd.f32 v34, v33;
	v23 =	vmax.f32 v61, $0.0e+00;
	[tilespmem:s0+$0x6210] =	vst v63  }
.LBB2_10:
0x26a: {  	p1 =	sne.s32 s2, $0x3E00;
	[tilespmem:s0+$0x5220] =	vst v23;
	v21 =	vmax.f32 v21, $0.0e+00;
	v6 =	vadd.f32 v6, v20;
	v12 =	vadd.f32 v12, v14;
	v14 =	vld [tilespmem:s0+$0x5270]  }
0x26b: {  	[tilespmem:s0+$0x6220] =	vst v21;
	v20 =	vmax.f32 v22, $0.0e+00;
	v5 =	vadd.f32 v19, v5;
	v13 =	vadd.f32 v13, v15;
	v15 =	vld [tilespmem:s0+$0x6270]  }
0x26c: {  	[tilespmem:s0+$0x5230] =	vst v20;
	v6 =	vmax.f32 v6, $0.0e+00;
	v4 =	vadd.f32 v4, v12;
	v11 =	vadd.f32 v11, v16;
	v12 =	vld [tilespmem:s0+$0x7270]  }
0x26d: {  	s4 =	sshra.s32 s2, $0x2;
	[tilespmem:s0+$0x6230] =	vst v6;
	v5 =	vmax.f32 v5, $0.0e+00;
	v3 =	vadd.f32 v13, v3;
	v6 =	vadd.f32 v10, v17;
	v10 =	vld [tilespmem:s0+$0x8270]  }
0x26e: {  	v16 =	vld [tilespmem:s4+$0x7200];
	[tilespmem:s0+$0x5240] =	vst v5;
	v4 =	vmax.f32 v4, $0.0e+00;
	v2 =	vadd.f32 v2, v11;
	v5 =	vadd.f32 v9, v18  }
0x26f: {  	v17 =	vld [tilespmem:s4+$0x8200];
	[tilespmem:s0+$0x6240] =	vst v4;
	v3 =	vmax.f32 v3, $0.0e+00;
	v1 =	vadd.f32 v6, v1;
	v4 =	vadd.f32 v7, v14  }
0x270: {  	v14 =	vld [tilespmem:s4+$0x7210];
	[tilespmem:s0+$0x5250] =	vst v3;
	v2 =	vmax.f32 v2, $0.0e+00;
	v0 =	vadd.f32 v0, v5;
	v3 =	vadd.f32 v8, v15  }
0x271: {  	v15 =	vld [tilespmem:s4+$0x8210];
	[tilespmem:s0+$0x6250] =	vst v2;
	v1 =	vmax.f32 v1, $0.0e+00;
	v2 =	vadd.f32 v4, v12  }
0x272: {  	v18 =	vld [tilespmem:s4+$0x7220];
	[tilespmem:s0+$0x5260] =	vst v1;
	v0 =	vmax.f32 v0, $0.0e+00;
	v1 =	vadd.f32 v10, v3  }
0x273: {  	v19 =	vld [tilespmem:s4+$0x8220];
	[tilespmem:s0+$0x6260] =	vst v0;
	v0 =	vmax.f32 v2, $0.0e+00  }
0x274: {  	v22 =	vld [tilespmem:s4+$0x7230];
	[tilespmem:s0+$0x5270] =	vst v0;
	v0 =	vmax.f32 v1, $0.0e+00  }
0x275: {  	v6 =	vld [tilespmem:s4+$0x8230];
	[tilespmem:s0+$0x6270] =	vst v0;
	s0 =	smov.u32 s4  }
0x276: {  	v5 =	vld [tilespmem:s0+$0x7240]  }
0x277: {  	v4 =	vld [tilespmem:s0+$0x8240]  }
0x278: {  	v3 =	vld [tilespmem:s0+$0x7250]  }
0x279: {  	v2 =	vld [tilespmem:s0+$0x8250]  }
0x27a: {  	v1 =	vld [tilespmem:s0+$0x7260]  }
0x27b: {  	v0 =	vld [tilespmem:s0+$0x8260]  }
0x27c: {  	v7 =	vld [tilespmem:s0+$0x9200]  }
0x27d: {  	v8 =	vld [tilespmem:s0+$0x9210]  }
0x27e: {  	v9 =	vld [tilespmem:s0+$0x9220]  }
0x27f: {  	v10 =	vld [tilespmem:s0+$0x9230]  }
0x280: {  	v11 =	vld [tilespmem:s0+$0x9240]  }
0x281: {  	v20 =	vld [tilespmem:s0+$0x9250]  }
0x282: {  	v21 =	vld [tilespmem:s0+$0x9260]  }
0x283: {  	v23 =	vld [tilespmem:s0+$0x9270]  }
0x284: {  	v13 =	vld [tilespmem:s0+$0x5200]  }
0x285: {  	v24 =	vshll.u32 v7, $0x10;
	v25 =	vld [tilespmem:s0+$0x6200]  }
0x286: {  	v7 =	vand.u32 $0xFFFF0000, v7;
	v26 =	vshll.u32 v8, $0x10;
	v8 =	vand.u32 $0xFFFF0000, v8;
	v27 =	vld [tilespmem:s0+$0x5210]  }
0x287: {  	v29 =	vshll.u32 v9, $0x10;
	v30 =	vand.u32 $0xFFFF0000, v9;
	v31 =	vshll.u32 v10, $0x10;
	v28 =	vld [tilespmem:s0+$0x6210]  }
0x288: {  	v33 =	vand.u32 $0xFFFF0000, v10;
	v34 =	vshll.u32 v11, $0x10;
	v12 =	vand.u32 $0xFFFF0000, v11;
	v32 =	vld [tilespmem:s0+$0x5220]  }
0x289: {  	v11 =	vand.u32 $0xFFFF0000, v20;
	v24 =	vadd.f32 v24, v13;
	v35 =	vld [tilespmem:s0+$0x6220];
	v13 =	vshll.u32 v20, $0x10  }
0x28a: {  	v10 =	vshll.u32 v21, $0x10;
	v9 =	vand.u32 $0xFFFF0000, v21;
	v20 =	vadd.f32 v7, v25;
	v25 =	vld [tilespmem:s0+$0x5230]  }
0x28b: {  	v7 =	vshll.u32 v23, $0x10;
	v16 =	vadd.f32 v24, v16;
	v21 =	vadd.f32 v26, v27;
	v24 =	vld [tilespmem:s0+$0x6230]  }
0x28c: {  	v17 =	vadd.f32 v17, v20;
	v20 =	vadd.f32 v8, v28;
	v26 =	vld [tilespmem:s0+$0x5240];
	v8 =	vand.u32 $0xFFFF0000, v23  }
.Ltmp6:
0x28d: {  	v16 =	vmax.f32 v16, $0.0e+00;
	v21 =	vadd.f32 v21, v14;
	v23 =	vadd.f32 v29, v32;
	v14 =	vld [tilespmem:s0+$0x6240];
	(pc) =	sbr.rel @p1 .LBB2_10-.Ltmp6, $4  }
0x28e: {  	[tilespmem:s0+$0x5200] =	vst v16;
	v16 =	vmax.f32 v17, $0.0e+00;
	v17 =	vadd.f32 v15, v20;
	v20 =	vadd.f32 v30, v35;
	v15 =	vld [tilespmem:s0+$0x5250]  }
0x28f: {  	[tilespmem:s0+$0x6200] =	vst v16;
	v21 =	vmax.f32 v21, $0.0e+00;
	v18 =	vadd.f32 v23, v18;
	v25 =	vadd.f32 v31, v25;
	v16 =	vld [tilespmem:s0+$0x6250]  }
0x290: {  	[tilespmem:s0+$0x5210] =	vst v21;
	v23 =	vmax.f32 v17, $0.0e+00;
	v21 =	vadd.f32 v19, v20;
	v20 =	vadd.f32 v33, v24;
	v17 =	vld [tilespmem:s0+$0x5260]  }
0x291: {  	s2 =	sadd.s32 $0x200, s2;
	[tilespmem:s0+$0x6210] =	vst v23;
	v23 =	vmax.f32 v18, $0.0e+00;
	v22 =	vadd.f32 v25, v22;
	v19 =	vadd.f32 v34, v26;
	v18 =	vld [tilespmem:s0+$0x6260]  }
0x292: {  	[tilespmem:s0+$0x5220] =	vst v23;
	v21 =	vmax.f32 v21, $0.0e+00;
	v51 =	vld [tilespmem:s0+$0x5270];
	v6 =	vadd.f32 v6, v20;
	v12 =	vadd.f32 v12, v14  }
0x293: {  	v53 =	vld [tilespmem:s0+$0x6270];
	[tilespmem:s0+$0x6220] =	vst v21;
	v52 =	vmax.f32 v22, $0.0e+00;
	v5 =	vadd.f32 v19, v5;
	v13 =	vadd.f32 v13, v15  }
0x294: {  	v54 =	vld [tilespmem:s0+$0x7270];
	[tilespmem:s0+$0x5230] =	vst v52;
	v6 =	vmax.f32 v6, $0.0e+00;
	v4 =	vadd.f32 v4, v12;
	v11 =	vadd.f32 v11, v16  }
0x295: {  	v56 =	vld [tilespmem:s0+$0x8270];
	[tilespmem:s0+$0x6230] =	vst v6;
	v5 =	vmax.f32 v5, $0.0e+00;
	v3 =	vadd.f32 v13, v3;
	v55 =	vadd.f32 v10, v17  }
0x296: {  	[tilespmem:s0+$0x5240] =	vst v5;
	v4 =	vmax.f32 v4, $0.0e+00;
	v2 =	vadd.f32 v2, v11;
	v57 =	vadd.f32 v9, v18  }
0x297: {  	[tilespmem:s0+$0x6240] =	vst v4;
	v3 =	vmax.f32 v3, $0.0e+00;
	v1 =	vadd.f32 v55, v1;
	v58 =	vadd.f32 v7, v51  }
0x298: {  	v59 =	vadd.f32 v8, v53;
	[tilespmem:s0+$0x5250] =	vst v3;
	v2 =	vmax.f32 v2, $0.0e+00;
	v0 =	vadd.f32 v0, v57  }
0x299: {  	[tilespmem:s0+$0x6250] =	vst v2;
	v1 =	vmax.f32 v1, $0.0e+00;
	v60 =	vadd.f32 v58, v54  }
0x29a: {  	v61 =	vadd.f32 v56, v59;
	[tilespmem:s0+$0x5260] =	vst v1;
	v0 =	vmax.f32 v0, $0.0e+00  }
0x29b: {  	[tilespmem:s0+$0x6260] =	vst v0;
	v62 =	vmax.f32 v60, $0.0e+00  }
0x29c: {  	v63 =	vmax.f32 v61, $0.0e+00;
	[tilespmem:s0+$0x5270] =	vst v62  }
0x29d: {  	[tilespmem:s0+$0x6270] =	vst v63  }
0x29e: {  	_ =	swait.ge [sflag:s10], $0x20  }
0x29f: {  	[sflag:s10] =	ssyncset.done $0x0  }
0x2a0: {  	[sflag:s10] =	ssyncadd.s32 $0xFFFFFFE0  }
0x2a1: {  	_ =	swait.ge [sflag:s10], $0x20  }
0x2a2: {  	s14 =	sld [smem:$0x7FA]  }
0x2a3: {  	[sflag:s10] =	ssyncset.done $0x0  }
0x2a4: {  	s2 =	simm.s32 $0x5200;
	s16 =	sld [smem:$0x7FB];
	[sflag:s10] =	ssyncadd.s32 $0xFFFFFFE0  }
0x2a5: {  	[hbm4b:s14+s5] =	stream.linear.scatter [tilespmem:s2], [sflag:$0xD], $0x1000, $0x38;
	[tilespmem:$0x1DE00] =	vst v63  }
.Ltmp7:
0x2a6: {  	s4 =	simm.s32 $0x6200;
	s22 =	rddreg [dreg:$0x3];
	(pc) =	sbr.rel @p0 .LBB2_15-.Ltmp7, $4  }
0x2a7: {  	[hbm4b:s16+s5] =	stream.linear.scatter [tilespmem:s4], [sflag:$0xD], $0x1000, $0x38;
	[tilespmem:$0x1DE00] =	vst v63  }
0x2a8: {  	s16 =	rddreg [dreg:$0x8]  }
0x2a9: {  	s23 =	simm.s32 $0x5200;
	s4 =	sld [smem:$0x7F7]  }
0x2aa: {  	[spmem:s22] =	stream.indirect.scatter.add.f32 [tilespmem:s2], [sflag:$0xE], $0x80, s26, s29, $0xb8;
	[tilespmem:$0x1DE00] =	vst v63  }
0x2ab: {  	_ =	swait.ge [sflag:s3], $0x2000  }
0x2ac: {  	[sflag:s3] =	ssyncset.done $0x0  }
0x2ad: {  	[sflag:s3] =	ssyncadd.s32 $0xFFFFE000  }
0x2ae: {  	_ =	swait.ge [sflag:s31], $0x2000  }
0x2af: {  	[sflag:s31] =	ssyncset.done $0x0  }
0x2b0: {  	[sflag:s31] =	ssyncadd.s32 $0xFFFFE000  }
0x2b1: {  	_ =	swait.ge [sflag:s1], $0x1000  }
0x2b2: {  	[sflag:s1] =	ssyncset.done $0x0  }
0x2b3: {  	s0 =	simm.s32 $0x0;
	[sflag:s1] =	ssyncadd.s32 $0xFFFFF000  }
0x2b4: {  	v7 =	vld [tilespmem:s0+$0x2100]  }
0x2b5: {  	v8 =	vld [tilespmem:s0+$0x3100]  }
0x2b6: {  	v9 =	vld [tilespmem:s0+$0x2110]  }
0x2b7: {  	v16 =	vld [tilespmem:s0+$0x3110]  }
0x2b8: {  	v17 =	vld [tilespmem:s0+$0x2120]  }
0x2b9: {  	v18 =	vld [tilespmem:s0+$0x3120]  }
0x2ba: {  	v19 =	vld [tilespmem:s0+$0x2130]  }
0x2bb: {  	v6 =	vld [tilespmem:s0+$0x3130]  }
0x2bc: {  	v5 =	vld [tilespmem:s0+$0x2140]  }
0x2bd: {  	v4 =	vld [tilespmem:s0+$0x3140]  }
0x2be: {  	v3 =	vld [tilespmem:s0+$0x2150]  }
0x2bf: {  	v2 =	vld [tilespmem:s0+$0x3150]  }
0x2c0: {  	v1 =	vld [tilespmem:s0+$0x2160]  }
0x2c1: {  	v0 =	vld [tilespmem:s0+$0x3160]  }
0x2c2: {  	v10 =	vld [tilespmem:s0+$0x4100]  }
0x2c3: {  	v11 =	vld [tilespmem:s0+$0x4110]  }
0x2c4: {  	v12 =	vld [tilespmem:s0+$0x4120]  }
0x2c5: {  	v13 =	vld [tilespmem:s0+$0x4130]  }
0x2c6: {  	v15 =	vld [tilespmem:s0+$0x4140]  }
0x2c7: {  	v14 =	vld [tilespmem:s0+$0x100]  }
0x2c8: {  	v23 =	vld [tilespmem:s0+$0x1100]  }
0x2c9: {  	v24 =	vld [tilespmem:s0+$0x110]  }
0x2ca: {  	v20 =	vld [tilespmem:s0+$0x4150]  }
0x2cb: {  	v21 =	vld [tilespmem:s0+$0x4160];
	v26 =	vshll.u32 v10, $0x10  }
0x2cc: {  	v25 =	vld [tilespmem:s0+$0x1110];
	v10 =	vand.u32 $0xFFFF0000, v10;
	v28 =	vshll.u32 v11, $0x10;
	v11 =	vand.u32 $0xFFFF0000, v11  }
0x2cd: {  	v27 =	vld [tilespmem:s0+$0x120];
	v30 =	vshll.u32 v12, $0x10;
	v31 =	vand.u32 $0xFFFF0000, v12;
	v14 =	vadd.f32 v26, v14  }
0x2ce: {  	v59 =	vld [tilespmem:s0+$0x1120];
	v32 =	vshll.u32 v13, $0x10;
	v10 =	vadd.f32 v10, v23;
	v24 =	vadd.f32 v28, v24  }
0x2cf: {  	v29 =	vld [tilespmem:s0+$0x130];
	v60 =	vand.u32 $0xFFFF0000, v13;
	v34 =	vshll.u32 v15, $0x10;
	v7 =	vadd.f32 v14, v7  }
0x2d0: {  	v22 =	vld [tilespmem:s0+$0x4170];
	v12 =	vand.u32 $0xFFFF0000, v15;
	v8 =	vadd.f32 v8, v10;
	v9 =	vadd.f32 v24, v9  }
0x2d1: {  	v13 =	vshll.u32 v20, $0x10;
	v23 =	vld [tilespmem:s0+$0x1130];
	v10 =	vshll.u32 v21, $0x10;
	v7 =	vmax.f32 v7, $0.0e+00  }
0x2d2: {  	v33 =	vld [tilespmem:s0+$0x140];
	v8 =	vmax.f32 v8, $0.0e+00;
	v24 =	vmax.f32 v9, $0.0e+00;
	[tilespmem:s0+$0x100] =	vst v7;
	v7 =	vadd.f32 v11, v25  }
0x2d3: {  	v14 =	vld [tilespmem:s0+$0x1140];
	v9 =	vand.u32 $0xFFFF0000, v21;
	v21 =	vadd.f32 v31, v59;
	[tilespmem:s0+$0x1100] =	vst v8;
	v8 =	vadd.f32 v30, v27  }
0x2d4: {  	v15 =	vld [tilespmem:s0+$0x150];
	v62 =	vadd.f32 v32, v29;
	v11 =	vand.u32 $0xFFFF0000, v20;
	v20 =	vadd.f32 v16, v7  }
0x2d5: {  	v21 =	vadd.f32 v18, v21;
	v16 =	vld [tilespmem:s0+$0x1150];
	v7 =	vshll.u32 v22, $0x10;
	v61 =	vadd.f32 v8, v17  }
0x2d6: {  	[tilespmem:s0+$0x110] =	vst v24;
	v17 =	vld [tilespmem:s0+$0x160];
	v8 =	vand.u32 $0xFFFF0000, v22;
	v63 =	vmax.f32 v20, $0.0e+00;
	v20 =	vadd.f32 v60, v23  }
0x2d7: {  	s2 =	simm.s32 $0x200;
	v18 =	vld [tilespmem:s0+$0x1160];
	v22 =	vadd.f32 v62, v19;
	v19 =	vadd.f32 v34, v33;
	v23 =	vmax.f32 v61, $0.0e+00;
	[tilespmem:s0+$0x1110] =	vst v63  }
.LBB2_13:
0x2d8: {  	p1 =	sne.s32 s2, $0x3E00;
	[tilespmem:s0+$0x120] =	vst v23;
	v21 =	vmax.f32 v21, $0.0e+00;
	v6 =	vadd.f32 v6, v20;
	v12 =	vadd.f32 v12, v14;
	v14 =	vld [tilespmem:s0+$0x170]  }
0x2d9: {  	[tilespmem:s0+$0x1120] =	vst v21;
	v20 =	vmax.f32 v22, $0.0e+00;
	v5 =	vadd.f32 v19, v5;
	v13 =	vadd.f32 v13, v15;
	v15 =	vld [tilespmem:s0+$0x1170]  }
0x2da: {  	[tilespmem:s0+$0x130] =	vst v20;
	v6 =	vmax.f32 v6, $0.0e+00;
	v4 =	vadd.f32 v4, v12;
	v11 =	vadd.f32 v11, v16;
	v12 =	vld [tilespmem:s0+$0x2170]  }
0x2db: {  	s4 =	sshra.s32 s2, $0x2;
	[tilespmem:s0+$0x1130] =	vst v6;
	v5 =	vmax.f32 v5, $0.0e+00;
	v3 =	vadd.f32 v13, v3;
	v6 =	vadd.f32 v10, v17;
	v10 =	vld [tilespmem:s0+$0x3170]  }
0x2dc: {  	v16 =	vld [tilespmem:s4+$0x2100];
	[tilespmem:s0+$0x140] =	vst v5;
	v4 =	vmax.f32 v4, $0.0e+00;
	v2 =	vadd.f32 v2, v11;
	v5 =	vadd.f32 v9, v18  }
0x2dd: {  	v17 =	vld [tilespmem:s4+$0x3100];
	[tilespmem:s0+$0x1140] =	vst v4;
	v3 =	vmax.f32 v3, $0.0e+00;
	v1 =	vadd.f32 v6, v1;
	v4 =	vadd.f32 v7, v14  }
0x2de: {  	v14 =	vld [tilespmem:s4+$0x2110];
	[tilespmem:s0+$0x150] =	vst v3;
	v2 =	vmax.f32 v2, $0.0e+00;
	v0 =	vadd.f32 v0, v5;
	v3 =	vadd.f32 v8, v15  }
0x2df: {  	v15 =	vld [tilespmem:s4+$0x3110];
	[tilespmem:s0+$0x1150] =	vst v2;
	v1 =	vmax.f32 v1, $0.0e+00;
	v2 =	vadd.f32 v4, v12  }
0x2e0: {  	v18 =	vld [tilespmem:s4+$0x2120];
	[tilespmem:s0+$0x160] =	vst v1;
	v0 =	vmax.f32 v0, $0.0e+00;
	v1 =	vadd.f32 v10, v3  }
0x2e1: {  	v19 =	vld [tilespmem:s4+$0x3120];
	[tilespmem:s0+$0x1160] =	vst v0;
	v0 =	vmax.f32 v2, $0.0e+00  }
0x2e2: {  	v22 =	vld [tilespmem:s4+$0x2130];
	[tilespmem:s0+$0x170] =	vst v0;
	v0 =	vmax.f32 v1, $0.0e+00  }
0x2e3: {  	v6 =	vld [tilespmem:s4+$0x3130];
	[tilespmem:s0+$0x1170] =	vst v0;
	s0 =	smov.u32 s4  }
0x2e4: {  	v5 =	vld [tilespmem:s0+$0x2140]  }
0x2e5: {  	v4 =	vld [tilespmem:s0+$0x3140]  }
0x2e6: {  	v3 =	vld [tilespmem:s0+$0x2150]  }
0x2e7: {  	v2 =	vld [tilespmem:s0+$0x3150]  }
0x2e8: {  	v1 =	vld [tilespmem:s0+$0x2160]  }
0x2e9: {  	v0 =	vld [tilespmem:s0+$0x3160]  }
0x2ea: {  	v7 =	vld [tilespmem:s0+$0x4100]  }
0x2eb: {  	v8 =	vld [tilespmem:s0+$0x4110]  }
0x2ec: {  	v9 =	vld [tilespmem:s0+$0x4120]  }
0x2ed: {  	v10 =	vld [tilespmem:s0+$0x4130]  }
0x2ee: {  	v11 =	vld [tilespmem:s0+$0x4140]  }
0x2ef: {  	v20 =	vld [tilespmem:s0+$0x4150]  }
0x2f0: {  	v21 =	vld [tilespmem:s0+$0x4160]  }
0x2f1: {  	v23 =	vld [tilespmem:s0+$0x4170]  }
0x2f2: {  	v13 =	vld [tilespmem:s0+$0x100]  }
0x2f3: {  	v24 =	vshll.u32 v7, $0x10;
	v25 =	vld [tilespmem:s0+$0x1100]  }
0x2f4: {  	v7 =	vand.u32 $0xFFFF0000, v7;
	v26 =	vshll.u32 v8, $0x10;
	v8 =	vand.u32 $0xFFFF0000, v8;
	v27 =	vld [tilespmem:s0+$0x110]  }
0x2f5: {  	v29 =	vshll.u32 v9, $0x10;
	v30 =	vand.u32 $0xFFFF0000, v9;
	v31 =	vshll.u32 v10, $0x10;
	v28 =	vld [tilespmem:s0+$0x1110]  }
0x2f6: {  	v33 =	vand.u32 $0xFFFF0000, v10;
	v34 =	vshll.u32 v11, $0x10;
	v12 =	vand.u32 $0xFFFF0000, v11;
	v32 =	vld [tilespmem:s0+$0x120]  }
0x2f7: {  	v11 =	vand.u32 $0xFFFF0000, v20;
	v24 =	vadd.f32 v24, v13;
	v35 =	vld [tilespmem:s0+$0x1120];
	v13 =	vshll.u32 v20, $0x10  }
0x2f8: {  	v10 =	vshll.u32 v21, $0x10;
	v9 =	vand.u32 $0xFFFF0000, v21;
	v20 =	vadd.f32 v7, v25;
	v25 =	vld [tilespmem:s0+$0x130]  }
0x2f9: {  	v7 =	vshll.u32 v23, $0x10;
	v16 =	vadd.f32 v24, v16;
	v21 =	vadd.f32 v26, v27;
	v24 =	vld [tilespmem:s0+$0x1130]  }
0x2fa: {  	v17 =	vadd.f32 v17, v20;
	v20 =	vadd.f32 v8, v28;
	v26 =	vld [tilespmem:s0+$0x140];
	v8 =	vand.u32 $0xFFFF0000, v23  }
.Ltmp8:
0x2fb: {  	v16 =	vmax.f32 v16, $0.0e+00;
	v21 =	vadd.f32 v21, v14;
	v23 =	vadd.f32 v29, v32;
	v14 =	vld [tilespmem:s0+$0x1140];
	(pc) =	sbr.rel @p1 .LBB2_13-.Ltmp8, $4  }
0x2fc: {  	[tilespmem:s0+$0x100] =	vst v16;
	v16 =	vmax.f32 v17, $0.0e+00;
	v17 =	vadd.f32 v15, v20;
	v20 =	vadd.f32 v30, v35;
	v15 =	vld [tilespmem:s0+$0x150]  }
0x2fd: {  	[tilespmem:s0+$0x1100] =	vst v16;
	v21 =	vmax.f32 v21, $0.0e+00;
	v18 =	vadd.f32 v23, v18;
	v25 =	vadd.f32 v31, v25;
	v16 =	vld [tilespmem:s0+$0x1150]  }
0x2fe: {  	[tilespmem:s0+$0x110] =	vst v21;
	v23 =	vmax.f32 v17, $0.0e+00;
	v21 =	vadd.f32 v19, v20;
	v20 =	vadd.f32 v33, v24;
	v17 =	vld [tilespmem:s0+$0x160]  }
0x2ff: {  	s2 =	sadd.s32 $0x200, s2;
	[tilespmem:s0+$0x1110] =	vst v23;
	v23 =	vmax.f32 v18, $0.0e+00;
	v22 =	vadd.f32 v25, v22;
	v19 =	vadd.f32 v34, v26;
	v18 =	vld [tilespmem:s0+$0x1160]  }
0x300: {  	[tilespmem:s0+$0x120] =	vst v23;
	v21 =	vmax.f32 v21, $0.0e+00;
	v51 =	vld [tilespmem:s0+$0x170];
	v6 =	vadd.f32 v6, v20;
	v12 =	vadd.f32 v12, v14  }
0x301: {  	v53 =	vld [tilespmem:s0+$0x1170];
	[tilespmem:s0+$0x1120] =	vst v21;
	v52 =	vmax.f32 v22, $0.0e+00;
	v5 =	vadd.f32 v19, v5;
	v13 =	vadd.f32 v13, v15  }
0x302: {  	v54 =	vld [tilespmem:s0+$0x2170];
	[tilespmem:s0+$0x130] =	vst v52;
	v6 =	vmax.f32 v6, $0.0e+00;
	v4 =	vadd.f32 v4, v12;
	v11 =	vadd.f32 v11, v16  }
0x303: {  	v56 =	vld [tilespmem:s0+$0x3170];
	[tilespmem:s0+$0x1130] =	vst v6;
	v5 =	vmax.f32 v5, $0.0e+00;
	v3 =	vadd.f32 v13, v3;
	v55 =	vadd.f32 v10, v17  }
0x304: {  	[tilespmem:s0+$0x140] =	vst v5;
	v4 =	vmax.f32 v4, $0.0e+00;
	v2 =	vadd.f32 v2, v11;
	v57 =	vadd.f32 v9, v18  }
0x305: {  	[tilespmem:s0+$0x1140] =	vst v4;
	v3 =	vmax.f32 v3, $0.0e+00;
	v1 =	vadd.f32 v55, v1;
	v58 =	vadd.f32 v7, v51  }
0x306: {  	v59 =	vadd.f32 v8, v53;
	[tilespmem:s0+$0x150] =	vst v3;
	v2 =	vmax.f32 v2, $0.0e+00;
	v0 =	vadd.f32 v0, v57  }
0x307: {  	[tilespmem:s0+$0x1150] =	vst v2;
	v1 =	vmax.f32 v1, $0.0e+00;
	v60 =	vadd.f32 v58, v54  }
0x308: {  	v61 =	vadd.f32 v56, v59;
	[tilespmem:s0+$0x160] =	vst v1;
	v0 =	vmax.f32 v0, $0.0e+00  }
0x309: {  	[tilespmem:s0+$0x1160] =	vst v0;
	v62 =	vmax.f32 v60, $0.0e+00  }
0x30a: {  	v63 =	vmax.f32 v61, $0.0e+00;
	[tilespmem:s0+$0x170] =	vst v62  }
0x30b: {  	[tilespmem:s0+$0x1170] =	vst v63  }
0x30c: {  	_ =	swait.ge [sflag:s13], $0x20  }
0x30d: {  	[sflag:s13] =	ssyncset.done $0x0  }
0x30e: {  	[sflag:s13] =	ssyncadd.s32 $0xFFFFFFE0  }
0x30f: {  	_ =	swait.ge [sflag:s13], $0x20  }
0x310: {  	s12 =	sld [smem:$0x7FC]  }
0x311: {  	[sflag:s13] =	ssyncset.done $0x0  }
0x312: {  	s14 =	sld [smem:$0x7FD];
	[sflag:s13] =	ssyncadd.s32 $0xFFFFFFE0  }
0x313: {  	[hbm4b:s12+s5] =	stream.linear.scatter [tilespmem:s25], [sflag:$0x6], $0x1000, $0x38;
	[tilespmem:$0x1DE00] =	vst v63  }
.Ltmp9:
0x314: {  	_ = 	snop;
	(pc) =	sbr.rel .LBB2_15-.Ltmp9, $4  }
0x315: {  	s2 =	simm.s32 $0x1100;
	s4 =	sld [smem:$0x7F7]  }
0x316: {  	[hbm4b:s14+s5] =	stream.linear.scatter [tilespmem:s2], [sflag:$0x6], $0x1000, $0x38;
	[tilespmem:$0x1DE00] =	vst v63  }
0x317: {  	s22 =	rddreg [dreg:$0x3]  }
0x318: {  	[spmem:s22] =	stream.indirect.scatter.add.f32 [tilespmem:s25], [sflag:$0x7], $0x80, s15, s29, $0xb8;
	[tilespmem:$0x1DE00] =	vst v63  }
.LBB2_16:
0x319: {  	_ =	sfence.sel $0x180000  }
0x31a: {  	[bflag:$0x0] =	sbarrier.arrive $0xFFFF  }
0x31b: {  	_ =	strace $0x90000047  }
0x31c: {  	s0 =	stileid.u32;
	[bflag:$0x2] =	sbarrier.arrive $0xFFFF  }
0x31d: {  	p0 =	sne.s32 s0, $0x0;
	s0 =	rddreg [dreg:$0x4]  }
0x31e: {  	s0 =	sadd.s32 @!p0 $0x100000, s0  }
0x31f: {  	[sflag:s0] =	ssyncadd.tile.s32 @!p0 $0x1;
	_ =	shalt  }
.Lfunc_end2:
_tile_overlayer_lowered:
.L_overlay_start_2:
0x320: {  	(tag) =	ssettag $0x2  }
0x321: {  	s0 =	rddreg [dreg:$0x0];
	s2 =	stileid.u32  }
0x322: {  	s1 =	rddreg [dreg:$0x1];
	p0 =	sne.s32 s2, $0x0  }
0x323: {  	s3 =	rddreg [dreg:$0x2];
	[bflag:$0x3] =	sbarrier.arrive $0xFFFF;
	s2 =	simm.s32 @!p0 $0x1C0F  }
0x324: {  	[timem:s3], [sflag:s2] =	dma.local @!p0 [hbm:s0], s1  }
0x325: {  	s0 =	simm.s32 @!p0 $0xF  }
0x326: {  	_ =	swait.ge @!p0 [sflag:s0], s1  }
0x327: {  	s1 =	ssub.s32 @!p0 $0x0, s1;
	[sflag:s0] =	ssyncset.done @!p0 $0x0  }
0x328: {  	[sflag:s0] =	ssyncadd.s32 @!p0 s1  }
0x329: {  	[bflag:$0x3] =	sbarrier.arrive $0xFFFF  }
0x32a: {  	_ =	shalt  }

</sc_bundles>
